<compile_context>
chip_gen: v7x
topology: tpu7x:2x2x1
jax: 0.10.2.dev20260603
libtpu: 0.0.44.dev20260713+nightly
codegen_flags: <defaults>
</compile_context>

<pallas_src>
import jax
import jax.numpy as jnp
import numpy as np
from jax import lax
from jax.experimental import pallas as pl
from jax.experimental.pallas import tpu as pltpu
from jax.experimental.pallas import tpu_sc as plsc

N = 10000
D = 128
N_CLS = 64
E = 320000

NC = 2
NS = 16
NW = NC * NS
L = 16

CHUNK = 128
WE = E // NW
NCHF = WE // CHUNK
TAIL = WE - NCHF * CHUNK
RPW = 640
N_PAD = NS * RPW

_MESH = plsc.VectorSubcoreMesh(core_axis_name="c", subcore_axis_name="s")


def _sc_agg_body(p_hbm, srcc, dstc, agg_out,
                 idx_s, idx_d, rows, idx_st, idx_dt, rows_t, accum,
                 sis0, sis1, sid0, sid1, sg0, sg1):
    c = lax.axis_index("c")
    s = lax.axis_index("s")
    w = c * NS + s
    zeros16 = jnp.zeros((L,), jnp.float32)
    zbuf = rows.at[0]

    @pl.loop(0, CHUNK)
    def _(i):
        for j in range(D // L):
            zbuf[i, pl.ds(j * L, L)] = zeros16

    for k in range(RPW // CHUNK):
        pltpu.async_copy(zbuf, accum.at[pl.ds(s * RPW + k * CHUNK, CHUNK)], sg1)
    for k in range(RPW // CHUNK):
        pltpu.make_async_copy(zbuf, accum.at[pl.ds(s * RPW + k * CHUNK, CHUNK)],
                              sg1).wait()

    plsc.subcore_barrier()

    e0 = w * WE

    pltpu.async_copy(srcc.at[pl.ds(e0, CHUNK)], idx_s.at[0], sis0)
    pltpu.async_copy(dstc.at[pl.ds(e0, CHUNK)], idx_d.at[0], sid0)
    pltpu.make_async_copy(srcc.at[pl.ds(e0, CHUNK)], idx_s.at[0], sis0).wait()
    pltpu.async_copy(p_hbm.at[idx_s.at[0]], rows.at[0], sg0)
    pltpu.async_copy(srcc.at[pl.ds(e0 + CHUNK, CHUNK)], idx_s.at[1], sis1)
    pltpu.async_copy(dstc.at[pl.ds(e0 + CHUNK, CHUNK)], idx_d.at[1], sid1)

    @pl.loop(0, NCHF, step=2)
    def _(g):
        pltpu.make_async_copy(srcc.at[pl.ds(e0 + CHUNK, CHUNK)],
                              idx_s.at[1], sis1).wait()
        pltpu.async_copy(p_hbm.at[idx_s.at[1]], rows.at[1], sg1)
        pltpu.make_async_copy(p_hbm.at[idx_s.at[0]], rows.at[0], sg0).wait()
        pltpu.make_async_copy(dstc.at[pl.ds(e0, CHUNK)], idx_d.at[0],
                              sid0).wait()
        pltpu.sync_copy(rows.at[0], accum.at[idx_d.at[0]], add=True)

        @pl.when(g + 2 < NCHF)
        def _():
            o = e0 + (g + 2) * CHUNK
            pltpu.async_copy(srcc.at[pl.ds(o, CHUNK)], idx_s.at[0], sis0)
            pltpu.async_copy(dstc.at[pl.ds(o, CHUNK)], idx_d.at[0], sid0)

        @pl.when(g + 2 < NCHF)
        def _():
            pltpu.make_async_copy(srcc.at[pl.ds(e0, CHUNK)], idx_s.at[0],
                                  sis0).wait()
            pltpu.async_copy(p_hbm.at[idx_s.at[0]], rows.at[0], sg0)

        pltpu.make_async_copy(p_hbm.at[idx_s.at[1]], rows.at[1], sg1).wait()
        pltpu.make_async_copy(dstc.at[pl.ds(e0, CHUNK)], idx_d.at[1],
                              sid1).wait()
        pltpu.sync_copy(rows.at[1], accum.at[idx_d.at[1]], add=True)

        @pl.when(g + 3 < NCHF)
        def _():
            o = e0 + (g + 3) * CHUNK
            pltpu.async_copy(srcc.at[pl.ds(o, CHUNK)], idx_s.at[1], sis1)
            pltpu.async_copy(dstc.at[pl.ds(o, CHUNK)], idx_d.at[1], sid1)

    to = e0 + NCHF * CHUNK
    pltpu.sync_copy(srcc.at[pl.ds(to, TAIL)], idx_st.at[0])
    pltpu.sync_copy(dstc.at[pl.ds(to, TAIL)], idx_dt.at[0])
    pltpu.sync_copy(p_hbm.at[idx_st.at[0]], rows_t)
    pltpu.sync_copy(rows_t, accum.at[idx_dt.at[0]], add=True)

    plsc.subcore_barrier()

    r0 = s * RPW
    o0 = c * N_PAD + s * RPW
    pltpu.async_copy(accum.at[pl.ds(r0, CHUNK)], rows.at[0], sg0)
    for k in range(RPW // CHUNK):
        b = k % 2
        nxt = 1 - b
        if k + 1 < RPW // CHUNK:
            pltpu.async_copy(accum.at[pl.ds(r0 + (k + 1) * CHUNK, CHUNK)],
                             rows.at[nxt], sg1 if nxt else sg0)
        pltpu.make_async_copy(accum.at[pl.ds(r0 + k * CHUNK, CHUNK)],
                              rows.at[b], sg1 if b else sg0).wait()
        pltpu.sync_copy(rows.at[b], agg_out.at[pl.ds(o0 + k * CHUNK, CHUNK)])


_sc_agg = pl.kernel(
    _sc_agg_body,
    out_type=jax.ShapeDtypeStruct((NC * N_PAD, D), jnp.float32),
    mesh=_MESH,
    scratch_types=[
        pltpu.VMEM((2, CHUNK), jnp.int32),
        pltpu.VMEM((2, CHUNK), jnp.int32),
        pltpu.VMEM((2, CHUNK, D), jnp.float32),
        pltpu.VMEM((1, TAIL), jnp.int32),
        pltpu.VMEM((1, TAIL), jnp.int32),
        pltpu.VMEM((TAIL, D), jnp.float32),
        pltpu.VMEM_SHARED((N_PAD, D), jnp.float32),
        pltpu.SemaphoreType.DMA,
        pltpu.SemaphoreType.DMA,
        pltpu.SemaphoreType.DMA,
        pltpu.SemaphoreType.DMA,
        pltpu.SemaphoreType.DMA,
        pltpu.SemaphoreType.DMA,
    ],
)

EB = E // 10
SUB = 6400
NHI = N_PAD // D


def _proj_kernel(x_ref, wn_ref, ws_ref, b_ref, d_ref, p_ref, s_ref, deg_ref):
    x = x_ref[...]
    p_ref[...] = jnp.dot(x, wn_ref[...], preferred_element_type=jnp.float32)
    s_ref[...] = (
        jnp.dot(x, ws_ref[...], preferred_element_type=jnp.float32) + b_ref[...]
    )

    @pl.when(pl.program_id(0) == 0)
    def _():
        acc = jnp.zeros((D, NHI), jnp.float32)
        for b in range(E // SUB):
            db = d_ref[pl.ds(b * SUB, SUB)]
            hi = jnp.right_shift(db, 7)
            lo = jnp.bitwise_and(db, 127)
            oh_hi = (lax.broadcasted_iota(jnp.int32, (NHI, SUB), 0)
                     == hi[None, :]).astype(jnp.bfloat16)
            oh_lo_t = (lax.broadcasted_iota(jnp.int32, (D, SUB), 0)
                       == lo[None, :]).astype(jnp.bfloat16)
            acc = acc + lax.dot_general(
                oh_lo_t, oh_hi, (((1,), (1,)), ((), ())),
                preferred_element_type=jnp.float32)
        deg_ref[...] = acc


def _mid_kernel(s_ref, a_ref, d_ref, wn_ref, ws_ref, b_ref, p_ref, s2_ref):
    deg = jnp.maximum(d_ref[0, 0], 1.0)[:, None]
    agg = (a_ref[0] + a_ref[1]) / deg
    h = jnp.maximum(s_ref[...] + agg, 0.0)
    p_ref[...] = jnp.dot(h, wn_ref[...], preferred_element_type=jnp.float32)
    s2_ref[...] = (
        jnp.dot(h, ws_ref[...], preferred_element_type=jnp.float32) + b_ref[...]
    )


def _head_kernel(s_ref, a_ref, d_ref, wfc_ref, b_ref, o_ref):
    deg = jnp.maximum(d_ref[0, 0], 1.0)[:, None]
    agg = (a_ref[0] + a_ref[1]) / deg
    h = jnp.maximum(s_ref[...] + agg, 0.0)
    o_ref[...] = (
        jnp.dot(h, wfc_ref[...], preferred_element_type=jnp.float32) + b_ref[...]
    )


_BR = 1024
_GRID = -(-N // _BR)


def _row_spec(d):
    return pl.BlockSpec((_BR, d), lambda i: (i, 0))


def _part_spec(d):
    return pl.BlockSpec((2, _BR, d), lambda i: (0, i, 0))


_DEG_SPEC = pl.BlockSpec((1, 1, _BR), lambda i: (i, 0, 0))


def _full_spec(a, b):
    return pl.BlockSpec((a, b), lambda i: (0, 0))


def kernel(x, edge_index, W_self1, W_neigh1, b1, W_self2, W_neigh2, b2, W_fc, b_fc):
    src = edge_index[0]
    dst = edge_index[1]
    b1r = b1.reshape(1, D)
    b2r = b2.reshape(1, D)
    bfr = b_fc.reshape(1, N_CLS)

    proj = pl.pallas_call(
        _proj_kernel,
        grid=(_GRID,),
        in_specs=[_row_spec(D), _full_spec(D, D), _full_spec(D, D),
                  _full_spec(1, D), pl.BlockSpec((E,), lambda i: (0,))],
        out_specs=[_row_spec(D), _row_spec(D),
                   pl.BlockSpec((D, NHI), lambda i: (0, 0))],
        out_shape=[jax.ShapeDtypeStruct((N, D), jnp.float32),
                   jax.ShapeDtypeStruct((N, D), jnp.float32),
                   jax.ShapeDtypeStruct((D, NHI), jnp.float32)],
    )
    p1, s1, deg80 = proj(x, W_neigh1, W_self1, b1r, dst)

    deg2 = deg80.T.reshape(N_PAD // _BR, 1, _BR)
    agg1 = _sc_agg(p1, src, dst).reshape(NC, N_PAD, D)

    mid = pl.pallas_call(
        _mid_kernel,
        grid=(_GRID,),
        in_specs=[_row_spec(D), _part_spec(D), _DEG_SPEC,
                  _full_spec(D, D), _full_spec(D, D), _full_spec(1, D)],
        out_specs=[_row_spec(D), _row_spec(D)],
        out_shape=[jax.ShapeDtypeStruct((N, D), jnp.float32)] * 2,
    )
    p2, s2 = mid(s1, agg1, deg2, W_neigh2, W_self2, b2r)

    agg2 = _sc_agg(p2, src, dst).reshape(NC, N_PAD, D)

    head = pl.pallas_call(
        _head_kernel,
        grid=(_GRID,),
        in_specs=[_row_spec(D), _part_spec(D), _DEG_SPEC,
                  _full_spec(D, N_CLS), _full_spec(1, N_CLS)],
        out_specs=_row_spec(N_CLS),
        out_shape=jax.ShapeDtypeStruct((N, N_CLS), jnp.float32),
    )
    return head(s2, agg2, deg2, W_fc, bfr)

# --- scband reference (transcript-rebuilt; emitter-appended) ---
"""Pipeline reference for scband-graph-sagemodel-90460601188830 (READ-ONLY COPY).

The authoritative reference and input builder live on the scoring server;
editing this copy changes nothing except your own understanding.
"""

import jax, jax.numpy as jnp
import numpy as np

N = 10000
E = 320000
D_IN = 128
D_HID = 128
D_FC = 128
N_CLS = 64


def setup_inputs(seed: int = 0) -> dict:
    key = jax.random.key(seed)
    ks = jax.random.split(key, 12)
    x = jax.random.normal(ks[0], (N, D_IN), dtype=jnp.float32)
    edge_index = jax.random.randint(ks[1], (2, E), 0, N)
    s = 1.0 / np.sqrt(D_IN)
    W_self1 = jax.random.normal(ks[2], (D_IN, D_HID), dtype=jnp.float32) * s
    W_neigh1 = jax.random.normal(ks[3], (D_IN, D_HID), dtype=jnp.float32) * s
    b1 = jnp.zeros((D_HID,), dtype=jnp.float32)
    W_self2 = jax.random.normal(ks[4], (D_HID, D_FC), dtype=jnp.float32) * s
    W_neigh2 = jax.random.normal(ks[5], (D_HID, D_FC), dtype=jnp.float32) * s
    b2 = jnp.zeros((D_FC,), dtype=jnp.float32)
    W_fc = jax.random.normal(ks[6], (D_FC, N_CLS), dtype=jnp.float32) * s
    b_fc = jnp.zeros((N_CLS,), dtype=jnp.float32)
    return {"x": x, "edge_index": edge_index, "W_self1": W_self1, "W_neigh1": W_neigh1, "b1": b1, "W_self2": W_self2, "W_neigh2": W_neigh2, "b2": b2, "W_fc": W_fc, "b_fc": b_fc}


def reference(x, edge_index, W_self1, W_neigh1, b1, W_self2, W_neigh2, b2, W_fc, b_fc):
    src = edge_index[0]
    dst = edge_index[1]
    deg = jax.ops.segment_sum(jnp.ones((E,), dtype=jnp.float32), dst, num_segments=N)
    deg = jnp.maximum(deg, 1.0)

    def sage_conv(h, W_self, W_neigh, b):
        # DGL SAGEConv 'mean': rst = fc_self(h_self) + fc_neigh(mean_neigh(h)) + bias
        agg = jax.ops.segment_sum(h[src], dst, num_segments=N) / deg[:, None]
        return h @ W_self + agg @ W_neigh + b

    h = jax.nn.relu(sage_conv(x, W_self1, W_neigh1, b1))
    # dropout p=0.0 -> identity
    h = jax.nn.relu(sage_conv(h, W_self2, W_neigh2, b2))
    out = h @ W_fc + b_fc
    return jnp.squeeze(out)

if __name__ == "__main__":
    import jax
    _d = setup_inputs()
    print(jax.jit(kernel)(*tuple(_d.values())))

</pallas_src>

<mosaic_0001>
#map = affine_map<(d0, d1) -> (0, 0)>
#map1 = affine_map<(d0, d1) -> (0)>
module attributes {stable_mosaic.version = 14 : i64} {
  func.func @_sc_agg_body(%arg0: i32, %arg1: i32, %arg2: memref<10000x128xf32, #tpu.memory_space<hbm>>, %arg3: memref<320000xi32, #tpu.memory_space<hbm>>, %arg4: memref<320000xi32, #tpu.memory_space<hbm>>, %arg5: memref<20480x128xf32, #tpu.memory_space<hbm>>, %arg6: memref<2x128xi32, #tpu.memory_space<vmem>>, %arg7: memref<2x128xi32, #tpu.memory_space<vmem>>, %arg8: memref<2x128x128xf32, #tpu.memory_space<vmem>>, %arg9: memref<1x16xi32, #tpu.memory_space<vmem>>, %arg10: memref<1x16xi32, #tpu.memory_space<vmem>>, %arg11: memref<16x128xf32, #tpu.memory_space<vmem>>, %arg12: memref<10240x128xf32, #tpu.memory_space<vmem_shared>>, %arg13: memref<!tpu.dma_semaphore, #tpu.memory_space<semaphore_mem>>, %arg14: memref<!tpu.dma_semaphore, #tpu.memory_space<semaphore_mem>>, %arg15: memref<!tpu.dma_semaphore, #tpu.memory_space<semaphore_mem>>, %arg16: memref<!tpu.dma_semaphore, #tpu.memory_space<semaphore_mem>>, %arg17: memref<!tpu.dma_semaphore, #tpu.memory_space<semaphore_mem>>, %arg18: memref<!tpu.dma_semaphore, #tpu.memory_space<semaphore_mem>>) attributes {dimension_semantics = [#tpu.dimension_semantics<core_parallel>, #tpu.dimension_semantics<subcore_parallel>], iteration_bounds = array<i64: 2, 16>, scalar_prefetch = 0 : i64, scratch_operands = 13 : i64, tpu.core_type = #tpu.core_type<sc_vector_subcore>, window_params = [{transform_indices = #map}, {transform_indices = #map1}, {transform_indices = #map1}, {transform_indices = #map}]} {
    %mul3A = arith.constant 16 : i32
    %mul3A_0 = arith.muli %arg0, %mul3A : i32
    %add3A = arith.addi %mul3A_0, %arg1 : i32
    %broadcast_in_dim3A = arith.constant 0.000000e+00 : f32
    %broadcast_in_dim3A_1 = vector.broadcast %broadcast_in_dim3A : f32 to vector<16xf32>
    %scan3A = arith.constant 0 : i32
    %scan3A_2 = arith.constant 0 : i32
    %scan3A_3 = arith.constant 128 : i32
    %scan3A_4 = arith.addi %scan3A_2, %scan3A_3 : i32
    %scan3A_5 = arith.constant 1 : i32
    scf.for %scan3A_419 = %scan3A_2 to %scan3A_4 step %scan3A_5  : i32 {
      %mul3A_420 = arith.constant 1 : i32
      %mul3A_421 = arith.muli %scan3A_419, %mul3A_420 : i32
      %add3A_422 = arith.constant 0 : i32
      %add3A_423 = arith.addi %add3A_422, %mul3A_421 : i32
      %swap3A = arith.constant 0 : i32
      %swap3A_424 = arith.constant 0 : i32
      %swap3A_425 = tpu.memref_slice %arg8[%scan3A, %swap3A, %swap3A_424] : memref<2x128x128xf32, #tpu.memory_space<vmem>> -> memref<1x128x128xf32, #tpu.memory_space<vmem>>
      %swap3A_426 = tpu.memref_squeeze %swap3A_425 : memref<1x128x128xf32, #tpu.memory_space<vmem>> -> memref<128x128xf32, #tpu.memory_space<vmem>>
      %swap3A_427 = arith.index_cast %add3A_423 : i32 to index
      %swap3A_428 = arith.constant 0 : index
      %swap3A_429 = tpu.vector_load %swap3A_426[%swap3A_427, %swap3A_428] {strides = array<i32>} : memref<128x128xf32, #tpu.memory_space<vmem>>, vector<1x16xf32>,
      %swap3A_430 = vector.shape_cast %swap3A_429 : vector<1x16xf32> to vector<16xf32>
      %swap3A_431 = vector.shape_cast %broadcast_in_dim3A_1 : vector<16xf32> to vector<1x16xf32>
      tpu.vector_store %swap3A_426[%swap3A_427, %swap3A_428], %swap3A_431 {strides = array<i32>} : memref<128x128xf32, #tpu.memory_space<vmem>>, vector<1x16xf32>,
      %swap3A_432 = arith.constant 0 : i32
      %swap3A_433 = arith.constant 0 : i32
      %swap3A_434 = tpu.memref_slice %arg8[%scan3A, %swap3A_432, %swap3A_433] : memref<2x128x128xf32, #tpu.memory_space<vmem>> -> memref<1x128x128xf32, #tpu.memory_space<vmem>>
      %swap3A_435 = tpu.memref_squeeze %swap3A_434 : memref<1x128x128xf32, #tpu.memory_space<vmem>> -> memref<128x128xf32, #tpu.memory_space<vmem>>
      %swap3A_436 = arith.index_cast %add3A_423 : i32 to index
      %swap3A_437 = arith.constant 16 : index
      %swap3A_438 = tpu.vector_load %swap3A_435[%swap3A_436, %swap3A_437] {strides = array<i32>} : memref<128x128xf32, #tpu.memory_space<vmem>>, vector<1x16xf32>,
      %swap3A_439 = vector.shape_cast %swap3A_438 : vector<1x16xf32> to vector<16xf32>
      %swap3A_440 = vector.shape_cast %broadcast_in_dim3A_1 : vector<16xf32> to vector<1x16xf32>
      tpu.vector_store %swap3A_435[%swap3A_436, %swap3A_437], %swap3A_440 {strides = array<i32>} : memref<128x128xf32, #tpu.memory_space<vmem>>, vector<1x16xf32>,
      %swap3A_441 = arith.constant 0 : i32
      %swap3A_442 = arith.constant 0 : i32
      %swap3A_443 = tpu.memref_slice %arg8[%scan3A, %swap3A_441, %swap3A_442] : memref<2x128x128xf32, #tpu.memory_space<vmem>> -> memref<1x128x128xf32, #tpu.memory_space<vmem>>
      %swap3A_444 = tpu.memref_squeeze %swap3A_443 : memref<1x128x128xf32, #tpu.memory_space<vmem>> -> memref<128x128xf32, #tpu.memory_space<vmem>>
      %swap3A_445 = arith.index_cast %add3A_423 : i32 to index
      %swap3A_446 = arith.constant 32 : index
      %swap3A_447 = tpu.vector_load %swap3A_444[%swap3A_445, %swap3A_446] {strides = array<i32>} : memref<128x128xf32, #tpu.memory_space<vmem>>, vector<1x16xf32>,
      %swap3A_448 = vector.shape_cast %swap3A_447 : vector<1x16xf32> to vector<16xf32>
      %swap3A_449 = vector.shape_cast %broadcast_in_dim3A_1 : vector<16xf32> to vector<1x16xf32>
      tpu.vector_store %swap3A_444[%swap3A_445, %swap3A_446], %swap3A_449 {strides = array<i32>} : memref<128x128xf32, #tpu.memory_space<vmem>>, vector<1x16xf32>,
      %swap3A_450 = arith.constant 0 : i32
      %swap3A_451 = arith.constant 0 : i32
      %swap3A_452 = tpu.memref_slice %arg8[%scan3A, %swap3A_450, %swap3A_451] : memref<2x128x128xf32, #tpu.memory_space<vmem>> -> memref<1x128x128xf32, #tpu.memory_space<vmem>>
      %swap3A_453 = tpu.memref_squeeze %swap3A_452 : memref<1x128x128xf32, #tpu.memory_space<vmem>> -> memref<128x128xf32, #tpu.memory_space<vmem>>
      %swap3A_454 = arith.index_cast %add3A_423 : i32 to index
      %swap3A_455 = arith.constant 48 : index
      %swap3A_456 = tpu.vector_load %swap3A_453[%swap3A_454, %swap3A_455] {strides = array<i32>} : memref<128x128xf32, #tpu.memory_space<vmem>>, vector<1x16xf32>,
      %swap3A_457 = vector.shape_cast %swap3A_456 : vector<1x16xf32> to vector<16xf32>
      %swap3A_458 = vector.shape_cast %broadcast_in_dim3A_1 : vector<16xf32> to vector<1x16xf32>
      tpu.vector_store %swap3A_453[%swap3A_454, %swap3A_455], %swap3A_458 {strides = array<i32>} : memref<128x128xf32, #tpu.memory_space<vmem>>, vector<1x16xf32>,
      %swap3A_459 = arith.constant 0 : i32
      %swap3A_460 = arith.constant 0 : i32
      %swap3A_461 = tpu.memref_slice %arg8[%scan3A, %swap3A_459, %swap3A_460] : memref<2x128x128xf32, #tpu.memory_space<vmem>> -> memref<1x128x128xf32, #tpu.memory_space<vmem>>
      %swap3A_462 = tpu.memref_squeeze %swap3A_461 : memref<1x128x128xf32, #tpu.memory_space<vmem>> -> memref<128x128xf32, #tpu.memory_space<vmem>>
      %swap3A_463 = arith.index_cast %add3A_423 : i32 to index
      %swap3A_464 = arith.constant 64 : index
      %swap3A_465 = tpu.vector_load %swap3A_462[%swap3A_463, %swap3A_464] {strides = array<i32>} : memref<128x128xf32, #tpu.memory_space<vmem>>, vector<1x16xf32>,
      %swap3A_466 = vector.shape_cast %swap3A_465 : vector<1x16xf32> to vector<16xf32>
      %swap3A_467 = vector.shape_cast %broadcast_in_dim3A_1 : vector<16xf32> to vector<1x16xf32>
      tpu.vector_store %swap3A_462[%swap3A_463, %swap3A_464], %swap3A_467 {strides = array<i32>} : memref<128x128xf32, #tpu.memory_space<vmem>>, vector<1x16xf32>,
      %swap3A_468 = arith.constant 0 : i32
      %swap3A_469 = arith.constant 0 : i32
      %swap3A_470 = tpu.memref_slice %arg8[%scan3A, %swap3A_468, %swap3A_469] : memref<2x128x128xf32, #tpu.memory_space<vmem>> -> memref<1x128x128xf32, #tpu.memory_space<vmem>>
      %swap3A_471 = tpu.memref_squeeze %swap3A_470 : memref<1x128x128xf32, #tpu.memory_space<vmem>> -> memref<128x128xf32, #tpu.memory_space<vmem>>
      %swap3A_472 = arith.index_cast %add3A_423 : i32 to index
      %swap3A_473 = arith.constant 80 : index
      %swap3A_474 = tpu.vector_load %swap3A_471[%swap3A_472, %swap3A_473] {strides = array<i32>} : memref<128x128xf32, #tpu.memory_space<vmem>>, vector<1x16xf32>,
      %swap3A_475 = vector.shape_cast %swap3A_474 : vector<1x16xf32> to vector<16xf32>
      %swap3A_476 = vector.shape_cast %broadcast_in_dim3A_1 : vector<16xf32> to vector<1x16xf32>
      tpu.vector_store %swap3A_471[%swap3A_472, %swap3A_473], %swap3A_476 {strides = array<i32>} : memref<128x128xf32, #tpu.memory_space<vmem>>, vector<1x16xf32>,
      %swap3A_477 = arith.constant 0 : i32
      %swap3A_478 = arith.constant 0 : i32
      %swap3A_479 = tpu.memref_slice %arg8[%scan3A, %swap3A_477, %swap3A_478] : memref<2x128x128xf32, #tpu.memory_space<vmem>> -> memref<1x128x128xf32, #tpu.memory_space<vmem>>
      %swap3A_480 = tpu.memref_squeeze %swap3A_479 : memref<1x128x128xf32, #tpu.memory_space<vmem>> -> memref<128x128xf32, #tpu.memory_space<vmem>>
      %swap3A_481 = arith.index_cast %add3A_423 : i32 to index
      %swap3A_482 = arith.constant 96 : index
      %swap3A_483 = tpu.vector_load %swap3A_480[%swap3A_481, %swap3A_482] {strides = array<i32>} : memref<128x128xf32, #tpu.memory_space<vmem>>, vector<1x16xf32>,
      %swap3A_484 = vector.shape_cast %swap3A_483 : vector<1x16xf32> to vector<16xf32>
      %swap3A_485 = vector.shape_cast %broadcast_in_dim3A_1 : vector<16xf32> to vector<1x16xf32>
      tpu.vector_store %swap3A_480[%swap3A_481, %swap3A_482], %swap3A_485 {strides = array<i32>} : memref<128x128xf32, #tpu.memory_space<vmem>>, vector<1x16xf32>,
      %swap3A_486 = arith.constant 0 : i32
      %swap3A_487 = arith.constant 0 : i32
      %swap3A_488 = tpu.memref_slice %arg8[%scan3A, %swap3A_486, %swap3A_487] : memref<2x128x128xf32, #tpu.memory_space<vmem>> -> memref<1x128x128xf32, #tpu.memory_space<vmem>>
      %swap3A_489 = tpu.memref_squeeze %swap3A_488 : memref<1x128x128xf32, #tpu.memory_space<vmem>> -> memref<128x128xf32, #tpu.memory_space<vmem>>
      %swap3A_490 = arith.index_cast %add3A_423 : i32 to index
      %swap3A_491 = arith.constant 112 : index
      %swap3A_492 = tpu.vector_load %swap3A_489[%swap3A_490, %swap3A_491] {strides = array<i32>} : memref<128x128xf32, #tpu.memory_space<vmem>>, vector<1x16xf32>,
      %swap3A_493 = vector.shape_cast %swap3A_492 : vector<1x16xf32> to vector<16xf32>
      %swap3A_494 = vector.shape_cast %broadcast_in_dim3A_1 : vector<16xf32> to vector<1x16xf32>
      tpu.vector_store %swap3A_489[%swap3A_490, %swap3A_491], %swap3A_494 {strides = array<i32>} : memref<128x128xf32, #tpu.memory_space<vmem>>, vector<1x16xf32>,
    }
    %scan3A_6 = arith.constant 128 : i32
    %mul3A_7 = arith.constant 640 : i32
    %mul3A_8 = arith.muli %arg1, %mul3A_7 : i32
    %add3A_9 = arith.constant 0 : i32
    %add3A_10 = arith.addi %mul3A_8, %add3A_9 : i32
    %dma_start3A = arith.constant 0 : i32
    %dma_start3A_11 = arith.constant 0 : i32
    %dma_start3A_12 = arith.constant 0 : i32
    %dma_start3A_13 = tpu.memref_slice %arg8[%dma_start3A, %dma_start3A_11, %dma_start3A_12] : memref<2x128x128xf32, #tpu.memory_space<vmem>> -> memref<1x128x128xf32, #tpu.memory_space<vmem>>
    %dma_start3A_14 = tpu.memref_squeeze %dma_start3A_13 : memref<1x128x128xf32, #tpu.memory_space<vmem>> -> memref<128x128xf32, #tpu.memory_space<vmem>>
    %dma_start3A_15 = arith.constant 0 : i32
    %dma_start3A_16 = tpu.memref_slice %arg12[%add3A_10, %dma_start3A_15] : memref<10240x128xf32, #tpu.memory_space<vmem_shared>> -> memref<128x128xf32, #tpu.memory_space<vmem_shared>>
    %dma_start3A_17 = arith.constant 0 : i32
    %dma_start3A_18 = tpu.memref_slice %arg12[%add3A_10, %dma_start3A_17] : memref<10240x128xf32, #tpu.memory_space<vmem_shared>> -> memref<128x128xf32, #tpu.memory_space<vmem_shared>>
    %dma_start3A_19 = arith.constant 0 : i32
    %dma_start3A_20 = arith.constant 0 : i32
    %dma_start3A_21 = tpu.memref_slice %arg8[%dma_start3A, %dma_start3A_19, %dma_start3A_20] : memref<2x128x128xf32, #tpu.memory_space<vmem>> -> memref<1x128x128xf32, #tpu.memory_space<vmem>>
    %dma_start3A_22 = tpu.memref_squeeze %dma_start3A_21 : memref<1x128x128xf32, #tpu.memory_space<vmem>> -> memref<128x128xf32, #tpu.memory_space<vmem>>
    tpu.enqueue_dma source(%dma_start3A_22 : memref<128x128xf32, #tpu.memory_space<vmem>>) target(%dma_start3A_18 : memref<128x128xf32, #tpu.memory_space<vmem_shared>>) target_semaphore(%arg18 : memref<!tpu.dma_semaphore, #tpu.memory_space<semaphore_mem>>)
    %mul3A_23 = arith.constant 640 : i32
    %mul3A_24 = arith.muli %arg1, %mul3A_23 : i32
    %add3A_25 = arith.constant 128 : i32
    %add3A_26 = arith.addi %mul3A_24, %add3A_25 : i32
    %dma_start3A_27 = arith.constant 0 : i32
    %dma_start3A_28 = arith.constant 0 : i32
    %dma_start3A_29 = arith.constant 0 : i32
    %dma_start3A_30 = tpu.memref_slice %arg8[%dma_start3A_27, %dma_start3A_28, %dma_start3A_29] : memref<2x128x128xf32, #tpu.memory_space<vmem>> -> memref<1x128x128xf32, #tpu.memory_space<vmem>>
    %dma_start3A_31 = tpu.memref_squeeze %dma_start3A_30 : memref<1x128x128xf32, #tpu.memory_space<vmem>> -> memref<128x128xf32, #tpu.memory_space<vmem>>
    %dma_start3A_32 = arith.constant 0 : i32
    %dma_start3A_33 = tpu.memref_slice %arg12[%add3A_26, %dma_start3A_32] : memref<10240x128xf32, #tpu.memory_space<vmem_shared>> -> memref<128x128xf32, #tpu.memory_space<vmem_shared>>
    %dma_start3A_34 = arith.constant 0 : i32
    %dma_start3A_35 = tpu.memref_slice %arg12[%add3A_26, %dma_start3A_34] : memref<10240x128xf32, #tpu.memory_space<vmem_shared>> -> memref<128x128xf32, #tpu.memory_space<vmem_shared>>
    %dma_start3A_36 = arith.constant 0 : i32
    %dma_start3A_37 = arith.constant 0 : i32
    %dma_start3A_38 = tpu.memref_slice %arg8[%dma_start3A_27, %dma_start3A_36, %dma_start3A_37] : memref<2x128x128xf32, #tpu.memory_space<vmem>> -> memref<1x128x128xf32, #tpu.memory_space<vmem>>
    %dma_start3A_39 = tpu.memref_squeeze %dma_start3A_38 : memref<1x128x128xf32, #tpu.memory_space<vmem>> -> memref<128x128xf32, #tpu.memory_space<vmem>>
    tpu.enqueue_dma source(%dma_start3A_39 : memref<128x128xf32, #tpu.memory_space<vmem>>) target(%dma_start3A_35 : memref<128x128xf32, #tpu.memory_space<vmem_shared>>) target_semaphore(%arg18 : memref<!tpu.dma_semaphore, #tpu.memory_space<semaphore_mem>>)
    %mul3A_40 = arith.constant 640 : i32
    %mul3A_41 = arith.muli %arg1, %mul3A_40 : i32
    %add3A_42 = arith.constant 256 : i32
    %add3A_43 = arith.addi %mul3A_41, %add3A_42 : i32
    %dma_start3A_44 = arith.constant 0 : i32
    %dma_start3A_45 = arith.constant 0 : i32
    %dma_start3A_46 = arith.constant 0 : i32
    %dma_start3A_47 = tpu.memref_slice %arg8[%dma_start3A_44, %dma_start3A_45, %dma_start3A_46] : memref<2x128x128xf32, #tpu.memory_space<vmem>> -> memref<1x128x128xf32, #tpu.memory_space<vmem>>
    %dma_start3A_48 = tpu.memref_squeeze %dma_start3A_47 : memref<1x128x128xf32, #tpu.memory_space<vmem>> -> memref<128x128xf32, #tpu.memory_space<vmem>>
    %dma_start3A_49 = arith.constant 0 : i32
    %dma_start3A_50 = tpu.memref_slice %arg12[%add3A_43, %dma_start3A_49] : memref<10240x128xf32, #tpu.memory_space<vmem_shared>> -> memref<128x128xf32, #tpu.memory_space<vmem_shared>>
    %dma_start3A_51 = arith.constant 0 : i32
    %dma_start3A_52 = tpu.memref_slice %arg12[%add3A_43, %dma_start3A_51] : memref<10240x128xf32, #tpu.memory_space<vmem_shared>> -> memref<128x128xf32, #tpu.memory_space<vmem_shared>>
    %dma_start3A_53 = arith.constant 0 : i32
    %dma_start3A_54 = arith.constant 0 : i32
    %dma_start3A_55 = tpu.memref_slice %arg8[%dma_start3A_44, %dma_start3A_53, %dma_start3A_54] : memref<2x128x128xf32, #tpu.memory_space<vmem>> -> memref<1x128x128xf32, #tpu.memory_space<vmem>>
    %dma_start3A_56 = tpu.memref_squeeze %dma_start3A_55 : memref<1x128x128xf32, #tpu.memory_space<vmem>> -> memref<128x128xf32, #tpu.memory_space<vmem>>
    tpu.enqueue_dma source(%dma_start3A_56 : memref<128x128xf32, #tpu.memory_space<vmem>>) target(%dma_start3A_52 : memref<128x128xf32, #tpu.memory_space<vmem_shared>>) target_semaphore(%arg18 : memref<!tpu.dma_semaphore, #tpu.memory_space<semaphore_mem>>)
    %mul3A_57 = arith.constant 640 : i32
    %mul3A_58 = arith.muli %arg1, %mul3A_57 : i32
    %add3A_59 = arith.constant 384 : i32
    %add3A_60 = arith.addi %mul3A_58, %add3A_59 : i32
    %dma_start3A_61 = arith.constant 0 : i32
    %dma_start3A_62 = arith.constant 0 : i32
    %dma_start3A_63 = arith.constant 0 : i32
    %dma_start3A_64 = tpu.memref_slice %arg8[%dma_start3A_61, %dma_start3A_62, %dma_start3A_63] : memref<2x128x128xf32, #tpu.memory_space<vmem>> -> memref<1x128x128xf32, #tpu.memory_space<vmem>>
    %dma_start3A_65 = tpu.memref_squeeze %dma_start3A_64 : memref<1x128x128xf32, #tpu.memory_space<vmem>> -> memref<128x128xf32, #tpu.memory_space<vmem>>
    %dma_start3A_66 = arith.constant 0 : i32
    %dma_start3A_67 = tpu.memref_slice %arg12[%add3A_60, %dma_start3A_66] : memref<10240x128xf32, #tpu.memory_space<vmem_shared>> -> memref<128x128xf32, #tpu.memory_space<vmem_shared>>
    %dma_start3A_68 = arith.constant 0 : i32
    %dma_start3A_69 = tpu.memref_slice %arg12[%add3A_60, %dma_start3A_68] : memref<10240x128xf32, #tpu.memory_space<vmem_shared>> -> memref<128x128xf32, #tpu.memory_space<vmem_shared>>
    %dma_start3A_70 = arith.constant 0 : i32
    %dma_start3A_71 = arith.constant 0 : i32
    %dma_start3A_72 = tpu.memref_slice %arg8[%dma_start3A_61, %dma_start3A_70, %dma_start3A_71] : memref<2x128x128xf32, #tpu.memory_space<vmem>> -> memref<1x128x128xf32, #tpu.memory_space<vmem>>
    %dma_start3A_73 = tpu.memref_squeeze %dma_start3A_72 : memref<1x128x128xf32, #tpu.memory_space<vmem>> -> memref<128x128xf32, #tpu.memory_space<vmem>>
    tpu.enqueue_dma source(%dma_start3A_73 : memref<128x128xf32, #tpu.memory_space<vmem>>) target(%dma_start3A_69 : memref<128x128xf32, #tpu.memory_space<vmem_shared>>) target_semaphore(%arg18 : memref<!tpu.dma_semaphore, #tpu.memory_space<semaphore_mem>>)
    %mul3A_74 = arith.constant 640 : i32
    %mul3A_75 = arith.muli %arg1, %mul3A_74 : i32
    %add3A_76 = arith.constant 512 : i32
    %add3A_77 = arith.addi %mul3A_75, %add3A_76 : i32
    %dma_start3A_78 = arith.constant 0 : i32
    %dma_start3A_79 = arith.constant 0 : i32
    %dma_start3A_80 = arith.constant 0 : i32
    %dma_start3A_81 = tpu.memref_slice %arg8[%dma_start3A_78, %dma_start3A_79, %dma_start3A_80] : memref<2x128x128xf32, #tpu.memory_space<vmem>> -> memref<1x128x128xf32, #tpu.memory_space<vmem>>
    %dma_start3A_82 = tpu.memref_squeeze %dma_start3A_81 : memref<1x128x128xf32, #tpu.memory_space<vmem>> -> memref<128x128xf32, #tpu.memory_space<vmem>>
    %dma_start3A_83 = arith.constant 0 : i32
    %dma_start3A_84 = tpu.memref_slice %arg12[%add3A_77, %dma_start3A_83] : memref<10240x128xf32, #tpu.memory_space<vmem_shared>> -> memref<128x128xf32, #tpu.memory_space<vmem_shared>>
    %dma_start3A_85 = arith.constant 0 : i32
    %dma_start3A_86 = tpu.memref_slice %arg12[%add3A_77, %dma_start3A_85] : memref<10240x128xf32, #tpu.memory_space<vmem_shared>> -> memref<128x128xf32, #tpu.memory_space<vmem_shared>>
    %dma_start3A_87 = arith.constant 0 : i32
    %dma_start3A_88 = arith.constant 0 : i32
    %dma_start3A_89 = tpu.memref_slice %arg8[%dma_start3A_78, %dma_start3A_87, %dma_start3A_88] : memref<2x128x128xf32, #tpu.memory_space<vmem>> -> memref<1x128x128xf32, #tpu.memory_space<vmem>>
    %dma_start3A_90 = tpu.memref_squeeze %dma_start3A_89 : memref<1x128x128xf32, #tpu.memory_space<vmem>> -> memref<128x128xf32, #tpu.memory_space<vmem>>
    tpu.enqueue_dma source(%dma_start3A_90 : memref<128x128xf32, #tpu.memory_space<vmem>>) target(%dma_start3A_86 : memref<128x128xf32, #tpu.memory_space<vmem_shared>>) target_semaphore(%arg18 : memref<!tpu.dma_semaphore, #tpu.memory_space<semaphore_mem>>)
    %mul3A_91 = arith.constant 640 : i32
    %mul3A_92 = arith.muli %arg1, %mul3A_91 : i32
    %add3A_93 = arith.constant 0 : i32
    %add3A_94 = arith.addi %mul3A_92, %add3A_93 : i32
    %dma_wait3A = arith.constant 0 : i32
    %dma_wait3A_95 = arith.constant 0 : i32
    %dma_wait3A_96 = arith.constant 0 : i32
    %dma_wait3A_97 = tpu.memref_slice %arg8[%dma_wait3A, %dma_wait3A_95, %dma_wait3A_96] : memref<2x128x128xf32, #tpu.memory_space<vmem>> -> memref<1x128x128xf32, #tpu.memory_space<vmem>>
    %dma_wait3A_98 = tpu.memref_squeeze %dma_wait3A_97 : memref<1x128x128xf32, #tpu.memory_space<vmem>> -> memref<128x128xf32, #tpu.memory_space<vmem>>
    %dma_wait3A_99 = arith.constant 0 : i32
    %dma_wait3A_100 = tpu.memref_slice %arg12[%add3A_94, %dma_wait3A_99] : memref<10240x128xf32, #tpu.memory_space<vmem_shared>> -> memref<128x128xf32, #tpu.memory_space<vmem_shared>>
    %dma_wait3A_101 = arith.constant 0 : i32
    %dma_wait3A_102 = tpu.memref_slice %arg12[%add3A_94, %dma_wait3A_101] : memref<10240x128xf32, #tpu.memory_space<vmem_shared>> -> memref<128x128xf32, #tpu.memory_space<vmem_shared>>
    %dma_wait3A_103 = arith.constant 0 : i32
    %dma_wait3A_104 = arith.constant 0 : i32
    %dma_wait3A_105 = tpu.memref_slice %arg8[%dma_wait3A, %dma_wait3A_103, %dma_wait3A_104] : memref<2x128x128xf32, #tpu.memory_space<vmem>> -> memref<1x128x128xf32, #tpu.memory_space<vmem>>
    %dma_wait3A_106 = tpu.memref_squeeze %dma_wait3A_105 : memref<1x128x128xf32, #tpu.memory_space<vmem>> -> memref<128x128xf32, #tpu.memory_space<vmem>>
    tpu.wait_dma2 semaphore(%arg18 : memref<!tpu.dma_semaphore, #tpu.memory_space<semaphore_mem>>) src(%dma_wait3A_106 : memref<128x128xf32, #tpu.memory_space<vmem>>) dst(%dma_wait3A_102 : memref<128x128xf32, #tpu.memory_space<vmem_shared>>)
    %mul3A_107 = arith.constant 640 : i32
    %mul3A_108 = arith.muli %arg1, %mul3A_107 : i32
    %add3A_109 = arith.constant 128 : i32
    %add3A_110 = arith.addi %mul3A_108, %add3A_109 : i32
    %dma_wait3A_111 = arith.constant 0 : i32
    %dma_wait3A_112 = arith.constant 0 : i32
    %dma_wait3A_113 = arith.constant 0 : i32
    %dma_wait3A_114 = tpu.memref_slice %arg8[%dma_wait3A_111, %dma_wait3A_112, %dma_wait3A_113] : memref<2x128x128xf32, #tpu.memory_space<vmem>> -> memref<1x128x128xf32, #tpu.memory_space<vmem>>
    %dma_wait3A_115 = tpu.memref_squeeze %dma_wait3A_114 : memref<1x128x128xf32, #tpu.memory_space<vmem>> -> memref<128x128xf32, #tpu.memory_space<vmem>>
    %dma_wait3A_116 = arith.constant 0 : i32
    %dma_wait3A_117 = tpu.memref_slice %arg12[%add3A_110, %dma_wait3A_116] : memref<10240x128xf32, #tpu.memory_space<vmem_shared>> -> memref<128x128xf32, #tpu.memory_space<vmem_shared>>
    %dma_wait3A_118 = arith.constant 0 : i32
    %dma_wait3A_119 = tpu.memref_slice %arg12[%add3A_110, %dma_wait3A_118] : memref<10240x128xf32, #tpu.memory_space<vmem_shared>> -> memref<128x128xf32, #tpu.memory_space<vmem_shared>>
    %dma_wait3A_120 = arith.constant 0 : i32
    %dma_wait3A_121 = arith.constant 0 : i32
    %dma_wait3A_122 = tpu.memref_slice %arg8[%dma_wait3A_111, %dma_wait3A_120, %dma_wait3A_121] : memref<2x128x128xf32, #tpu.memory_space<vmem>> -> memref<1x128x128xf32, #tpu.memory_space<vmem>>
    %dma_wait3A_123 = tpu.memref_squeeze %dma_wait3A_122 : memref<1x128x128xf32, #tpu.memory_space<vmem>> -> memref<128x128xf32, #tpu.memory_space<vmem>>
    tpu.wait_dma2 semaphore(%arg18 : memref<!tpu.dma_semaphore, #tpu.memory_space<semaphore_mem>>) src(%dma_wait3A_123 : memref<128x128xf32, #tpu.memory_space<vmem>>) dst(%dma_wait3A_119 : memref<128x128xf32, #tpu.memory_space<vmem_shared>>)
    %mul3A_124 = arith.constant 640 : i32
    %mul3A_125 = arith.muli %arg1, %mul3A_124 : i32
    %add3A_126 = arith.constant 256 : i32
    %add3A_127 = arith.addi %mul3A_125, %add3A_126 : i32
    %dma_wait3A_128 = arith.constant 0 : i32
    %dma_wait3A_129 = arith.constant 0 : i32
    %dma_wait3A_130 = arith.constant 0 : i32
    %dma_wait3A_131 = tpu.memref_slice %arg8[%dma_wait3A_128, %dma_wait3A_129, %dma_wait3A_130] : memref<2x128x128xf32, #tpu.memory_space<vmem>> -> memref<1x128x128xf32, #tpu.memory_space<vmem>>
    %dma_wait3A_132 = tpu.memref_squeeze %dma_wait3A_131 : memref<1x128x128xf32, #tpu.memory_space<vmem>> -> memref<128x128xf32, #tpu.memory_space<vmem>>
    %dma_wait3A_133 = arith.constant 0 : i32
    %dma_wait3A_134 = tpu.memref_slice %arg12[%add3A_127, %dma_wait3A_133] : memref<10240x128xf32, #tpu.memory_space<vmem_shared>> -> memref<128x128xf32, #tpu.memory_space<vmem_shared>>
    %dma_wait3A_135 = arith.constant 0 : i32
    %dma_wait3A_136 = tpu.memref_slice %arg12[%add3A_127, %dma_wait3A_135] : memref<10240x128xf32, #tpu.memory_space<vmem_shared>> -> memref<128x128xf32, #tpu.memory_space<vmem_shared>>
    %dma_wait3A_137 = arith.constant 0 : i32
    %dma_wait3A_138 = arith.constant 0 : i32
    %dma_wait3A_139 = tpu.memref_slice %arg8[%dma_wait3A_128, %dma_wait3A_137, %dma_wait3A_138] : memref<2x128x128xf32, #tpu.memory_space<vmem>> -> memref<1x128x128xf32, #tpu.memory_space<vmem>>
    %dma_wait3A_140 = tpu.memref_squeeze %dma_wait3A_139 : memref<1x128x128xf32, #tpu.memory_space<vmem>> -> memref<128x128xf32, #tpu.memory_space<vmem>>
    tpu.wait_dma2 semaphore(%arg18 : memref<!tpu.dma_semaphore, #tpu.memory_space<semaphore_mem>>) src(%dma_wait3A_140 : memref<128x128xf32, #tpu.memory_space<vmem>>) dst(%dma_wait3A_136 : memref<128x128xf32, #tpu.memory_space<vmem_shared>>)
    %mul3A_141 = arith.constant 640 : i32
    %mul3A_142 = arith.muli %arg1, %mul3A_141 : i32
    %add3A_143 = arith.constant 384 : i32
    %add3A_144 = arith.addi %mul3A_142, %add3A_143 : i32
    %dma_wait3A_145 = arith.constant 0 : i32
    %dma_wait3A_146 = arith.constant 0 : i32
    %dma_wait3A_147 = arith.constant 0 : i32
    %dma_wait3A_148 = tpu.memref_slice %arg8[%dma_wait3A_145, %dma_wait3A_146, %dma_wait3A_147] : memref<2x128x128xf32, #tpu.memory_space<vmem>> -> memref<1x128x128xf32, #tpu.memory_space<vmem>>
    %dma_wait3A_149 = tpu.memref_squeeze %dma_wait3A_148 : memref<1x128x128xf32, #tpu.memory_space<vmem>> -> memref<128x128xf32, #tpu.memory_space<vmem>>
    %dma_wait3A_150 = arith.constant 0 : i32
    %dma_wait3A_151 = tpu.memref_slice %arg12[%add3A_144, %dma_wait3A_150] : memref<10240x128xf32, #tpu.memory_space<vmem_shared>> -> memref<128x128xf32, #tpu.memory_space<vmem_shared>>
    %dma_wait3A_152 = arith.constant 0 : i32
    %dma_wait3A_153 = tpu.memref_slice %arg12[%add3A_144, %dma_wait3A_152] : memref<10240x128xf32, #tpu.memory_space<vmem_shared>> -> memref<128x128xf32, #tpu.memory_space<vmem_shared>>
    %dma_wait3A_154 = arith.constant 0 : i32
    %dma_wait3A_155 = arith.constant 0 : i32
    %dma_wait3A_156 = tpu.memref_slice %arg8[%dma_wait3A_145, %dma_wait3A_154, %dma_wait3A_155] : memref<2x128x128xf32, #tpu.memory_space<vmem>> -> memref<1x128x128xf32, #tpu.memory_space<vmem>>
    %dma_wait3A_157 = tpu.memref_squeeze %dma_wait3A_156 : memref<1x128x128xf32, #tpu.memory_space<vmem>> -> memref<128x128xf32, #tpu.memory_space<vmem>>
    tpu.wait_dma2 semaphore(%arg18 : memref<!tpu.dma_semaphore, #tpu.memory_space<semaphore_mem>>) src(%dma_wait3A_157 : memref<128x128xf32, #tpu.memory_space<vmem>>) dst(%dma_wait3A_153 : memref<128x128xf32, #tpu.memory_space<vmem_shared>>)
    %mul3A_158 = arith.constant 640 : i32
    %mul3A_159 = arith.muli %arg1, %mul3A_158 : i32
    %add3A_160 = arith.constant 512 : i32
    %add3A_161 = arith.addi %mul3A_159, %add3A_160 : i32
    %dma_wait3A_162 = arith.constant 0 : i32
    %dma_wait3A_163 = arith.constant 0 : i32
    %dma_wait3A_164 = arith.constant 0 : i32
    %dma_wait3A_165 = tpu.memref_slice %arg8[%dma_wait3A_162, %dma_wait3A_163, %dma_wait3A_164] : memref<2x128x128xf32, #tpu.memory_space<vmem>> -> memref<1x128x128xf32, #tpu.memory_space<vmem>>
    %dma_wait3A_166 = tpu.memref_squeeze %dma_wait3A_165 : memref<1x128x128xf32, #tpu.memory_space<vmem>> -> memref<128x128xf32, #tpu.memory_space<vmem>>
    %dma_wait3A_167 = arith.constant 0 : i32
    %dma_wait3A_168 = tpu.memref_slice %arg12[%add3A_161, %dma_wait3A_167] : memref<10240x128xf32, #tpu.memory_space<vmem_shared>> -> memref<128x128xf32, #tpu.memory_space<vmem_shared>>
    %dma_wait3A_169 = arith.constant 0 : i32
    %dma_wait3A_170 = tpu.memref_slice %arg12[%add3A_161, %dma_wait3A_169] : memref<10240x128xf32, #tpu.memory_space<vmem_shared>> -> memref<128x128xf32, #tpu.memory_space<vmem_shared>>
    %dma_wait3A_171 = arith.constant 0 : i32
    %dma_wait3A_172 = arith.constant 0 : i32
    %dma_wait3A_173 = tpu.memref_slice %arg8[%dma_wait3A_162, %dma_wait3A_171, %dma_wait3A_172] : memref<2x128x128xf32, #tpu.memory_space<vmem>> -> memref<1x128x128xf32, #tpu.memory_space<vmem>>
    %dma_wait3A_174 = tpu.memref_squeeze %dma_wait3A_173 : memref<1x128x128xf32, #tpu.memory_space<vmem>> -> memref<128x128xf32, #tpu.memory_space<vmem>>
    tpu.wait_dma2 semaphore(%arg18 : memref<!tpu.dma_semaphore, #tpu.memory_space<semaphore_mem>>) src(%dma_wait3A_174 : memref<128x128xf32, #tpu.memory_space<vmem>>) dst(%dma_wait3A_170 : memref<128x128xf32, #tpu.memory_space<vmem_shared>>)
    %barrier3A = arith.constant 0 : index
    tpu.barrier barrier_id(%barrier3A)
    %mul3A_175 = arith.constant 10000 : i32
    %mul3A_176 = arith.muli %add3A, %mul3A_175 : i32
    %dma_start3A_177 = arith.constant 0 : i32
    %dma_start3A_178 = arith.constant 0 : i32
    %dma_start3A_179 = tpu.memref_slice %arg6[%dma_start3A_177, %dma_start3A_178] : memref<2x128xi32, #tpu.memory_space<vmem>> -> memref<1x128xi32, #tpu.memory_space<vmem>>
    %dma_start3A_180 = tpu.memref_squeeze %dma_start3A_179 : memref<1x128xi32, #tpu.memory_space<vmem>> -> memref<128xi32, #tpu.memory_space<vmem>>
    %dma_start3A_181 = tpu.memref_slice %arg3[%mul3A_176] : memref<320000xi32, #tpu.memory_space<hbm>> -> memref<128xi32, #tpu.memory_space<hbm>>
    %dma_start3A_182 = arith.constant 0 : i32
    %dma_start3A_183 = tpu.memref_slice %arg6[%dma_start3A_177, %dma_start3A_182] : memref<2x128xi32, #tpu.memory_space<vmem>> -> memref<1x128xi32, #tpu.memory_space<vmem>>
    %dma_start3A_184 = tpu.memref_squeeze %dma_start3A_183 : memref<1x128xi32, #tpu.memory_space<vmem>> -> memref<128xi32, #tpu.memory_space<vmem>>
    %dma_start3A_185 = tpu.memref_slice %arg3[%mul3A_176] : memref<320000xi32, #tpu.memory_space<hbm>> -> memref<128xi32, #tpu.memory_space<hbm>>
    tpu.enqueue_dma source(%dma_start3A_185 : memref<128xi32, #tpu.memory_space<hbm>>) target(%dma_start3A_184 : memref<128xi32, #tpu.memory_space<vmem>>) target_semaphore(%arg13 : memref<!tpu.dma_semaphore, #tpu.memory_space<semaphore_mem>>)
    %dma_start3A_186 = arith.constant 0 : i32
    %dma_start3A_187 = arith.constant 0 : i32
    %dma_start3A_188 = tpu.memref_slice %arg7[%dma_start3A_186, %dma_start3A_187] : memref<2x128xi32, #tpu.memory_space<vmem>> -> memref<1x128xi32, #tpu.memory_space<vmem>>
    %dma_start3A_189 = tpu.memref_squeeze %dma_start3A_188 : memref<1x128xi32, #tpu.memory_space<vmem>> -> memref<128xi32, #tpu.memory_space<vmem>>
    %dma_start3A_190 = tpu.memref_slice %arg4[%mul3A_176] : memref<320000xi32, #tpu.memory_space<hbm>> -> memref<128xi32, #tpu.memory_space<hbm>>
    %dma_start3A_191 = arith.constant 0 : i32
    %dma_start3A_192 = tpu.memref_slice %arg7[%dma_start3A_186, %dma_start3A_191] : memref<2x128xi32, #tpu.memory_space<vmem>> -> memref<1x128xi32, #tpu.memory_space<vmem>>
    %dma_start3A_193 = tpu.memref_squeeze %dma_start3A_192 : memref<1x128xi32, #tpu.memory_space<vmem>> -> memref<128xi32, #tpu.memory_space<vmem>>
    %dma_start3A_194 = tpu.memref_slice %arg4[%mul3A_176] : memref<320000xi32, #tpu.memory_space<hbm>> -> memref<128xi32, #tpu.memory_space<hbm>>
    tpu.enqueue_dma source(%dma_start3A_194 : memref<128xi32, #tpu.memory_space<hbm>>) target(%dma_start3A_193 : memref<128xi32, #tpu.memory_space<vmem>>) target_semaphore(%arg15 : memref<!tpu.dma_semaphore, #tpu.memory_space<semaphore_mem>>)
    %dma_wait3A_195 = arith.constant 0 : i32
    %dma_wait3A_196 = arith.constant 0 : i32
    %dma_wait3A_197 = tpu.memref_slice %arg6[%dma_wait3A_195, %dma_wait3A_196] : memref<2x128xi32, #tpu.memory_space<vmem>> -> memref<1x128xi32, #tpu.memory_space<vmem>>
    %dma_wait3A_198 = tpu.memref_squeeze %dma_wait3A_197 : memref<1x128xi32, #tpu.memory_space<vmem>> -> memref<128xi32, #tpu.memory_space<vmem>>
    %dma_wait3A_199 = tpu.memref_slice %arg3[%mul3A_176] : memref<320000xi32, #tpu.memory_space<hbm>> -> memref<128xi32, #tpu.memory_space<hbm>>
    %dma_wait3A_200 = arith.constant 0 : i32
    %dma_wait3A_201 = tpu.memref_slice %arg6[%dma_wait3A_195, %dma_wait3A_200] : memref<2x128xi32, #tpu.memory_space<vmem>> -> memref<1x128xi32, #tpu.memory_space<vmem>>
    %dma_wait3A_202 = tpu.memref_squeeze %dma_wait3A_201 : memref<1x128xi32, #tpu.memory_space<vmem>> -> memref<128xi32, #tpu.memory_space<vmem>>
    %dma_wait3A_203 = tpu.memref_slice %arg3[%mul3A_176] : memref<320000xi32, #tpu.memory_space<hbm>> -> memref<128xi32, #tpu.memory_space<hbm>>
    tpu.wait_dma2 semaphore(%arg13 : memref<!tpu.dma_semaphore, #tpu.memory_space<semaphore_mem>>) src(%dma_wait3A_203 : memref<128xi32, #tpu.memory_space<hbm>>) dst(%dma_wait3A_202 : memref<128xi32, #tpu.memory_space<vmem>>)
    %dma_start3A_204 = arith.constant 0 : i32
    %dma_start3A_205 = arith.constant 0 : i32
    %dma_start3A_206 = arith.constant 0 : i32
    %dma_start3A_207 = arith.constant 0 : i32
    %dma_start3A_208 = tpu.memref_slice %arg8[%dma_start3A_205, %dma_start3A_206, %dma_start3A_207] : memref<2x128x128xf32, #tpu.memory_space<vmem>> -> memref<1x128x128xf32, #tpu.memory_space<vmem>>
    %dma_start3A_209 = tpu.memref_squeeze %dma_start3A_208 : memref<1x128x128xf32, #tpu.memory_space<vmem>> -> memref<128x128xf32, #tpu.memory_space<vmem>>
    %dma_start3A_210 = arith.constant 0 : i32
    %dma_start3A_211 = tpu.memref_slice %arg6[%dma_start3A_204, %dma_start3A_210] : memref<2x128xi32, #tpu.memory_space<vmem>> -> memref<1x128xi32, #tpu.memory_space<vmem>>
    %dma_start3A_212 = tpu.memref_squeeze %dma_start3A_211 : memref<1x128xi32, #tpu.memory_space<vmem>> -> memref<128xi32, #tpu.memory_space<vmem>>
    %dma_start3A_213 = arith.constant 0 : i32
    %dma_start3A_214 = arith.constant 0 : i32
    %dma_start3A_215 = tpu.memref_slice %arg2[%dma_start3A_213, %dma_start3A_214] : memref<10000x128xf32, #tpu.memory_space<hbm>> -> memref<10000x128xf32, #tpu.memory_space<hbm>>
    tpu.enqueue_indirect_dma source(%dma_start3A_215 : memref<10000x128xf32, #tpu.memory_space<hbm>>) target(%dma_start3A_209 : memref<128x128xf32, #tpu.memory_space<vmem>>) offsets(%dma_start3A_212 : memref<128xi32, #tpu.memory_space<vmem>>) semaphore(%arg17 : memref<!tpu.dma_semaphore, #tpu.memory_space<semaphore_mem>>)
    %add3A_216 = arith.constant 128 : i32
    %add3A_217 = arith.addi %mul3A_176, %add3A_216 : i32
    %dma_start3A_218 = arith.constant 1 : i32
    %dma_start3A_219 = arith.constant 0 : i32
    %dma_start3A_220 = tpu.memref_slice %arg6[%dma_start3A_218, %dma_start3A_219] : memref<2x128xi32, #tpu.memory_space<vmem>> -> memref<1x128xi32, #tpu.memory_space<vmem>>
    %dma_start3A_221 = tpu.memref_squeeze %dma_start3A_220 : memref<1x128xi32, #tpu.memory_space<vmem>> -> memref<128xi32, #tpu.memory_space<vmem>>
    %dma_start3A_222 = tpu.memref_slice %arg3[%add3A_217] : memref<320000xi32, #tpu.memory_space<hbm>> -> memref<128xi32, #tpu.memory_space<hbm>>
    %dma_start3A_223 = arith.constant 0 : i32
    %dma_start3A_224 = tpu.memref_slice %arg6[%dma_start3A_218, %dma_start3A_223] : memref<2x128xi32, #tpu.memory_space<vmem>> -> memref<1x128xi32, #tpu.memory_space<vmem>>
    %dma_start3A_225 = tpu.memref_squeeze %dma_start3A_224 : memref<1x128xi32, #tpu.memory_space<vmem>> -> memref<128xi32, #tpu.memory_space<vmem>>
    %dma_start3A_226 = tpu.memref_slice %arg3[%add3A_217] : memref<320000xi32, #tpu.memory_space<hbm>> -> memref<128xi32, #tpu.memory_space<hbm>>
    tpu.enqueue_dma source(%dma_start3A_226 : memref<128xi32, #tpu.memory_space<hbm>>) target(%dma_start3A_225 : memref<128xi32, #tpu.memory_space<vmem>>) target_semaphore(%arg14 : memref<!tpu.dma_semaphore, #tpu.memory_space<semaphore_mem>>)
    %add3A_227 = arith.constant 128 : i32
    %add3A_228 = arith.addi %mul3A_176, %add3A_227 : i32
    %dma_start3A_229 = arith.constant 1 : i32
    %dma_start3A_230 = arith.constant 0 : i32
    %dma_start3A_231 = tpu.memref_slice %arg7[%dma_start3A_229, %dma_start3A_230] : memref<2x128xi32, #tpu.memory_space<vmem>> -> memref<1x128xi32, #tpu.memory_space<vmem>>
    %dma_start3A_232 = tpu.memref_squeeze %dma_start3A_231 : memref<1x128xi32, #tpu.memory_space<vmem>> -> memref<128xi32, #tpu.memory_space<vmem>>
    %dma_start3A_233 = tpu.memref_slice %arg4[%add3A_228] : memref<320000xi32, #tpu.memory_space<hbm>> -> memref<128xi32, #tpu.memory_space<hbm>>
    %dma_start3A_234 = arith.constant 0 : i32
    %dma_start3A_235 = tpu.memref_slice %arg7[%dma_start3A_229, %dma_start3A_234] : memref<2x128xi32, #tpu.memory_space<vmem>> -> memref<1x128xi32, #tpu.memory_space<vmem>>
    %dma_start3A_236 = tpu.memref_squeeze %dma_start3A_235 : memref<1x128xi32, #tpu.memory_space<vmem>> -> memref<128xi32, #tpu.memory_space<vmem>>
    %dma_start3A_237 = tpu.memref_slice %arg4[%add3A_228] : memref<320000xi32, #tpu.memory_space<hbm>> -> memref<128xi32, #tpu.memory_space<hbm>>
    tpu.enqueue_dma source(%dma_start3A_237 : memref<128xi32, #tpu.memory_space<hbm>>) target(%dma_start3A_236 : memref<128xi32, #tpu.memory_space<vmem>>) target_semaphore(%arg16 : memref<!tpu.dma_semaphore, #tpu.memory_space<semaphore_mem>>)
    %scan3A_238 = arith.constant 0 : i32
    %scan3A_239 = arith.constant 39 : i32
    %scan3A_240 = arith.addi %scan3A_238, %scan3A_239 : i32
    %scan3A_241 = arith.constant 1 : i32
    scf.for %scan3A_419 = %scan3A_238 to %scan3A_240 step %scan3A_241  : i32 {
      %mul3A_420 = arith.constant 2 : i32
      %mul3A_421 = arith.muli %scan3A_419, %mul3A_420 : i32
      %add3A_422 = arith.constant 0 : i32
      %add3A_423 = arith.addi %add3A_422, %mul3A_421 : i32
      %add3A_424 = arith.constant 128 : i32
      %add3A_425 = arith.addi %mul3A_176, %add3A_424 : i32
      %dma_wait3A_426 = arith.constant 1 : i32
      %dma_wait3A_427 = arith.constant 0 : i32
      %dma_wait3A_428 = tpu.memref_slice %arg6[%dma_wait3A_426, %dma_wait3A_427] : memref<2x128xi32, #tpu.memory_space<vmem>> -> memref<1x128xi32, #tpu.memory_space<vmem>>
      %dma_wait3A_429 = tpu.memref_squeeze %dma_wait3A_428 : memref<1x128xi32, #tpu.memory_space<vmem>> -> memref<128xi32, #tpu.memory_space<vmem>>
      %dma_wait3A_430 = tpu.memref_slice %arg3[%add3A_425] : memref<320000xi32, #tpu.memory_space<hbm>> -> memref<128xi32, #tpu.memory_space<hbm>>
      %dma_wait3A_431 = arith.constant 0 : i32
      %dma_wait3A_432 = tpu.memref_slice %arg6[%dma_wait3A_426, %dma_wait3A_431] : memref<2x128xi32, #tpu.memory_space<vmem>> -> memref<1x128xi32, #tpu.memory_space<vmem>>
      %dma_wait3A_433 = tpu.memref_squeeze %dma_wait3A_432 : memref<1x128xi32, #tpu.memory_space<vmem>> -> memref<128xi32, #tpu.memory_space<vmem>>
      %dma_wait3A_434 = tpu.memref_slice %arg3[%add3A_425] : memref<320000xi32, #tpu.memory_space<hbm>> -> memref<128xi32, #tpu.memory_space<hbm>>
      tpu.wait_dma2 semaphore(%arg14 : memref<!tpu.dma_semaphore, #tpu.memory_space<semaphore_mem>>) src(%dma_wait3A_434 : memref<128xi32, #tpu.memory_space<hbm>>) dst(%dma_wait3A_433 : memref<128xi32, #tpu.memory_space<vmem>>)
      %dma_start3A_435 = arith.constant 1 : i32
      %dma_start3A_436 = arith.constant 1 : i32
      %dma_start3A_437 = arith.constant 0 : i32
      %dma_start3A_438 = arith.constant 0 : i32
      %dma_start3A_439 = tpu.memref_slice %arg8[%dma_start3A_436, %dma_start3A_437, %dma_start3A_438] : memref<2x128x128xf32, #tpu.memory_space<vmem>> -> memref<1x128x128xf32, #tpu.memory_space<vmem>>
      %dma_start3A_440 = tpu.memref_squeeze %dma_start3A_439 : memref<1x128x128xf32, #tpu.memory_space<vmem>> -> memref<128x128xf32, #tpu.memory_space<vmem>>
      %dma_start3A_441 = arith.constant 0 : i32
      %dma_start3A_442 = tpu.memref_slice %arg6[%dma_start3A_435, %dma_start3A_441] : memref<2x128xi32, #tpu.memory_space<vmem>> -> memref<1x128xi32, #tpu.memory_space<vmem>>
      %dma_start3A_443 = tpu.memref_squeeze %dma_start3A_442 : memref<1x128xi32, #tpu.memory_space<vmem>> -> memref<128xi32, #tpu.memory_space<vmem>>
      %dma_start3A_444 = arith.constant 0 : i32
      %dma_start3A_445 = arith.constant 0 : i32
      %dma_start3A_446 = tpu.memref_slice %arg2[%dma_start3A_444, %dma_start3A_445] : memref<10000x128xf32, #tpu.memory_space<hbm>> -> memref<10000x128xf32, #tpu.memory_space<hbm>>
      tpu.enqueue_indirect_dma source(%dma_start3A_446 : memref<10000x128xf32, #tpu.memory_space<hbm>>) target(%dma_start3A_440 : memref<128x128xf32, #tpu.memory_space<vmem>>) offsets(%dma_start3A_443 : memref<128xi32, #tpu.memory_space<vmem>>) semaphore(%arg18 : memref<!tpu.dma_semaphore, #tpu.memory_space<semaphore_mem>>)
      %dma_wait3A_447 = arith.constant 0 : i32
      %dma_wait3A_448 = arith.constant 0 : i32
      %dma_wait3A_449 = arith.constant 0 : i32
      %dma_wait3A_450 = arith.constant 0 : i32
      %dma_wait3A_451 = tpu.memref_slice %arg8[%dma_wait3A_448, %dma_wait3A_449, %dma_wait3A_450] : memref<2x128x128xf32, #tpu.memory_space<vmem>> -> memref<1x128x128xf32, #tpu.memory_space<vmem>>
      %dma_wait3A_452 = tpu.memref_squeeze %dma_wait3A_451 : memref<1x128x128xf32, #tpu.memory_space<vmem>> -> memref<128x128xf32, #tpu.memory_space<vmem>>
      %dma_wait3A_453 = arith.constant 0 : i32
      %dma_wait3A_454 = tpu.memref_slice %arg6[%dma_wait3A_447, %dma_wait3A_453] : memref<2x128xi32, #tpu.memory_space<vmem>> -> memref<1x128xi32, #tpu.memory_space<vmem>>
      %dma_wait3A_455 = tpu.memref_squeeze %dma_wait3A_454 : memref<1x128xi32, #tpu.memory_space<vmem>> -> memref<128xi32, #tpu.memory_space<vmem>>
      %dma_wait3A_456 = arith.constant 0 : i32
      %dma_wait3A_457 = arith.constant 0 : i32
      %dma_wait3A_458 = tpu.memref_slice %arg2[%dma_wait3A_456, %dma_wait3A_457] : memref<10000x128xf32, #tpu.memory_space<hbm>> -> memref<10000x128xf32, #tpu.memory_space<hbm>>
      tpu.wait_indirect_dma semaphore(%arg17 : memref<!tpu.dma_semaphore, #tpu.memory_space<semaphore_mem>>) src(%dma_wait3A_458 : memref<10000x128xf32, #tpu.memory_space<hbm>>) dst(%dma_wait3A_452 : memref<128x128xf32, #tpu.memory_space<vmem>>)
      %dma_wait3A_459 = arith.constant 0 : i32
      %dma_wait3A_460 = arith.constant 0 : i32
      %dma_wait3A_461 = tpu.memref_slice %arg7[%dma_wait3A_459, %dma_wait3A_460] : memref<2x128xi32, #tpu.memory_space<vmem>> -> memref<1x128xi32, #tpu.memory_space<vmem>>
      %dma_wait3A_462 = tpu.memref_squeeze %dma_wait3A_461 : memref<1x128xi32, #tpu.memory_space<vmem>> -> memref<128xi32, #tpu.memory_space<vmem>>
      %dma_wait3A_463 = tpu.memref_slice %arg4[%mul3A_176] : memref<320000xi32, #tpu.memory_space<hbm>> -> memref<128xi32, #tpu.memory_space<hbm>>
      %dma_wait3A_464 = arith.constant 0 : i32
      %dma_wait3A_465 = tpu.memref_slice %arg7[%dma_wait3A_459, %dma_wait3A_464] : memref<2x128xi32, #tpu.memory_space<vmem>> -> memref<1x128xi32, #tpu.memory_space<vmem>>
      %dma_wait3A_466 = tpu.memref_squeeze %dma_wait3A_465 : memref<1x128xi32, #tpu.memory_space<vmem>> -> memref<128xi32, #tpu.memory_space<vmem>>
      %dma_wait3A_467 = tpu.memref_slice %arg4[%mul3A_176] : memref<320000xi32, #tpu.memory_space<hbm>> -> memref<128xi32, #tpu.memory_space<hbm>>
      tpu.wait_dma2 semaphore(%arg15 : memref<!tpu.dma_semaphore, #tpu.memory_space<semaphore_mem>>) src(%dma_wait3A_467 : memref<128xi32, #tpu.memory_space<hbm>>) dst(%dma_wait3A_466 : memref<128xi32, #tpu.memory_space<vmem>>)
      %run_scoped3A_468 = arith.constant 0 : i32
      %run_scoped3A_469 = arith.constant 0 : i32
      "tpu.region"() ({
        %run_scoped3A_511 = tpu.sem_alloc : memref<!tpu.dma_semaphore, #tpu.memory_space<semaphore_mem>>
        %dma_start3A_512 = arith.constant 0 : i32
        %dma_start3A_513 = arith.constant 0 : i32
        %dma_start3A_514 = tpu.memref_slice %arg8[%run_scoped3A_468, %dma_start3A_512, %dma_start3A_513] : memref<2x128x128xf32, #tpu.memory_space<vmem>> -> memref<1x128x128xf32, #tpu.memory_space<vmem>>
        %dma_start3A_515 = tpu.memref_squeeze %dma_start3A_514 : memref<1x128x128xf32, #tpu.memory_space<vmem>> -> memref<128x128xf32, #tpu.memory_space<vmem>>
        %dma_start3A_516 = arith.constant 0 : i32
        %dma_start3A_517 = tpu.memref_slice %arg7[%run_scoped3A_469, %dma_start3A_516] : memref<2x128xi32, #tpu.memory_space<vmem>> -> memref<1x128xi32, #tpu.memory_space<vmem>>
        %dma_start3A_518 = tpu.memref_squeeze %dma_start3A_517 : memref<1x128xi32, #tpu.memory_space<vmem>> -> memref<128xi32, #tpu.memory_space<vmem>>
        %dma_start3A_519 = arith.constant 0 : i32
        %dma_start3A_520 = arith.constant 0 : i32
        %dma_start3A_521 = tpu.memref_slice %arg12[%dma_start3A_519, %dma_start3A_520] : memref<10240x128xf32, #tpu.memory_space<vmem_shared>> -> memref<10240x128xf32, #tpu.memory_space<vmem_shared>>
        tpu.enqueue_indirect_dma source(%dma_start3A_515 : memref<128x128xf32, #tpu.memory_space<vmem>>) target(%dma_start3A_521 : memref<10240x128xf32, #tpu.memory_space<vmem_shared>>) offsets(%dma_start3A_518 : memref<128xi32, #tpu.memory_space<vmem>>) semaphore(%run_scoped3A_511 : memref<!tpu.dma_semaphore, #tpu.memory_space<semaphore_mem>>) {add = true}
        %dma_wait3A_522 = arith.constant 0 : i32
        %dma_wait3A_523 = arith.constant 0 : i32
        %dma_wait3A_524 = tpu.memref_slice %arg8[%run_scoped3A_468, %dma_wait3A_522, %dma_wait3A_523] : memref<2x128x128xf32, #tpu.memory_space<vmem>> -> memref<1x128x128xf32, #tpu.memory_space<vmem>>
        %dma_wait3A_525 = tpu.memref_squeeze %dma_wait3A_524 : memref<1x128x128xf32, #tpu.memory_space<vmem>> -> memref<128x128xf32, #tpu.memory_space<vmem>>
        %dma_wait3A_526 = arith.constant 0 : i32
        %dma_wait3A_527 = tpu.memref_slice %arg7[%run_scoped3A_469, %dma_wait3A_526] : memref<2x128xi32, #tpu.memory_space<vmem>> -> memref<1x128xi32, #tpu.memory_space<vmem>>
        %dma_wait3A_528 = tpu.memref_squeeze %dma_wait3A_527 : memref<1x128xi32, #tpu.memory_space<vmem>> -> memref<128xi32, #tpu.memory_space<vmem>>
        %dma_wait3A_529 = arith.constant 0 : i32
        %dma_wait3A_530 = arith.constant 0 : i32
        %dma_wait3A_531 = tpu.memref_slice %arg12[%dma_wait3A_529, %dma_wait3A_530] : memref<10240x128xf32, #tpu.memory_space<vmem_shared>> -> memref<10240x128xf32, #tpu.memory_space<vmem_shared>>
        tpu.wait_indirect_dma semaphore(%run_scoped3A_511 : memref<!tpu.dma_semaphore, #tpu.memory_space<semaphore_mem>>) src(%dma_wait3A_525 : memref<128x128xf32, #tpu.memory_space<vmem>>) dst(%dma_wait3A_531 : memref<10240x128xf32, #tpu.memory_space<vmem_shared>>)
        tpu.yield
      }) : () -> ()
      %add3A_470 = arith.constant 2 : i32
      %add3A_471 = arith.addi %add3A_423, %add3A_470 : i32
      %lt3A = arith.constant 78 : i32
      %lt3A_472 = arith.cmpi slt, %add3A_471, %lt3A : i32
      %convert_element_type3A = arith.extui %lt3A_472 : i1 to i32
      %cond3A = arith.constant 0 : i32
      %cond3A_473 = arith.cmpi ne, %convert_element_type3A, %cond3A : i32
      scf.if %cond3A_473 {
        %add3A_511 = arith.constant 2 : i32
        %add3A_512 = arith.addi %add3A_423, %add3A_511 : i32
        %mul3A_513 = arith.constant 128 : i32
        %mul3A_514 = arith.muli %add3A_512, %mul3A_513 : i32
        %add3A_515 = arith.addi %mul3A_176, %mul3A_514 : i32
        %dma_start3A_516 = arith.constant 0 : i32
        %dma_start3A_517 = arith.constant 0 : i32
        %dma_start3A_518 = tpu.memref_slice %arg6[%dma_start3A_516, %dma_start3A_517] : memref<2x128xi32, #tpu.memory_space<vmem>> -> memref<1x128xi32, #tpu.memory_space<vmem>>
        %dma_start3A_519 = tpu.memref_squeeze %dma_start3A_518 : memref<1x128xi32, #tpu.memory_space<vmem>> -> memref<128xi32, #tpu.memory_space<vmem>>
        %dma_start3A_520 = tpu.memref_slice %arg3[%add3A_515] : memref<320000xi32, #tpu.memory_space<hbm>> -> memref<128xi32, #tpu.memory_space<hbm>>
        %dma_start3A_521 = arith.constant 0 : i32
        %dma_start3A_522 = tpu.memref_slice %arg6[%dma_start3A_516, %dma_start3A_521] : memref<2x128xi32, #tpu.memory_space<vmem>> -> memref<1x128xi32, #tpu.memory_space<vmem>>
        %dma_start3A_523 = tpu.memref_squeeze %dma_start3A_522 : memref<1x128xi32, #tpu.memory_space<vmem>> -> memref<128xi32, #tpu.memory_space<vmem>>
        %dma_start3A_524 = tpu.memref_slice %arg3[%add3A_515] : memref<320000xi32, #tpu.memory_space<hbm>> -> memref<128xi32, #tpu.memory_space<hbm>>
        tpu.enqueue_dma source(%dma_start3A_524 : memref<128xi32, #tpu.memory_space<hbm>>) target(%dma_start3A_523 : memref<128xi32, #tpu.memory_space<vmem>>) target_semaphore(%arg13 : memref<!tpu.dma_semaphore, #tpu.memory_space<semaphore_mem>>)
        %dma_start3A_525 = arith.constant 0 : i32
        %dma_start3A_526 = arith.constant 0 : i32
        %dma_start3A_527 = tpu.memref_slice %arg7[%dma_start3A_525, %dma_start3A_526] : memref<2x128xi32, #tpu.memory_space<vmem>> -> memref<1x128xi32, #tpu.memory_space<vmem>>
        %dma_start3A_528 = tpu.memref_squeeze %dma_start3A_527 : memref<1x128xi32, #tpu.memory_space<vmem>> -> memref<128xi32, #tpu.memory_space<vmem>>
        %dma_start3A_529 = tpu.memref_slice %arg4[%add3A_515] : memref<320000xi32, #tpu.memory_space<hbm>> -> memref<128xi32, #tpu.memory_space<hbm>>
        %dma_start3A_530 = arith.constant 0 : i32
        %dma_start3A_531 = tpu.memref_slice %arg7[%dma_start3A_525, %dma_start3A_530] : memref<2x128xi32, #tpu.memory_space<vmem>> -> memref<1x128xi32, #tpu.memory_space<vmem>>
        %dma_start3A_532 = tpu.memref_squeeze %dma_start3A_531 : memref<1x128xi32, #tpu.memory_space<vmem>> -> memref<128xi32, #tpu.memory_space<vmem>>
        %dma_start3A_533 = tpu.memref_slice %arg4[%add3A_515] : memref<320000xi32, #tpu.memory_space<hbm>> -> memref<128xi32, #tpu.memory_space<hbm>>
        tpu.enqueue_dma source(%dma_start3A_533 : memref<128xi32, #tpu.memory_space<hbm>>) target(%dma_start3A_532 : memref<128xi32, #tpu.memory_space<vmem>>) target_semaphore(%arg15 : memref<!tpu.dma_semaphore, #tpu.memory_space<semaphore_mem>>)
      } else {
      }
      %add3A_474 = arith.constant 2 : i32
      %add3A_475 = arith.addi %add3A_423, %add3A_474 : i32
      %lt3A_476 = arith.constant 78 : i32
      %lt3A_477 = arith.cmpi slt, %add3A_475, %lt3A_476 : i32
      %convert_element_type3A_478 = arith.extui %lt3A_477 : i1 to i32
      %cond3A_479 = arith.constant 0 : i32
      %cond3A_480 = arith.cmpi ne, %convert_element_type3A_478, %cond3A_479 : i32
      scf.if %cond3A_480 {
        %dma_wait3A_511 = arith.constant 0 : i32
        %dma_wait3A_512 = arith.constant 0 : i32
        %dma_wait3A_513 = tpu.memref_slice %arg6[%dma_wait3A_511, %dma_wait3A_512] : memref<2x128xi32, #tpu.memory_space<vmem>> -> memref<1x128xi32, #tpu.memory_space<vmem>>
        %dma_wait3A_514 = tpu.memref_squeeze %dma_wait3A_513 : memref<1x128xi32, #tpu.memory_space<vmem>> -> memref<128xi32, #tpu.memory_space<vmem>>
        %dma_wait3A_515 = tpu.memref_slice %arg3[%mul3A_176] : memref<320000xi32, #tpu.memory_space<hbm>> -> memref<128xi32, #tpu.memory_space<hbm>>
        %dma_wait3A_516 = arith.constant 0 : i32
        %dma_wait3A_517 = tpu.memref_slice %arg6[%dma_wait3A_511, %dma_wait3A_516] : memref<2x128xi32, #tpu.memory_space<vmem>> -> memref<1x128xi32, #tpu.memory_space<vmem>>
        %dma_wait3A_518 = tpu.memref_squeeze %dma_wait3A_517 : memref<1x128xi32, #tpu.memory_space<vmem>> -> memref<128xi32, #tpu.memory_space<vmem>>
        %dma_wait3A_519 = tpu.memref_slice %arg3[%mul3A_176] : memref<320000xi32, #tpu.memory_space<hbm>> -> memref<128xi32, #tpu.memory_space<hbm>>
        tpu.wait_dma2 semaphore(%arg13 : memref<!tpu.dma_semaphore, #tpu.memory_space<semaphore_mem>>) src(%dma_wait3A_519 : memref<128xi32, #tpu.memory_space<hbm>>) dst(%dma_wait3A_518 : memref<128xi32, #tpu.memory_space<vmem>>)
        %dma_start3A_520 = arith.constant 0 : i32
        %dma_start3A_521 = arith.constant 0 : i32
        %dma_start3A_522 = arith.constant 0 : i32
        %dma_start3A_523 = arith.constant 0 : i32
        %dma_start3A_524 = tpu.memref_slice %arg8[%dma_start3A_521, %dma_start3A_522, %dma_start3A_523] : memref<2x128x128xf32, #tpu.memory_space<vmem>> -> memref<1x128x128xf32, #tpu.memory_space<vmem>>
        %dma_start3A_525 = tpu.memref_squeeze %dma_start3A_524 : memref<1x128x128xf32, #tpu.memory_space<vmem>> -> memref<128x128xf32, #tpu.memory_space<vmem>>
        %dma_start3A_526 = arith.constant 0 : i32
        %dma_start3A_527 = tpu.memref_slice %arg6[%dma_start3A_520, %dma_start3A_526] : memref<2x128xi32, #tpu.memory_space<vmem>> -> memref<1x128xi32, #tpu.memory_space<vmem>>
        %dma_start3A_528 = tpu.memref_squeeze %dma_start3A_527 : memref<1x128xi32, #tpu.memory_space<vmem>> -> memref<128xi32, #tpu.memory_space<vmem>>
        %dma_start3A_529 = arith.constant 0 : i32
        %dma_start3A_530 = arith.constant 0 : i32
        %dma_start3A_531 = tpu.memref_slice %arg2[%dma_start3A_529, %dma_start3A_530] : memref<10000x128xf32, #tpu.memory_space<hbm>> -> memref<10000x128xf32, #tpu.memory_space<hbm>>
        tpu.enqueue_indirect_dma source(%dma_start3A_531 : memref<10000x128xf32, #tpu.memory_space<hbm>>) target(%dma_start3A_525 : memref<128x128xf32, #tpu.memory_space<vmem>>) offsets(%dma_start3A_528 : memref<128xi32, #tpu.memory_space<vmem>>) semaphore(%arg17 : memref<!tpu.dma_semaphore, #tpu.memory_space<semaphore_mem>>)
      } else {
      }
      %dma_wait3A_481 = arith.constant 1 : i32
      %dma_wait3A_482 = arith.constant 1 : i32
      %dma_wait3A_483 = arith.constant 0 : i32
      %dma_wait3A_484 = arith.constant 0 : i32
      %dma_wait3A_485 = tpu.memref_slice %arg8[%dma_wait3A_482, %dma_wait3A_483, %dma_wait3A_484] : memref<2x128x128xf32, #tpu.memory_space<vmem>> -> memref<1x128x128xf32, #tpu.memory_space<vmem>>
      %dma_wait3A_486 = tpu.memref_squeeze %dma_wait3A_485 : memref<1x128x128xf32, #tpu.memory_space<vmem>> -> memref<128x128xf32, #tpu.memory_space<vmem>>
      %dma_wait3A_487 = arith.constant 0 : i32
      %dma_wait3A_488 = tpu.memref_slice %arg6[%dma_wait3A_481, %dma_wait3A_487] : memref<2x128xi32, #tpu.memory_space<vmem>> -> memref<1x128xi32, #tpu.memory_space<vmem>>
      %dma_wait3A_489 = tpu.memref_squeeze %dma_wait3A_488 : memref<1x128xi32, #tpu.memory_space<vmem>> -> memref<128xi32, #tpu.memory_space<vmem>>
      %dma_wait3A_490 = arith.constant 0 : i32
      %dma_wait3A_491 = arith.constant 0 : i32
      %dma_wait3A_492 = tpu.memref_slice %arg2[%dma_wait3A_490, %dma_wait3A_491] : memref<10000x128xf32, #tpu.memory_space<hbm>> -> memref<10000x128xf32, #tpu.memory_space<hbm>>
      tpu.wait_indirect_dma semaphore(%arg18 : memref<!tpu.dma_semaphore, #tpu.memory_space<semaphore_mem>>) src(%dma_wait3A_492 : memref<10000x128xf32, #tpu.memory_space<hbm>>) dst(%dma_wait3A_486 : memref<128x128xf32, #tpu.memory_space<vmem>>)
      %dma_wait3A_493 = arith.constant 1 : i32
      %dma_wait3A_494 = arith.constant 0 : i32
      %dma_wait3A_495 = tpu.memref_slice %arg7[%dma_wait3A_493, %dma_wait3A_494] : memref<2x128xi32, #tpu.memory_space<vmem>> -> memref<1x128xi32, #tpu.memory_space<vmem>>
      %dma_wait3A_496 = tpu.memref_squeeze %dma_wait3A_495 : memref<1x128xi32, #tpu.memory_space<vmem>> -> memref<128xi32, #tpu.memory_space<vmem>>
      %dma_wait3A_497 = tpu.memref_slice %arg4[%mul3A_176] : memref<320000xi32, #tpu.memory_space<hbm>> -> memref<128xi32, #tpu.memory_space<hbm>>
      %dma_wait3A_498 = arith.constant 0 : i32
      %dma_wait3A_499 = tpu.memref_slice %arg7[%dma_wait3A_493, %dma_wait3A_498] : memref<2x128xi32, #tpu.memory_space<vmem>> -> memref<1x128xi32, #tpu.memory_space<vmem>>
      %dma_wait3A_500 = tpu.memref_squeeze %dma_wait3A_499 : memref<1x128xi32, #tpu.memory_space<vmem>> -> memref<128xi32, #tpu.memory_space<vmem>>
      %dma_wait3A_501 = tpu.memref_slice %arg4[%mul3A_176] : memref<320000xi32, #tpu.memory_space<hbm>> -> memref<128xi32, #tpu.memory_space<hbm>>
      tpu.wait_dma2 semaphore(%arg16 : memref<!tpu.dma_semaphore, #tpu.memory_space<semaphore_mem>>) src(%dma_wait3A_501 : memref<128xi32, #tpu.memory_space<hbm>>) dst(%dma_wait3A_500 : memref<128xi32, #tpu.memory_space<vmem>>)
      %run_scoped3A_502 = arith.constant 1 : i32
      %run_scoped3A_503 = arith.constant 1 : i32
      "tpu.region"() ({
        %run_scoped3A_511 = tpu.sem_alloc : memref<!tpu.dma_semaphore, #tpu.memory_space<semaphore_mem>>
        %dma_start3A_512 = arith.constant 0 : i32
        %dma_start3A_513 = arith.constant 0 : i32
        %dma_start3A_514 = tpu.memref_slice %arg8[%run_scoped3A_502, %dma_start3A_512, %dma_start3A_513] : memref<2x128x128xf32, #tpu.memory_space<vmem>> -> memref<1x128x128xf32, #tpu.memory_space<vmem>>
        %dma_start3A_515 = tpu.memref_squeeze %dma_start3A_514 : memref<1x128x128xf32, #tpu.memory_space<vmem>> -> memref<128x128xf32, #tpu.memory_space<vmem>>
        %dma_start3A_516 = arith.constant 0 : i32
        %dma_start3A_517 = tpu.memref_slice %arg7[%run_scoped3A_503, %dma_start3A_516] : memref<2x128xi32, #tpu.memory_space<vmem>> -> memref<1x128xi32, #tpu.memory_space<vmem>>
        %dma_start3A_518 = tpu.memref_squeeze %dma_start3A_517 : memref<1x128xi32, #tpu.memory_space<vmem>> -> memref<128xi32, #tpu.memory_space<vmem>>
        %dma_start3A_519 = arith.constant 0 : i32
        %dma_start3A_520 = arith.constant 0 : i32
        %dma_start3A_521 = tpu.memref_slice %arg12[%dma_start3A_519, %dma_start3A_520] : memref<10240x128xf32, #tpu.memory_space<vmem_shared>> -> memref<10240x128xf32, #tpu.memory_space<vmem_shared>>
        tpu.enqueue_indirect_dma source(%dma_start3A_515 : memref<128x128xf32, #tpu.memory_space<vmem>>) target(%dma_start3A_521 : memref<10240x128xf32, #tpu.memory_space<vmem_shared>>) offsets(%dma_start3A_518 : memref<128xi32, #tpu.memory_space<vmem>>) semaphore(%run_scoped3A_511 : memref<!tpu.dma_semaphore, #tpu.memory_space<semaphore_mem>>) {add = true}
        %dma_wait3A_522 = arith.constant 0 : i32
        %dma_wait3A_523 = arith.constant 0 : i32
        %dma_wait3A_524 = tpu.memref_slice %arg8[%run_scoped3A_502, %dma_wait3A_522, %dma_wait3A_523] : memref<2x128x128xf32, #tpu.memory_space<vmem>> -> memref<1x128x128xf32, #tpu.memory_space<vmem>>
        %dma_wait3A_525 = tpu.memref_squeeze %dma_wait3A_524 : memref<1x128x128xf32, #tpu.memory_space<vmem>> -> memref<128x128xf32, #tpu.memory_space<vmem>>
        %dma_wait3A_526 = arith.constant 0 : i32
        %dma_wait3A_527 = tpu.memref_slice %arg7[%run_scoped3A_503, %dma_wait3A_526] : memref<2x128xi32, #tpu.memory_space<vmem>> -> memref<1x128xi32, #tpu.memory_space<vmem>>
        %dma_wait3A_528 = tpu.memref_squeeze %dma_wait3A_527 : memref<1x128xi32, #tpu.memory_space<vmem>> -> memref<128xi32, #tpu.memory_space<vmem>>
        %dma_wait3A_529 = arith.constant 0 : i32
        %dma_wait3A_530 = arith.constant 0 : i32
        %dma_wait3A_531 = tpu.memref_slice %arg12[%dma_wait3A_529, %dma_wait3A_530] : memref<10240x128xf32, #tpu.memory_space<vmem_shared>> -> memref<10240x128xf32, #tpu.memory_space<vmem_shared>>
        tpu.wait_indirect_dma semaphore(%run_scoped3A_511 : memref<!tpu.dma_semaphore, #tpu.memory_space<semaphore_mem>>) src(%dma_wait3A_525 : memref<128x128xf32, #tpu.memory_space<vmem>>) dst(%dma_wait3A_531 : memref<10240x128xf32, #tpu.memory_space<vmem_shared>>)
        tpu.yield
      }) : () -> ()
      %add3A_504 = arith.constant 3 : i32
      %add3A_505 = arith.addi %add3A_423, %add3A_504 : i32
      %lt3A_506 = arith.constant 78 : i32
      %lt3A_507 = arith.cmpi slt, %add3A_505, %lt3A_506 : i32
      %convert_element_type3A_508 = arith.extui %lt3A_507 : i1 to i32
      %cond3A_509 = arith.constant 0 : i32
      %cond3A_510 = arith.cmpi ne, %convert_element_type3A_508, %cond3A_509 : i32
      scf.if %cond3A_510 {
        %add3A_511 = arith.constant 3 : i32
        %add3A_512 = arith.addi %add3A_423, %add3A_511 : i32
        %mul3A_513 = arith.constant 128 : i32
        %mul3A_514 = arith.muli %add3A_512, %mul3A_513 : i32
        %add3A_515 = arith.addi %mul3A_176, %mul3A_514 : i32
        %dma_start3A_516 = arith.constant 1 : i32
        %dma_start3A_517 = arith.constant 0 : i32
        %dma_start3A_518 = tpu.memref_slice %arg6[%dma_start3A_516, %dma_start3A_517] : memref<2x128xi32, #tpu.memory_space<vmem>> -> memref<1x128xi32, #tpu.memory_space<vmem>>
        %dma_start3A_519 = tpu.memref_squeeze %dma_start3A_518 : memref<1x128xi32, #tpu.memory_space<vmem>> -> memref<128xi32, #tpu.memory_space<vmem>>
        %dma_start3A_520 = tpu.memref_slice %arg3[%add3A_515] : memref<320000xi32, #tpu.memory_space<hbm>> -> memref<128xi32, #tpu.memory_space<hbm>>
        %dma_start3A_521 = arith.constant 0 : i32
        %dma_start3A_522 = tpu.memref_slice %arg6[%dma_start3A_516, %dma_start3A_521] : memref<2x128xi32, #tpu.memory_space<vmem>> -> memref<1x128xi32, #tpu.memory_space<vmem>>
        %dma_start3A_523 = tpu.memref_squeeze %dma_start3A_522 : memref<1x128xi32, #tpu.memory_space<vmem>> -> memref<128xi32, #tpu.memory_space<vmem>>
        %dma_start3A_524 = tpu.memref_slice %arg3[%add3A_515] : memref<320000xi32, #tpu.memory_space<hbm>> -> memref<128xi32, #tpu.memory_space<hbm>>
        tpu.enqueue_dma source(%dma_start3A_524 : memref<128xi32, #tpu.memory_space<hbm>>) target(%dma_start3A_523 : memref<128xi32, #tpu.memory_space<vmem>>) target_semaphore(%arg14 : memref<!tpu.dma_semaphore, #tpu.memory_space<semaphore_mem>>)
        %dma_start3A_525 = arith.constant 1 : i32
        %dma_start3A_526 = arith.constant 0 : i32
        %dma_start3A_527 = tpu.memref_slice %arg7[%dma_start3A_525, %dma_start3A_526] : memref<2x128xi32, #tpu.memory_space<vmem>> -> memref<1x128xi32, #tpu.memory_space<vmem>>
        %dma_start3A_528 = tpu.memref_squeeze %dma_start3A_527 : memref<1x128xi32, #tpu.memory_space<vmem>> -> memref<128xi32, #tpu.memory_space<vmem>>
        %dma_start3A_529 = tpu.memref_slice %arg4[%add3A_515] : memref<320000xi32, #tpu.memory_space<hbm>> -> memref<128xi32, #tpu.memory_space<hbm>>
        %dma_start3A_530 = arith.constant 0 : i32
        %dma_start3A_531 = tpu.memref_slice %arg7[%dma_start3A_525, %dma_start3A_530] : memref<2x128xi32, #tpu.memory_space<vmem>> -> memref<1x128xi32, #tpu.memory_space<vmem>>
        %dma_start3A_532 = tpu.memref_squeeze %dma_start3A_531 : memref<1x128xi32, #tpu.memory_space<vmem>> -> memref<128xi32, #tpu.memory_space<vmem>>
        %dma_start3A_533 = tpu.memref_slice %arg4[%add3A_515] : memref<320000xi32, #tpu.memory_space<hbm>> -> memref<128xi32, #tpu.memory_space<hbm>>
        tpu.enqueue_dma source(%dma_start3A_533 : memref<128xi32, #tpu.memory_space<hbm>>) target(%dma_start3A_532 : memref<128xi32, #tpu.memory_space<vmem>>) target_semaphore(%arg16 : memref<!tpu.dma_semaphore, #tpu.memory_space<semaphore_mem>>)
      } else {
      }
    }
    %scan3A_242 = arith.constant 39 : i32
    %add3A_243 = arith.constant 9984 : i32
    %add3A_244 = arith.addi %mul3A_176, %add3A_243 : i32
    %run_scoped3A = arith.constant 0 : i32
    "tpu.region"() ({
      %run_scoped3A_419 = tpu.sem_alloc : memref<!tpu.dma_semaphore, #tpu.memory_space<semaphore_mem>>
      %dma_start3A_420 = arith.constant 0 : i32
      %dma_start3A_421 = tpu.memref_slice %arg9[%run_scoped3A, %dma_start3A_420] : memref<1x16xi32, #tpu.memory_space<vmem>> -> memref<1x16xi32, #tpu.memory_space<vmem>>
      %dma_start3A_422 = tpu.memref_squeeze %dma_start3A_421 : memref<1x16xi32, #tpu.memory_space<vmem>> -> memref<16xi32, #tpu.memory_space<vmem>>
      %dma_start3A_423 = tpu.memref_slice %arg3[%add3A_244] : memref<320000xi32, #tpu.memory_space<hbm>> -> memref<16xi32, #tpu.memory_space<hbm>>
      %dma_start3A_424 = arith.constant 0 : i32
      %dma_start3A_425 = tpu.memref_slice %arg9[%run_scoped3A, %dma_start3A_424] : memref<1x16xi32, #tpu.memory_space<vmem>> -> memref<1x16xi32, #tpu.memory_space<vmem>>
      %dma_start3A_426 = tpu.memref_squeeze %dma_start3A_425 : memref<1x16xi32, #tpu.memory_space<vmem>> -> memref<16xi32, #tpu.memory_space<vmem>>
      %dma_start3A_427 = tpu.memref_slice %arg3[%add3A_244] : memref<320000xi32, #tpu.memory_space<hbm>> -> memref<16xi32, #tpu.memory_space<hbm>>
      tpu.enqueue_dma source(%dma_start3A_427 : memref<16xi32, #tpu.memory_space<hbm>>) target(%dma_start3A_426 : memref<16xi32, #tpu.memory_space<vmem>>) target_semaphore(%run_scoped3A_419 : memref<!tpu.dma_semaphore, #tpu.memory_space<semaphore_mem>>)
      %dma_wait3A_428 = arith.constant 0 : i32
      %dma_wait3A_429 = tpu.memref_slice %arg9[%run_scoped3A, %dma_wait3A_428] : memref<1x16xi32, #tpu.memory_space<vmem>> -> memref<1x16xi32, #tpu.memory_space<vmem>>
      %dma_wait3A_430 = tpu.memref_squeeze %dma_wait3A_429 : memref<1x16xi32, #tpu.memory_space<vmem>> -> memref<16xi32, #tpu.memory_space<vmem>>
      %dma_wait3A_431 = tpu.memref_slice %arg3[%add3A_244] : memref<320000xi32, #tpu.memory_space<hbm>> -> memref<16xi32, #tpu.memory_space<hbm>>
      %dma_wait3A_432 = arith.constant 0 : i32
      %dma_wait3A_433 = tpu.memref_slice %arg9[%run_scoped3A, %dma_wait3A_432] : memref<1x16xi32, #tpu.memory_space<vmem>> -> memref<1x16xi32, #tpu.memory_space<vmem>>
      %dma_wait3A_434 = tpu.memref_squeeze %dma_wait3A_433 : memref<1x16xi32, #tpu.memory_space<vmem>> -> memref<16xi32, #tpu.memory_space<vmem>>
      %dma_wait3A_435 = tpu.memref_slice %arg3[%add3A_244] : memref<320000xi32, #tpu.memory_space<hbm>> -> memref<16xi32, #tpu.memory_space<hbm>>
      tpu.wait_dma2 semaphore(%run_scoped3A_419 : memref<!tpu.dma_semaphore, #tpu.memory_space<semaphore_mem>>) src(%dma_wait3A_435 : memref<16xi32, #tpu.memory_space<hbm>>) dst(%dma_wait3A_434 : memref<16xi32, #tpu.memory_space<vmem>>)
      tpu.yield
    }) : () -> ()
    %run_scoped3A_245 = arith.constant 0 : i32
    "tpu.region"() ({
      %run_scoped3A_419 = tpu.sem_alloc : memref<!tpu.dma_semaphore, #tpu.memory_space<semaphore_mem>>
      %dma_start3A_420 = arith.constant 0 : i32
      %dma_start3A_421 = tpu.memref_slice %arg10[%run_scoped3A_245, %dma_start3A_420] : memref<1x16xi32, #tpu.memory_space<vmem>> -> memref<1x16xi32, #tpu.memory_space<vmem>>
      %dma_start3A_422 = tpu.memref_squeeze %dma_start3A_421 : memref<1x16xi32, #tpu.memory_space<vmem>> -> memref<16xi32, #tpu.memory_space<vmem>>
      %dma_start3A_423 = tpu.memref_slice %arg4[%add3A_244] : memref<320000xi32, #tpu.memory_space<hbm>> -> memref<16xi32, #tpu.memory_space<hbm>>
      %dma_start3A_424 = arith.constant 0 : i32
      %dma_start3A_425 = tpu.memref_slice %arg10[%run_scoped3A_245, %dma_start3A_424] : memref<1x16xi32, #tpu.memory_space<vmem>> -> memref<1x16xi32, #tpu.memory_space<vmem>>
      %dma_start3A_426 = tpu.memref_squeeze %dma_start3A_425 : memref<1x16xi32, #tpu.memory_space<vmem>> -> memref<16xi32, #tpu.memory_space<vmem>>
      %dma_start3A_427 = tpu.memref_slice %arg4[%add3A_244] : memref<320000xi32, #tpu.memory_space<hbm>> -> memref<16xi32, #tpu.memory_space<hbm>>
      tpu.enqueue_dma source(%dma_start3A_427 : memref<16xi32, #tpu.memory_space<hbm>>) target(%dma_start3A_426 : memref<16xi32, #tpu.memory_space<vmem>>) target_semaphore(%run_scoped3A_419 : memref<!tpu.dma_semaphore, #tpu.memory_space<semaphore_mem>>)
      %dma_wait3A_428 = arith.constant 0 : i32
      %dma_wait3A_429 = tpu.memref_slice %arg10[%run_scoped3A_245, %dma_wait3A_428] : memref<1x16xi32, #tpu.memory_space<vmem>> -> memref<1x16xi32, #tpu.memory_space<vmem>>
      %dma_wait3A_430 = tpu.memref_squeeze %dma_wait3A_429 : memref<1x16xi32, #tpu.memory_space<vmem>> -> memref<16xi32, #tpu.memory_space<vmem>>
      %dma_wait3A_431 = tpu.memref_slice %arg4[%add3A_244] : memref<320000xi32, #tpu.memory_space<hbm>> -> memref<16xi32, #tpu.memory_space<hbm>>
      %dma_wait3A_432 = arith.constant 0 : i32
      %dma_wait3A_433 = tpu.memref_slice %arg10[%run_scoped3A_245, %dma_wait3A_432] : memref<1x16xi32, #tpu.memory_space<vmem>> -> memref<1x16xi32, #tpu.memory_space<vmem>>
      %dma_wait3A_434 = tpu.memref_squeeze %dma_wait3A_433 : memref<1x16xi32, #tpu.memory_space<vmem>> -> memref<16xi32, #tpu.memory_space<vmem>>
      %dma_wait3A_435 = tpu.memref_slice %arg4[%add3A_244] : memref<320000xi32, #tpu.memory_space<hbm>> -> memref<16xi32, #tpu.memory_space<hbm>>
      tpu.wait_dma2 semaphore(%run_scoped3A_419 : memref<!tpu.dma_semaphore, #tpu.memory_space<semaphore_mem>>) src(%dma_wait3A_435 : memref<16xi32, #tpu.memory_space<hbm>>) dst(%dma_wait3A_434 : memref<16xi32, #tpu.memory_space<vmem>>)
      tpu.yield
    }) : () -> ()
    %run_scoped3A_246 = arith.constant 0 : i32
    "tpu.region"() ({
      %run_scoped3A_419 = tpu.sem_alloc : memref<!tpu.dma_semaphore, #tpu.memory_space<semaphore_mem>>
      %dma_start3A_420 = arith.constant 0 : i32
      %dma_start3A_421 = tpu.memref_slice %arg9[%run_scoped3A_246, %dma_start3A_420] : memref<1x16xi32, #tpu.memory_space<vmem>> -> memref<1x16xi32, #tpu.memory_space<vmem>>
      %dma_start3A_422 = tpu.memref_squeeze %dma_start3A_421 : memref<1x16xi32, #tpu.memory_space<vmem>> -> memref<16xi32, #tpu.memory_space<vmem>>
      %dma_start3A_423 = arith.constant 0 : i32
      %dma_start3A_424 = arith.constant 0 : i32
      %dma_start3A_425 = tpu.memref_slice %arg2[%dma_start3A_423, %dma_start3A_424] : memref<10000x128xf32, #tpu.memory_space<hbm>> -> memref<10000x128xf32, #tpu.memory_space<hbm>>
      tpu.enqueue_indirect_dma source(%dma_start3A_425 : memref<10000x128xf32, #tpu.memory_space<hbm>>) target(%arg11 : memref<16x128xf32, #tpu.memory_space<vmem>>) offsets(%dma_start3A_422 : memref<16xi32, #tpu.memory_space<vmem>>) semaphore(%run_scoped3A_419 : memref<!tpu.dma_semaphore, #tpu.memory_space<semaphore_mem>>)
      %dma_wait3A_426 = arith.constant 0 : i32
      %dma_wait3A_427 = tpu.memref_slice %arg9[%run_scoped3A_246, %dma_wait3A_426] : memref<1x16xi32, #tpu.memory_space<vmem>> -> memref<1x16xi32, #tpu.memory_space<vmem>>
      %dma_wait3A_428 = tpu.memref_squeeze %dma_wait3A_427 : memref<1x16xi32, #tpu.memory_space<vmem>> -> memref<16xi32, #tpu.memory_space<vmem>>
      %dma_wait3A_429 = arith.constant 0 : i32
      %dma_wait3A_430 = arith.constant 0 : i32
      %dma_wait3A_431 = tpu.memref_slice %arg2[%dma_wait3A_429, %dma_wait3A_430] : memref<10000x128xf32, #tpu.memory_space<hbm>> -> memref<10000x128xf32, #tpu.memory_space<hbm>>
      tpu.wait_indirect_dma semaphore(%run_scoped3A_419 : memref<!tpu.dma_semaphore, #tpu.memory_space<semaphore_mem>>) src(%dma_wait3A_431 : memref<10000x128xf32, #tpu.memory_space<hbm>>) dst(%arg11 : memref<16x128xf32, #tpu.memory_space<vmem>>)
      tpu.yield
    }) : () -> ()
    %run_scoped3A_247 = arith.constant 0 : i32
    "tpu.region"() ({
      %run_scoped3A_419 = tpu.sem_alloc : memref<!tpu.dma_semaphore, #tpu.memory_space<semaphore_mem>>
      %dma_start3A_420 = arith.constant 0 : i32
      %dma_start3A_421 = tpu.memref_slice %arg10[%run_scoped3A_247, %dma_start3A_420] : memref<1x16xi32, #tpu.memory_space<vmem>> -> memref<1x16xi32, #tpu.memory_space<vmem>>
      %dma_start3A_422 = tpu.memref_squeeze %dma_start3A_421 : memref<1x16xi32, #tpu.memory_space<vmem>> -> memref<16xi32, #tpu.memory_space<vmem>>
      %dma_start3A_423 = arith.constant 0 : i32
      %dma_start3A_424 = arith.constant 0 : i32
      %dma_start3A_425 = tpu.memref_slice %arg12[%dma_start3A_423, %dma_start3A_424] : memref<10240x128xf32, #tpu.memory_space<vmem_shared>> -> memref<10240x128xf32, #tpu.memory_space<vmem_shared>>
      tpu.enqueue_indirect_dma source(%arg11 : memref<16x128xf32, #tpu.memory_space<vmem>>) target(%dma_start3A_425 : memref<10240x128xf32, #tpu.memory_space<vmem_shared>>) offsets(%dma_start3A_422 : memref<16xi32, #tpu.memory_space<vmem>>) semaphore(%run_scoped3A_419 : memref<!tpu.dma_semaphore, #tpu.memory_space<semaphore_mem>>) {add = true}
      %dma_wait3A_426 = arith.constant 0 : i32
      %dma_wait3A_427 = tpu.memref_slice %arg10[%run_scoped3A_247, %dma_wait3A_426] : memref<1x16xi32, #tpu.memory_space<vmem>> -> memref<1x16xi32, #tpu.memory_space<vmem>>
      %dma_wait3A_428 = tpu.memref_squeeze %dma_wait3A_427 : memref<1x16xi32, #tpu.memory_space<vmem>> -> memref<16xi32, #tpu.memory_space<vmem>>
      %dma_wait3A_429 = arith.constant 0 : i32
      %dma_wait3A_430 = arith.constant 0 : i32
      %dma_wait3A_431 = tpu.memref_slice %arg12[%dma_wait3A_429, %dma_wait3A_430] : memref<10240x128xf32, #tpu.memory_space<vmem_shared>> -> memref<10240x128xf32, #tpu.memory_space<vmem_shared>>
      tpu.wait_indirect_dma semaphore(%run_scoped3A_419 : memref<!tpu.dma_semaphore, #tpu.memory_space<semaphore_mem>>) src(%arg11 : memref<16x128xf32, #tpu.memory_space<vmem>>) dst(%dma_wait3A_431 : memref<10240x128xf32, #tpu.memory_space<vmem_shared>>)
      tpu.yield
    }) : () -> ()
    %barrier3A_248 = arith.constant 0 : index
    tpu.barrier barrier_id(%barrier3A_248)
    %mul3A_249 = arith.constant 640 : i32
    %mul3A_250 = arith.muli %arg1, %mul3A_249 : i32
    %mul3A_251 = arith.constant 10240 : i32
    %mul3A_252 = arith.muli %arg0, %mul3A_251 : i32
    %mul3A_253 = arith.constant 640 : i32
    %mul3A_254 = arith.muli %arg1, %mul3A_253 : i32
    %add3A_255 = arith.addi %mul3A_252, %mul3A_254 : i32
    %dma_start3A_256 = arith.constant 0 : i32
    %dma_start3A_257 = arith.constant 0 : i32
    %dma_start3A_258 = arith.constant 0 : i32
    %dma_start3A_259 = tpu.memref_slice %arg8[%dma_start3A_256, %dma_start3A_257, %dma_start3A_258] : memref<2x128x128xf32, #tpu.memory_space<vmem>> -> memref<1x128x128xf32, #tpu.memory_space<vmem>>
    %dma_start3A_260 = tpu.memref_squeeze %dma_start3A_259 : memref<1x128x128xf32, #tpu.memory_space<vmem>> -> memref<128x128xf32, #tpu.memory_space<vmem>>
    %dma_start3A_261 = arith.constant 0 : i32
    %dma_start3A_262 = tpu.memref_slice %arg12[%mul3A_250, %dma_start3A_261] : memref<10240x128xf32, #tpu.memory_space<vmem_shared>> -> memref<128x128xf32, #tpu.memory_space<vmem_shared>>
    %dma_start3A_263 = arith.constant 0 : i32
    %dma_start3A_264 = arith.constant 0 : i32
    %dma_start3A_265 = tpu.memref_slice %arg8[%dma_start3A_256, %dma_start3A_263, %dma_start3A_264] : memref<2x128x128xf32, #tpu.memory_space<vmem>> -> memref<1x128x128xf32, #tpu.memory_space<vmem>>
    %dma_start3A_266 = tpu.memref_squeeze %dma_start3A_265 : memref<1x128x128xf32, #tpu.memory_space<vmem>> -> memref<128x128xf32, #tpu.memory_space<vmem>>
    %dma_start3A_267 = arith.constant 0 : i32
    %dma_start3A_268 = tpu.memref_slice %arg12[%mul3A_250, %dma_start3A_267] : memref<10240x128xf32, #tpu.memory_space<vmem_shared>> -> memref<128x128xf32, #tpu.memory_space<vmem_shared>>
    tpu.enqueue_dma source(%dma_start3A_268 : memref<128x128xf32, #tpu.memory_space<vmem_shared>>) target(%dma_start3A_266 : memref<128x128xf32, #tpu.memory_space<vmem>>) target_semaphore(%arg17 : memref<!tpu.dma_semaphore, #tpu.memory_space<semaphore_mem>>)
    %add3A_269 = arith.constant 128 : i32
    %add3A_270 = arith.addi %mul3A_250, %add3A_269 : i32
    %dma_start3A_271 = arith.constant 1 : i32
    %dma_start3A_272 = arith.constant 0 : i32
    %dma_start3A_273 = arith.constant 0 : i32
    %dma_start3A_274 = tpu.memref_slice %arg8[%dma_start3A_271, %dma_start3A_272, %dma_start3A_273] : memref<2x128x128xf32, #tpu.memory_space<vmem>> -> memref<1x128x128xf32, #tpu.memory_space<vmem>>
    %dma_start3A_275 = tpu.memref_squeeze %dma_start3A_274 : memref<1x128x128xf32, #tpu.memory_space<vmem>> -> memref<128x128xf32, #tpu.memory_space<vmem>>
    %dma_start3A_276 = arith.constant 0 : i32
    %dma_start3A_277 = tpu.memref_slice %arg12[%add3A_270, %dma_start3A_276] : memref<10240x128xf32, #tpu.memory_space<vmem_shared>> -> memref<128x128xf32, #tpu.memory_space<vmem_shared>>
    %dma_start3A_278 = arith.constant 0 : i32
    %dma_start3A_279 = arith.constant 0 : i32
    %dma_start3A_280 = tpu.memref_slice %arg8[%dma_start3A_271, %dma_start3A_278, %dma_start3A_279] : memref<2x128x128xf32, #tpu.memory_space<vmem>> -> memref<1x128x128xf32, #tpu.memory_space<vmem>>
    %dma_start3A_281 = tpu.memref_squeeze %dma_start3A_280 : memref<1x128x128xf32, #tpu.memory_space<vmem>> -> memref<128x128xf32, #tpu.memory_space<vmem>>
    %dma_start3A_282 = arith.constant 0 : i32
    %dma_start3A_283 = tpu.memref_slice %arg12[%add3A_270, %dma_start3A_282] : memref<10240x128xf32, #tpu.memory_space<vmem_shared>> -> memref<128x128xf32, #tpu.memory_space<vmem_shared>>
    tpu.enqueue_dma source(%dma_start3A_283 : memref<128x128xf32, #tpu.memory_space<vmem_shared>>) target(%dma_start3A_281 : memref<128x128xf32, #tpu.memory_space<vmem>>) target_semaphore(%arg18 : memref<!tpu.dma_semaphore, #tpu.memory_space<semaphore_mem>>)
    %add3A_284 = arith.constant 0 : i32
    %add3A_285 = arith.addi %mul3A_250, %add3A_284 : i32
    %dma_wait3A_286 = arith.constant 0 : i32
    %dma_wait3A_287 = arith.constant 0 : i32
    %dma_wait3A_288 = arith.constant 0 : i32
    %dma_wait3A_289 = tpu.memref_slice %arg8[%dma_wait3A_286, %dma_wait3A_287, %dma_wait3A_288] : memref<2x128x128xf32, #tpu.memory_space<vmem>> -> memref<1x128x128xf32, #tpu.memory_space<vmem>>
    %dma_wait3A_290 = tpu.memref_squeeze %dma_wait3A_289 : memref<1x128x128xf32, #tpu.memory_space<vmem>> -> memref<128x128xf32, #tpu.memory_space<vmem>>
    %dma_wait3A_291 = arith.constant 0 : i32
    %dma_wait3A_292 = tpu.memref_slice %arg12[%add3A_285, %dma_wait3A_291] : memref<10240x128xf32, #tpu.memory_space<vmem_shared>> -> memref<128x128xf32, #tpu.memory_space<vmem_shared>>
    %dma_wait3A_293 = arith.constant 0 : i32
    %dma_wait3A_294 = arith.constant 0 : i32
    %dma_wait3A_295 = tpu.memref_slice %arg8[%dma_wait3A_286, %dma_wait3A_293, %dma_wait3A_294] : memref<2x128x128xf32, #tpu.memory_space<vmem>> -> memref<1x128x128xf32, #tpu.memory_space<vmem>>
    %dma_wait3A_296 = tpu.memref_squeeze %dma_wait3A_295 : memref<1x128x128xf32, #tpu.memory_space<vmem>> -> memref<128x128xf32, #tpu.memory_space<vmem>>
    %dma_wait3A_297 = arith.constant 0 : i32
    %dma_wait3A_298 = tpu.memref_slice %arg12[%add3A_285, %dma_wait3A_297] : memref<10240x128xf32, #tpu.memory_space<vmem_shared>> -> memref<128x128xf32, #tpu.memory_space<vmem_shared>>
    tpu.wait_dma2 semaphore(%arg17 : memref<!tpu.dma_semaphore, #tpu.memory_space<semaphore_mem>>) src(%dma_wait3A_298 : memref<128x128xf32, #tpu.memory_space<vmem_shared>>) dst(%dma_wait3A_296 : memref<128x128xf32, #tpu.memory_space<vmem>>)
    %add3A_299 = arith.constant 0 : i32
    %add3A_300 = arith.addi %add3A_255, %add3A_299 : i32
    %run_scoped3A_301 = arith.constant 0 : i32
    "tpu.region"() ({
      %run_scoped3A_419 = tpu.sem_alloc : memref<!tpu.dma_semaphore, #tpu.memory_space<semaphore_mem>>
      %dma_start3A_420 = arith.constant 0 : i32
      %dma_start3A_421 = arith.constant 0 : i32
      %dma_start3A_422 = tpu.memref_slice %arg8[%run_scoped3A_301, %dma_start3A_420, %dma_start3A_421] : memref<2x128x128xf32, #tpu.memory_space<vmem>> -> memref<1x128x128xf32, #tpu.memory_space<vmem>>
      %dma_start3A_423 = tpu.memref_squeeze %dma_start3A_422 : memref<1x128x128xf32, #tpu.memory_space<vmem>> -> memref<128x128xf32, #tpu.memory_space<vmem>>
      %dma_start3A_424 = arith.constant 0 : i32
      %dma_start3A_425 = tpu.memref_slice %arg5[%add3A_300, %dma_start3A_424] : memref<20480x128xf32, #tpu.memory_space<hbm>> -> memref<128x128xf32, #tpu.memory_space<hbm>>
      %dma_start3A_426 = arith.constant 0 : i32
      %dma_start3A_427 = tpu.memref_slice %arg5[%add3A_300, %dma_start3A_426] : memref<20480x128xf32, #tpu.memory_space<hbm>> -> memref<128x128xf32, #tpu.memory_space<hbm>>
      %dma_start3A_428 = arith.constant 0 : i32
      %dma_start3A_429 = arith.constant 0 : i32
      %dma_start3A_430 = tpu.memref_slice %arg8[%run_scoped3A_301, %dma_start3A_428, %dma_start3A_429] : memref<2x128x128xf32, #tpu.memory_space<vmem>> -> memref<1x128x128xf32, #tpu.memory_space<vmem>>
      %dma_start3A_431 = tpu.memref_squeeze %dma_start3A_430 : memref<1x128x128xf32, #tpu.memory_space<vmem>> -> memref<128x128xf32, #tpu.memory_space<vmem>>
      tpu.enqueue_dma source(%dma_start3A_431 : memref<128x128xf32, #tpu.memory_space<vmem>>) target(%dma_start3A_427 : memref<128x128xf32, #tpu.memory_space<hbm>>) target_semaphore(%run_scoped3A_419 : memref<!tpu.dma_semaphore, #tpu.memory_space<semaphore_mem>>)
      %dma_wait3A_432 = arith.constant 0 : i32
      %dma_wait3A_433 = arith.constant 0 : i32
      %dma_wait3A_434 = tpu.memref_slice %arg8[%run_scoped3A_301, %dma_wait3A_432, %dma_wait3A_433] : memref<2x128x128xf32, #tpu.memory_space<vmem>> -> memref<1x128x128xf32, #tpu.memory_space<vmem>>
      %dma_wait3A_435 = tpu.memref_squeeze %dma_wait3A_434 : memref<1x128x128xf32, #tpu.memory_space<vmem>> -> memref<128x128xf32, #tpu.memory_space<vmem>>
      %dma_wait3A_436 = arith.constant 0 : i32
      %dma_wait3A_437 = tpu.memref_slice %arg5[%add3A_300, %dma_wait3A_436] : memref<20480x128xf32, #tpu.memory_space<hbm>> -> memref<128x128xf32, #tpu.memory_space<hbm>>
      %dma_wait3A_438 = arith.constant 0 : i32
      %dma_wait3A_439 = tpu.memref_slice %arg5[%add3A_300, %dma_wait3A_438] : memref<20480x128xf32, #tpu.memory_space<hbm>> -> memref<128x128xf32, #tpu.memory_space<hbm>>
      %dma_wait3A_440 = arith.constant 0 : i32
      %dma_wait3A_441 = arith.constant 0 : i32
      %dma_wait3A_442 = tpu.memref_slice %arg8[%run_scoped3A_301, %dma_wait3A_440, %dma_wait3A_441] : memref<2x128x128xf32, #tpu.memory_space<vmem>> -> memref<1x128x128xf32, #tpu.memory_space<vmem>>
      %dma_wait3A_443 = tpu.memref_squeeze %dma_wait3A_442 : memref<1x128x128xf32, #tpu.memory_space<vmem>> -> memref<128x128xf32, #tpu.memory_space<vmem>>
      tpu.wait_dma2 semaphore(%run_scoped3A_419 : memref<!tpu.dma_semaphore, #tpu.memory_space<semaphore_mem>>) src(%dma_wait3A_443 : memref<128x128xf32, #tpu.memory_space<vmem>>) dst(%dma_wait3A_439 : memref<128x128xf32, #tpu.memory_space<hbm>>)
      tpu.yield
    }) : () -> ()
    %add3A_302 = arith.constant 256 : i32
    %add3A_303 = arith.addi %mul3A_250, %add3A_302 : i32
    %dma_start3A_304 = arith.constant 0 : i32
    %dma_start3A_305 = arith.constant 0 : i32
    %dma_start3A_306 = arith.constant 0 : i32
    %dma_start3A_307 = tpu.memref_slice %arg8[%dma_start3A_304, %dma_start3A_305, %dma_start3A_306] : memref<2x128x128xf32, #tpu.memory_space<vmem>> -> memref<1x128x128xf32, #tpu.memory_space<vmem>>
    %dma_start3A_308 = tpu.memref_squeeze %dma_start3A_307 : memref<1x128x128xf32, #tpu.memory_space<vmem>> -> memref<128x128xf32, #tpu.memory_space<vmem>>
    %dma_start3A_309 = arith.constant 0 : i32
    %dma_start3A_310 = tpu.memref_slice %arg12[%add3A_303, %dma_start3A_309] : memref<10240x128xf32, #tpu.memory_space<vmem_shared>> -> memref<128x128xf32, #tpu.memory_space<vmem_shared>>
    %dma_start3A_311 = arith.constant 0 : i32
    %dma_start3A_312 = arith.constant 0 : i32
    %dma_start3A_313 = tpu.memref_slice %arg8[%dma_start3A_304, %dma_start3A_311, %dma_start3A_312] : memref<2x128x128xf32, #tpu.memory_space<vmem>> -> memref<1x128x128xf32, #tpu.memory_space<vmem>>
    %dma_start3A_314 = tpu.memref_squeeze %dma_start3A_313 : memref<1x128x128xf32, #tpu.memory_space<vmem>> -> memref<128x128xf32, #tpu.memory_space<vmem>>
    %dma_start3A_315 = arith.constant 0 : i32
    %dma_start3A_316 = tpu.memref_slice %arg12[%add3A_303, %dma_start3A_315] : memref<10240x128xf32, #tpu.memory_space<vmem_shared>> -> memref<128x128xf32, #tpu.memory_space<vmem_shared>>
    tpu.enqueue_dma source(%dma_start3A_316 : memref<128x128xf32, #tpu.memory_space<vmem_shared>>) target(%dma_start3A_314 : memref<128x128xf32, #tpu.memory_space<vmem>>) target_semaphore(%arg17 : memref<!tpu.dma_semaphore, #tpu.memory_space<semaphore_mem>>)
    %add3A_317 = arith.constant 128 : i32
    %add3A_318 = arith.addi %mul3A_250, %add3A_317 : i32
    %dma_wait3A_319 = arith.constant 1 : i32
    %dma_wait3A_320 = arith.constant 0 : i32
    %dma_wait3A_321 = arith.constant 0 : i32
    %dma_wait3A_322 = tpu.memref_slice %arg8[%dma_wait3A_319, %dma_wait3A_320, %dma_wait3A_321] : memref<2x128x128xf32, #tpu.memory_space<vmem>> -> memref<1x128x128xf32, #tpu.memory_space<vmem>>
    %dma_wait3A_323 = tpu.memref_squeeze %dma_wait3A_322 : memref<1x128x128xf32, #tpu.memory_space<vmem>> -> memref<128x128xf32, #tpu.memory_space<vmem>>
    %dma_wait3A_324 = arith.constant 0 : i32
    %dma_wait3A_325 = tpu.memref_slice %arg12[%add3A_318, %dma_wait3A_324] : memref<10240x128xf32, #tpu.memory_space<vmem_shared>> -> memref<128x128xf32, #tpu.memory_space<vmem_shared>>
    %dma_wait3A_326 = arith.constant 0 : i32
    %dma_wait3A_327 = arith.constant 0 : i32
    %dma_wait3A_328 = tpu.memref_slice %arg8[%dma_wait3A_319, %dma_wait3A_326, %dma_wait3A_327] : memref<2x128x128xf32, #tpu.memory_space<vmem>> -> memref<1x128x128xf32, #tpu.memory_space<vmem>>
    %dma_wait3A_329 = tpu.memref_squeeze %dma_wait3A_328 : memref<1x128x128xf32, #tpu.memory_space<vmem>> -> memref<128x128xf32, #tpu.memory_space<vmem>>
    %dma_wait3A_330 = arith.constant 0 : i32
    %dma_wait3A_331 = tpu.memref_slice %arg12[%add3A_318, %dma_wait3A_330] : memref<10240x128xf32, #tpu.memory_space<vmem_shared>> -> memref<128x128xf32, #tpu.memory_space<vmem_shared>>
    tpu.wait_dma2 semaphore(%arg18 : memref<!tpu.dma_semaphore, #tpu.memory_space<semaphore_mem>>) src(%dma_wait3A_331 : memref<128x128xf32, #tpu.memory_space<vmem_shared>>) dst(%dma_wait3A_329 : memref<128x128xf32, #tpu.memory_space<vmem>>)
    %add3A_332 = arith.constant 128 : i32
    %add3A_333 = arith.addi %add3A_255, %add3A_332 : i32
    %run_scoped3A_334 = arith.constant 1 : i32
    "tpu.region"() ({
      %run_scoped3A_419 = tpu.sem_alloc : memref<!tpu.dma_semaphore, #tpu.memory_space<semaphore_mem>>
      %dma_start3A_420 = arith.constant 0 : i32
      %dma_start3A_421 = arith.constant 0 : i32
      %dma_start3A_422 = tpu.memref_slice %arg8[%run_scoped3A_334, %dma_start3A_420, %dma_start3A_421] : memref<2x128x128xf32, #tpu.memory_space<vmem>> -> memref<1x128x128xf32, #tpu.memory_space<vmem>>
      %dma_start3A_423 = tpu.memref_squeeze %dma_start3A_422 : memref<1x128x128xf32, #tpu.memory_space<vmem>> -> memref<128x128xf32, #tpu.memory_space<vmem>>
      %dma_start3A_424 = arith.constant 0 : i32
      %dma_start3A_425 = tpu.memref_slice %arg5[%add3A_333, %dma_start3A_424] : memref<20480x128xf32, #tpu.memory_space<hbm>> -> memref<128x128xf32, #tpu.memory_space<hbm>>
      %dma_start3A_426 = arith.constant 0 : i32
      %dma_start3A_427 = tpu.memref_slice %arg5[%add3A_333, %dma_start3A_426] : memref<20480x128xf32, #tpu.memory_space<hbm>> -> memref<128x128xf32, #tpu.memory_space<hbm>>
      %dma_start3A_428 = arith.constant 0 : i32
      %dma_start3A_429 = arith.constant 0 : i32
      %dma_start3A_430 = tpu.memref_slice %arg8[%run_scoped3A_334, %dma_start3A_428, %dma_start3A_429] : memref<2x128x128xf32, #tpu.memory_space<vmem>> -> memref<1x128x128xf32, #tpu.memory_space<vmem>>
      %dma_start3A_431 = tpu.memref_squeeze %dma_start3A_430 : memref<1x128x128xf32, #tpu.memory_space<vmem>> -> memref<128x128xf32, #tpu.memory_space<vmem>>
      tpu.enqueue_dma source(%dma_start3A_431 : memref<128x128xf32, #tpu.memory_space<vmem>>) target(%dma_start3A_427 : memref<128x128xf32, #tpu.memory_space<hbm>>) target_semaphore(%run_scoped3A_419 : memref<!tpu.dma_semaphore, #tpu.memory_space<semaphore_mem>>)
      %dma_wait3A_432 = arith.constant 0 : i32
      %dma_wait3A_433 = arith.constant 0 : i32
      %dma_wait3A_434 = tpu.memref_slice %arg8[%run_scoped3A_334, %dma_wait3A_432, %dma_wait3A_433] : memref<2x128x128xf32, #tpu.memory_space<vmem>> -> memref<1x128x128xf32, #tpu.memory_space<vmem>>
      %dma_wait3A_435 = tpu.memref_squeeze %dma_wait3A_434 : memref<1x128x128xf32, #tpu.memory_space<vmem>> -> memref<128x128xf32, #tpu.memory_space<vmem>>
      %dma_wait3A_436 = arith.constant 0 : i32
      %dma_wait3A_437 = tpu.memref_slice %arg5[%add3A_333, %dma_wait3A_436] : memref<20480x128xf32, #tpu.memory_space<hbm>> -> memref<128x128xf32, #tpu.memory_space<hbm>>
      %dma_wait3A_438 = arith.constant 0 : i32
      %dma_wait3A_439 = tpu.memref_slice %arg5[%add3A_333, %dma_wait3A_438] : memref<20480x128xf32, #tpu.memory_space<hbm>> -> memref<128x128xf32, #tpu.memory_space<hbm>>
      %dma_wait3A_440 = arith.constant 0 : i32
      %dma_wait3A_441 = arith.constant 0 : i32
      %dma_wait3A_442 = tpu.memref_slice %arg8[%run_scoped3A_334, %dma_wait3A_440, %dma_wait3A_441] : memref<2x128x128xf32, #tpu.memory_space<vmem>> -> memref<1x128x128xf32, #tpu.memory_space<vmem>>
      %dma_wait3A_443 = tpu.memref_squeeze %dma_wait3A_442 : memref<1x128x128xf32, #tpu.memory_space<vmem>> -> memref<128x128xf32, #tpu.memory_space<vmem>>
      tpu.wait_dma2 semaphore(%run_scoped3A_419 : memref<!tpu.dma_semaphore, #tpu.memory_space<semaphore_mem>>) src(%dma_wait3A_443 : memref<128x128xf32, #tpu.memory_space<vmem>>) dst(%dma_wait3A_439 : memref<128x128xf32, #tpu.memory_space<hbm>>)
      tpu.yield
    }) : () -> ()
    %add3A_335 = arith.constant 384 : i32
    %add3A_336 = arith.addi %mul3A_250, %add3A_335 : i32
    %dma_start3A_337 = arith.constant 1 : i32
    %dma_start3A_338 = arith.constant 0 : i32
    %dma_start3A_339 = arith.constant 0 : i32
    %dma_start3A_340 = tpu.memref_slice %arg8[%dma_start3A_337, %dma_start3A_338, %dma_start3A_339] : memref<2x128x128xf32, #tpu.memory_space<vmem>> -> memref<1x128x128xf32, #tpu.memory_space<vmem>>
    %dma_start3A_341 = tpu.memref_squeeze %dma_start3A_340 : memref<1x128x128xf32, #tpu.memory_space<vmem>> -> memref<128x128xf32, #tpu.memory_space<vmem>>
    %dma_start3A_342 = arith.constant 0 : i32
    %dma_start3A_343 = tpu.memref_slice %arg12[%add3A_336, %dma_start3A_342] : memref<10240x128xf32, #tpu.memory_space<vmem_shared>> -> memref<128x128xf32, #tpu.memory_space<vmem_shared>>
    %dma_start3A_344 = arith.constant 0 : i32
    %dma_start3A_345 = arith.constant 0 : i32
    %dma_start3A_346 = tpu.memref_slice %arg8[%dma_start3A_337, %dma_start3A_344, %dma_start3A_345] : memref<2x128x128xf32, #tpu.memory_space<vmem>> -> memref<1x128x128xf32, #tpu.memory_space<vmem>>
    %dma_start3A_347 = tpu.memref_squeeze %dma_start3A_346 : memref<1x128x128xf32, #tpu.memory_space<vmem>> -> memref<128x128xf32, #tpu.memory_space<vmem>>
    %dma_start3A_348 = arith.constant 0 : i32
    %dma_start3A_349 = tpu.memref_slice %arg12[%add3A_336, %dma_start3A_348] : memref<10240x128xf32, #tpu.memory_space<vmem_shared>> -> memref<128x128xf32, #tpu.memory_space<vmem_shared>>
    tpu.enqueue_dma source(%dma_start3A_349 : memref<128x128xf32, #tpu.memory_space<vmem_shared>>) target(%dma_start3A_347 : memref<128x128xf32, #tpu.memory_space<vmem>>) target_semaphore(%arg18 : memref<!tpu.dma_semaphore, #tpu.memory_space<semaphore_mem>>)
    %add3A_350 = arith.constant 256 : i32
    %add3A_351 = arith.addi %mul3A_250, %add3A_350 : i32
    %dma_wait3A_352 = arith.constant 0 : i32
    %dma_wait3A_353 = arith.constant 0 : i32
    %dma_wait3A_354 = arith.constant 0 : i32
    %dma_wait3A_355 = tpu.memref_slice %arg8[%dma_wait3A_352, %dma_wait3A_353, %dma_wait3A_354] : memref<2x128x128xf32, #tpu.memory_space<vmem>> -> memref<1x128x128xf32, #tpu.memory_space<vmem>>
    %dma_wait3A_356 = tpu.memref_squeeze %dma_wait3A_355 : memref<1x128x128xf32, #tpu.memory_space<vmem>> -> memref<128x128xf32, #tpu.memory_space<vmem>>
    %dma_wait3A_357 = arith.constant 0 : i32
    %dma_wait3A_358 = tpu.memref_slice %arg12[%add3A_351, %dma_wait3A_357] : memref<10240x128xf32, #tpu.memory_space<vmem_shared>> -> memref<128x128xf32, #tpu.memory_space<vmem_shared>>
    %dma_wait3A_359 = arith.constant 0 : i32
    %dma_wait3A_360 = arith.constant 0 : i32
    %dma_wait3A_361 = tpu.memref_slice %arg8[%dma_wait3A_352, %dma_wait3A_359, %dma_wait3A_360] : memref<2x128x128xf32, #tpu.memory_space<vmem>> -> memref<1x128x128xf32, #tpu.memory_space<vmem>>
    %dma_wait3A_362 = tpu.memref_squeeze %dma_wait3A_361 : memref<1x128x128xf32, #tpu.memory_space<vmem>> -> memref<128x128xf32, #tpu.memory_space<vmem>>
    %dma_wait3A_363 = arith.constant 0 : i32
    %dma_wait3A_364 = tpu.memref_slice %arg12[%add3A_351, %dma_wait3A_363] : memref<10240x128xf32, #tpu.memory_space<vmem_shared>> -> memref<128x128xf32, #tpu.memory_space<vmem_shared>>
    tpu.wait_dma2 semaphore(%arg17 : memref<!tpu.dma_semaphore, #tpu.memory_space<semaphore_mem>>) src(%dma_wait3A_364 : memref<128x128xf32, #tpu.memory_space<vmem_shared>>) dst(%dma_wait3A_362 : memref<128x128xf32, #tpu.memory_space<vmem>>)
    %add3A_365 = arith.constant 256 : i32
    %add3A_366 = arith.addi %add3A_255, %add3A_365 : i32
    %run_scoped3A_367 = arith.constant 0 : i32
    "tpu.region"() ({
      %run_scoped3A_419 = tpu.sem_alloc : memref<!tpu.dma_semaphore, #tpu.memory_space<semaphore_mem>>
      %dma_start3A_420 = arith.constant 0 : i32
      %dma_start3A_421 = arith.constant 0 : i32
      %dma_start3A_422 = tpu.memref_slice %arg8[%run_scoped3A_367, %dma_start3A_420, %dma_start3A_421] : memref<2x128x128xf32, #tpu.memory_space<vmem>> -> memref<1x128x128xf32, #tpu.memory_space<vmem>>
      %dma_start3A_423 = tpu.memref_squeeze %dma_start3A_422 : memref<1x128x128xf32, #tpu.memory_space<vmem>> -> memref<128x128xf32, #tpu.memory_space<vmem>>
      %dma_start3A_424 = arith.constant 0 : i32
      %dma_start3A_425 = tpu.memref_slice %arg5[%add3A_366, %dma_start3A_424] : memref<20480x128xf32, #tpu.memory_space<hbm>> -> memref<128x128xf32, #tpu.memory_space<hbm>>
      %dma_start3A_426 = arith.constant 0 : i32
      %dma_start3A_427 = tpu.memref_slice %arg5[%add3A_366, %dma_start3A_426] : memref<20480x128xf32, #tpu.memory_space<hbm>> -> memref<128x128xf32, #tpu.memory_space<hbm>>
      %dma_start3A_428 = arith.constant 0 : i32
      %dma_start3A_429 = arith.constant 0 : i32
      %dma_start3A_430 = tpu.memref_slice %arg8[%run_scoped3A_367, %dma_start3A_428, %dma_start3A_429] : memref<2x128x128xf32, #tpu.memory_space<vmem>> -> memref<1x128x128xf32, #tpu.memory_space<vmem>>
      %dma_start3A_431 = tpu.memref_squeeze %dma_start3A_430 : memref<1x128x128xf32, #tpu.memory_space<vmem>> -> memref<128x128xf32, #tpu.memory_space<vmem>>
      tpu.enqueue_dma source(%dma_start3A_431 : memref<128x128xf32, #tpu.memory_space<vmem>>) target(%dma_start3A_427 : memref<128x128xf32, #tpu.memory_space<hbm>>) target_semaphore(%run_scoped3A_419 : memref<!tpu.dma_semaphore, #tpu.memory_space<semaphore_mem>>)
      %dma_wait3A_432 = arith.constant 0 : i32
      %dma_wait3A_433 = arith.constant 0 : i32
      %dma_wait3A_434 = tpu.memref_slice %arg8[%run_scoped3A_367, %dma_wait3A_432, %dma_wait3A_433] : memref<2x128x128xf32, #tpu.memory_space<vmem>> -> memref<1x128x128xf32, #tpu.memory_space<vmem>>
      %dma_wait3A_435 = tpu.memref_squeeze %dma_wait3A_434 : memref<1x128x128xf32, #tpu.memory_space<vmem>> -> memref<128x128xf32, #tpu.memory_space<vmem>>
      %dma_wait3A_436 = arith.constant 0 : i32
      %dma_wait3A_437 = tpu.memref_slice %arg5[%add3A_366, %dma_wait3A_436] : memref<20480x128xf32, #tpu.memory_space<hbm>> -> memref<128x128xf32, #tpu.memory_space<hbm>>
      %dma_wait3A_438 = arith.constant 0 : i32
      %dma_wait3A_439 = tpu.memref_slice %arg5[%add3A_366, %dma_wait3A_438] : memref<20480x128xf32, #tpu.memory_space<hbm>> -> memref<128x128xf32, #tpu.memory_space<hbm>>
      %dma_wait3A_440 = arith.constant 0 : i32
      %dma_wait3A_441 = arith.constant 0 : i32
      %dma_wait3A_442 = tpu.memref_slice %arg8[%run_scoped3A_367, %dma_wait3A_440, %dma_wait3A_441] : memref<2x128x128xf32, #tpu.memory_space<vmem>> -> memref<1x128x128xf32, #tpu.memory_space<vmem>>
      %dma_wait3A_443 = tpu.memref_squeeze %dma_wait3A_442 : memref<1x128x128xf32, #tpu.memory_space<vmem>> -> memref<128x128xf32, #tpu.memory_space<vmem>>
      tpu.wait_dma2 semaphore(%run_scoped3A_419 : memref<!tpu.dma_semaphore, #tpu.memory_space<semaphore_mem>>) src(%dma_wait3A_443 : memref<128x128xf32, #tpu.memory_space<vmem>>) dst(%dma_wait3A_439 : memref<128x128xf32, #tpu.memory_space<hbm>>)
      tpu.yield
    }) : () -> ()
    %add3A_368 = arith.constant 512 : i32
    %add3A_369 = arith.addi %mul3A_250, %add3A_368 : i32
    %dma_start3A_370 = arith.constant 0 : i32
    %dma_start3A_371 = arith.constant 0 : i32
    %dma_start3A_372 = arith.constant 0 : i32
    %dma_start3A_373 = tpu.memref_slice %arg8[%dma_start3A_370, %dma_start3A_371, %dma_start3A_372] : memref<2x128x128xf32, #tpu.memory_space<vmem>> -> memref<1x128x128xf32, #tpu.memory_space<vmem>>
    %dma_start3A_374 = tpu.memref_squeeze %dma_start3A_373 : memref<1x128x128xf32, #tpu.memory_space<vmem>> -> memref<128x128xf32, #tpu.memory_space<vmem>>
    %dma_start3A_375 = arith.constant 0 : i32
    %dma_start3A_376 = tpu.memref_slice %arg12[%add3A_369, %dma_start3A_375] : memref<10240x128xf32, #tpu.memory_space<vmem_shared>> -> memref<128x128xf32, #tpu.memory_space<vmem_shared>>
    %dma_start3A_377 = arith.constant 0 : i32
    %dma_start3A_378 = arith.constant 0 : i32
    %dma_start3A_379 = tpu.memref_slice %arg8[%dma_start3A_370, %dma_start3A_377, %dma_start3A_378] : memref<2x128x128xf32, #tpu.memory_space<vmem>> -> memref<1x128x128xf32, #tpu.memory_space<vmem>>
    %dma_start3A_380 = tpu.memref_squeeze %dma_start3A_379 : memref<1x128x128xf32, #tpu.memory_space<vmem>> -> memref<128x128xf32, #tpu.memory_space<vmem>>
    %dma_start3A_381 = arith.constant 0 : i32
    %dma_start3A_382 = tpu.memref_slice %arg12[%add3A_369, %dma_start3A_381] : memref<10240x128xf32, #tpu.memory_space<vmem_shared>> -> memref<128x128xf32, #tpu.memory_space<vmem_shared>>
    tpu.enqueue_dma source(%dma_start3A_382 : memref<128x128xf32, #tpu.memory_space<vmem_shared>>) target(%dma_start3A_380 : memref<128x128xf32, #tpu.memory_space<vmem>>) target_semaphore(%arg17 : memref<!tpu.dma_semaphore, #tpu.memory_space<semaphore_mem>>)
    %add3A_383 = arith.constant 384 : i32
    %add3A_384 = arith.addi %mul3A_250, %add3A_383 : i32
    %dma_wait3A_385 = arith.constant 1 : i32
    %dma_wait3A_386 = arith.constant 0 : i32
    %dma_wait3A_387 = arith.constant 0 : i32
    %dma_wait3A_388 = tpu.memref_slice %arg8[%dma_wait3A_385, %dma_wait3A_386, %dma_wait3A_387] : memref<2x128x128xf32, #tpu.memory_space<vmem>> -> memref<1x128x128xf32, #tpu.memory_space<vmem>>
    %dma_wait3A_389 = tpu.memref_squeeze %dma_wait3A_388 : memref<1x128x128xf32, #tpu.memory_space<vmem>> -> memref<128x128xf32, #tpu.memory_space<vmem>>
    %dma_wait3A_390 = arith.constant 0 : i32
    %dma_wait3A_391 = tpu.memref_slice %arg12[%add3A_384, %dma_wait3A_390] : memref<10240x128xf32, #tpu.memory_space<vmem_shared>> -> memref<128x128xf32, #tpu.memory_space<vmem_shared>>
    %dma_wait3A_392 = arith.constant 0 : i32
    %dma_wait3A_393 = arith.constant 0 : i32
    %dma_wait3A_394 = tpu.memref_slice %arg8[%dma_wait3A_385, %dma_wait3A_392, %dma_wait3A_393] : memref<2x128x128xf32, #tpu.memory_space<vmem>> -> memref<1x128x128xf32, #tpu.memory_space<vmem>>
    %dma_wait3A_395 = tpu.memref_squeeze %dma_wait3A_394 : memref<1x128x128xf32, #tpu.memory_space<vmem>> -> memref<128x128xf32, #tpu.memory_space<vmem>>
    %dma_wait3A_396 = arith.constant 0 : i32
    %dma_wait3A_397 = tpu.memref_slice %arg12[%add3A_384, %dma_wait3A_396] : memref<10240x128xf32, #tpu.memory_space<vmem_shared>> -> memref<128x128xf32, #tpu.memory_space<vmem_shared>>
    tpu.wait_dma2 semaphore(%arg18 : memref<!tpu.dma_semaphore, #tpu.memory_space<semaphore_mem>>) src(%dma_wait3A_397 : memref<128x128xf32, #tpu.memory_space<vmem_shared>>) dst(%dma_wait3A_395 : memref<128x128xf32, #tpu.memory_space<vmem>>)
    %add3A_398 = arith.constant 384 : i32
    %add3A_399 = arith.addi %add3A_255, %add3A_398 : i32
    %run_scoped3A_400 = arith.constant 1 : i32
    "tpu.region"() ({
      %run_scoped3A_419 = tpu.sem_alloc : memref<!tpu.dma_semaphore, #tpu.memory_space<semaphore_mem>>
      %dma_start3A_420 = arith.constant 0 : i32
      %dma_start3A_421 = arith.constant 0 : i32
      %dma_start3A_422 = tpu.memref_slice %arg8[%run_scoped3A_400, %dma_start3A_420, %dma_start3A_421] : memref<2x128x128xf32, #tpu.memory_space<vmem>> -> memref<1x128x128xf32, #tpu.memory_space<vmem>>
      %dma_start3A_423 = tpu.memref_squeeze %dma_start3A_422 : memref<1x128x128xf32, #tpu.memory_space<vmem>> -> memref<128x128xf32, #tpu.memory_space<vmem>>
      %dma_start3A_424 = arith.constant 0 : i32
      %dma_start3A_425 = tpu.memref_slice %arg5[%add3A_399, %dma_start3A_424] : memref<20480x128xf32, #tpu.memory_space<hbm>> -> memref<128x128xf32, #tpu.memory_space<hbm>>
      %dma_start3A_426 = arith.constant 0 : i32
      %dma_start3A_427 = tpu.memref_slice %arg5[%add3A_399, %dma_start3A_426] : memref<20480x128xf32, #tpu.memory_space<hbm>> -> memref<128x128xf32, #tpu.memory_space<hbm>>
      %dma_start3A_428 = arith.constant 0 : i32
      %dma_start3A_429 = arith.constant 0 : i32
      %dma_start3A_430 = tpu.memref_slice %arg8[%run_scoped3A_400, %dma_start3A_428, %dma_start3A_429] : memref<2x128x128xf32, #tpu.memory_space<vmem>> -> memref<1x128x128xf32, #tpu.memory_space<vmem>>
      %dma_start3A_431 = tpu.memref_squeeze %dma_start3A_430 : memref<1x128x128xf32, #tpu.memory_space<vmem>> -> memref<128x128xf32, #tpu.memory_space<vmem>>
      tpu.enqueue_dma source(%dma_start3A_431 : memref<128x128xf32, #tpu.memory_space<vmem>>) target(%dma_start3A_427 : memref<128x128xf32, #tpu.memory_space<hbm>>) target_semaphore(%run_scoped3A_419 : memref<!tpu.dma_semaphore, #tpu.memory_space<semaphore_mem>>)
      %dma_wait3A_432 = arith.constant 0 : i32
      %dma_wait3A_433 = arith.constant 0 : i32
      %dma_wait3A_434 = tpu.memref_slice %arg8[%run_scoped3A_400, %dma_wait3A_432, %dma_wait3A_433] : memref<2x128x128xf32, #tpu.memory_space<vmem>> -> memref<1x128x128xf32, #tpu.memory_space<vmem>>
      %dma_wait3A_435 = tpu.memref_squeeze %dma_wait3A_434 : memref<1x128x128xf32, #tpu.memory_space<vmem>> -> memref<128x128xf32, #tpu.memory_space<vmem>>
      %dma_wait3A_436 = arith.constant 0 : i32
      %dma_wait3A_437 = tpu.memref_slice %arg5[%add3A_399, %dma_wait3A_436] : memref<20480x128xf32, #tpu.memory_space<hbm>> -> memref<128x128xf32, #tpu.memory_space<hbm>>
      %dma_wait3A_438 = arith.constant 0 : i32
      %dma_wait3A_439 = tpu.memref_slice %arg5[%add3A_399, %dma_wait3A_438] : memref<20480x128xf32, #tpu.memory_space<hbm>> -> memref<128x128xf32, #tpu.memory_space<hbm>>
      %dma_wait3A_440 = arith.constant 0 : i32
      %dma_wait3A_441 = arith.constant 0 : i32
      %dma_wait3A_442 = tpu.memref_slice %arg8[%run_scoped3A_400, %dma_wait3A_440, %dma_wait3A_441] : memref<2x128x128xf32, #tpu.memory_space<vmem>> -> memref<1x128x128xf32, #tpu.memory_space<vmem>>
      %dma_wait3A_443 = tpu.memref_squeeze %dma_wait3A_442 : memref<1x128x128xf32, #tpu.memory_space<vmem>> -> memref<128x128xf32, #tpu.memory_space<vmem>>
      tpu.wait_dma2 semaphore(%run_scoped3A_419 : memref<!tpu.dma_semaphore, #tpu.memory_space<semaphore_mem>>) src(%dma_wait3A_443 : memref<128x128xf32, #tpu.memory_space<vmem>>) dst(%dma_wait3A_439 : memref<128x128xf32, #tpu.memory_space<hbm>>)
      tpu.yield
    }) : () -> ()
    %add3A_401 = arith.constant 512 : i32
    %add3A_402 = arith.addi %mul3A_250, %add3A_401 : i32
    %dma_wait3A_403 = arith.constant 0 : i32
    %dma_wait3A_404 = arith.constant 0 : i32
    %dma_wait3A_405 = arith.constant 0 : i32
    %dma_wait3A_406 = tpu.memref_slice %arg8[%dma_wait3A_403, %dma_wait3A_404, %dma_wait3A_405] : memref<2x128x128xf32, #tpu.memory_space<vmem>> -> memref<1x128x128xf32, #tpu.memory_space<vmem>>
    %dma_wait3A_407 = tpu.memref_squeeze %dma_wait3A_406 : memref<1x128x128xf32, #tpu.memory_space<vmem>> -> memref<128x128xf32, #tpu.memory_space<vmem>>
    %dma_wait3A_408 = arith.constant 0 : i32
    %dma_wait3A_409 = tpu.memref_slice %arg12[%add3A_402, %dma_wait3A_408] : memref<10240x128xf32, #tpu.memory_space<vmem_shared>> -> memref<128x128xf32, #tpu.memory_space<vmem_shared>>
    %dma_wait3A_410 = arith.constant 0 : i32
    %dma_wait3A_411 = arith.constant 0 : i32
    %dma_wait3A_412 = tpu.memref_slice %arg8[%dma_wait3A_403, %dma_wait3A_410, %dma_wait3A_411] : memref<2x128x128xf32, #tpu.memory_space<vmem>> -> memref<1x128x128xf32, #tpu.memory_space<vmem>>
    %dma_wait3A_413 = tpu.memref_squeeze %dma_wait3A_412 : memref<1x128x128xf32, #tpu.memory_space<vmem>> -> memref<128x128xf32, #tpu.memory_space<vmem>>
    %dma_wait3A_414 = arith.constant 0 : i32
    %dma_wait3A_415 = tpu.memref_slice %arg12[%add3A_402, %dma_wait3A_414] : memref<10240x128xf32, #tpu.memory_space<vmem_shared>> -> memref<128x128xf32, #tpu.memory_space<vmem_shared>>
    tpu.wait_dma2 semaphore(%arg17 : memref<!tpu.dma_semaphore, #tpu.memory_space<semaphore_mem>>) src(%dma_wait3A_415 : memref<128x128xf32, #tpu.memory_space<vmem_shared>>) dst(%dma_wait3A_413 : memref<128x128xf32, #tpu.memory_space<vmem>>)
    %add3A_416 = arith.constant 512 : i32
    %add3A_417 = arith.addi %add3A_255, %add3A_416 : i32
    %run_scoped3A_418 = arith.constant 0 : i32
    "tpu.region"() ({
      %run_scoped3A_419 = tpu.sem_alloc : memref<!tpu.dma_semaphore, #tpu.memory_space<semaphore_mem>>
      %dma_start3A_420 = arith.constant 0 : i32
      %dma_start3A_421 = arith.constant 0 : i32
      %dma_start3A_422 = tpu.memref_slice %arg8[%run_scoped3A_418, %dma_start3A_420, %dma_start3A_421] : memref<2x128x128xf32, #tpu.memory_space<vmem>> -> memref<1x128x128xf32, #tpu.memory_space<vmem>>
      %dma_start3A_423 = tpu.memref_squeeze %dma_start3A_422 : memref<1x128x128xf32, #tpu.memory_space<vmem>> -> memref<128x128xf32, #tpu.memory_space<vmem>>
      %dma_start3A_424 = arith.constant 0 : i32
      %dma_start3A_425 = tpu.memref_slice %arg5[%add3A_417, %dma_start3A_424] : memref<20480x128xf32, #tpu.memory_space<hbm>> -> memref<128x128xf32, #tpu.memory_space<hbm>>
      %dma_start3A_426 = arith.constant 0 : i32
      %dma_start3A_427 = tpu.memref_slice %arg5[%add3A_417, %dma_start3A_426] : memref<20480x128xf32, #tpu.memory_space<hbm>> -> memref<128x128xf32, #tpu.memory_space<hbm>>
      %dma_start3A_428 = arith.constant 0 : i32
      %dma_start3A_429 = arith.constant 0 : i32
      %dma_start3A_430 = tpu.memref_slice %arg8[%run_scoped3A_418, %dma_start3A_428, %dma_start3A_429] : memref<2x128x128xf32, #tpu.memory_space<vmem>> -> memref<1x128x128xf32, #tpu.memory_space<vmem>>
      %dma_start3A_431 = tpu.memref_squeeze %dma_start3A_430 : memref<1x128x128xf32, #tpu.memory_space<vmem>> -> memref<128x128xf32, #tpu.memory_space<vmem>>
      tpu.enqueue_dma source(%dma_start3A_431 : memref<128x128xf32, #tpu.memory_space<vmem>>) target(%dma_start3A_427 : memref<128x128xf32, #tpu.memory_space<hbm>>) target_semaphore(%run_scoped3A_419 : memref<!tpu.dma_semaphore, #tpu.memory_space<semaphore_mem>>)
      %dma_wait3A_432 = arith.constant 0 : i32
      %dma_wait3A_433 = arith.constant 0 : i32
      %dma_wait3A_434 = tpu.memref_slice %arg8[%run_scoped3A_418, %dma_wait3A_432, %dma_wait3A_433] : memref<2x128x128xf32, #tpu.memory_space<vmem>> -> memref<1x128x128xf32, #tpu.memory_space<vmem>>
      %dma_wait3A_435 = tpu.memref_squeeze %dma_wait3A_434 : memref<1x128x128xf32, #tpu.memory_space<vmem>> -> memref<128x128xf32, #tpu.memory_space<vmem>>
      %dma_wait3A_436 = arith.constant 0 : i32
      %dma_wait3A_437 = tpu.memref_slice %arg5[%add3A_417, %dma_wait3A_436] : memref<20480x128xf32, #tpu.memory_space<hbm>> -> memref<128x128xf32, #tpu.memory_space<hbm>>
      %dma_wait3A_438 = arith.constant 0 : i32
      %dma_wait3A_439 = tpu.memref_slice %arg5[%add3A_417, %dma_wait3A_438] : memref<20480x128xf32, #tpu.memory_space<hbm>> -> memref<128x128xf32, #tpu.memory_space<hbm>>
      %dma_wait3A_440 = arith.constant 0 : i32
      %dma_wait3A_441 = arith.constant 0 : i32
      %dma_wait3A_442 = tpu.memref_slice %arg8[%run_scoped3A_418, %dma_wait3A_440, %dma_wait3A_441] : memref<2x128x128xf32, #tpu.memory_space<vmem>> -> memref<1x128x128xf32, #tpu.memory_space<vmem>>
      %dma_wait3A_443 = tpu.memref_squeeze %dma_wait3A_442 : memref<1x128x128xf32, #tpu.memory_space<vmem>> -> memref<128x128xf32, #tpu.memory_space<vmem>>
      tpu.wait_dma2 semaphore(%run_scoped3A_419 : memref<!tpu.dma_semaphore, #tpu.memory_space<semaphore_mem>>) src(%dma_wait3A_443 : memref<128x128xf32, #tpu.memory_space<vmem>>) dst(%dma_wait3A_439 : memref<128x128xf32, #tpu.memory_space<hbm>>)
      tpu.yield
    }) : () -> ()
    return
  }
}

#map = affine_map<(d0, d1) -> (0, 0)>
#map1 = affine_map<(d0, d1) -> (0)>
module attributes {stable_mosaic.version = 14 : i64} {
  func.func @_sc_agg_body(%arg0: i32, %arg1: i32, %arg2: memref<10000x128xf32, #tpu.memory_space<hbm>>, %arg3: memref<320000xi32, #tpu.memory_space<hbm>>, %arg4: memref<320000xi32, #tpu.memory_space<hbm>>, %arg5: memref<20480x128xf32, #tpu.memory_space<hbm>>, %arg6: memref<2x128xi32, #tpu.memory_space<vmem>>, %arg7: memref<2x128xi32, #tpu.memory_space<vmem>>, %arg8: memref<2x128x128xf32, #tpu.memory_space<vmem>>, %arg9: memref<1x16xi32, #tpu.memory_space<vmem>>, %arg10: memref<1x16xi32, #tpu.memory_space<vmem>>, %arg11: memref<16x128xf32, #tpu.memory_space<vmem>>, %arg12: memref<10240x128xf32, #tpu.memory_space<vmem_shared>>, %arg13: memref<!tpu.dma_semaphore, #tpu.memory_space<semaphore_mem>>, %arg14: memref<!tpu.dma_semaphore, #tpu.memory_space<semaphore_mem>>, %arg15: memref<!tpu.dma_semaphore, #tpu.memory_space<semaphore_mem>>, %arg16: memref<!tpu.dma_semaphore, #tpu.memory_space<semaphore_mem>>, %arg17: memref<!tpu.dma_semaphore, #tpu.memory_space<semaphore_mem>>, %arg18: memref<!tpu.dma_semaphore, #tpu.memory_space<semaphore_mem>>) attributes {dimension_semantics = [#tpu.dimension_semantics<core_parallel>, #tpu.dimension_semantics<subcore_parallel>], iteration_bounds = array<i64: 2, 16>, scalar_prefetch = 0 : i64, scratch_operands = 13 : i64, tpu.core_type = #tpu.core_type<sc_vector_subcore>, window_params = [{transform_indices = #map}, {transform_indices = #map1}, {transform_indices = #map1}, {transform_indices = #map}]} {
    %mul3A = arith.constant 16 : i32
    %mul3A_0 = arith.muli %arg0, %mul3A : i32
    %add3A = arith.addi %mul3A_0, %arg1 : i32
    %broadcast_in_dim3A = arith.constant 0.000000e+00 : f32
    %broadcast_in_dim3A_1 = vector.broadcast %broadcast_in_dim3A : f32 to vector<16xf32>
    %scan3A = arith.constant 0 : i32
    %scan3A_2 = arith.constant 0 : i32
    %scan3A_3 = arith.constant 128 : i32
    %scan3A_4 = arith.addi %scan3A_2, %scan3A_3 : i32
    %scan3A_5 = arith.constant 1 : i32
    scf.for %scan3A_419 = %scan3A_2 to %scan3A_4 step %scan3A_5  : i32 {
      %mul3A_420 = arith.constant 1 : i32
      %mul3A_421 = arith.muli %scan3A_419, %mul3A_420 : i32
      %add3A_422 = arith.constant 0 : i32
      %add3A_423 = arith.addi %add3A_422, %mul3A_421 : i32
      %swap3A = arith.constant 0 : i32
      %swap3A_424 = arith.constant 0 : i32
      %swap3A_425 = tpu.memref_slice %arg8[%scan3A, %swap3A, %swap3A_424] : memref<2x128x128xf32, #tpu.memory_space<vmem>> -> memref<1x128x128xf32, #tpu.memory_space<vmem>>
      %swap3A_426 = tpu.memref_squeeze %swap3A_425 : memref<1x128x128xf32, #tpu.memory_space<vmem>> -> memref<128x128xf32, #tpu.memory_space<vmem>>
      %swap3A_427 = arith.index_cast %add3A_423 : i32 to index
      %swap3A_428 = arith.constant 0 : index
      %swap3A_429 = tpu.vector_load %swap3A_426[%swap3A_427, %swap3A_428] {strides = array<i32>} : memref<128x128xf32, #tpu.memory_space<vmem>>, vector<1x16xf32>,
      %swap3A_430 = vector.shape_cast %swap3A_429 : vector<1x16xf32> to vector<16xf32>
      %swap3A_431 = vector.shape_cast %broadcast_in_dim3A_1 : vector<16xf32> to vector<1x16xf32>
      tpu.vector_store %swap3A_426[%swap3A_427, %swap3A_428], %swap3A_431 {strides = array<i32>} : memref<128x128xf32, #tpu.memory_space<vmem>>, vector<1x16xf32>,
      %swap3A_432 = arith.constant 0 : i32
      %swap3A_433 = arith.constant 0 : i32
      %swap3A_434 = tpu.memref_slice %arg8[%scan3A, %swap3A_432, %swap3A_433] : memref<2x128x128xf32, #tpu.memory_space<vmem>> -> memref<1x128x128xf32, #tpu.memory_space<vmem>>
      %swap3A_435 = tpu.memref_squeeze %swap3A_434 : memref<1x128x128xf32, #tpu.memory_space<vmem>> -> memref<128x128xf32, #tpu.memory_space<vmem>>
      %swap3A_436 = arith.index_cast %add3A_423 : i32 to index
      %swap3A_437 = arith.constant 16 : index
      %swap3A_438 = tpu.vector_load %swap3A_435[%swap3A_436, %swap3A_437] {strides = array<i32>} : memref<128x128xf32, #tpu.memory_space<vmem>>, vector<1x16xf32>,
      %swap3A_439 = vector.shape_cast %swap3A_438 : vector<1x16xf32> to vector<16xf32>
      %swap3A_440 = vector.shape_cast %broadcast_in_dim3A_1 : vector<16xf32> to vector<1x16xf32>
      tpu.vector_store %swap3A_435[%swap3A_436, %swap3A_437], %swap3A_440 {strides = array<i32>} : memref<128x128xf32, #tpu.memory_space<vmem>>, vector<1x16xf32>,
      %swap3A_441 = arith.constant 0 : i32
      %swap3A_442 = arith.constant 0 : i32
      %swap3A_443 = tpu.memref_slice %arg8[%scan3A, %swap3A_441, %swap3A_442] : memref<2x128x128xf32, #tpu.memory_space<vmem>> -> memref<1x128x128xf32, #tpu.memory_space<vmem>>
      %swap3A_444 = tpu.memref_squeeze %swap3A_443 : memref<1x128x128xf32, #tpu.memory_space<vmem>> -> memref<128x128xf32, #tpu.memory_space<vmem>>
      %swap3A_445 = arith.index_cast %add3A_423 : i32 to index
      %swap3A_446 = arith.constant 32 : index
      %swap3A_447 = tpu.vector_load %swap3A_444[%swap3A_445, %swap3A_446] {strides = array<i32>} : memref<128x128xf32, #tpu.memory_space<vmem>>, vector<1x16xf32>,
      %swap3A_448 = vector.shape_cast %swap3A_447 : vector<1x16xf32> to vector<16xf32>
      %swap3A_449 = vector.shape_cast %broadcast_in_dim3A_1 : vector<16xf32> to vector<1x16xf32>
      tpu.vector_store %swap3A_444[%swap3A_445, %swap3A_446], %swap3A_449 {strides = array<i32>} : memref<128x128xf32, #tpu.memory_space<vmem>>, vector<1x16xf32>,
      %swap3A_450 = arith.constant 0 : i32
      %swap3A_451 = arith.constant 0 : i32
      %swap3A_452 = tpu.memref_slice %arg8[%scan3A, %swap3A_450, %swap3A_451] : memref<2x128x128xf32, #tpu.memory_space<vmem>> -> memref<1x128x128xf32, #tpu.memory_space<vmem>>
      %swap3A_453 = tpu.memref_squeeze %swap3A_452 : memref<1x128x128xf32, #tpu.memory_space<vmem>> -> memref<128x128xf32, #tpu.memory_space<vmem>>
      %swap3A_454 = arith.index_cast %add3A_423 : i32 to index
      %swap3A_455 = arith.constant 48 : index
      %swap3A_456 = tpu.vector_load %swap3A_453[%swap3A_454, %swap3A_455] {strides = array<i32>} : memref<128x128xf32, #tpu.memory_space<vmem>>, vector<1x16xf32>,
      %swap3A_457 = vector.shape_cast %swap3A_456 : vector<1x16xf32> to vector<16xf32>
      %swap3A_458 = vector.shape_cast %broadcast_in_dim3A_1 : vector<16xf32> to vector<1x16xf32>
      tpu.vector_store %swap3A_453[%swap3A_454, %swap3A_455], %swap3A_458 {strides = array<i32>} : memref<128x128xf32, #tpu.memory_space<vmem>>, vector<1x16xf32>,
      %swap3A_459 = arith.constant 0 : i32
      %swap3A_460 = arith.constant 0 : i32
      %swap3A_461 = tpu.memref_slice %arg8[%scan3A, %swap3A_459, %swap3A_460] : memref<2x128x128xf32, #tpu.memory_space<vmem>> -> memref<1x128x128xf32, #tpu.memory_space<vmem>>
      %swap3A_462 = tpu.memref_squeeze %swap3A_461 : memref<1x128x128xf32, #tpu.memory_space<vmem>> -> memref<128x128xf32, #tpu.memory_space<vmem>>
      %swap3A_463 = arith.index_cast %add3A_423 : i32 to index
      %swap3A_464 = arith.constant 64 : index
      %swap3A_465 = tpu.vector_load %swap3A_462[%swap3A_463, %swap3A_464] {strides = array<i32>} : memref<128x128xf32, #tpu.memory_space<vmem>>, vector<1x16xf32>,
      %swap3A_466 = vector.shape_cast %swap3A_465 : vector<1x16xf32> to vector<16xf32>
      %swap3A_467 = vector.shape_cast %broadcast_in_dim3A_1 : vector<16xf32> to vector<1x16xf32>
      tpu.vector_store %swap3A_462[%swap3A_463, %swap3A_464], %swap3A_467 {strides = array<i32>} : memref<128x128xf32, #tpu.memory_space<vmem>>, vector<1x16xf32>,
      %swap3A_468 = arith.constant 0 : i32
      %swap3A_469 = arith.constant 0 : i32
      %swap3A_470 = tpu.memref_slice %arg8[%scan3A, %swap3A_468, %swap3A_469] : memref<2x128x128xf32, #tpu.memory_space<vmem>> -> memref<1x128x128xf32, #tpu.memory_space<vmem>>
      %swap3A_471 = tpu.memref_squeeze %swap3A_470 : memref<1x128x128xf32, #tpu.memory_space<vmem>> -> memref<128x128xf32, #tpu.memory_space<vmem>>
      %swap3A_472 = arith.index_cast %add3A_423 : i32 to index
      %swap3A_473 = arith.constant 80 : index
      %swap3A_474 = tpu.vector_load %swap3A_471[%swap3A_472, %swap3A_473] {strides = array<i32>} : memref<128x128xf32, #tpu.memory_space<vmem>>, vector<1x16xf32>,
      %swap3A_475 = vector.shape_cast %swap3A_474 : vector<1x16xf32> to vector<16xf32>
      %swap3A_476 = vector.shape_cast %broadcast_in_dim3A_1 : vector<16xf32> to vector<1x16xf32>
      tpu.vector_store %swap3A_471[%swap3A_472, %swap3A_473], %swap3A_476 {strides = array<i32>} : memref<128x128xf32, #tpu.memory_space<vmem>>, vector<1x16xf32>,
      %swap3A_477 = arith.constant 0 : i32
      %swap3A_478 = arith.constant 0 : i32
      %swap3A_479 = tpu.memref_slice %arg8[%scan3A, %swap3A_477, %swap3A_478] : memref<2x128x128xf32, #tpu.memory_space<vmem>> -> memref<1x128x128xf32, #tpu.memory_space<vmem>>
      %swap3A_480 = tpu.memref_squeeze %swap3A_479 : memref<1x128x128xf32, #tpu.memory_space<vmem>> -> memref<128x128xf32, #tpu.memory_space<vmem>>
      %swap3A_481 = arith.index_cast %add3A_423 : i32 to index
      %swap3A_482 = arith.constant 96 : index
      %swap3A_483 = tpu.vector_load %swap3A_480[%swap3A_481, %swap3A_482] {strides = array<i32>} : memref<128x128xf32, #tpu.memory_space<vmem>>, vector<1x16xf32>,
      %swap3A_484 = vector.shape_cast %swap3A_483 : vector<1x16xf32> to vector<16xf32>
      %swap3A_485 = vector.shape_cast %broadcast_in_dim3A_1 : vector<16xf32> to vector<1x16xf32>
      tpu.vector_store %swap3A_480[%swap3A_481, %swap3A_482], %swap3A_485 {strides = array<i32>} : memref<128x128xf32, #tpu.memory_space<vmem>>, vector<1x16xf32>,
      %swap3A_486 = arith.constant 0 : i32
      %swap3A_487 = arith.constant 0 : i32
      %swap3A_488 = tpu.memref_slice %arg8[%scan3A, %swap3A_486, %swap3A_487] : memref<2x128x128xf32, #tpu.memory_space<vmem>> -> memref<1x128x128xf32, #tpu.memory_space<vmem>>
      %swap3A_489 = tpu.memref_squeeze %swap3A_488 : memref<1x128x128xf32, #tpu.memory_space<vmem>> -> memref<128x128xf32, #tpu.memory_space<vmem>>
      %swap3A_490 = arith.index_cast %add3A_423 : i32 to index
      %swap3A_491 = arith.constant 112 : index
      %swap3A_492 = tpu.vector_load %swap3A_489[%swap3A_490, %swap3A_491] {strides = array<i32>} : memref<128x128xf32, #tpu.memory_space<vmem>>, vector<1x16xf32>,
      %swap3A_493 = vector.shape_cast %swap3A_492 : vector<1x16xf32> to vector<16xf32>
      %swap3A_494 = vector.shape_cast %broadcast_in_dim3A_1 : vector<16xf32> to vector<1x16xf32>
      tpu.vector_store %swap3A_489[%swap3A_490, %swap3A_491], %swap3A_494 {strides = array<i32>} : memref<128x128xf32, #tpu.memory_space<vmem>>, vector<1x16xf32>,
    }
    %scan3A_6 = arith.constant 128 : i32
    %mul3A_7 = arith.constant 640 : i32
    %mul3A_8 = arith.muli %arg1, %mul3A_7 : i32
    %add3A_9 = arith.constant 0 : i32
    %add3A_10 = arith.addi %mul3A_8, %add3A_9 : i32
    %dma_start3A = arith.constant 0 : i32
    %dma_start3A_11 = arith.constant 0 : i32
    %dma_start3A_12 = arith.constant 0 : i32
    %dma_start3A_13 = tpu.memref_slice %arg8[%dma_start3A, %dma_start3A_11, %dma_start3A_12] : memref<2x128x128xf32, #tpu.memory_space<vmem>> -> memref<1x128x128xf32, #tpu.memory_space<vmem>>
    %dma_start3A_14 = tpu.memref_squeeze %dma_start3A_13 : memref<1x128x128xf32, #tpu.memory_space<vmem>> -> memref<128x128xf32, #tpu.memory_space<vmem>>
    %dma_start3A_15 = arith.constant 0 : i32
    %dma_start3A_16 = tpu.memref_slice %arg12[%add3A_10, %dma_start3A_15] : memref<10240x128xf32, #tpu.memory_space<vmem_shared>> -> memref<128x128xf32, #tpu.memory_space<vmem_shared>>
    %dma_start3A_17 = arith.constant 0 : i32
    %dma_start3A_18 = tpu.memref_slice %arg12[%add3A_10, %dma_start3A_17] : memref<10240x128xf32, #tpu.memory_space<vmem_shared>> -> memref<128x128xf32, #tpu.memory_space<vmem_shared>>
    %dma_start3A_19 = arith.constant 0 : i32
    %dma_start3A_20 = arith.constant 0 : i32
    %dma_start3A_21 = tpu.memref_slice %arg8[%dma_start3A, %dma_start3A_19, %dma_start3A_20] : memref<2x128x128xf32, #tpu.memory_space<vmem>> -> memref<1x128x128xf32, #tpu.memory_space<vmem>>
    %dma_start3A_22 = tpu.memref_squeeze %dma_start3A_21 : memref<1x128x128xf32, #tpu.memory_space<vmem>> -> memref<128x128xf32, #tpu.memory_space<vmem>>
    tpu.enqueue_dma source(%dma_start3A_22 : memref<128x128xf32, #tpu.memory_space<vmem>>) target(%dma_start3A_18 : memref<128x128xf32, #tpu.memory_space<vmem_shared>>) target_semaphore(%arg18 : memref<!tpu.dma_semaphore, #tpu.memory_space<semaphore_mem>>)
    %mul3A_23 = arith.constant 640 : i32
    %mul3A_24 = arith.muli %arg1, %mul3A_23 : i32
    %add3A_25 = arith.constant 128 : i32
    %add3A_26 = arith.addi %mul3A_24, %add3A_25 : i32
    %dma_start3A_27 = arith.constant 0 : i32
    %dma_start3A_28 = arith.constant 0 : i32
    %dma_start3A_29 = arith.constant 0 : i32
    %dma_start3A_30 = tpu.memref_slice %arg8[%dma_start3A_27, %dma_start3A_28, %dma_start3A_29] : memref<2x128x128xf32, #tpu.memory_space<vmem>> -> memref<1x128x128xf32, #tpu.memory_space<vmem>>
    %dma_start3A_31 = tpu.memref_squeeze %dma_start3A_30 : memref<1x128x128xf32, #tpu.memory_space<vmem>> -> memref<128x128xf32, #tpu.memory_space<vmem>>
    %dma_start3A_32 = arith.constant 0 : i32
    %dma_start3A_33 = tpu.memref_slice %arg12[%add3A_26, %dma_start3A_32] : memref<10240x128xf32, #tpu.memory_space<vmem_shared>> -> memref<128x128xf32, #tpu.memory_space<vmem_shared>>
    %dma_start3A_34 = arith.constant 0 : i32
    %dma_start3A_35 = tpu.memref_slice %arg12[%add3A_26, %dma_start3A_34] : memref<10240x128xf32, #tpu.memory_space<vmem_shared>> -> memref<128x128xf32, #tpu.memory_space<vmem_shared>>
    %dma_start3A_36 = arith.constant 0 : i32
    %dma_start3A_37 = arith.constant 0 : i32
    %dma_start3A_38 = tpu.memref_slice %arg8[%dma_start3A_27, %dma_start3A_36, %dma_start3A_37] : memref<2x128x128xf32, #tpu.memory_space<vmem>> -> memref<1x128x128xf32, #tpu.memory_space<vmem>>
    %dma_start3A_39 = tpu.memref_squeeze %dma_start3A_38 : memref<1x128x128xf32, #tpu.memory_space<vmem>> -> memref<128x128xf32, #tpu.memory_space<vmem>>
    tpu.enqueue_dma source(%dma_start3A_39 : memref<128x128xf32, #tpu.memory_space<vmem>>) target(%dma_start3A_35 : memref<128x128xf32, #tpu.memory_space<vmem_shared>>) target_semaphore(%arg18 : memref<!tpu.dma_semaphore, #tpu.memory_space<semaphore_mem>>)
    %mul3A_40 = arith.constant 640 : i32
    %mul3A_41 = arith.muli %arg1, %mul3A_40 : i32
    %add3A_42 = arith.constant 256 : i32
    %add3A_43 = arith.addi %mul3A_41, %add3A_42 : i32
    %dma_start3A_44 = arith.constant 0 : i32
    %dma_start3A_45 = arith.constant 0 : i32
    %dma_start3A_46 = arith.constant 0 : i32
    %dma_start3A_47 = tpu.memref_slice %arg8[%dma_start3A_44, %dma_start3A_45, %dma_start3A_46] : memref<2x128x128xf32, #tpu.memory_space<vmem>> -> memref<1x128x128xf32, #tpu.memory_space<vmem>>
    %dma_start3A_48 = tpu.memref_squeeze %dma_start3A_47 : memref<1x128x128xf32, #tpu.memory_space<vmem>> -> memref<128x128xf32, #tpu.memory_space<vmem>>
    %dma_start3A_49 = arith.constant 0 : i32
    %dma_start3A_50 = tpu.memref_slice %arg12[%add3A_43, %dma_start3A_49] : memref<10240x128xf32, #tpu.memory_space<vmem_shared>> -> memref<128x128xf32, #tpu.memory_space<vmem_shared>>
    %dma_start3A_51 = arith.constant 0 : i32
    %dma_start3A_52 = tpu.memref_slice %arg12[%add3A_43, %dma_start3A_51] : memref<10240x128xf32, #tpu.memory_space<vmem_shared>> -> memref<128x128xf32, #tpu.memory_space<vmem_shared>>
    %dma_start3A_53 = arith.constant 0 : i32
    %dma_start3A_54 = arith.constant 0 : i32
    %dma_start3A_55 = tpu.memref_slice %arg8[%dma_start3A_44, %dma_start3A_53, %dma_start3A_54] : memref<2x128x128xf32, #tpu.memory_space<vmem>> -> memref<1x128x128xf32, #tpu.memory_space<vmem>>
    %dma_start3A_56 = tpu.memref_squeeze %dma_start3A_55 : memref<1x128x128xf32, #tpu.memory_space<vmem>> -> memref<128x128xf32, #tpu.memory_space<vmem>>
    tpu.enqueue_dma source(%dma_start3A_56 : memref<128x128xf32, #tpu.memory_space<vmem>>) target(%dma_start3A_52 : memref<128x128xf32, #tpu.memory_space<vmem_shared>>) target_semaphore(%arg18 : memref<!tpu.dma_semaphore, #tpu.memory_space<semaphore_mem>>)
    %mul3A_57 = arith.constant 640 : i32
    %mul3A_58 = arith.muli %arg1, %mul3A_57 : i32
    %add3A_59 = arith.constant 384 : i32
    %add3A_60 = arith.addi %mul3A_58, %add3A_59 : i32
    %dma_start3A_61 = arith.constant 0 : i32
    %dma_start3A_62 = arith.constant 0 : i32
    %dma_start3A_63 = arith.constant 0 : i32
    %dma_start3A_64 = tpu.memref_slice %arg8[%dma_start3A_61, %dma_start3A_62, %dma_start3A_63] : memref<2x128x128xf32, #tpu.memory_space<vmem>> -> memref<1x128x128xf32, #tpu.memory_space<vmem>>
    %dma_start3A_65 = tpu.memref_squeeze %dma_start3A_64 : memref<1x128x128xf32, #tpu.memory_space<vmem>> -> memref<128x128xf32, #tpu.memory_space<vmem>>
    %dma_start3A_66 = arith.constant 0 : i32
    %dma_start3A_67 = tpu.memref_slice %arg12[%add3A_60, %dma_start3A_66] : memref<10240x128xf32, #tpu.memory_space<vmem_shared>> -> memref<128x128xf32, #tpu.memory_space<vmem_shared>>
    %dma_start3A_68 = arith.constant 0 : i32
    %dma_start3A_69 = tpu.memref_slice %arg12[%add3A_60, %dma_start3A_68] : memref<10240x128xf32, #tpu.memory_space<vmem_shared>> -> memref<128x128xf32, #tpu.memory_space<vmem_shared>>
    %dma_start3A_70 = arith.constant 0 : i32
    %dma_start3A_71 = arith.constant 0 : i32
    %dma_start3A_72 = tpu.memref_slice %arg8[%dma_start3A_61, %dma_start3A_70, %dma_start3A_71] : memref<2x128x128xf32, #tpu.memory_space<vmem>> -> memref<1x128x128xf32, #tpu.memory_space<vmem>>
    %dma_start3A_73 = tpu.memref_squeeze %dma_start3A_72 : memref<1x128x128xf32, #tpu.memory_space<vmem>> -> memref<128x128xf32, #tpu.memory_space<vmem>>
    tpu.enqueue_dma source(%dma_start3A_73 : memref<128x128xf32, #tpu.memory_space<vmem>>) target(%dma_start3A_69 : memref<128x128xf32, #tpu.memory_space<vmem_shared>>) target_semaphore(%arg18 : memref<!tpu.dma_semaphore, #tpu.memory_space<semaphore_mem>>)
    %mul3A_74 = arith.constant 640 : i32
    %mul3A_75 = arith.muli %arg1, %mul3A_74 : i32
    %add3A_76 = arith.constant 512 : i32
    %add3A_77 = arith.addi %mul3A_75, %add3A_76 : i32
    %dma_start3A_78 = arith.constant 0 : i32
    %dma_start3A_79 = arith.constant 0 : i32
    %dma_start3A_80 = arith.constant 0 : i32
    %dma_start3A_81 = tpu.memref_slice %arg8[%dma_start3A_78, %dma_start3A_79, %dma_start3A_80] : memref<2x128x128xf32, #tpu.memory_space<vmem>> -> memref<1x128x128xf32, #tpu.memory_space<vmem>>
    %dma_start3A_82 = tpu.memref_squeeze %dma_start3A_81 : memref<1x128x128xf32, #tpu.memory_space<vmem>> -> memref<128x128xf32, #tpu.memory_space<vmem>>
    %dma_start3A_83 = arith.constant 0 : i32
    %dma_start3A_84 = tpu.memref_slice %arg12[%add3A_77, %dma_start3A_83] : memref<10240x128xf32, #tpu.memory_space<vmem_shared>> -> memref<128x128xf32, #tpu.memory_space<vmem_shared>>
    %dma_start3A_85 = arith.constant 0 : i32
    %dma_start3A_86 = tpu.memref_slice %arg12[%add3A_77, %dma_start3A_85] : memref<10240x128xf32, #tpu.memory_space<vmem_shared>> -> memref<128x128xf32, #tpu.memory_space<vmem_shared>>
    %dma_start3A_87 = arith.constant 0 : i32
    %dma_start3A_88 = arith.constant 0 : i32
    %dma_start3A_89 = tpu.memref_slice %arg8[%dma_start3A_78, %dma_start3A_87, %dma_start3A_88] : memref<2x128x128xf32, #tpu.memory_space<vmem>> -> memref<1x128x128xf32, #tpu.memory_space<vmem>>
    %dma_start3A_90 = tpu.memref_squeeze %dma_start3A_89 : memref<1x128x128xf32, #tpu.memory_space<vmem>> -> memref<128x128xf32, #tpu.memory_space<vmem>>
    tpu.enqueue_dma source(%dma_start3A_90 : memref<128x128xf32, #tpu.memory_space<vmem>>) target(%dma_start3A_86 : memref<128x128xf32, #tpu.memory_space<vmem_shared>>) target_semaphore(%arg18 : memref<!tpu.dma_semaphore, #tpu.memory_space<semaphore_mem>>)
    %mul3A_91 = arith.constant 640 : i32
    %mul3A_92 = arith.muli %arg1, %mul3A_91 : i32
    %add3A_93 = arith.constant 0 : i32
    %add3A_94 = arith.addi %mul3A_92, %add3A_93 : i32
    %dma_wait3A = arith.constant 0 : i32
    %dma_wait3A_95 = arith.constant 0 : i32
    %dma_wait3A_96 = arith.constant 0 : i32
    %dma_wait3A_97 = tpu.memref_slice %arg8[%dma_wait3A, %dma_wait3A_95, %dma_wait3A_96] : memref<2x128x128xf32, #tpu.memory_space<vmem>> -> memref<1x128x128xf32, #tpu.memory_space<vmem>>
    %dma_wait3A_98 = tpu.memref_squeeze %dma_wait3A_97 : memref<1x128x128xf32, #tpu.memory_space<vmem>> -> memref<128x128xf32, #tpu.memory_space<vmem>>
    %dma_wait3A_99 = arith.constant 0 : i32
    %dma_wait3A_100 = tpu.memref_slice %arg12[%add3A_94, %dma_wait3A_99] : memref<10240x128xf32, #tpu.memory_space<vmem_shared>> -> memref<128x128xf32, #tpu.memory_space<vmem_shared>>
    %dma_wait3A_101 = arith.constant 0 : i32
    %dma_wait3A_102 = tpu.memref_slice %arg12[%add3A_94, %dma_wait3A_101] : memref<10240x128xf32, #tpu.memory_space<vmem_shared>> -> memref<128x128xf32, #tpu.memory_space<vmem_shared>>
    %dma_wait3A_103 = arith.constant 0 : i32
    %dma_wait3A_104 = arith.constant 0 : i32
    %dma_wait3A_105 = tpu.memref_slice %arg8[%dma_wait3A, %dma_wait3A_103, %dma_wait3A_104] : memref<2x128x128xf32, #tpu.memory_space<vmem>> -> memref<1x128x128xf32, #tpu.memory_space<vmem>>
    %dma_wait3A_106 = tpu.memref_squeeze %dma_wait3A_105 : memref<1x128x128xf32, #tpu.memory_space<vmem>> -> memref<128x128xf32, #tpu.memory_space<vmem>>
    tpu.wait_dma2 semaphore(%arg18 : memref<!tpu.dma_semaphore, #tpu.memory_space<semaphore_mem>>) src(%dma_wait3A_106 : memref<128x128xf32, #tpu.memory_space<vmem>>) dst(%dma_wait3A_102 : memref<128x128xf32, #tpu.memory_space<vmem_shared>>)
    %mul3A_107 = arith.constant 640 : i32
    %mul3A_108 = arith.muli %arg1, %mul3A_107 : i32
    %add3A_109 = arith.constant 128 : i32
    %add3A_110 = arith.addi %mul3A_108, %add3A_109 : i32
    %dma_wait3A_111 = arith.constant 0 : i32
    %dma_wait3A_112 = arith.constant 0 : i32
    %dma_wait3A_113 = arith.constant 0 : i32
    %dma_wait3A_114 = tpu.memref_slice %arg8[%dma_wait3A_111, %dma_wait3A_112, %dma_wait3A_113] : memref<2x128x128xf32, #tpu.memory_space<vmem>> -> memref<1x128x128xf32, #tpu.memory_space<vmem>>
    %dma_wait3A_115 = tpu.memref_squeeze %dma_wait3A_114 : memref<1x128x128xf32, #tpu.memory_space<vmem>> -> memref<128x128xf32, #tpu.memory_space<vmem>>
    %dma_wait3A_116 = arith.constant 0 : i32
    %dma_wait3A_117 = tpu.memref_slice %arg12[%add3A_110, %dma_wait3A_116] : memref<10240x128xf32, #tpu.memory_space<vmem_shared>> -> memref<128x128xf32, #tpu.memory_space<vmem_shared>>
    %dma_wait3A_118 = arith.constant 0 : i32
    %dma_wait3A_119 = tpu.memref_slice %arg12[%add3A_110, %dma_wait3A_118] : memref<10240x128xf32, #tpu.memory_space<vmem_shared>> -> memref<128x128xf32, #tpu.memory_space<vmem_shared>>
    %dma_wait3A_120 = arith.constant 0 : i32
    %dma_wait3A_121 = arith.constant 0 : i32
    %dma_wait3A_122 = tpu.memref_slice %arg8[%dma_wait3A_111, %dma_wait3A_120, %dma_wait3A_121] : memref<2x128x128xf32, #tpu.memory_space<vmem>> -> memref<1x128x128xf32, #tpu.memory_space<vmem>>
    %dma_wait3A_123 = tpu.memref_squeeze %dma_wait3A_122 : memref<1x128x128xf32, #tpu.memory_space<vmem>> -> memref<128x128xf32, #tpu.memory_space<vmem>>
    tpu.wait_dma2 semaphore(%arg18 : memref<!tpu.dma_semaphore, #tpu.memory_space<semaphore_mem>>) src(%dma_wait3A_123 : memref<128x128xf32, #tpu.memory_space<vmem>>) dst(%dma_wait3A_119 : memref<128x128xf32, #tpu.memory_space<vmem_shared>>)
    %mul3A_124 = arith.constant 640 : i32
    %mul3A_125 = arith.muli %arg1, %mul3A_124 : i32
    %add3A_126 = arith.constant 256 : i32
    %add3A_127 = arith.addi %mul3A_125, %add3A_126 : i32
    %dma_wait3A_128 = arith.constant 0 : i32
    %dma_wait3A_129 = arith.constant 0 : i32
    %dma_wait3A_130 = arith.constant 0 : i32
    %dma_wait3A_131 = tpu.memref_slice %arg8[%dma_wait3A_128, %dma_wait3A_129, %dma_wait3A_130] : memref<2x128x128xf32, #tpu.memory_space<vmem>> -> memref<1x128x128xf32, #tpu.memory_space<vmem>>
    %dma_wait3A_132 = tpu.memref_squeeze %dma_wait3A_131 : memref<1x128x128xf32, #tpu.memory_space<vmem>> -> memref<128x128xf32, #tpu.memory_space<vmem>>
    %dma_wait3A_133 = arith.constant 0 : i32
    %dma_wait3A_134 = tpu.memref_slice %arg12[%add3A_127, %dma_wait3A_133] : memref<10240x128xf32, #tpu.memory_space<vmem_shared>> -> memref<128x128xf32, #tpu.memory_space<vmem_shared>>
    %dma_wait3A_135 = arith.constant 0 : i32
    %dma_wait3A_136 = tpu.memref_slice %arg12[%add3A_127, %dma_wait3A_135] : memref<10240x128xf32, #tpu.memory_space<vmem_shared>> -> memref<128x128xf32, #tpu.memory_space<vmem_shared>>
    %dma_wait3A_137 = arith.constant 0 : i32
    %dma_wait3A_138 = arith.constant 0 : i32
    %dma_wait3A_139 = tpu.memref_slice %arg8[%dma_wait3A_128, %dma_wait3A_137, %dma_wait3A_138] : memref<2x128x128xf32, #tpu.memory_space<vmem>> -> memref<1x128x128xf32, #tpu.memory_space<vmem>>
    %dma_wait3A_140 = tpu.memref_squeeze %dma_wait3A_139 : memref<1x128x128xf32, #tpu.memory_space<vmem>> -> memref<128x128xf32, #tpu.memory_space<vmem>>
    tpu.wait_dma2 semaphore(%arg18 : memref<!tpu.dma_semaphore, #tpu.memory_space<semaphore_mem>>) src(%dma_wait3A_140 : memref<128x128xf32, #tpu.memory_space<vmem>>) dst(%dma_wait3A_136 : memref<128x128xf32, #tpu.memory_space<vmem_shared>>)
    %mul3A_141 = arith.constant 640 : i32
    %mul3A_142 = arith.muli %arg1, %mul3A_141 : i32
    %add3A_143 = arith.constant 384 : i32
    %add3A_144 = arith.addi %mul3A_142, %add3A_143 : i32
    %dma_wait3A_145 = arith.constant 0 : i32
    %dma_wait3A_146 = arith.constant 0 : i32
    %dma_wait3A_147 = arith.constant 0 : i32
    %dma_wait3A_148 = tpu.memref_slice %arg8[%dma_wait3A_145, %dma_wait3A_146, %dma_wait3A_147] : memref<2x128x128xf32, #tpu.memory_space<vmem>> -> memref<1x128x128xf32, #tpu.memory_space<vmem>>
    %dma_wait3A_149 = tpu.memref_squeeze %dma_wait3A_148 : memref<1x128x128xf32, #tpu.memory_space<vmem>> -> memref<128x128xf32, #tpu.memory_space<vmem>>
    %dma_wait3A_150 = arith.constant 0 : i32
    %dma_wait3A_151 = tpu.memref_slice %arg12[%add3A_144, %dma_wait3A_150] : memref<10240x128xf32, #tpu.memory_space<vmem_shared>> -> memref<128x128xf32, #tpu.memory_space<vmem_shared>>
    %dma_wait3A_152 = arith.constant 0 : i32
    %dma_wait3A_153 = tpu.memref_slice %arg12[%add3A_144, %dma_wait3A_152] : memref<10240x128xf32, #tpu.memory_space<vmem_shared>> -> memref<128x128xf32, #tpu.memory_space<vmem_shared>>
    %dma_wait3A_154 = arith.constant 0 : i32
    %dma_wait3A_155 = arith.constant 0 : i32
    %dma_wait3A_156 = tpu.memref_slice %arg8[%dma_wait3A_145, %dma_wait3A_154, %dma_wait3A_155] : memref<2x128x128xf32, #tpu.memory_space<vmem>> -> memref<1x128x128xf32, #tpu.memory_space<vmem>>
    %dma_wait3A_157 = tpu.memref_squeeze %dma_wait3A_156 : memref<1x128x128xf32, #tpu.memory_space<vmem>> -> memref<128x128xf32, #tpu.memory_space<vmem>>
    tpu.wait_dma2 semaphore(%arg18 : memref<!tpu.dma_semaphore, #tpu.memory_space<semaphore_mem>>) src(%dma_wait3A_157 : memref<128x128xf32, #tpu.memory_space<vmem>>) dst(%dma_wait3A_153 : memref<128x128xf32, #tpu.memory_space<vmem_shared>>)
    %mul3A_158 = arith.constant 640 : i32
    %mul3A_159 = arith.muli %arg1, %mul3A_158 : i32
    %add3A_160 = arith.constant 512 : i32
    %add3A_161 = arith.addi %mul3A_159, %add3A_160 : i32
    %dma_wait3A_162 = arith.constant 0 : i32
    %dma_wait3A_163 = arith.constant 0 : i32
    %dma_wait3A_164 = arith.constant 0 : i32
    %dma_wait3A_165 = tpu.memref_slice %arg8[%dma_wait3A_162, %dma_wait3A_163, %dma_wait3A_164] : memref<2x128x128xf32, #tpu.memory_space<vmem>> -> memref<1x128x128xf32, #tpu.memory_space<vmem>>
    %dma_wait3A_166 = tpu.memref_squeeze %dma_wait3A_165 : memref<1x128x128xf32, #tpu.memory_space<vmem>> -> memref<128x128xf32, #tpu.memory_space<vmem>>
    %dma_wait3A_167 = arith.constant 0 : i32
    %dma_wait3A_168 = tpu.memref_slice %arg12[%add3A_161, %dma_wait3A_167] : memref<10240x128xf32, #tpu.memory_space<vmem_shared>> -> memref<128x128xf32, #tpu.memory_space<vmem_shared>>
    %dma_wait3A_169 = arith.constant 0 : i32
    %dma_wait3A_170 = tpu.memref_slice %arg12[%add3A_161, %dma_wait3A_169] : memref<10240x128xf32, #tpu.memory_space<vmem_shared>> -> memref<128x128xf32, #tpu.memory_space<vmem_shared>>
    %dma_wait3A_171 = arith.constant 0 : i32
    %dma_wait3A_172 = arith.constant 0 : i32
    %dma_wait3A_173 = tpu.memref_slice %arg8[%dma_wait3A_162, %dma_wait3A_171, %dma_wait3A_172] : memref<2x128x128xf32, #tpu.memory_space<vmem>> -> memref<1x128x128xf32, #tpu.memory_space<vmem>>
    %dma_wait3A_174 = tpu.memref_squeeze %dma_wait3A_173 : memref<1x128x128xf32, #tpu.memory_space<vmem>> -> memref<128x128xf32, #tpu.memory_space<vmem>>
    tpu.wait_dma2 semaphore(%arg18 : memref<!tpu.dma_semaphore, #tpu.memory_space<semaphore_mem>>) src(%dma_wait3A_174 : memref<128x128xf32, #tpu.memory_space<vmem>>) dst(%dma_wait3A_170 : memref<128x128xf32, #tpu.memory_space<vmem_shared>>)
    %barrier3A = arith.constant 0 : index
    tpu.barrier barrier_id(%barrier3A)
    %mul3A_175 = arith.constant 10000 : i32
    %mul3A_176 = arith.muli %add3A, %mul3A_175 : i32
    %dma_start3A_177 = arith.constant 0 : i32
    %dma_start3A_178 = arith.constant 0 : i32
    %dma_start3A_179 = tpu.memref_slice %arg6[%dma_start3A_177, %dma_start3A_178] : memref<2x128xi32, #tpu.memory_space<vmem>> -> memref<1x128xi32, #tpu.memory_space<vmem>>
    %dma_start3A_180 = tpu.memref_squeeze %dma_start3A_179 : memref<1x128xi32, #tpu.memory_space<vmem>> -> memref<128xi32, #tpu.memory_space<vmem>>
    %dma_start3A_181 = tpu.memref_slice %arg3[%mul3A_176] : memref<320000xi32, #tpu.memory_space<hbm>> -> memref<128xi32, #tpu.memory_space<hbm>>
    %dma_start3A_182 = arith.constant 0 : i32
    %dma_start3A_183 = tpu.memref_slice %arg6[%dma_start3A_177, %dma_start3A_182] : memref<2x128xi32, #tpu.memory_space<vmem>> -> memref<1x128xi32, #tpu.memory_space<vmem>>
    %dma_start3A_184 = tpu.memref_squeeze %dma_start3A_183 : memref<1x128xi32, #tpu.memory_space<vmem>> -> memref<128xi32, #tpu.memory_space<vmem>>
    %dma_start3A_185 = tpu.memref_slice %arg3[%mul3A_176] : memref<320000xi32, #tpu.memory_space<hbm>> -> memref<128xi32, #tpu.memory_space<hbm>>
    tpu.enqueue_dma source(%dma_start3A_185 : memref<128xi32, #tpu.memory_space<hbm>>) target(%dma_start3A_184 : memref<128xi32, #tpu.memory_space<vmem>>) target_semaphore(%arg13 : memref<!tpu.dma_semaphore, #tpu.memory_space<semaphore_mem>>)
    %dma_start3A_186 = arith.constant 0 : i32
    %dma_start3A_187 = arith.constant 0 : i32
    %dma_start3A_188 = tpu.memref_slice %arg7[%dma_start3A_186, %dma_start3A_187] : memref<2x128xi32, #tpu.memory_space<vmem>> -> memref<1x128xi32, #tpu.memory_space<vmem>>
    %dma_start3A_189 = tpu.memref_squeeze %dma_start3A_188 : memref<1x128xi32, #tpu.memory_space<vmem>> -> memref<128xi32, #tpu.memory_space<vmem>>
    %dma_start3A_190 = tpu.memref_slice %arg4[%mul3A_176] : memref<320000xi32, #tpu.memory_space<hbm>> -> memref<128xi32, #tpu.memory_space<hbm>>
    %dma_start3A_191 = arith.constant 0 : i32
    %dma_start3A_192 = tpu.memref_slice %arg7[%dma_start3A_186, %dma_start3A_191] : memref<2x128xi32, #tpu.memory_space<vmem>> -> memref<1x128xi32, #tpu.memory_space<vmem>>
    %dma_start3A_193 = tpu.memref_squeeze %dma_start3A_192 : memref<1x128xi32, #tpu.memory_space<vmem>> -> memref<128xi32, #tpu.memory_space<vmem>>
    %dma_start3A_194 = tpu.memref_slice %arg4[%mul3A_176] : memref<320000xi32, #tpu.memory_space<hbm>> -> memref<128xi32, #tpu.memory_space<hbm>>
    tpu.enqueue_dma source(%dma_start3A_194 : memref<128xi32, #tpu.memory_space<hbm>>) target(%dma_start3A_193 : memref<128xi32, #tpu.memory_space<vmem>>) target_semaphore(%arg15 : memref<!tpu.dma_semaphore, #tpu.memory_space<semaphore_mem>>)
    %dma_wait3A_195 = arith.constant 0 : i32
    %dma_wait3A_196 = arith.constant 0 : i32
    %dma_wait3A_197 = tpu.memref_slice %arg6[%dma_wait3A_195, %dma_wait3A_196] : memref<2x128xi32, #tpu.memory_space<vmem>> -> memref<1x128xi32, #tpu.memory_space<vmem>>
    %dma_wait3A_198 = tpu.memref_squeeze %dma_wait3A_197 : memref<1x128xi32, #tpu.memory_space<vmem>> -> memref<128xi32, #tpu.memory_space<vmem>>
    %dma_wait3A_199 = tpu.memref_slice %arg3[%mul3A_176] : memref<320000xi32, #tpu.memory_space<hbm>> -> memref<128xi32, #tpu.memory_space<hbm>>
    %dma_wait3A_200 = arith.constant 0 : i32
    %dma_wait3A_201 = tpu.memref_slice %arg6[%dma_wait3A_195, %dma_wait3A_200] : memref<2x128xi32, #tpu.memory_space<vmem>> -> memref<1x128xi32, #tpu.memory_space<vmem>>
    %dma_wait3A_202 = tpu.memref_squeeze %dma_wait3A_201 : memref<1x128xi32, #tpu.memory_space<vmem>> -> memref<128xi32, #tpu.memory_space<vmem>>
    %dma_wait3A_203 = tpu.memref_slice %arg3[%mul3A_176] : memref<320000xi32, #tpu.memory_space<hbm>> -> memref<128xi32, #tpu.memory_space<hbm>>
    tpu.wait_dma2 semaphore(%arg13 : memref<!tpu.dma_semaphore, #tpu.memory_space<semaphore_mem>>) src(%dma_wait3A_203 : memref<128xi32, #tpu.memory_space<hbm>>) dst(%dma_wait3A_202 : memref<128xi32, #tpu.memory_space<vmem>>)
    %dma_start3A_204 = arith.constant 0 : i32
    %dma_start3A_205 = arith.constant 0 : i32
    %dma_start3A_206 = arith.constant 0 : i32
    %dma_start3A_207 = arith.constant 0 : i32
    %dma_start3A_208 = tpu.memref_slice %arg8[%dma_start3A_205, %dma_start3A_206, %dma_start3A_207] : memref<2x128x128xf32, #tpu.memory_space<vmem>> -> memref<1x128x128xf32, #tpu.memory_space<vmem>>
    %dma_start3A_209 = tpu.memref_squeeze %dma_start3A_208 : memref<1x128x128xf32, #tpu.memory_space<vmem>> -> memref<128x128xf32, #tpu.memory_space<vmem>>
    %dma_start3A_210 = arith.constant 0 : i32
    %dma_start3A_211 = tpu.memref_slice %arg6[%dma_start3A_204, %dma_start3A_210] : memref<2x128xi32, #tpu.memory_space<vmem>> -> memref<1x128xi32, #tpu.memory_space<vmem>>
    %dma_start3A_212 = tpu.memref_squeeze %dma_start3A_211 : memref<1x128xi32, #tpu.memory_space<vmem>> -> memref<128xi32, #tpu.memory_space<vmem>>
    %dma_start3A_213 = arith.constant 0 : i32
    %dma_start3A_214 = arith.constant 0 : i32
    %dma_start3A_215 = tpu.memref_slice %arg2[%dma_start3A_213, %dma_start3A_214] : memref<10000x128xf32, #tpu.memory_space<hbm>> -> memref<10000x128xf32, #tpu.memory_space<hbm>>
    tpu.enqueue_indirect_dma source(%dma_start3A_215 : memref<10000x128xf32, #tpu.memory_space<hbm>>) target(%dma_start3A_209 : memref<128x128xf32, #tpu.memory_space<vmem>>) offsets(%dma_start3A_212 : memref<128xi32, #tpu.memory_space<vmem>>) semaphore(%arg17 : memref<!tpu.dma_semaphore, #tpu.memory_space<semaphore_mem>>)
    %add3A_216 = arith.constant 128 : i32
    %add3A_217 = arith.addi %mul3A_176, %add3A_216 : i32
    %dma_start3A_218 = arith.constant 1 : i32
    %dma_start3A_219 = arith.constant 0 : i32
    %dma_start3A_220 = tpu.memref_slice %arg6[%dma_start3A_218, %dma_start3A_219] : memref<2x128xi32, #tpu.memory_space<vmem>> -> memref<1x128xi32, #tpu.memory_space<vmem>>
    %dma_start3A_221 = tpu.memref_squeeze %dma_start3A_220 : memref<1x128xi32, #tpu.memory_space<vmem>> -> memref<128xi32, #tpu.memory_space<vmem>>
    %dma_start3A_222 = tpu.memref_slice %arg3[%add3A_217] : memref<320000xi32, #tpu.memory_space<hbm>> -> memref<128xi32, #tpu.memory_space<hbm>>
    %dma_start3A_223 = arith.constant 0 : i32
    %dma_start3A_224 = tpu.memref_slice %arg6[%dma_start3A_218, %dma_start3A_223] : memref<2x128xi32, #tpu.memory_space<vmem>> -> memref<1x128xi32, #tpu.memory_space<vmem>>
    %dma_start3A_225 = tpu.memref_squeeze %dma_start3A_224 : memref<1x128xi32, #tpu.memory_space<vmem>> -> memref<128xi32, #tpu.memory_space<vmem>>
    %dma_start3A_226 = tpu.memref_slice %arg3[%add3A_217] : memref<320000xi32, #tpu.memory_space<hbm>> -> memref<128xi32, #tpu.memory_space<hbm>>
    tpu.enqueue_dma source(%dma_start3A_226 : memref<128xi32, #tpu.memory_space<hbm>>) target(%dma_start3A_225 : memref<128xi32, #tpu.memory_space<vmem>>) target_semaphore(%arg14 : memref<!tpu.dma_semaphore, #tpu.memory_space<semaphore_mem>>)
    %add3A_227 = arith.constant 128 : i32
    %add3A_228 = arith.addi %mul3A_176, %add3A_227 : i32
    %dma_start3A_229 = arith.constant 1 : i32
    %dma_start3A_230 = arith.constant 0 : i32
    %dma_start3A_231 = tpu.memref_slice %arg7[%dma_start3A_229, %dma_start3A_230] : memref<2x128xi32, #tpu.memory_space<vmem>> -> memref<1x128xi32, #tpu.memory_space<vmem>>
    %dma_start3A_232 = tpu.memref_squeeze %dma_start3A_231 : memref<1x128xi32, #tpu.memory_space<vmem>> -> memref<128xi32, #tpu.memory_space<vmem>>
    %dma_start3A_233 = tpu.memref_slice %arg4[%add3A_228] : memref<320000xi32, #tpu.memory_space<hbm>> -> memref<128xi32, #tpu.memory_space<hbm>>
    %dma_start3A_234 = arith.constant 0 : i32
    %dma_start3A_235 = tpu.memref_slice %arg7[%dma_start3A_229, %dma_start3A_234] : memref<2x128xi32, #tpu.memory_space<vmem>> -> memref<1x128xi32, #tpu.memory_space<vmem>>
    %dma_start3A_236 = tpu.memref_squeeze %dma_start3A_235 : memref<1x128xi32, #tpu.memory_space<vmem>> -> memref<128xi32, #tpu.memory_space<vmem>>
    %dma_start3A_237 = tpu.memref_slice %arg4[%add3A_228] : memref<320000xi32, #tpu.memory_space<hbm>> -> memref<128xi32, #tpu.memory_space<hbm>>
    tpu.enqueue_dma source(%dma_start3A_237 : memref<128xi32, #tpu.memory_space<hbm>>) target(%dma_start3A_236 : memref<128xi32, #tpu.memory_space<vmem>>) target_semaphore(%arg16 : memref<!tpu.dma_semaphore, #tpu.memory_space<semaphore_mem>>)
    %scan3A_238 = arith.constant 0 : i32
    %scan3A_239 = arith.constant 39 : i32
    %scan3A_240 = arith.addi %scan3A_238, %scan3A_239 : i32
    %scan3A_241 = arith.constant 1 : i32
    scf.for %scan3A_419 = %scan3A_238 to %scan3A_240 step %scan3A_241  : i32 {
      %mul3A_420 = arith.constant 2 : i32
      %mul3A_421 = arith.muli %scan3A_419, %mul3A_420 : i32
      %add3A_422 = arith.constant 0 : i32
      %add3A_423 = arith.addi %add3A_422, %mul3A_421 : i32
      %add3A_424 = arith.constant 128 : i32
      %add3A_425 = arith.addi %mul3A_176, %add3A_424 : i32
      %dma_wait3A_426 = arith.constant 1 : i32
      %dma_wait3A_427 = arith.constant 0 : i32
      %dma_wait3A_428 = tpu.memref_slice %arg6[%dma_wait3A_426, %dma_wait3A_427] : memref<2x128xi32, #tpu.memory_space<vmem>> -> memref<1x128xi32, #tpu.memory_space<vmem>>
      %dma_wait3A_429 = tpu.memref_squeeze %dma_wait3A_428 : memref<1x128xi32, #tpu.memory_space<vmem>> -> memref<128xi32, #tpu.memory_space<vmem>>
      %dma_wait3A_430 = tpu.memref_slice %arg3[%add3A_425] : memref<320000xi32, #tpu.memory_space<hbm>> -> memref<128xi32, #tpu.memory_space<hbm>>
      %dma_wait3A_431 = arith.constant 0 : i32
      %dma_wait3A_432 = tpu.memref_slice %arg6[%dma_wait3A_426, %dma_wait3A_431] : memref<2x128xi32, #tpu.memory_space<vmem>> -> memref<1x128xi32, #tpu.memory_space<vmem>>
      %dma_wait3A_433 = tpu.memref_squeeze %dma_wait3A_432 : memref<1x128xi32, #tpu.memory_space<vmem>> -> memref<128xi32, #tpu.memory_space<vmem>>
      %dma_wait3A_434 = tpu.memref_slice %arg3[%add3A_425] : memref<320000xi32, #tpu.memory_space<hbm>> -> memref<128xi32, #tpu.memory_space<hbm>>
      tpu.wait_dma2 semaphore(%arg14 : memref<!tpu.dma_semaphore, #tpu.memory_space<semaphore_mem>>) src(%dma_wait3A_434 : memref<128xi32, #tpu.memory_space<hbm>>) dst(%dma_wait3A_433 : memref<128xi32, #tpu.memory_space<vmem>>)
      %dma_start3A_435 = arith.constant 1 : i32
      %dma_start3A_436 = arith.constant 1 : i32
      %dma_start3A_437 = arith.constant 0 : i32
      %dma_start3A_438 = arith.constant 0 : i32
      %dma_start3A_439 = tpu.memref_slice %arg8[%dma_start3A_436, %dma_start3A_437, %dma_start3A_438] : memref<2x128x128xf32, #tpu.memory_space<vmem>> -> memref<1x128x128xf32, #tpu.memory_space<vmem>>
      %dma_start3A_440 = tpu.memref_squeeze %dma_start3A_439 : memref<1x128x128xf32, #tpu.memory_space<vmem>> -> memref<128x128xf32, #tpu.memory_space<vmem>>
      %dma_start3A_441 = arith.constant 0 : i32
      %dma_start3A_442 = tpu.memref_slice %arg6[%dma_start3A_435, %dma_start3A_441] : memref<2x128xi32, #tpu.memory_space<vmem>> -> memref<1x128xi32, #tpu.memory_space<vmem>>
      %dma_start3A_443 = tpu.memref_squeeze %dma_start3A_442 : memref<1x128xi32, #tpu.memory_space<vmem>> -> memref<128xi32, #tpu.memory_space<vmem>>
      %dma_start3A_444 = arith.constant 0 : i32
      %dma_start3A_445 = arith.constant 0 : i32
      %dma_start3A_446 = tpu.memref_slice %arg2[%dma_start3A_444, %dma_start3A_445] : memref<10000x128xf32, #tpu.memory_space<hbm>> -> memref<10000x128xf32, #tpu.memory_space<hbm>>
      tpu.enqueue_indirect_dma source(%dma_start3A_446 : memref<10000x128xf32, #tpu.memory_space<hbm>>) target(%dma_start3A_440 : memref<128x128xf32, #tpu.memory_space<vmem>>) offsets(%dma_start3A_443 : memref<128xi32, #tpu.memory_space<vmem>>) semaphore(%arg18 : memref<!tpu.dma_semaphore, #tpu.memory_space<semaphore_mem>>)
      %dma_wait3A_447 = arith.constant 0 : i32
      %dma_wait3A_448 = arith.constant 0 : i32
      %dma_wait3A_449 = arith.constant 0 : i32
      %dma_wait3A_450 = arith.constant 0 : i32
      %dma_wait3A_451 = tpu.memref_slice %arg8[%dma_wait3A_448, %dma_wait3A_449, %dma_wait3A_450] : memref<2x128x128xf32, #tpu.memory_space<vmem>> -> memref<1x128x128xf32, #tpu.memory_space<vmem>>
      %dma_wait3A_452 = tpu.memref_squeeze %dma_wait3A_451 : memref<1x128x128xf32, #tpu.memory_space<vmem>> -> memref<128x128xf32, #tpu.memory_space<vmem>>
      %dma_wait3A_453 = arith.constant 0 : i32
      %dma_wait3A_454 = tpu.memref_slice %arg6[%dma_wait3A_447, %dma_wait3A_453] : memref<2x128xi32, #tpu.memory_space<vmem>> -> memref<1x128xi32, #tpu.memory_space<vmem>>
      %dma_wait3A_455 = tpu.memref_squeeze %dma_wait3A_454 : memref<1x128xi32, #tpu.memory_space<vmem>> -> memref<128xi32, #tpu.memory_space<vmem>>
      %dma_wait3A_456 = arith.constant 0 : i32
      %dma_wait3A_457 = arith.constant 0 : i32
      %dma_wait3A_458 = tpu.memref_slice %arg2[%dma_wait3A_456, %dma_wait3A_457] : memref<10000x128xf32, #tpu.memory_space<hbm>> -> memref<10000x128xf32, #tpu.memory_space<hbm>>
      tpu.wait_indirect_dma semaphore(%arg17 : memref<!tpu.dma_semaphore, #tpu.memory_space<semaphore_mem>>) src(%dma_wait3A_458 : memref<10000x128xf32, #tpu.memory_space<hbm>>) dst(%dma_wait3A_452 : memref<128x128xf32, #tpu.memory_space<vmem>>)
      %dma_wait3A_459 = arith.constant 0 : i32
      %dma_wait3A_460 = arith.constant 0 : i32
      %dma_wait3A_461 = tpu.memref_slice %arg7[%dma_wait3A_459, %dma_wait3A_460] : memref<2x128xi32, #tpu.memory_space<vmem>> -> memref<1x128xi32, #tpu.memory_space<vmem>>
      %dma_wait3A_462 = tpu.memref_squeeze %dma_wait3A_461 : memref<1x128xi32, #tpu.memory_space<vmem>> -> memref<128xi32, #tpu.memory_space<vmem>>
      %dma_wait3A_463 = tpu.memref_slice %arg4[%mul3A_176] : memref<320000xi32, #tpu.memory_space<hbm>> -> memref<128xi32, #tpu.memory_space<hbm>>
      %dma_wait3A_464 = arith.constant 0 : i32
      %dma_wait3A_465 = tpu.memref_slice %arg7[%dma_wait3A_459, %dma_wait3A_464] : memref<2x128xi32, #tpu.memory_space<vmem>> -> memref<1x128xi32, #tpu.memory_space<vmem>>
      %dma_wait3A_466 = tpu.memref_squeeze %dma_wait3A_465 : memref<1x128xi32, #tpu.memory_space<vmem>> -> memref<128xi32, #tpu.memory_space<vmem>>
      %dma_wait3A_467 = tpu.memref_slice %arg4[%mul3A_176] : memref<320000xi32, #tpu.memory_space<hbm>> -> memref<128xi32, #tpu.memory_space<hbm>>
      tpu.wait_dma2 semaphore(%arg15 : memref<!tpu.dma_semaphore, #tpu.memory_space<semaphore_mem>>) src(%dma_wait3A_467 : memref<128xi32, #tpu.memory_space<hbm>>) dst(%dma_wait3A_466 : memref<128xi32, #tpu.memory_space<vmem>>)
      %run_scoped3A_468 = arith.constant 0 : i32
      %run_scoped3A_469 = arith.constant 0 : i32
      "tpu.region"() ({
        %run_scoped3A_511 = tpu.sem_alloc : memref<!tpu.dma_semaphore, #tpu.memory_space<semaphore_mem>>
        %dma_start3A_512 = arith.constant 0 : i32
        %dma_start3A_513 = arith.constant 0 : i32
        %dma_start3A_514 = tpu.memref_slice %arg8[%run_scoped3A_468, %dma_start3A_512, %dma_start3A_513] : memref<2x128x128xf32, #tpu.memory_space<vmem>> -> memref<1x128x128xf32, #tpu.memory_space<vmem>>
        %dma_start3A_515 = tpu.memref_squeeze %dma_start3A_514 : memref<1x128x128xf32, #tpu.memory_space<vmem>> -> memref<128x128xf32, #tpu.memory_space<vmem>>
        %dma_start3A_516 = arith.constant 0 : i32
        %dma_start3A_517 = tpu.memref_slice %arg7[%run_scoped3A_469, %dma_start3A_516] : memref<2x128xi32, #tpu.memory_space<vmem>> -> memref<1x128xi32, #tpu.memory_space<vmem>>
        %dma_start3A_518 = tpu.memref_squeeze %dma_start3A_517 : memref<1x128xi32, #tpu.memory_space<vmem>> -> memref<128xi32, #tpu.memory_space<vmem>>
        %dma_start3A_519 = arith.constant 0 : i32
        %dma_start3A_520 = arith.constant 0 : i32
        %dma_start3A_521 = tpu.memref_slice %arg12[%dma_start3A_519, %dma_start3A_520] : memref<10240x128xf32, #tpu.memory_space<vmem_shared>> -> memref<10240x128xf32, #tpu.memory_space<vmem_shared>>
        tpu.enqueue_indirect_dma source(%dma_start3A_515 : memref<128x128xf32, #tpu.memory_space<vmem>>) target(%dma_start3A_521 : memref<10240x128xf32, #tpu.memory_space<vmem_shared>>) offsets(%dma_start3A_518 : memref<128xi32, #tpu.memory_space<vmem>>) semaphore(%run_scoped3A_511 : memref<!tpu.dma_semaphore, #tpu.memory_space<semaphore_mem>>) {add = true}
        %dma_wait3A_522 = arith.constant 0 : i32
        %dma_wait3A_523 = arith.constant 0 : i32
        %dma_wait3A_524 = tpu.memref_slice %arg8[%run_scoped3A_468, %dma_wait3A_522, %dma_wait3A_523] : memref<2x128x128xf32, #tpu.memory_space<vmem>> -> memref<1x128x128xf32, #tpu.memory_space<vmem>>
        %dma_wait3A_525 = tpu.memref_squeeze %dma_wait3A_524 : memref<1x128x128xf32, #tpu.memory_space<vmem>> -> memref<128x128xf32, #tpu.memory_space<vmem>>
        %dma_wait3A_526 = arith.constant 0 : i32
        %dma_wait3A_527 = tpu.memref_slice %arg7[%run_scoped3A_469, %dma_wait3A_526] : memref<2x128xi32, #tpu.memory_space<vmem>> -> memref<1x128xi32, #tpu.memory_space<vmem>>
        %dma_wait3A_528 = tpu.memref_squeeze %dma_wait3A_527 : memref<1x128xi32, #tpu.memory_space<vmem>> -> memref<128xi32, #tpu.memory_space<vmem>>
        %dma_wait3A_529 = arith.constant 0 : i32
        %dma_wait3A_530 = arith.constant 0 : i32
        %dma_wait3A_531 = tpu.memref_slice %arg12[%dma_wait3A_529, %dma_wait3A_530] : memref<10240x128xf32, #tpu.memory_space<vmem_shared>> -> memref<10240x128xf32, #tpu.memory_space<vmem_shared>>
        tpu.wait_indirect_dma semaphore(%run_scoped3A_511 : memref<!tpu.dma_semaphore, #tpu.memory_space<semaphore_mem>>) src(%dma_wait3A_525 : memref<128x128xf32, #tpu.memory_space<vmem>>) dst(%dma_wait3A_531 : memref<10240x128xf32, #tpu.memory_space<vmem_shared>>)
        tpu.yield
      }) : () -> ()
      %add3A_470 = arith.constant 2 : i32
      %add3A_471 = arith.addi %add3A_423, %add3A_470 : i32
      %lt3A = arith.constant 78 : i32
      %lt3A_472 = arith.cmpi slt, %add3A_471, %lt3A : i32
      %convert_element_type3A = arith.extui %lt3A_472 : i1 to i32
      %cond3A = arith.constant 0 : i32
      %cond3A_473 = arith.cmpi ne, %convert_element_type3A, %cond3A : i32
      scf.if %cond3A_473 {
        %add3A_511 = arith.constant 2 : i32
        %add3A_512 = arith.addi %add3A_423, %add3A_511 : i32
        %mul3A_513 = arith.constant 128 : i32
        %mul3A_514 = arith.muli %add3A_512, %mul3A_513 : i32
        %add3A_515 = arith.addi %mul3A_176, %mul3A_514 : i32
        %dma_start3A_516 = arith.constant 0 : i32
        %dma_start3A_517 = arith.constant 0 : i32
        %dma_start3A_518 = tpu.memref_slice %arg6[%dma_start3A_516, %dma_start3A_517] : memref<2x128xi32, #tpu.memory_space<vmem>> -> memref<1x128xi32, #tpu.memory_space<vmem>>
        %dma_start3A_519 = tpu.memref_squeeze %dma_start3A_518 : memref<1x128xi32, #tpu.memory_space<vmem>> -> memref<128xi32, #tpu.memory_space<vmem>>
        %dma_start3A_520 = tpu.memref_slice %arg3[%add3A_515] : memref<320000xi32, #tpu.memory_space<hbm>> -> memref<128xi32, #tpu.memory_space<hbm>>
        %dma_start3A_521 = arith.constant 0 : i32
        %dma_start3A_522 = tpu.memref_slice %arg6[%dma_start3A_516, %dma_start3A_521] : memref<2x128xi32, #tpu.memory_space<vmem>> -> memref<1x128xi32, #tpu.memory_space<vmem>>
        %dma_start3A_523 = tpu.memref_squeeze %dma_start3A_522 : memref<1x128xi32, #tpu.memory_space<vmem>> -> memref<128xi32, #tpu.memory_space<vmem>>
        %dma_start3A_524 = tpu.memref_slice %arg3[%add3A_515] : memref<320000xi32, #tpu.memory_space<hbm>> -> memref<128xi32, #tpu.memory_space<hbm>>
        tpu.enqueue_dma source(%dma_start3A_524 : memref<128xi32, #tpu.memory_space<hbm>>) target(%dma_start3A_523 : memref<128xi32, #tpu.memory_space<vmem>>) target_semaphore(%arg13 : memref<!tpu.dma_semaphore, #tpu.memory_space<semaphore_mem>>)
        %dma_start3A_525 = arith.constant 0 : i32
        %dma_start3A_526 = arith.constant 0 : i32
        %dma_start3A_527 = tpu.memref_slice %arg7[%dma_start3A_525, %dma_start3A_526] : memref<2x128xi32, #tpu.memory_space<vmem>> -> memref<1x128xi32, #tpu.memory_space<vmem>>
        %dma_start3A_528 = tpu.memref_squeeze %dma_start3A_527 : memref<1x128xi32, #tpu.memory_space<vmem>> -> memref<128xi32, #tpu.memory_space<vmem>>
        %dma_start3A_529 = tpu.memref_slice %arg4[%add3A_515] : memref<320000xi32, #tpu.memory_space<hbm>> -> memref<128xi32, #tpu.memory_space<hbm>>
        %dma_start3A_530 = arith.constant 0 : i32
        %dma_start3A_531 = tpu.memref_slice %arg7[%dma_start3A_525, %dma_start3A_530] : memref<2x128xi32, #tpu.memory_space<vmem>> -> memref<1x128xi32, #tpu.memory_space<vmem>>
        %dma_start3A_532 = tpu.memref_squeeze %dma_start3A_531 : memref<1x128xi32, #tpu.memory_space<vmem>> -> memref<128xi32, #tpu.memory_space<vmem>>
        %dma_start3A_533 = tpu.memref_slice %arg4[%add3A_515] : memref<320000xi32, #tpu.memory_space<hbm>> -> memref<128xi32, #tpu.memory_space<hbm>>
        tpu.enqueue_dma source(%dma_start3A_533 : memref<128xi32, #tpu.memory_space<hbm>>) target(%dma_start3A_532 : memref<128xi32, #tpu.memory_space<vmem>>) target_semaphore(%arg15 : memref<!tpu.dma_semaphore, #tpu.memory_space<semaphore_mem>>)
      } else {
      }
      %add3A_474 = arith.constant 2 : i32
      %add3A_475 = arith.addi %add3A_423, %add3A_474 : i32
      %lt3A_476 = arith.constant 78 : i32
      %lt3A_477 = arith.cmpi slt, %add3A_475, %lt3A_476 : i32
      %convert_element_type3A_478 = arith.extui %lt3A_477 : i1 to i32
      %cond3A_479 = arith.constant 0 : i32
      %cond3A_480 = arith.cmpi ne, %convert_element_type3A_478, %cond3A_479 : i32
      scf.if %cond3A_480 {
        %dma_wait3A_511 = arith.constant 0 : i32
        %dma_wait3A_512 = arith.constant 0 : i32
        %dma_wait3A_513 = tpu.memref_slice %arg6[%dma_wait3A_511, %dma_wait3A_512] : memref<2x128xi32, #tpu.memory_space<vmem>> -> memref<1x128xi32, #tpu.memory_space<vmem>>
        %dma_wait3A_514 = tpu.memref_squeeze %dma_wait3A_513 : memref<1x128xi32, #tpu.memory_space<vmem>> -> memref<128xi32, #tpu.memory_space<vmem>>
        %dma_wait3A_515 = tpu.memref_slice %arg3[%mul3A_176] : memref<320000xi32, #tpu.memory_space<hbm>> -> memref<128xi32, #tpu.memory_space<hbm>>
        %dma_wait3A_516 = arith.constant 0 : i32
        %dma_wait3A_517 = tpu.memref_slice %arg6[%dma_wait3A_511, %dma_wait3A_516] : memref<2x128xi32, #tpu.memory_space<vmem>> -> memref<1x128xi32, #tpu.memory_space<vmem>>
        %dma_wait3A_518 = tpu.memref_squeeze %dma_wait3A_517 : memref<1x128xi32, #tpu.memory_space<vmem>> -> memref<128xi32, #tpu.memory_space<vmem>>
        %dma_wait3A_519 = tpu.memref_slice %arg3[%mul3A_176] : memref<320000xi32, #tpu.memory_space<hbm>> -> memref<128xi32, #tpu.memory_space<hbm>>
        tpu.wait_dma2 semaphore(%arg13 : memref<!tpu.dma_semaphore, #tpu.memory_space<semaphore_mem>>) src(%dma_wait3A_519 : memref<128xi32, #tpu.memory_space<hbm>>) dst(%dma_wait3A_518 : memref<128xi32, #tpu.memory_space<vmem>>)
        %dma_start3A_520 = arith.constant 0 : i32
        %dma_start3A_521 = arith.constant 0 : i32
        %dma_start3A_522 = arith.constant 0 : i32
        %dma_start3A_523 = arith.constant 0 : i32
        %dma_start3A_524 = tpu.memref_slice %arg8[%dma_start3A_521, %dma_start3A_522, %dma_start3A_523] : memref<2x128x128xf32, #tpu.memory_space<vmem>> -> memref<1x128x128xf32, #tpu.memory_space<vmem>>
        %dma_start3A_525 = tpu.memref_squeeze %dma_start3A_524 : memref<1x128x128xf32, #tpu.memory_space<vmem>> -> memref<128x128xf32, #tpu.memory_space<vmem>>
        %dma_start3A_526 = arith.constant 0 : i32
        %dma_start3A_527 = tpu.memref_slice %arg6[%dma_start3A_520, %dma_start3A_526] : memref<2x128xi32, #tpu.memory_space<vmem>> -> memref<1x128xi32, #tpu.memory_space<vmem>>
        %dma_start3A_528 = tpu.memref_squeeze %dma_start3A_527 : memref<1x128xi32, #tpu.memory_space<vmem>> -> memref<128xi32, #tpu.memory_space<vmem>>
        %dma_start3A_529 = arith.constant 0 : i32
        %dma_start3A_530 = arith.constant 0 : i32
        %dma_start3A_531 = tpu.memref_slice %arg2[%dma_start3A_529, %dma_start3A_530] : memref<10000x128xf32, #tpu.memory_space<hbm>> -> memref<10000x128xf32, #tpu.memory_space<hbm>>
        tpu.enqueue_indirect_dma source(%dma_start3A_531 : memref<10000x128xf32, #tpu.memory_space<hbm>>) target(%dma_start3A_525 : memref<128x128xf32, #tpu.memory_space<vmem>>) offsets(%dma_start3A_528 : memref<128xi32, #tpu.memory_space<vmem>>) semaphore(%arg17 : memref<!tpu.dma_semaphore, #tpu.memory_space<semaphore_mem>>)
      } else {
      }
      %dma_wait3A_481 = arith.constant 1 : i32
      %dma_wait3A_482 = arith.constant 1 : i32
      %dma_wait3A_483 = arith.constant 0 : i32
      %dma_wait3A_484 = arith.constant 0 : i32
      %dma_wait3A_485 = tpu.memref_slice %arg8[%dma_wait3A_482, %dma_wait3A_483, %dma_wait3A_484] : memref<2x128x128xf32, #tpu.memory_space<vmem>> -> memref<1x128x128xf32, #tpu.memory_space<vmem>>
      %dma_wait3A_486 = tpu.memref_squeeze %dma_wait3A_485 : memref<1x128x128xf32, #tpu.memory_space<vmem>> -> memref<128x128xf32, #tpu.memory_space<vmem>>
      %dma_wait3A_487 = arith.constant 0 : i32
      %dma_wait3A_488 = tpu.memref_slice %arg6[%dma_wait3A_481, %dma_wait3A_487] : memref<2x128xi32, #tpu.memory_space<vmem>> -> memref<1x128xi32, #tpu.memory_space<vmem>>
      %dma_wait3A_489 = tpu.memref_squeeze %dma_wait3A_488 : memref<1x128xi32, #tpu.memory_space<vmem>> -> memref<128xi32, #tpu.memory_space<vmem>>
      %dma_wait3A_490 = arith.constant 0 : i32
      %dma_wait3A_491 = arith.constant 0 : i32
      %dma_wait3A_492 = tpu.memref_slice %arg2[%dma_wait3A_490, %dma_wait3A_491] : memref<10000x128xf32, #tpu.memory_space<hbm>> -> memref<10000x128xf32, #tpu.memory_space<hbm>>
      tpu.wait_indirect_dma semaphore(%arg18 : memref<!tpu.dma_semaphore, #tpu.memory_space<semaphore_mem>>) src(%dma_wait3A_492 : memref<10000x128xf32, #tpu.memory_space<hbm>>) dst(%dma_wait3A_486 : memref<128x128xf32, #tpu.memory_space<vmem>>)
      %dma_wait3A_493 = arith.constant 1 : i32
      %dma_wait3A_494 = arith.constant 0 : i32
      %dma_wait3A_495 = tpu.memref_slice %arg7[%dma_wait3A_493, %dma_wait3A_494] : memref<2x128xi32, #tpu.memory_space<vmem>> -> memref<1x128xi32, #tpu.memory_space<vmem>>
      %dma_wait3A_496 = tpu.memref_squeeze %dma_wait3A_495 : memref<1x128xi32, #tpu.memory_space<vmem>> -> memref<128xi32, #tpu.memory_space<vmem>>
      %dma_wait3A_497 = tpu.memref_slice %arg4[%mul3A_176] : memref<320000xi32, #tpu.memory_space<hbm>> -> memref<128xi32, #tpu.memory_space<hbm>>
      %dma_wait3A_498 = arith.constant 0 : i32
      %dma_wait3A_499 = tpu.memref_slice %arg7[%dma_wait3A_493, %dma_wait3A_498] : memref<2x128xi32, #tpu.memory_space<vmem>> -> memref<1x128xi32, #tpu.memory_space<vmem>>
      %dma_wait3A_500 = tpu.memref_squeeze %dma_wait3A_499 : memref<1x128xi32, #tpu.memory_space<vmem>> -> memref<128xi32, #tpu.memory_space<vmem>>
      %dma_wait3A_501 = tpu.memref_slice %arg4[%mul3A_176] : memref<320000xi32, #tpu.memory_space<hbm>> -> memref<128xi32, #tpu.memory_space<hbm>>
      tpu.wait_dma2 semaphore(%arg16 : memref<!tpu.dma_semaphore, #tpu.memory_space<semaphore_mem>>) src(%dma_wait3A_501 : memref<128xi32, #tpu.memory_space<hbm>>) dst(%dma_wait3A_500 : memref<128xi32, #tpu.memory_space<vmem>>)
      %run_scoped3A_502 = arith.constant 1 : i32
      %run_scoped3A_503 = arith.constant 1 : i32
      "tpu.region"() ({
        %run_scoped3A_511 = tpu.sem_alloc : memref<!tpu.dma_semaphore, #tpu.memory_space<semaphore_mem>>
        %dma_start3A_512 = arith.constant 0 : i32
        %dma_start3A_513 = arith.constant 0 : i32
        %dma_start3A_514 = tpu.memref_slice %arg8[%run_scoped3A_502, %dma_start3A_512, %dma_start3A_513] : memref<2x128x128xf32, #tpu.memory_space<vmem>> -> memref<1x128x128xf32, #tpu.memory_space<vmem>>
        %dma_start3A_515 = tpu.memref_squeeze %dma_start3A_514 : memref<1x128x128xf32, #tpu.memory_space<vmem>> -> memref<128x128xf32, #tpu.memory_space<vmem>>
        %dma_start3A_516 = arith.constant 0 : i32
        %dma_start3A_517 = tpu.memref_slice %arg7[%run_scoped3A_503, %dma_start3A_516] : memref<2x128xi32, #tpu.memory_space<vmem>> -> memref<1x128xi32, #tpu.memory_space<vmem>>
        %dma_start3A_518 = tpu.memref_squeeze %dma_start3A_517 : memref<1x128xi32, #tpu.memory_space<vmem>> -> memref<128xi32, #tpu.memory_space<vmem>>
        %dma_start3A_519 = arith.constant 0 : i32
        %dma_start3A_520 = arith.constant 0 : i32
        %dma_start3A_521 = tpu.memref_slice %arg12[%dma_start3A_519, %dma_start3A_520] : memref<10240x128xf32, #tpu.memory_space<vmem_shared>> -> memref<10240x128xf32, #tpu.memory_space<vmem_shared>>
        tpu.enqueue_indirect_dma source(%dma_start3A_515 : memref<128x128xf32, #tpu.memory_space<vmem>>) target(%dma_start3A_521 : memref<10240x128xf32, #tpu.memory_space<vmem_shared>>) offsets(%dma_start3A_518 : memref<128xi32, #tpu.memory_space<vmem>>) semaphore(%run_scoped3A_511 : memref<!tpu.dma_semaphore, #tpu.memory_space<semaphore_mem>>) {add = true}
        %dma_wait3A_522 = arith.constant 0 : i32
        %dma_wait3A_523 = arith.constant 0 : i32
        %dma_wait3A_524 = tpu.memref_slice %arg8[%run_scoped3A_502, %dma_wait3A_522, %dma_wait3A_523] : memref<2x128x128xf32, #tpu.memory_space<vmem>> -> memref<1x128x128xf32, #tpu.memory_space<vmem>>
        %dma_wait3A_525 = tpu.memref_squeeze %dma_wait3A_524 : memref<1x128x128xf32, #tpu.memory_space<vmem>> -> memref<128x128xf32, #tpu.memory_space<vmem>>
        %dma_wait3A_526 = arith.constant 0 : i32
        %dma_wait3A_527 = tpu.memref_slice %arg7[%run_scoped3A_503, %dma_wait3A_526] : memref<2x128xi32, #tpu.memory_space<vmem>> -> memref<1x128xi32, #tpu.memory_space<vmem>>
        %dma_wait3A_528 = tpu.memref_squeeze %dma_wait3A_527 : memref<1x128xi32, #tpu.memory_space<vmem>> -> memref<128xi32, #tpu.memory_space<vmem>>
        %dma_wait3A_529 = arith.constant 0 : i32
        %dma_wait3A_530 = arith.constant 0 : i32
        %dma_wait3A_531 = tpu.memref_slice %arg12[%dma_wait3A_529, %dma_wait3A_530] : memref<10240x128xf32, #tpu.memory_space<vmem_shared>> -> memref<10240x128xf32, #tpu.memory_space<vmem_shared>>
        tpu.wait_indirect_dma semaphore(%run_scoped3A_511 : memref<!tpu.dma_semaphore, #tpu.memory_space<semaphore_mem>>) src(%dma_wait3A_525 : memref<128x128xf32, #tpu.memory_space<vmem>>) dst(%dma_wait3A_531 : memref<10240x128xf32, #tpu.memory_space<vmem_shared>>)
        tpu.yield
      }) : () -> ()
      %add3A_504 = arith.constant 3 : i32
      %add3A_505 = arith.addi %add3A_423, %add3A_504 : i32
      %lt3A_506 = arith.constant 78 : i32
      %lt3A_507 = arith.cmpi slt, %add3A_505, %lt3A_506 : i32
      %convert_element_type3A_508 = arith.extui %lt3A_507 : i1 to i32
      %cond3A_509 = arith.constant 0 : i32
      %cond3A_510 = arith.cmpi ne, %convert_element_type3A_508, %cond3A_509 : i32
      scf.if %cond3A_510 {
        %add3A_511 = arith.constant 3 : i32
        %add3A_512 = arith.addi %add3A_423, %add3A_511 : i32
        %mul3A_513 = arith.constant 128 : i32
        %mul3A_514 = arith.muli %add3A_512, %mul3A_513 : i32
        %add3A_515 = arith.addi %mul3A_176, %mul3A_514 : i32
        %dma_start3A_516 = arith.constant 1 : i32
        %dma_start3A_517 = arith.constant 0 : i32
        %dma_start3A_518 = tpu.memref_slice %arg6[%dma_start3A_516, %dma_start3A_517] : memref<2x128xi32, #tpu.memory_space<vmem>> -> memref<1x128xi32, #tpu.memory_space<vmem>>
        %dma_start3A_519 = tpu.memref_squeeze %dma_start3A_518 : memref<1x128xi32, #tpu.memory_space<vmem>> -> memref<128xi32, #tpu.memory_space<vmem>>
        %dma_start3A_520 = tpu.memref_slice %arg3[%add3A_515] : memref<320000xi32, #tpu.memory_space<hbm>> -> memref<128xi32, #tpu.memory_space<hbm>>
        %dma_start3A_521 = arith.constant 0 : i32
        %dma_start3A_522 = tpu.memref_slice %arg6[%dma_start3A_516, %dma_start3A_521] : memref<2x128xi32, #tpu.memory_space<vmem>> -> memref<1x128xi32, #tpu.memory_space<vmem>>
        %dma_start3A_523 = tpu.memref_squeeze %dma_start3A_522 : memref<1x128xi32, #tpu.memory_space<vmem>> -> memref<128xi32, #tpu.memory_space<vmem>>
        %dma_start3A_524 = tpu.memref_slice %arg3[%add3A_515] : memref<320000xi32, #tpu.memory_space<hbm>> -> memref<128xi32, #tpu.memory_space<hbm>>
        tpu.enqueue_dma source(%dma_start3A_524 : memref<128xi32, #tpu.memory_space<hbm>>) target(%dma_start3A_523 : memref<128xi32, #tpu.memory_space<vmem>>) target_semaphore(%arg14 : memref<!tpu.dma_semaphore, #tpu.memory_space<semaphore_mem>>)
        %dma_start3A_525 = arith.constant 1 : i32
        %dma_start3A_526 = arith.constant 0 : i32
        %dma_start3A_527 = tpu.memref_slice %arg7[%dma_start3A_525, %dma_start3A_526] : memref<2x128xi32, #tpu.memory_space<vmem>> -> memref<1x128xi32, #tpu.memory_space<vmem>>
        %dma_start3A_528 = tpu.memref_squeeze %dma_start3A_527 : memref<1x128xi32, #tpu.memory_space<vmem>> -> memref<128xi32, #tpu.memory_space<vmem>>
        %dma_start3A_529 = tpu.memref_slice %arg4[%add3A_515] : memref<320000xi32, #tpu.memory_space<hbm>> -> memref<128xi32, #tpu.memory_space<hbm>>
        %dma_start3A_530 = arith.constant 0 : i32
        %dma_start3A_531 = tpu.memref_slice %arg7[%dma_start3A_525, %dma_start3A_530] : memref<2x128xi32, #tpu.memory_space<vmem>> -> memref<1x128xi32, #tpu.memory_space<vmem>>
        %dma_start3A_532 = tpu.memref_squeeze %dma_start3A_531 : memref<1x128xi32, #tpu.memory_space<vmem>> -> memref<128xi32, #tpu.memory_space<vmem>>
        %dma_start3A_533 = tpu.memref_slice %arg4[%add3A_515] : memref<320000xi32, #tpu.memory_space<hbm>> -> memref<128xi32, #tpu.memory_space<hbm>>
        tpu.enqueue_dma source(%dma_start3A_533 : memref<128xi32, #tpu.memory_space<hbm>>) target(%dma_start3A_532 : memref<128xi32, #tpu.memory_space<vmem>>) target_semaphore(%arg16 : memref<!tpu.dma_semaphore, #tpu.memory_space<semaphore_mem>>)
      } else {
      }
    }
    %scan3A_242 = arith.constant 39 : i32
    %add3A_243 = arith.constant 9984 : i32
    %add3A_244 = arith.addi %mul3A_176, %add3A_243 : i32
    %run_scoped3A = arith.constant 0 : i32
    "tpu.region"() ({
      %run_scoped3A_419 = tpu.sem_alloc : memref<!tpu.dma_semaphore, #tpu.memory_space<semaphore_mem>>
      %dma_start3A_420 = arith.constant 0 : i32
      %dma_start3A_421 = tpu.memref_slice %arg9[%run_scoped3A, %dma_start3A_420] : memref<1x16xi32, #tpu.memory_space<vmem>> -> memref<1x16xi32, #tpu.memory_space<vmem>>
      %dma_start3A_422 = tpu.memref_squeeze %dma_start3A_421 : memref<1x16xi32, #tpu.memory_space<vmem>> -> memref<16xi32, #tpu.memory_space<vmem>>
      %dma_start3A_423 = tpu.memref_slice %arg3[%add3A_244] : memref<320000xi32, #tpu.memory_space<hbm>> -> memref<16xi32, #tpu.memory_space<hbm>>
      %dma_start3A_424 = arith.constant 0 : i32
      %dma_start3A_425 = tpu.memref_slice %arg9[%run_scoped3A, %dma_start3A_424] : memref<1x16xi32, #tpu.memory_space<vmem>> -> memref<1x16xi32, #tpu.memory_space<vmem>>
      %dma_start3A_426 = tpu.memref_squeeze %dma_start3A_425 : memref<1x16xi32, #tpu.memory_space<vmem>> -> memref<16xi32, #tpu.memory_space<vmem>>
      %dma_start3A_427 = tpu.memref_slice %arg3[%add3A_244] : memref<320000xi32, #tpu.memory_space<hbm>> -> memref<16xi32, #tpu.memory_space<hbm>>
      tpu.enqueue_dma source(%dma_start3A_427 : memref<16xi32, #tpu.memory_space<hbm>>) target(%dma_start3A_426 : memref<16xi32, #tpu.memory_space<vmem>>) target_semaphore(%run_scoped3A_419 : memref<!tpu.dma_semaphore, #tpu.memory_space<semaphore_mem>>)
      %dma_wait3A_428 = arith.constant 0 : i32
      %dma_wait3A_429 = tpu.memref_slice %arg9[%run_scoped3A, %dma_wait3A_428] : memref<1x16xi32, #tpu.memory_space<vmem>> -> memref<1x16xi32, #tpu.memory_space<vmem>>
      %dma_wait3A_430 = tpu.memref_squeeze %dma_wait3A_429 : memref<1x16xi32, #tpu.memory_space<vmem>> -> memref<16xi32, #tpu.memory_space<vmem>>
      %dma_wait3A_431 = tpu.memref_slice %arg3[%add3A_244] : memref<320000xi32, #tpu.memory_space<hbm>> -> memref<16xi32, #tpu.memory_space<hbm>>
      %dma_wait3A_432 = arith.constant 0 : i32
      %dma_wait3A_433 = tpu.memref_slice %arg9[%run_scoped3A, %dma_wait3A_432] : memref<1x16xi32, #tpu.memory_space<vmem>> -> memref<1x16xi32, #tpu.memory_space<vmem>>
      %dma_wait3A_434 = tpu.memref_squeeze %dma_wait3A_433 : memref<1x16xi32, #tpu.memory_space<vmem>> -> memref<16xi32, #tpu.memory_space<vmem>>
      %dma_wait3A_435 = tpu.memref_slice %arg3[%add3A_244] : memref<320000xi32, #tpu.memory_space<hbm>> -> memref<16xi32, #tpu.memory_space<hbm>>
      tpu.wait_dma2 semaphore(%run_scoped3A_419 : memref<!tpu.dma_semaphore, #tpu.memory_space<semaphore_mem>>) src(%dma_wait3A_435 : memref<16xi32, #tpu.memory_space<hbm>>) dst(%dma_wait3A_434 : memref<16xi32, #tpu.memory_space<vmem>>)
      tpu.yield
    }) : () -> ()
    %run_scoped3A_245 = arith.constant 0 : i32
    "tpu.region"() ({
      %run_scoped3A_419 = tpu.sem_alloc : memref<!tpu.dma_semaphore, #tpu.memory_space<semaphore_mem>>
      %dma_start3A_420 = arith.constant 0 : i32
      %dma_start3A_421 = tpu.memref_slice %arg10[%run_scoped3A_245, %dma_start3A_420] : memref<1x16xi32, #tpu.memory_space<vmem>> -> memref<1x16xi32, #tpu.memory_space<vmem>>
      %dma_start3A_422 = tpu.memref_squeeze %dma_start3A_421 : memref<1x16xi32, #tpu.memory_space<vmem>> -> memref<16xi32, #tpu.memory_space<vmem>>
      %dma_start3A_423 = tpu.memref_slice %arg4[%add3A_244] : memref<320000xi32, #tpu.memory_space<hbm>> -> memref<16xi32, #tpu.memory_space<hbm>>
      %dma_start3A_424 = arith.constant 0 : i32
      %dma_start3A_425 = tpu.memref_slice %arg10[%run_scoped3A_245, %dma_start3A_424] : memref<1x16xi32, #tpu.memory_space<vmem>> -> memref<1x16xi32, #tpu.memory_space<vmem>>
      %dma_start3A_426 = tpu.memref_squeeze %dma_start3A_425 : memref<1x16xi32, #tpu.memory_space<vmem>> -> memref<16xi32, #tpu.memory_space<vmem>>
      %dma_start3A_427 = tpu.memref_slice %arg4[%add3A_244] : memref<320000xi32, #tpu.memory_space<hbm>> -> memref<16xi32, #tpu.memory_space<hbm>>
      tpu.enqueue_dma source(%dma_start3A_427 : memref<16xi32, #tpu.memory_space<hbm>>) target(%dma_start3A_426 : memref<16xi32, #tpu.memory_space<vmem>>) target_semaphore(%run_scoped3A_419 : memref<!tpu.dma_semaphore, #tpu.memory_space<semaphore_mem>>)
      %dma_wait3A_428 = arith.constant 0 : i32
      %dma_wait3A_429 = tpu.memref_slice %arg10[%run_scoped3A_245, %dma_wait3A_428] : memref<1x16xi32, #tpu.memory_space<vmem>> -> memref<1x16xi32, #tpu.memory_space<vmem>>
      %dma_wait3A_430 = tpu.memref_squeeze %dma_wait3A_429 : memref<1x16xi32, #tpu.memory_space<vmem>> -> memref<16xi32, #tpu.memory_space<vmem>>
      %dma_wait3A_431 = tpu.memref_slice %arg4[%add3A_244] : memref<320000xi32, #tpu.memory_space<hbm>> -> memref<16xi32, #tpu.memory_space<hbm>>
      %dma_wait3A_432 = arith.constant 0 : i32
      %dma_wait3A_433 = tpu.memref_slice %arg10[%run_scoped3A_245, %dma_wait3A_432] : memref<1x16xi32, #tpu.memory_space<vmem>> -> memref<1x16xi32, #tpu.memory_space<vmem>>
      %dma_wait3A_434 = tpu.memref_squeeze %dma_wait3A_433 : memref<1x16xi32, #tpu.memory_space<vmem>> -> memref<16xi32, #tpu.memory_space<vmem>>
      %dma_wait3A_435 = tpu.memref_slice %arg4[%add3A_244] : memref<320000xi32, #tpu.memory_space<hbm>> -> memref<16xi32, #tpu.memory_space<hbm>>
      tpu.wait_dma2 semaphore(%run_scoped3A_419 : memref<!tpu.dma_semaphore, #tpu.memory_space<semaphore_mem>>) src(%dma_wait3A_435 : memref<16xi32, #tpu.memory_space<hbm>>) dst(%dma_wait3A_434 : memref<16xi32, #tpu.memory_space<vmem>>)
      tpu.yield
    }) : () -> ()
    %run_scoped3A_246 = arith.constant 0 : i32
    "tpu.region"() ({
      %run_scoped3A_419 = tpu.sem_alloc : memref<!tpu.dma_semaphore, #tpu.memory_space<semaphore_mem>>
      %dma_start3A_420 = arith.constant 0 : i32
      %dma_start3A_421 = tpu.memref_slice %arg9[%run_scoped3A_246, %dma_start3A_420] : memref<1x16xi32, #tpu.memory_space<vmem>> -> memref<1x16xi32, #tpu.memory_space<vmem>>
      %dma_start3A_422 = tpu.memref_squeeze %dma_start3A_421 : memref<1x16xi32, #tpu.memory_space<vmem>> -> memref<16xi32, #tpu.memory_space<vmem>>
      %dma_start3A_423 = arith.constant 0 : i32
      %dma_start3A_424 = arith.constant 0 : i32
      %dma_start3A_425 = tpu.memref_slice %arg2[%dma_start3A_423, %dma_start3A_424] : memref<10000x128xf32, #tpu.memory_space<hbm>> -> memref<10000x128xf32, #tpu.memory_space<hbm>>
      tpu.enqueue_indirect_dma source(%dma_start3A_425 : memref<10000x128xf32, #tpu.memory_space<hbm>>) target(%arg11 : memref<16x128xf32, #tpu.memory_space<vmem>>) offsets(%dma_start3A_422 : memref<16xi32, #tpu.memory_space<vmem>>) semaphore(%run_scoped3A_419 : memref<!tpu.dma_semaphore, #tpu.memory_space<semaphore_mem>>)
      %dma_wait3A_426 = arith.constant 0 : i32
      %dma_wait3A_427 = tpu.memref_slice %arg9[%run_scoped3A_246, %dma_wait3A_426] : memref<1x16xi32, #tpu.memory_space<vmem>> -> memref<1x16xi32, #tpu.memory_space<vmem>>
      %dma_wait3A_428 = tpu.memref_squeeze %dma_wait3A_427 : memref<1x16xi32, #tpu.memory_space<vmem>> -> memref<16xi32, #tpu.memory_space<vmem>>
      %dma_wait3A_429 = arith.constant 0 : i32
      %dma_wait3A_430 = arith.constant 0 : i32
      %dma_wait3A_431 = tpu.memref_slice %arg2[%dma_wait3A_429, %dma_wait3A_430] : memref<10000x128xf32, #tpu.memory_space<hbm>> -> memref<10000x128xf32, #tpu.memory_space<hbm>>
      tpu.wait_indirect_dma semaphore(%run_scoped3A_419 : memref<!tpu.dma_semaphore, #tpu.memory_space<semaphore_mem>>) src(%dma_wait3A_431 : memref<10000x128xf32, #tpu.memory_space<hbm>>) dst(%arg11 : memref<16x128xf32, #tpu.memory_space<vmem>>)
      tpu.yield
    }) : () -> ()
    %run_scoped3A_247 = arith.constant 0 : i32
    "tpu.region"() ({
      %run_scoped3A_419 = tpu.sem_alloc : memref<!tpu.dma_semaphore, #tpu.memory_space<semaphore_mem>>
      %dma_start3A_420 = arith.constant 0 : i32
      %dma_start3A_421 = tpu.memref_slice %arg10[%run_scoped3A_247, %dma_start3A_420] : memref<1x16xi32, #tpu.memory_space<vmem>> -> memref<1x16xi32, #tpu.memory_space<vmem>>
      %dma_start3A_422 = tpu.memref_squeeze %dma_start3A_421 : memref<1x16xi32, #tpu.memory_space<vmem>> -> memref<16xi32, #tpu.memory_space<vmem>>
      %dma_start3A_423 = arith.constant 0 : i32
      %dma_start3A_424 = arith.constant 0 : i32
      %dma_start3A_425 = tpu.memref_slice %arg12[%dma_start3A_423, %dma_start3A_424] : memref<10240x128xf32, #tpu.memory_space<vmem_shared>> -> memref<10240x128xf32, #tpu.memory_space<vmem_shared>>
      tpu.enqueue_indirect_dma source(%arg11 : memref<16x128xf32, #tpu.memory_space<vmem>>) target(%dma_start3A_425 : memref<10240x128xf32, #tpu.memory_space<vmem_shared>>) offsets(%dma_start3A_422 : memref<16xi32, #tpu.memory_space<vmem>>) semaphore(%run_scoped3A_419 : memref<!tpu.dma_semaphore, #tpu.memory_space<semaphore_mem>>) {add = true}
      %dma_wait3A_426 = arith.constant 0 : i32
      %dma_wait3A_427 = tpu.memref_slice %arg10[%run_scoped3A_247, %dma_wait3A_426] : memref<1x16xi32, #tpu.memory_space<vmem>> -> memref<1x16xi32, #tpu.memory_space<vmem>>
      %dma_wait3A_428 = tpu.memref_squeeze %dma_wait3A_427 : memref<1x16xi32, #tpu.memory_space<vmem>> -> memref<16xi32, #tpu.memory_space<vmem>>
      %dma_wait3A_429 = arith.constant 0 : i32
      %dma_wait3A_430 = arith.constant 0 : i32
      %dma_wait3A_431 = tpu.memref_slice %arg12[%dma_wait3A_429, %dma_wait3A_430] : memref<10240x128xf32, #tpu.memory_space<vmem_shared>> -> memref<10240x128xf32, #tpu.memory_space<vmem_shared>>
      tpu.wait_indirect_dma semaphore(%run_scoped3A_419 : memref<!tpu.dma_semaphore, #tpu.memory_space<semaphore_mem>>) src(%arg11 : memref<16x128xf32, #tpu.memory_space<vmem>>) dst(%dma_wait3A_431 : memref<10240x128xf32, #tpu.memory_space<vmem_shared>>)
      tpu.yield
    }) : () -> ()
    %barrier3A_248 = arith.constant 0 : index
    tpu.barrier barrier_id(%barrier3A_248)
    %mul3A_249 = arith.constant 640 : i32
    %mul3A_250 = arith.muli %arg1, %mul3A_249 : i32
    %mul3A_251 = arith.constant 10240 : i32
    %mul3A_252 = arith.muli %arg0, %mul3A_251 : i32
    %mul3A_253 = arith.constant 640 : i32
    %mul3A_254 = arith.muli %arg1, %mul3A_253 : i32
    %add3A_255 = arith.addi %mul3A_252, %mul3A_254 : i32
    %dma_start3A_256 = arith.constant 0 : i32
    %dma_start3A_257 = arith.constant 0 : i32
    %dma_start3A_258 = arith.constant 0 : i32
    %dma_start3A_259 = tpu.memref_slice %arg8[%dma_start3A_256, %dma_start3A_257, %dma_start3A_258] : memref<2x128x128xf32, #tpu.memory_space<vmem>> -> memref<1x128x128xf32, #tpu.memory_space<vmem>>
    %dma_start3A_260 = tpu.memref_squeeze %dma_start3A_259 : memref<1x128x128xf32, #tpu.memory_space<vmem>> -> memref<128x128xf32, #tpu.memory_space<vmem>>
    %dma_start3A_261 = arith.constant 0 : i32
    %dma_start3A_262 = tpu.memref_slice %arg12[%mul3A_250, %dma_start3A_261] : memref<10240x128xf32, #tpu.memory_space<vmem_shared>> -> memref<128x128xf32, #tpu.memory_space<vmem_shared>>
    %dma_start3A_263 = arith.constant 0 : i32
    %dma_start3A_264 = arith.constant 0 : i32
    %dma_start3A_265 = tpu.memref_slice %arg8[%dma_start3A_256, %dma_start3A_263, %dma_start3A_264] : memref<2x128x128xf32, #tpu.memory_space<vmem>> -> memref<1x128x128xf32, #tpu.memory_space<vmem>>
    %dma_start3A_266 = tpu.memref_squeeze %dma_start3A_265 : memref<1x128x128xf32, #tpu.memory_space<vmem>> -> memref<128x128xf32, #tpu.memory_space<vmem>>
    %dma_start3A_267 = arith.constant 0 : i32
    %dma_start3A_268 = tpu.memref_slice %arg12[%mul3A_250, %dma_start3A_267] : memref<10240x128xf32, #tpu.memory_space<vmem_shared>> -> memref<128x128xf32, #tpu.memory_space<vmem_shared>>
    tpu.enqueue_dma source(%dma_start3A_268 : memref<128x128xf32, #tpu.memory_space<vmem_shared>>) target(%dma_start3A_266 : memref<128x128xf32, #tpu.memory_space<vmem>>) target_semaphore(%arg17 : memref<!tpu.dma_semaphore, #tpu.memory_space<semaphore_mem>>)
    %add3A_269 = arith.constant 128 : i32
    %add3A_270 = arith.addi %mul3A_250, %add3A_269 : i32
    %dma_start3A_271 = arith.constant 1 : i32
    %dma_start3A_272 = arith.constant 0 : i32
    %dma_start3A_273 = arith.constant 0 : i32
    %dma_start3A_274 = tpu.memref_slice %arg8[%dma_start3A_271, %dma_start3A_272, %dma_start3A_273] : memref<2x128x128xf32, #tpu.memory_space<vmem>> -> memref<1x128x128xf32, #tpu.memory_space<vmem>>
    %dma_start3A_275 = tpu.memref_squeeze %dma_start3A_274 : memref<1x128x128xf32, #tpu.memory_space<vmem>> -> memref<128x128xf32, #tpu.memory_space<vmem>>
    %dma_start3A_276 = arith.constant 0 : i32
    %dma_start3A_277 = tpu.memref_slice %arg12[%add3A_270, %dma_start3A_276] : memref<10240x128xf32, #tpu.memory_space<vmem_shared>> -> memref<128x128xf32, #tpu.memory_space<vmem_shared>>
    %dma_start3A_278 = arith.constant 0 : i32
    %dma_start3A_279 = arith.constant 0 : i32
    %dma_start3A_280 = tpu.memref_slice %arg8[%dma_start3A_271, %dma_start3A_278, %dma_start3A_279] : memref<2x128x128xf32, #tpu.memory_space<vmem>> -> memref<1x128x128xf32, #tpu.memory_space<vmem>>
    %dma_start3A_281 = tpu.memref_squeeze %dma_start3A_280 : memref<1x128x128xf32, #tpu.memory_space<vmem>> -> memref<128x128xf32, #tpu.memory_space<vmem>>
    %dma_start3A_282 = arith.constant 0 : i32
    %dma_start3A_283 = tpu.memref_slice %arg12[%add3A_270, %dma_start3A_282] : memref<10240x128xf32, #tpu.memory_space<vmem_shared>> -> memref<128x128xf32, #tpu.memory_space<vmem_shared>>
    tpu.enqueue_dma source(%dma_start3A_283 : memref<128x128xf32, #tpu.memory_space<vmem_shared>>) target(%dma_start3A_281 : memref<128x128xf32, #tpu.memory_space<vmem>>) target_semaphore(%arg18 : memref<!tpu.dma_semaphore, #tpu.memory_space<semaphore_mem>>)
    %add3A_284 = arith.constant 0 : i32
    %add3A_285 = arith.addi %mul3A_250, %add3A_284 : i32
    %dma_wait3A_286 = arith.constant 0 : i32
    %dma_wait3A_287 = arith.constant 0 : i32
    %dma_wait3A_288 = arith.constant 0 : i32
    %dma_wait3A_289 = tpu.memref_slice %arg8[%dma_wait3A_286, %dma_wait3A_287, %dma_wait3A_288] : memref<2x128x128xf32, #tpu.memory_space<vmem>> -> memref<1x128x128xf32, #tpu.memory_space<vmem>>
    %dma_wait3A_290 = tpu.memref_squeeze %dma_wait3A_289 : memref<1x128x128xf32, #tpu.memory_space<vmem>> -> memref<128x128xf32, #tpu.memory_space<vmem>>
    %dma_wait3A_291 = arith.constant 0 : i32
    %dma_wait3A_292 = tpu.memref_slice %arg12[%add3A_285, %dma_wait3A_291] : memref<10240x128xf32, #tpu.memory_space<vmem_shared>> -> memref<128x128xf32, #tpu.memory_space<vmem_shared>>
    %dma_wait3A_293 = arith.constant 0 : i32
    %dma_wait3A_294 = arith.constant 0 : i32
    %dma_wait3A_295 = tpu.memref_slice %arg8[%dma_wait3A_286, %dma_wait3A_293, %dma_wait3A_294] : memref<2x128x128xf32, #tpu.memory_space<vmem>> -> memref<1x128x128xf32, #tpu.memory_space<vmem>>
    %dma_wait3A_296 = tpu.memref_squeeze %dma_wait3A_295 : memref<1x128x128xf32, #tpu.memory_space<vmem>> -> memref<128x128xf32, #tpu.memory_space<vmem>>
    %dma_wait3A_297 = arith.constant 0 : i32
    %dma_wait3A_298 = tpu.memref_slice %arg12[%add3A_285, %dma_wait3A_297] : memref<10240x128xf32, #tpu.memory_space<vmem_shared>> -> memref<128x128xf32, #tpu.memory_space<vmem_shared>>
    tpu.wait_dma2 semaphore(%arg17 : memref<!tpu.dma_semaphore, #tpu.memory_space<semaphore_mem>>) src(%dma_wait3A_298 : memref<128x128xf32, #tpu.memory_space<vmem_shared>>) dst(%dma_wait3A_296 : memref<128x128xf32, #tpu.memory_space<vmem>>)
    %add3A_299 = arith.constant 0 : i32
    %add3A_300 = arith.addi %add3A_255, %add3A_299 : i32
    %run_scoped3A_301 = arith.constant 0 : i32
    "tpu.region"() ({
      %run_scoped3A_419 = tpu.sem_alloc : memref<!tpu.dma_semaphore, #tpu.memory_space<semaphore_mem>>
      %dma_start3A_420 = arith.constant 0 : i32
      %dma_start3A_421 = arith.constant 0 : i32
      %dma_start3A_422 = tpu.memref_slice %arg8[%run_scoped3A_301, %dma_start3A_420, %dma_start3A_421] : memref<2x128x128xf32, #tpu.memory_space<vmem>> -> memref<1x128x128xf32, #tpu.memory_space<vmem>>
      %dma_start3A_423 = tpu.memref_squeeze %dma_start3A_422 : memref<1x128x128xf32, #tpu.memory_space<vmem>> -> memref<128x128xf32, #tpu.memory_space<vmem>>
      %dma_start3A_424 = arith.constant 0 : i32
      %dma_start3A_425 = tpu.memref_slice %arg5[%add3A_300, %dma_start3A_424] : memref<20480x128xf32, #tpu.memory_space<hbm>> -> memref<128x128xf32, #tpu.memory_space<hbm>>
      %dma_start3A_426 = arith.constant 0 : i32
      %dma_start3A_427 = tpu.memref_slice %arg5[%add3A_300, %dma_start3A_426] : memref<20480x128xf32, #tpu.memory_space<hbm>> -> memref<128x128xf32, #tpu.memory_space<hbm>>
      %dma_start3A_428 = arith.constant 0 : i32
      %dma_start3A_429 = arith.constant 0 : i32
      %dma_start3A_430 = tpu.memref_slice %arg8[%run_scoped3A_301, %dma_start3A_428, %dma_start3A_429] : memref<2x128x128xf32, #tpu.memory_space<vmem>> -> memref<1x128x128xf32, #tpu.memory_space<vmem>>
      %dma_start3A_431 = tpu.memref_squeeze %dma_start3A_430 : memref<1x128x128xf32, #tpu.memory_space<vmem>> -> memref<128x128xf32, #tpu.memory_space<vmem>>
      tpu.enqueue_dma source(%dma_start3A_431 : memref<128x128xf32, #tpu.memory_space<vmem>>) target(%dma_start3A_427 : memref<128x128xf32, #tpu.memory_space<hbm>>) target_semaphore(%run_scoped3A_419 : memref<!tpu.dma_semaphore, #tpu.memory_space<semaphore_mem>>)
      %dma_wait3A_432 = arith.constant 0 : i32
      %dma_wait3A_433 = arith.constant 0 : i32
      %dma_wait3A_434 = tpu.memref_slice %arg8[%run_scoped3A_301, %dma_wait3A_432, %dma_wait3A_433] : memref<2x128x128xf32, #tpu.memory_space<vmem>> -> memref<1x128x128xf32, #tpu.memory_space<vmem>>
      %dma_wait3A_435 = tpu.memref_squeeze %dma_wait3A_434 : memref<1x128x128xf32, #tpu.memory_space<vmem>> -> memref<128x128xf32, #tpu.memory_space<vmem>>
      %dma_wait3A_436 = arith.constant 0 : i32
      %dma_wait3A_437 = tpu.memref_slice %arg5[%add3A_300, %dma_wait3A_436] : memref<20480x128xf32, #tpu.memory_space<hbm>> -> memref<128x128xf32, #tpu.memory_space<hbm>>
      %dma_wait3A_438 = arith.constant 0 : i32
      %dma_wait3A_439 = tpu.memref_slice %arg5[%add3A_300, %dma_wait3A_438] : memref<20480x128xf32, #tpu.memory_space<hbm>> -> memref<128x128xf32, #tpu.memory_space<hbm>>
      %dma_wait3A_440 = arith.constant 0 : i32
      %dma_wait3A_441 = arith.constant 0 : i32
      %dma_wait3A_442 = tpu.memref_slice %arg8[%run_scoped3A_301, %dma_wait3A_440, %dma_wait3A_441] : memref<2x128x128xf32, #tpu.memory_space<vmem>> -> memref<1x128x128xf32, #tpu.memory_space<vmem>>
      %dma_wait3A_443 = tpu.memref_squeeze %dma_wait3A_442 : memref<1x128x128xf32, #tpu.memory_space<vmem>> -> memref<128x128xf32, #tpu.memory_space<vmem>>
      tpu.wait_dma2 semaphore(%run_scoped3A_419 : memref<!tpu.dma_semaphore, #tpu.memory_space<semaphore_mem>>) src(%dma_wait3A_443 : memref<128x128xf32, #tpu.memory_space<vmem>>) dst(%dma_wait3A_439 : memref<128x128xf32, #tpu.memory_space<hbm>>)
      tpu.yield
    }) : () -> ()
    %add3A_302 = arith.constant 256 : i32
    %add3A_303 = arith.addi %mul3A_250, %add3A_302 : i32
    %dma_start3A_304 = arith.constant 0 : i32
    %dma_start3A_305 = arith.constant 0 : i32
    %dma_start3A_306 = arith.constant 0 : i32
    %dma_start3A_307 = tpu.memref_slice %arg8[%dma_start3A_304, %dma_start3A_305, %dma_start3A_306] : memref<2x128x128xf32, #tpu.memory_space<vmem>> -> memref<1x128x128xf32, #tpu.memory_space<vmem>>
    %dma_start3A_308 = tpu.memref_squeeze %dma_start3A_307 : memref<1x128x128xf32, #tpu.memory_space<vmem>> -> memref<128x128xf32, #tpu.memory_space<vmem>>
    %dma_start3A_309 = arith.constant 0 : i32
    %dma_start3A_310 = tpu.memref_slice %arg12[%add3A_303, %dma_start3A_309] : memref<10240x128xf32, #tpu.memory_space<vmem_shared>> -> memref<128x128xf32, #tpu.memory_space<vmem_shared>>
    %dma_start3A_311 = arith.constant 0 : i32
    %dma_start3A_312 = arith.constant 0 : i32
    %dma_start3A_313 = tpu.memref_slice %arg8[%dma_start3A_304, %dma_start3A_311, %dma_start3A_312] : memref<2x128x128xf32, #tpu.memory_space<vmem>> -> memref<1x128x128xf32, #tpu.memory_space<vmem>>
    %dma_start3A_314 = tpu.memref_squeeze %dma_start3A_313 : memref<1x128x128xf32, #tpu.memory_space<vmem>> -> memref<128x128xf32, #tpu.memory_space<vmem>>
    %dma_start3A_315 = arith.constant 0 : i32
    %dma_start3A_316 = tpu.memref_slice %arg12[%add3A_303, %dma_start3A_315] : memref<10240x128xf32, #tpu.memory_space<vmem_shared>> -> memref<128x128xf32, #tpu.memory_space<vmem_shared>>
    tpu.enqueue_dma source(%dma_start3A_316 : memref<128x128xf32, #tpu.memory_space<vmem_shared>>) target(%dma_start3A_314 : memref<128x128xf32, #tpu.memory_space<vmem>>) target_semaphore(%arg17 : memref<!tpu.dma_semaphore, #tpu.memory_space<semaphore_mem>>)
    %add3A_317 = arith.constant 128 : i32
    %add3A_318 = arith.addi %mul3A_250, %add3A_317 : i32
    %dma_wait3A_319 = arith.constant 1 : i32
    %dma_wait3A_320 = arith.constant 0 : i32
    %dma_wait3A_321 = arith.constant 0 : i32
    %dma_wait3A_322 = tpu.memref_slice %arg8[%dma_wait3A_319, %dma_wait3A_320, %dma_wait3A_321] : memref<2x128x128xf32, #tpu.memory_space<vmem>> -> memref<1x128x128xf32, #tpu.memory_space<vmem>>
    %dma_wait3A_323 = tpu.memref_squeeze %dma_wait3A_322 : memref<1x128x128xf32, #tpu.memory_space<vmem>> -> memref<128x128xf32, #tpu.memory_space<vmem>>
    %dma_wait3A_324 = arith.constant 0 : i32
    %dma_wait3A_325 = tpu.memref_slice %arg12[%add3A_318, %dma_wait3A_324] : memref<10240x128xf32, #tpu.memory_space<vmem_shared>> -> memref<128x128xf32, #tpu.memory_space<vmem_shared>>
    %dma_wait3A_326 = arith.constant 0 : i32
    %dma_wait3A_327 = arith.constant 0 : i32
    %dma_wait3A_328 = tpu.memref_slice %arg8[%dma_wait3A_319, %dma_wait3A_326, %dma_wait3A_327] : memref<2x128x128xf32, #tpu.memory_space<vmem>> -> memref<1x128x128xf32, #tpu.memory_space<vmem>>
    %dma_wait3A_329 = tpu.memref_squeeze %dma_wait3A_328 : memref<1x128x128xf32, #tpu.memory_space<vmem>> -> memref<128x128xf32, #tpu.memory_space<vmem>>
    %dma_wait3A_330 = arith.constant 0 : i32
    %dma_wait3A_331 = tpu.memref_slice %arg12[%add3A_318, %dma_wait3A_330] : memref<10240x128xf32, #tpu.memory_space<vmem_shared>> -> memref<128x128xf32, #tpu.memory_space<vmem_shared>>
    tpu.wait_dma2 semaphore(%arg18 : memref<!tpu.dma_semaphore, #tpu.memory_space<semaphore_mem>>) src(%dma_wait3A_331 : memref<128x128xf32, #tpu.memory_space<vmem_shared>>) dst(%dma_wait3A_329 : memref<128x128xf32, #tpu.memory_space<vmem>>)
    %add3A_332 = arith.constant 128 : i32
    %add3A_333 = arith.addi %add3A_255, %add3A_332 : i32
    %run_scoped3A_334 = arith.constant 1 : i32
    "tpu.region"() ({
      %run_scoped3A_419 = tpu.sem_alloc : memref<!tpu.dma_semaphore, #tpu.memory_space<semaphore_mem>>
      %dma_start3A_420 = arith.constant 0 : i32
      %dma_start3A_421 = arith.constant 0 : i32
      %dma_start3A_422 = tpu.memref_slice %arg8[%run_scoped3A_334, %dma_start3A_420, %dma_start3A_421] : memref<2x128x128xf32, #tpu.memory_space<vmem>> -> memref<1x128x128xf32, #tpu.memory_space<vmem>>
      %dma_start3A_423 = tpu.memref_squeeze %dma_start3A_422 : memref<1x128x128xf32, #tpu.memory_space<vmem>> -> memref<128x128xf32, #tpu.memory_space<vmem>>
      %dma_start3A_424 = arith.constant 0 : i32
      %dma_start3A_425 = tpu.memref_slice %arg5[%add3A_333, %dma_start3A_424] : memref<20480x128xf32, #tpu.memory_space<hbm>> -> memref<128x128xf32, #tpu.memory_space<hbm>>
      %dma_start3A_426 = arith.constant 0 : i32
      %dma_start3A_427 = tpu.memref_slice %arg5[%add3A_333, %dma_start3A_426] : memref<20480x128xf32, #tpu.memory_space<hbm>> -> memref<128x128xf32, #tpu.memory_space<hbm>>
      %dma_start3A_428 = arith.constant 0 : i32
      %dma_start3A_429 = arith.constant 0 : i32
      %dma_start3A_430 = tpu.memref_slice %arg8[%run_scoped3A_334, %dma_start3A_428, %dma_start3A_429] : memref<2x128x128xf32, #tpu.memory_space<vmem>> -> memref<1x128x128xf32, #tpu.memory_space<vmem>>
      %dma_start3A_431 = tpu.memref_squeeze %dma_start3A_430 : memref<1x128x128xf32, #tpu.memory_space<vmem>> -> memref<128x128xf32, #tpu.memory_space<vmem>>
      tpu.enqueue_dma source(%dma_start3A_431 : memref<128x128xf32, #tpu.memory_space<vmem>>) target(%dma_start3A_427 : memref<128x128xf32, #tpu.memory_space<hbm>>) target_semaphore(%run_scoped3A_419 : memref<!tpu.dma_semaphore, #tpu.memory_space<semaphore_mem>>)
      %dma_wait3A_432 = arith.constant 0 : i32
      %dma_wait3A_433 = arith.constant 0 : i32
      %dma_wait3A_434 = tpu.memref_slice %arg8[%run_scoped3A_334, %dma_wait3A_432, %dma_wait3A_433] : memref<2x128x128xf32, #tpu.memory_space<vmem>> -> memref<1x128x128xf32, #tpu.memory_space<vmem>>
      %dma_wait3A_435 = tpu.memref_squeeze %dma_wait3A_434 : memref<1x128x128xf32, #tpu.memory_space<vmem>> -> memref<128x128xf32, #tpu.memory_space<vmem>>
      %dma_wait3A_436 = arith.constant 0 : i32
      %dma_wait3A_437 = tpu.memref_slice %arg5[%add3A_333, %dma_wait3A_436] : memref<20480x128xf32, #tpu.memory_space<hbm>> -> memref<128x128xf32, #tpu.memory_space<hbm>>
      %dma_wait3A_438 = arith.constant 0 : i32
      %dma_wait3A_439 = tpu.memref_slice %arg5[%add3A_333, %dma_wait3A_438] : memref<20480x128xf32, #tpu.memory_space<hbm>> -> memref<128x128xf32, #tpu.memory_space<hbm>>
      %dma_wait3A_440 = arith.constant 0 : i32
      %dma_wait3A_441 = arith.constant 0 : i32
      %dma_wait3A_442 = tpu.memref_slice %arg8[%run_scoped3A_334, %dma_wait3A_440, %dma_wait3A_441] : memref<2x128x128xf32, #tpu.memory_space<vmem>> -> memref<1x128x128xf32, #tpu.memory_space<vmem>>
      %dma_wait3A_443 = tpu.memref_squeeze %dma_wait3A_442 : memref<1x128x128xf32, #tpu.memory_space<vmem>> -> memref<128x128xf32, #tpu.memory_space<vmem>>
      tpu.wait_dma2 semaphore(%run_scoped3A_419 : memref<!tpu.dma_semaphore, #tpu.memory_space<semaphore_mem>>) src(%dma_wait3A_443 : memref<128x128xf32, #tpu.memory_space<vmem>>) dst(%dma_wait3A_439 : memref<128x128xf32, #tpu.memory_space<hbm>>)
      tpu.yield
    }) : () -> ()
    %add3A_335 = arith.constant 384 : i32
    %add3A_336 = arith.addi %mul3A_250, %add3A_335 : i32
    %dma_start3A_337 = arith.constant 1 : i32
    %dma_start3A_338 = arith.constant 0 : i32
    %dma_start3A_339 = arith.constant 0 : i32
    %dma_start3A_340 = tpu.memref_slice %arg8[%dma_start3A_337, %dma_start3A_338, %dma_start3A_339] : memref<2x128x128xf32, #tpu.memory_space<vmem>> -> memref<1x128x128xf32, #tpu.memory_space<vmem>>
    %dma_start3A_341 = tpu.memref_squeeze %dma_start3A_340 : memref<1x128x128xf32, #tpu.memory_space<vmem>> -> memref<128x128xf32, #tpu.memory_space<vmem>>
    %dma_start3A_342 = arith.constant 0 : i32
    %dma_start3A_343 = tpu.memref_slice %arg12[%add3A_336, %dma_start3A_342] : memref<10240x128xf32, #tpu.memory_space<vmem_shared>> -> memref<128x128xf32, #tpu.memory_space<vmem_shared>>
    %dma_start3A_344 = arith.constant 0 : i32
    %dma_start3A_345 = arith.constant 0 : i32
    %dma_start3A_346 = tpu.memref_slice %arg8[%dma_start3A_337, %dma_start3A_344, %dma_start3A_345] : memref<2x128x128xf32, #tpu.memory_space<vmem>> -> memref<1x128x128xf32, #tpu.memory_space<vmem>>
    %dma_start3A_347 = tpu.memref_squeeze %dma_start3A_346 : memref<1x128x128xf32, #tpu.memory_space<vmem>> -> memref<128x128xf32, #tpu.memory_space<vmem>>
    %dma_start3A_348 = arith.constant 0 : i32
    %dma_start3A_349 = tpu.memref_slice %arg12[%add3A_336, %dma_start3A_348] : memref<10240x128xf32, #tpu.memory_space<vmem_shared>> -> memref<128x128xf32, #tpu.memory_space<vmem_shared>>
    tpu.enqueue_dma source(%dma_start3A_349 : memref<128x128xf32, #tpu.memory_space<vmem_shared>>) target(%dma_start3A_347 : memref<128x128xf32, #tpu.memory_space<vmem>>) target_semaphore(%arg18 : memref<!tpu.dma_semaphore, #tpu.memory_space<semaphore_mem>>)
    %add3A_350 = arith.constant 256 : i32
    %add3A_351 = arith.addi %mul3A_250, %add3A_350 : i32
    %dma_wait3A_352 = arith.constant 0 : i32
    %dma_wait3A_353 = arith.constant 0 : i32
    %dma_wait3A_354 = arith.constant 0 : i32
    %dma_wait3A_355 = tpu.memref_slice %arg8[%dma_wait3A_352, %dma_wait3A_353, %dma_wait3A_354] : memref<2x128x128xf32, #tpu.memory_space<vmem>> -> memref<1x128x128xf32, #tpu.memory_space<vmem>>
    %dma_wait3A_356 = tpu.memref_squeeze %dma_wait3A_355 : memref<1x128x128xf32, #tpu.memory_space<vmem>> -> memref<128x128xf32, #tpu.memory_space<vmem>>
    %dma_wait3A_357 = arith.constant 0 : i32
    %dma_wait3A_358 = tpu.memref_slice %arg12[%add3A_351, %dma_wait3A_357] : memref<10240x128xf32, #tpu.memory_space<vmem_shared>> -> memref<128x128xf32, #tpu.memory_space<vmem_shared>>
    %dma_wait3A_359 = arith.constant 0 : i32
    %dma_wait3A_360 = arith.constant 0 : i32
    %dma_wait3A_361 = tpu.memref_slice %arg8[%dma_wait3A_352, %dma_wait3A_359, %dma_wait3A_360] : memref<2x128x128xf32, #tpu.memory_space<vmem>> -> memref<1x128x128xf32, #tpu.memory_space<vmem>>
    %dma_wait3A_362 = tpu.memref_squeeze %dma_wait3A_361 : memref<1x128x128xf32, #tpu.memory_space<vmem>> -> memref<128x128xf32, #tpu.memory_space<vmem>>
    %dma_wait3A_363 = arith.constant 0 : i32
    %dma_wait3A_364 = tpu.memref_slice %arg12[%add3A_351, %dma_wait3A_363] : memref<10240x128xf32, #tpu.memory_space<vmem_shared>> -> memref<128x128xf32, #tpu.memory_space<vmem_shared>>
    tpu.wait_dma2 semaphore(%arg17 : memref<!tpu.dma_semaphore, #tpu.memory_space<semaphore_mem>>) src(%dma_wait3A_364 : memref<128x128xf32, #tpu.memory_space<vmem_shared>>) dst(%dma_wait3A_362 : memref<128x128xf32, #tpu.memory_space<vmem>>)
    %add3A_365 = arith.constant 256 : i32
    %add3A_366 = arith.addi %add3A_255, %add3A_365 : i32
    %run_scoped3A_367 = arith.constant 0 : i32
    "tpu.region"() ({
      %run_scoped3A_419 = tpu.sem_alloc : memref<!tpu.dma_semaphore, #tpu.memory_space<semaphore_mem>>
      %dma_start3A_420 = arith.constant 0 : i32
      %dma_start3A_421 = arith.constant 0 : i32
      %dma_start3A_422 = tpu.memref_slice %arg8[%run_scoped3A_367, %dma_start3A_420, %dma_start3A_421] : memref<2x128x128xf32, #tpu.memory_space<vmem>> -> memref<1x128x128xf32, #tpu.memory_space<vmem>>
      %dma_start3A_423 = tpu.memref_squeeze %dma_start3A_422 : memref<1x128x128xf32, #tpu.memory_space<vmem>> -> memref<128x128xf32, #tpu.memory_space<vmem>>
      %dma_start3A_424 = arith.constant 0 : i32
      %dma_start3A_425 = tpu.memref_slice %arg5[%add3A_366, %dma_start3A_424] : memref<20480x128xf32, #tpu.memory_space<hbm>> -> memref<128x128xf32, #tpu.memory_space<hbm>>
      %dma_start3A_426 = arith.constant 0 : i32
      %dma_start3A_427 = tpu.memref_slice %arg5[%add3A_366, %dma_start3A_426] : memref<20480x128xf32, #tpu.memory_space<hbm>> -> memref<128x128xf32, #tpu.memory_space<hbm>>
      %dma_start3A_428 = arith.constant 0 : i32
      %dma_start3A_429 = arith.constant 0 : i32
      %dma_start3A_430 = tpu.memref_slice %arg8[%run_scoped3A_367, %dma_start3A_428, %dma_start3A_429] : memref<2x128x128xf32, #tpu.memory_space<vmem>> -> memref<1x128x128xf32, #tpu.memory_space<vmem>>
      %dma_start3A_431 = tpu.memref_squeeze %dma_start3A_430 : memref<1x128x128xf32, #tpu.memory_space<vmem>> -> memref<128x128xf32, #tpu.memory_space<vmem>>
      tpu.enqueue_dma source(%dma_start3A_431 : memref<128x128xf32, #tpu.memory_space<vmem>>) target(%dma_start3A_427 : memref<128x128xf32, #tpu.memory_space<hbm>>) target_semaphore(%run_scoped3A_419 : memref<!tpu.dma_semaphore, #tpu.memory_space<semaphore_mem>>)
      %dma_wait3A_432 = arith.constant 0 : i32
      %dma_wait3A_433 = arith.constant 0 : i32
      %dma_wait3A_434 = tpu.memref_slice %arg8[%run_scoped3A_367, %dma_wait3A_432, %dma_wait3A_433] : memref<2x128x128xf32, #tpu.memory_space<vmem>> -> memref<1x128x128xf32, #tpu.memory_space<vmem>>
      %dma_wait3A_435 = tpu.memref_squeeze %dma_wait3A_434 : memref<1x128x128xf32, #tpu.memory_space<vmem>> -> memref<128x128xf32, #tpu.memory_space<vmem>>
      %dma_wait3A_436 = arith.constant 0 : i32
      %dma_wait3A_437 = tpu.memref_slice %arg5[%add3A_366, %dma_wait3A_436] : memref<20480x128xf32, #tpu.memory_space<hbm>> -> memref<128x128xf32, #tpu.memory_space<hbm>>
      %dma_wait3A_438 = arith.constant 0 : i32
      %dma_wait3A_439 = tpu.memref_slice %arg5[%add3A_366, %dma_wait3A_438] : memref<20480x128xf32, #tpu.memory_space<hbm>> -> memref<128x128xf32, #tpu.memory_space<hbm>>
      %dma_wait3A_440 = arith.constant 0 : i32
      %dma_wait3A_441 = arith.constant 0 : i32
      %dma_wait3A_442 = tpu.memref_slice %arg8[%run_scoped3A_367, %dma_wait3A_440, %dma_wait3A_441] : memref<2x128x128xf32, #tpu.memory_space<vmem>> -> memref<1x128x128xf32, #tpu.memory_space<vmem>>
      %dma_wait3A_443 = tpu.memref_squeeze %dma_wait3A_442 : memref<1x128x128xf32, #tpu.memory_space<vmem>> -> memref<128x128xf32, #tpu.memory_space<vmem>>
      tpu.wait_dma2 semaphore(%run_scoped3A_419 : memref<!tpu.dma_semaphore, #tpu.memory_space<semaphore_mem>>) src(%dma_wait3A_443 : memref<128x128xf32, #tpu.memory_space<vmem>>) dst(%dma_wait3A_439 : memref<128x128xf32, #tpu.memory_space<hbm>>)
      tpu.yield
    }) : () -> ()
    %add3A_368 = arith.constant 512 : i32
    %add3A_369 = arith.addi %mul3A_250, %add3A_368 : i32
    %dma_start3A_370 = arith.constant 0 : i32
    %dma_start3A_371 = arith.constant 0 : i32
    %dma_start3A_372 = arith.constant 0 : i32
    %dma_start3A_373 = tpu.memref_slice %arg8[%dma_start3A_370, %dma_start3A_371, %dma_start3A_372] : memref<2x128x128xf32, #tpu.memory_space<vmem>> -> memref<1x128x128xf32, #tpu.memory_space<vmem>>
    %dma_start3A_374 = tpu.memref_squeeze %dma_start3A_373 : memref<1x128x128xf32, #tpu.memory_space<vmem>> -> memref<128x128xf32, #tpu.memory_space<vmem>>
    %dma_start3A_375 = arith.constant 0 : i32
    %dma_start3A_376 = tpu.memref_slice %arg12[%add3A_369, %dma_start3A_375] : memref<10240x128xf32, #tpu.memory_space<vmem_shared>> -> memref<128x128xf32, #tpu.memory_space<vmem_shared>>
    %dma_start3A_377 = arith.constant 0 : i32
    %dma_start3A_378 = arith.constant 0 : i32
    %dma_start3A_379 = tpu.memref_slice %arg8[%dma_start3A_370, %dma_start3A_377, %dma_start3A_378] : memref<2x128x128xf32, #tpu.memory_space<vmem>> -> memref<1x128x128xf32, #tpu.memory_space<vmem>>
    %dma_start3A_380 = tpu.memref_squeeze %dma_start3A_379 : memref<1x128x128xf32, #tpu.memory_space<vmem>> -> memref<128x128xf32, #tpu.memory_space<vmem>>
    %dma_start3A_381 = arith.constant 0 : i32
    %dma_start3A_382 = tpu.memref_slice %arg12[%add3A_369, %dma_start3A_381] : memref<10240x128xf32, #tpu.memory_space<vmem_shared>> -> memref<128x128xf32, #tpu.memory_space<vmem_shared>>
    tpu.enqueue_dma source(%dma_start3A_382 : memref<128x128xf32, #tpu.memory_space<vmem_shared>>) target(%dma_start3A_380 : memref<128x128xf32, #tpu.memory_space<vmem>>) target_semaphore(%arg17 : memref<!tpu.dma_semaphore, #tpu.memory_space<semaphore_mem>>)
    %add3A_383 = arith.constant 384 : i32
    %add3A_384 = arith.addi %mul3A_250, %add3A_383 : i32
    %dma_wait3A_385 = arith.constant 1 : i32
    %dma_wait3A_386 = arith.constant 0 : i32
    %dma_wait3A_387 = arith.constant 0 : i32
    %dma_wait3A_388 = tpu.memref_slice %arg8[%dma_wait3A_385, %dma_wait3A_386, %dma_wait3A_387] : memref<2x128x128xf32, #tpu.memory_space<vmem>> -> memref<1x128x128xf32, #tpu.memory_space<vmem>>
    %dma_wait3A_389 = tpu.memref_squeeze %dma_wait3A_388 : memref<1x128x128xf32, #tpu.memory_space<vmem>> -> memref<128x128xf32, #tpu.memory_space<vmem>>
    %dma_wait3A_390 = arith.constant 0 : i32
    %dma_wait3A_391 = tpu.memref_slice %arg12[%add3A_384, %dma_wait3A_390] : memref<10240x128xf32, #tpu.memory_space<vmem_shared>> -> memref<128x128xf32, #tpu.memory_space<vmem_shared>>
    %dma_wait3A_392 = arith.constant 0 : i32
    %dma_wait3A_393 = arith.constant 0 : i32
    %dma_wait3A_394 = tpu.memref_slice %arg8[%dma_wait3A_385, %dma_wait3A_392, %dma_wait3A_393] : memref<2x128x128xf32, #tpu.memory_space<vmem>> -> memref<1x128x128xf32, #tpu.memory_space<vmem>>
    %dma_wait3A_395 = tpu.memref_squeeze %dma_wait3A_394 : memref<1x128x128xf32, #tpu.memory_space<vmem>> -> memref<128x128xf32, #tpu.memory_space<vmem>>
    %dma_wait3A_396 = arith.constant 0 : i32
    %dma_wait3A_397 = tpu.memref_slice %arg12[%add3A_384, %dma_wait3A_396] : memref<10240x128xf32, #tpu.memory_space<vmem_shared>> -> memref<128x128xf32, #tpu.memory_space<vmem_shared>>
    tpu.wait_dma2 semaphore(%arg18 : memref<!tpu.dma_semaphore, #tpu.memory_space<semaphore_mem>>) src(%dma_wait3A_397 : memref<128x128xf32, #tpu.memory_space<vmem_shared>>) dst(%dma_wait3A_395 : memref<128x128xf32, #tpu.memory_space<vmem>>)
    %add3A_398 = arith.constant 384 : i32
    %add3A_399 = arith.addi %add3A_255, %add3A_398 : i32
    %run_scoped3A_400 = arith.constant 1 : i32
    "tpu.region"() ({
      %run_scoped3A_419 = tpu.sem_alloc : memref<!tpu.dma_semaphore, #tpu.memory_space<semaphore_mem>>
      %dma_start3A_420 = arith.constant 0 : i32
      %dma_start3A_421 = arith.constant 0 : i32
      %dma_start3A_422 = tpu.memref_slice %arg8[%run_scoped3A_400, %dma_start3A_420, %dma_start3A_421] : memref<2x128x128xf32, #tpu.memory_space<vmem>> -> memref<1x128x128xf32, #tpu.memory_space<vmem>>
      %dma_start3A_423 = tpu.memref_squeeze %dma_start3A_422 : memref<1x128x128xf32, #tpu.memory_space<vmem>> -> memref<128x128xf32, #tpu.memory_space<vmem>>
      %dma_start3A_424 = arith.constant 0 : i32
      %dma_start3A_425 = tpu.memref_slice %arg5[%add3A_399, %dma_start3A_424] : memref<20480x128xf32, #tpu.memory_space<hbm>> -> memref<128x128xf32, #tpu.memory_space<hbm>>
      %dma_start3A_426 = arith.constant 0 : i32
      %dma_start3A_427 = tpu.memref_slice %arg5[%add3A_399, %dma_start3A_426] : memref<20480x128xf32, #tpu.memory_space<hbm>> -> memref<128x128xf32, #tpu.memory_space<hbm>>
      %dma_start3A_428 = arith.constant 0 : i32
      %dma_start3A_429 = arith.constant 0 : i32
      %dma_start3A_430 = tpu.memref_slice %arg8[%run_scoped3A_400, %dma_start3A_428, %dma_start3A_429] : memref<2x128x128xf32, #tpu.memory_space<vmem>> -> memref<1x128x128xf32, #tpu.memory_space<vmem>>
      %dma_start3A_431 = tpu.memref_squeeze %dma_start3A_430 : memref<1x128x128xf32, #tpu.memory_space<vmem>> -> memref<128x128xf32, #tpu.memory_space<vmem>>
      tpu.enqueue_dma source(%dma_start3A_431 : memref<128x128xf32, #tpu.memory_space<vmem>>) target(%dma_start3A_427 : memref<128x128xf32, #tpu.memory_space<hbm>>) target_semaphore(%run_scoped3A_419 : memref<!tpu.dma_semaphore, #tpu.memory_space<semaphore_mem>>)
      %dma_wait3A_432 = arith.constant 0 : i32
      %dma_wait3A_433 = arith.constant 0 : i32
      %dma_wait3A_434 = tpu.memref_slice %arg8[%run_scoped3A_400, %dma_wait3A_432, %dma_wait3A_433] : memref<2x128x128xf32, #tpu.memory_space<vmem>> -> memref<1x128x128xf32, #tpu.memory_space<vmem>>
      %dma_wait3A_435 = tpu.memref_squeeze %dma_wait3A_434 : memref<1x128x128xf32, #tpu.memory_space<vmem>> -> memref<128x128xf32, #tpu.memory_space<vmem>>
      %dma_wait3A_436 = arith.constant 0 : i32
      %dma_wait3A_437 = tpu.memref_slice %arg5[%add3A_399, %dma_wait3A_436] : memref<20480x128xf32, #tpu.memory_space<hbm>> -> memref<128x128xf32, #tpu.memory_space<hbm>>
      %dma_wait3A_438 = arith.constant 0 : i32
      %dma_wait3A_439 = tpu.memref_slice %arg5[%add3A_399, %dma_wait3A_438] : memref<20480x128xf32, #tpu.memory_space<hbm>> -> memref<128x128xf32, #tpu.memory_space<hbm>>
      %dma_wait3A_440 = arith.constant 0 : i32
      %dma_wait3A_441 = arith.constant 0 : i32
      %dma_wait3A_442 = tpu.memref_slice %arg8[%run_scoped3A_400, %dma_wait3A_440, %dma_wait3A_441] : memref<2x128x128xf32, #tpu.memory_space<vmem>> -> memref<1x128x128xf32, #tpu.memory_space<vmem>>
      %dma_wait3A_443 = tpu.memref_squeeze %dma_wait3A_442 : memref<1x128x128xf32, #tpu.memory_space<vmem>> -> memref<128x128xf32, #tpu.memory_space<vmem>>
      tpu.wait_dma2 semaphore(%run_scoped3A_419 : memref<!tpu.dma_semaphore, #tpu.memory_space<semaphore_mem>>) src(%dma_wait3A_443 : memref<128x128xf32, #tpu.memory_space<vmem>>) dst(%dma_wait3A_439 : memref<128x128xf32, #tpu.memory_space<hbm>>)
      tpu.yield
    }) : () -> ()
    %add3A_401 = arith.constant 512 : i32
    %add3A_402 = arith.addi %mul3A_250, %add3A_401 : i32
    %dma_wait3A_403 = arith.constant 0 : i32
    %dma_wait3A_404 = arith.constant 0 : i32
    %dma_wait3A_405 = arith.constant 0 : i32
    %dma_wait3A_406 = tpu.memref_slice %arg8[%dma_wait3A_403, %dma_wait3A_404, %dma_wait3A_405] : memref<2x128x128xf32, #tpu.memory_space<vmem>> -> memref<1x128x128xf32, #tpu.memory_space<vmem>>
    %dma_wait3A_407 = tpu.memref_squeeze %dma_wait3A_406 : memref<1x128x128xf32, #tpu.memory_space<vmem>> -> memref<128x128xf32, #tpu.memory_space<vmem>>
    %dma_wait3A_408 = arith.constant 0 : i32
    %dma_wait3A_409 = tpu.memref_slice %arg12[%add3A_402, %dma_wait3A_408] : memref<10240x128xf32, #tpu.memory_space<vmem_shared>> -> memref<128x128xf32, #tpu.memory_space<vmem_shared>>
    %dma_wait3A_410 = arith.constant 0 : i32
    %dma_wait3A_411 = arith.constant 0 : i32
    %dma_wait3A_412 = tpu.memref_slice %arg8[%dma_wait3A_403, %dma_wait3A_410, %dma_wait3A_411] : memref<2x128x128xf32, #tpu.memory_space<vmem>> -> memref<1x128x128xf32, #tpu.memory_space<vmem>>
    %dma_wait3A_413 = tpu.memref_squeeze %dma_wait3A_412 : memref<1x128x128xf32, #tpu.memory_space<vmem>> -> memref<128x128xf32, #tpu.memory_space<vmem>>
    %dma_wait3A_414 = arith.constant 0 : i32
    %dma_wait3A_415 = tpu.memref_slice %arg12[%add3A_402, %dma_wait3A_414] : memref<10240x128xf32, #tpu.memory_space<vmem_shared>> -> memref<128x128xf32, #tpu.memory_space<vmem_shared>>
    tpu.wait_dma2 semaphore(%arg17 : memref<!tpu.dma_semaphore, #tpu.memory_space<semaphore_mem>>) src(%dma_wait3A_415 : memref<128x128xf32, #tpu.memory_space<vmem_shared>>) dst(%dma_wait3A_413 : memref<128x128xf32, #tpu.memory_space<vmem>>)
    %add3A_416 = arith.constant 512 : i32
    %add3A_417 = arith.addi %add3A_255, %add3A_416 : i32
    %run_scoped3A_418 = arith.constant 0 : i32
    "tpu.region"() ({
      %run_scoped3A_419 = tpu.sem_alloc : memref<!tpu.dma_semaphore, #tpu.memory_space<semaphore_mem>>
      %dma_start3A_420 = arith.constant 0 : i32
      %dma_start3A_421 = arith.constant 0 : i32
      %dma_start3A_422 = tpu.memref_slice %arg8[%run_scoped3A_418, %dma_start3A_420, %dma_start3A_421] : memref<2x128x128xf32, #tpu.memory_space<vmem>> -> memref<1x128x128xf32, #tpu.memory_space<vmem>>
      %dma_start3A_423 = tpu.memref_squeeze %dma_start3A_422 : memref<1x128x128xf32, #tpu.memory_space<vmem>> -> memref<128x128xf32, #tpu.memory_space<vmem>>
      %dma_start3A_424 = arith.constant 0 : i32
      %dma_start3A_425 = tpu.memref_slice %arg5[%add3A_417, %dma_start3A_424] : memref<20480x128xf32, #tpu.memory_space<hbm>> -> memref<128x128xf32, #tpu.memory_space<hbm>>
      %dma_start3A_426 = arith.constant 0 : i32
      %dma_start3A_427 = tpu.memref_slice %arg5[%add3A_417, %dma_start3A_426] : memref<20480x128xf32, #tpu.memory_space<hbm>> -> memref<128x128xf32, #tpu.memory_space<hbm>>
      %dma_start3A_428 = arith.constant 0 : i32
      %dma_start3A_429 = arith.constant 0 : i32
      %dma_start3A_430 = tpu.memref_slice %arg8[%run_scoped3A_418, %dma_start3A_428, %dma_start3A_429] : memref<2x128x128xf32, #tpu.memory_space<vmem>> -> memref<1x128x128xf32, #tpu.memory_space<vmem>>
      %dma_start3A_431 = tpu.memref_squeeze %dma_start3A_430 : memref<1x128x128xf32, #tpu.memory_space<vmem>> -> memref<128x128xf32, #tpu.memory_space<vmem>>
      tpu.enqueue_dma source(%dma_start3A_431 : memref<128x128xf32, #tpu.memory_space<vmem>>) target(%dma_start3A_427 : memref<128x128xf32, #tpu.memory_space<hbm>>) target_semaphore(%run_scoped3A_419 : memref<!tpu.dma_semaphore, #tpu.memory_space<semaphore_mem>>)
      %dma_wait3A_432 = arith.constant 0 : i32
      %dma_wait3A_433 = arith.constant 0 : i32
      %dma_wait3A_434 = tpu.memref_slice %arg8[%run_scoped3A_418, %dma_wait3A_432, %dma_wait3A_433] : memref<2x128x128xf32, #tpu.memory_space<vmem>> -> memref<1x128x128xf32, #tpu.memory_space<vmem>>
      %dma_wait3A_435 = tpu.memref_squeeze %dma_wait3A_434 : memref<1x128x128xf32, #tpu.memory_space<vmem>> -> memref<128x128xf32, #tpu.memory_space<vmem>>
      %dma_wait3A_436 = arith.constant 0 : i32
      %dma_wait3A_437 = tpu.memref_slice %arg5[%add3A_417, %dma_wait3A_436] : memref<20480x128xf32, #tpu.memory_space<hbm>> -> memref<128x128xf32, #tpu.memory_space<hbm>>
      %dma_wait3A_438 = arith.constant 0 : i32
      %dma_wait3A_439 = tpu.memref_slice %arg5[%add3A_417, %dma_wait3A_438] : memref<20480x128xf32, #tpu.memory_space<hbm>> -> memref<128x128xf32, #tpu.memory_space<hbm>>
      %dma_wait3A_440 = arith.constant 0 : i32
      %dma_wait3A_441 = arith.constant 0 : i32
      %dma_wait3A_442 = tpu.memref_slice %arg8[%run_scoped3A_418, %dma_wait3A_440, %dma_wait3A_441] : memref<2x128x128xf32, #tpu.memory_space<vmem>> -> memref<1x128x128xf32, #tpu.memory_space<vmem>>
      %dma_wait3A_443 = tpu.memref_squeeze %dma_wait3A_442 : memref<1x128x128xf32, #tpu.memory_space<vmem>> -> memref<128x128xf32, #tpu.memory_space<vmem>>
      tpu.wait_dma2 semaphore(%run_scoped3A_419 : memref<!tpu.dma_semaphore, #tpu.memory_space<semaphore_mem>>) src(%dma_wait3A_443 : memref<128x128xf32, #tpu.memory_space<vmem>>) dst(%dma_wait3A_439 : memref<128x128xf32, #tpu.memory_space<hbm>>)
      tpu.yield
    }) : () -> ()
    return
  }
}

module attributes {stable_mosaic.version = 14 : i64} {
  func.func @_mid_kernel(%arg0: i32, %arg1: memref<1024x128xf32, #tpu.memory_space<vmem>>, %arg2: memref<2x1024x128xf32, #tpu.memory_space<vmem>>, %arg3: memref<1x1x1024xf32, #tpu.memory_space<vmem>>, %arg4: memref<128x128xf32, #tpu.memory_space<vmem>>, %arg5: memref<128x128xf32, #tpu.memory_space<vmem>>, %arg6: memref<1x128xf32, #tpu.memory_space<vmem>>, %arg7: memref<1024x128xf32, #tpu.memory_space<vmem>>, %arg8: memref<1024x128xf32, #tpu.memory_space<vmem>>) attributes {dimension_semantics = [#tpu.dimension_semantics<arbitrary>], iteration_bounds = array<i64: 10>, scalar_prefetch = 0 : i64, scratch_operands = 0 : i64, tpu.core_type = #tpu.core_type<tc>, window_params = [{transform_indices = @transform_0, window_bounds = array<i64: 1024, 128>}, {transform_indices = @transform_1, window_bounds = array<i64: 2, 1024, 128>}, {transform_indices = @transform_2, window_bounds = array<i64: 1, 1, 1024>}, {pipeline_mode = #tpu.pipeline_mode<synchronous>, transform_indices = @transform_3, window_bounds = array<i64: 128, 128>}, {pipeline_mode = #tpu.pipeline_mode<synchronous>, transform_indices = @transform_4, window_bounds = array<i64: 128, 128>}, {pipeline_mode = #tpu.pipeline_mode<synchronous>, transform_indices = @transform_5, window_bounds = array<i64: 1, 128>}, {transform_indices = @transform_6, window_bounds = array<i64: 1024, 128>}, {transform_indices = @transform_7, window_bounds = array<i64: 1024, 128>}]} {
    %get3A = arith.constant 0 : index
    %get3A_0 = arith.constant 0 : index
    %get3A_1 = arith.constant 0 : index
    %get3A_2 = vector.load %arg3[%get3A, %get3A_0, %get3A_1] : memref<1x1x1024xf32, #tpu.memory_space<vmem>>, vector<1x1x1024xf32>
    %get3A_3 = vector.shape_cast %get3A_2 : vector<1x1x1024xf32> to vector<1024xf32>
    %max3A = arith.constant 1.000000e+00 : f32
    %max3A_4 = vector.broadcast %max3A : f32 to vector<1024xf32>
    %max3A_5 = arith.maximumf %get3A_3, %max3A_4 : vector<1024xf32>
    %broadcast_in_dim3A = vector.shape_cast %max3A_5 : vector<1024xf32> to vector<1024x1xf32>
    %get3A_6 = arith.constant 0 : index
    %get3A_7 = arith.constant 0 : index
    %get3A_8 = arith.constant 0 : index
    %get3A_9 = vector.load %arg2[%get3A_6, %get3A_7, %get3A_8] : memref<2x1024x128xf32, #tpu.memory_space<vmem>>, vector<1x1024x128xf32>
    %get3A_10 = vector.shape_cast %get3A_9 : vector<1x1024x128xf32> to vector<1024x128xf32>
    %get3A_11 = arith.constant 1 : index
    %get3A_12 = arith.constant 0 : index
    %get3A_13 = arith.constant 0 : index
    %get3A_14 = vector.load %arg2[%get3A_11, %get3A_12, %get3A_13] : memref<2x1024x128xf32, #tpu.memory_space<vmem>>, vector<1x1024x128xf32>
    %get3A_15 = vector.shape_cast %get3A_14 : vector<1x1024x128xf32> to vector<1024x128xf32>
    %add3A = arith.addf %get3A_10, %get3A_15 : vector<1024x128xf32>
    %div3A = vector.broadcast %broadcast_in_dim3A : vector<1024x1xf32> to vector<1024x128xf32>
    %div3A_16 = arith.divf %add3A, %div3A : vector<1024x128xf32>
    %get3A_17 = arith.constant 0 : index
    %get3A_18 = arith.constant 0 : index
    %get3A_19 = vector.load %arg1[%get3A_17, %get3A_18] : memref<1024x128xf32, #tpu.memory_space<vmem>>, vector<1024x128xf32>
    %add3A_20 = arith.addf %get3A_19, %div3A_16 : vector<1024x128xf32>
    %max3A_21 = arith.constant 0.000000e+00 : f32
    %max3A_22 = vector.broadcast %max3A_21 : f32 to vector<1024x128xf32>
    %max3A_23 = arith.maximumf %add3A_20, %max3A_22 : vector<1024x128xf32>
    %get3A_24 = arith.constant 0 : index
    %get3A_25 = arith.constant 0 : index
    %get3A_26 = vector.load %arg4[%get3A_24, %get3A_25] : memref<128x128xf32, #tpu.memory_space<vmem>>, vector<128x128xf32>
    %dot_general3A = arith.constant dense<0.000000e+00> : vector<1024x128xf32>
    %dot_general3A_27 = tpu.matmul %max3A_23, %get3A_26, %dot_general3A {dimension_numbers = #tpu.dot_dimension_numbers<[1], [0], [0], [1], [0, 0, 1, 1], [], []>, transpose_lhs_hint = false} : vector<1024x128xf32>, vector<128x128xf32>, vector<1024x128xf32> -> vector<1024x128xf32>
    %swap3A = arith.constant 0 : index
    %swap3A_28 = arith.constant 0 : index
    %swap3A_29 = vector.load %arg7[%swap3A, %swap3A_28] : memref<1024x128xf32, #tpu.memory_space<vmem>>, vector<1024x128xf32>
    tpu.vector_store %arg7[%swap3A, %swap3A_28], %dot_general3A_27 {strides = array<i32>} : memref<1024x128xf32, #tpu.memory_space<vmem>>, vector<1024x128xf32>,
    %get3A_30 = arith.constant 0 : index
    %get3A_31 = arith.constant 0 : index
    %get3A_32 = vector.load %arg5[%get3A_30, %get3A_31] : memref<128x128xf32, #tpu.memory_space<vmem>>, vector<128x128xf32>
    %dot_general3A_33 = arith.constant dense<0.000000e+00> : vector<1024x128xf32>
    %dot_general3A_34 = tpu.matmul %max3A_23, %get3A_32, %dot_general3A_33 {dimension_numbers = #tpu.dot_dimension_numbers<[1], [0], [0], [1], [0, 0, 1, 1], [], []>, transpose_lhs_hint = false} : vector<1024x128xf32>, vector<128x128xf32>, vector<1024x128xf32> -> vector<1024x128xf32>
    %get3A_35 = arith.constant 0 : index
    %get3A_36 = arith.constant 0 : index
    %get3A_37 = vector.load %arg6[%get3A_35, %get3A_36] : memref<1x128xf32, #tpu.memory_space<vmem>>, vector<1x128xf32>
    %add3A_38 = vector.broadcast %get3A_37 : vector<1x128xf32> to vector<1024x128xf32>
    %add3A_39 = arith.addf %dot_general3A_34, %add3A_38 : vector<1024x128xf32>
    %swap3A_40 = arith.constant 0 : index
    %swap3A_41 = arith.constant 0 : index
    %swap3A_42 = vector.load %arg8[%swap3A_40, %swap3A_41] : memref<1024x128xf32, #tpu.memory_space<vmem>>, vector<1024x128xf32>
    tpu.vector_store %arg8[%swap3A_40, %swap3A_41], %add3A_39 {strides = array<i32>} : memref<1024x128xf32, #tpu.memory_space<vmem>>, vector<1024x128xf32>,
    return
  }
  func.func @transform_0(%arg0: i32) -> (i32, i32) {
    %c0_i32 = arith.constant 0 : i32
    %c0_i32_0 = arith.constant 0 : i32
    return %arg0, %c0_i32 : i32, i32
  }
  func.func @transform_1(%arg0: i32) -> (i32, i32, i32) {
    %c0_i32 = arith.constant 0 : i32
    %c0_i32_0 = arith.constant 0 : i32
    %c0_i32_1 = arith.constant 0 : i32
    return %c0_i32, %arg0, %c0_i32_0 : i32, i32, i32
  }
  func.func @transform_2(%arg0: i32) -> (i32, i32, i32) {
    %c0_i32 = arith.constant 0 : i32
    %c0_i32_0 = arith.constant 0 : i32
    %c0_i32_1 = arith.constant 0 : i32
    return %arg0, %c0_i32, %c0_i32_0 : i32, i32, i32
  }
  func.func @transform_3(%arg0: i32) -> (i32, i32) {
    %c0_i32 = arith.constant 0 : i32
    %c0_i32_0 = arith.constant 0 : i32
    %c0_i32_1 = arith.constant 0 : i32
    return %c0_i32, %c0_i32_0 : i32, i32
  }
  func.func @transform_4(%arg0: i32) -> (i32, i32) {
    %c0_i32 = arith.constant 0 : i32
    %c0_i32_0 = arith.constant 0 : i32
    %c0_i32_1 = arith.constant 0 : i32
    return %c0_i32, %c0_i32_0 : i32, i32
  }
  func.func @transform_5(%arg0: i32) -> (i32, i32) {
    %c0_i32 = arith.constant 0 : i32
    %c0_i32_0 = arith.constant 0 : i32
    %c0_i32_1 = arith.constant 0 : i32
    return %c0_i32, %c0_i32_0 : i32, i32
  }
  func.func @transform_6(%arg0: i32) -> (i32, i32) {
    %c0_i32 = arith.constant 0 : i32
    %c0_i32_0 = arith.constant 0 : i32
    return %arg0, %c0_i32 : i32, i32
  }
  func.func @transform_7(%arg0: i32) -> (i32, i32) {
    %c0_i32 = arith.constant 0 : i32
    %c0_i32_0 = arith.constant 0 : i32
    return %arg0, %c0_i32 : i32, i32
  }
}

module attributes {stable_mosaic.version = 14 : i64} {
  func.func @_head_kernel(%arg0: i32, %arg1: memref<1024x128xf32, #tpu.memory_space<vmem>>, %arg2: memref<2x1024x128xf32, #tpu.memory_space<vmem>>, %arg3: memref<1x1x1024xf32, #tpu.memory_space<vmem>>, %arg4: memref<128x64xf32, #tpu.memory_space<vmem>>, %arg5: memref<1x64xf32, #tpu.memory_space<vmem>>, %arg6: memref<1024x64xf32, #tpu.memory_space<vmem>>) attributes {dimension_semantics = [#tpu.dimension_semantics<arbitrary>], iteration_bounds = array<i64: 10>, scalar_prefetch = 0 : i64, scratch_operands = 0 : i64, tpu.core_type = #tpu.core_type<tc>, window_params = [{transform_indices = @transform_0, window_bounds = array<i64: 1024, 128>}, {transform_indices = @transform_1, window_bounds = array<i64: 2, 1024, 128>}, {transform_indices = @transform_2, window_bounds = array<i64: 1, 1, 1024>}, {pipeline_mode = #tpu.pipeline_mode<synchronous>, transform_indices = @transform_3, window_bounds = array<i64: 128, 64>}, {pipeline_mode = #tpu.pipeline_mode<synchronous>, transform_indices = @transform_4, window_bounds = array<i64: 1, 64>}, {transform_indices = @transform_5, window_bounds = array<i64: 1024, 64>}]} {
    %get3A = arith.constant 0 : index
    %get3A_0 = arith.constant 0 : index
    %get3A_1 = arith.constant 0 : index
    %get3A_2 = vector.load %arg3[%get3A, %get3A_0, %get3A_1] : memref<1x1x1024xf32, #tpu.memory_space<vmem>>, vector<1x1x1024xf32>
    %get3A_3 = vector.shape_cast %get3A_2 : vector<1x1x1024xf32> to vector<1024xf32>
    %max3A = arith.constant 1.000000e+00 : f32
    %max3A_4 = vector.broadcast %max3A : f32 to vector<1024xf32>
    %max3A_5 = arith.maximumf %get3A_3, %max3A_4 : vector<1024xf32>
    %broadcast_in_dim3A = vector.shape_cast %max3A_5 : vector<1024xf32> to vector<1024x1xf32>
    %get3A_6 = arith.constant 0 : index
    %get3A_7 = arith.constant 0 : index
    %get3A_8 = arith.constant 0 : index
    %get3A_9 = vector.load %arg2[%get3A_6, %get3A_7, %get3A_8] : memref<2x1024x128xf32, #tpu.memory_space<vmem>>, vector<1x1024x128xf32>
    %get3A_10 = vector.shape_cast %get3A_9 : vector<1x1024x128xf32> to vector<1024x128xf32>
    %get3A_11 = arith.constant 1 : index
    %get3A_12 = arith.constant 0 : index
    %get3A_13 = arith.constant 0 : index
    %get3A_14 = vector.load %arg2[%get3A_11, %get3A_12, %get3A_13] : memref<2x1024x128xf32, #tpu.memory_space<vmem>>, vector<1x1024x128xf32>
    %get3A_15 = vector.shape_cast %get3A_14 : vector<1x1024x128xf32> to vector<1024x128xf32>
    %add3A = arith.addf %get3A_10, %get3A_15 : vector<1024x128xf32>
    %div3A = vector.broadcast %broadcast_in_dim3A : vector<1024x1xf32> to vector<1024x128xf32>
    %div3A_16 = arith.divf %add3A, %div3A : vector<1024x128xf32>
    %get3A_17 = arith.constant 0 : index
    %get3A_18 = arith.constant 0 : index
    %get3A_19 = vector.load %arg1[%get3A_17, %get3A_18] : memref<1024x128xf32, #tpu.memory_space<vmem>>, vector<1024x128xf32>
    %add3A_20 = arith.addf %get3A_19, %div3A_16 : vector<1024x128xf32>
    %max3A_21 = arith.constant 0.000000e+00 : f32
    %max3A_22 = vector.broadcast %max3A_21 : f32 to vector<1024x128xf32>
    %max3A_23 = arith.maximumf %add3A_20, %max3A_22 : vector<1024x128xf32>
    %get3A_24 = arith.constant 0 : index
    %get3A_25 = arith.constant 0 : index
    %get3A_26 = vector.load %arg4[%get3A_24, %get3A_25] : memref<128x64xf32, #tpu.memory_space<vmem>>, vector<128x64xf32>
    %dot_general3A = arith.constant dense<0.000000e+00> : vector<1024x64xf32>
    %dot_general3A_27 = tpu.matmul %max3A_23, %get3A_26, %dot_general3A {dimension_numbers = #tpu.dot_dimension_numbers<[1], [0], [0], [1], [0, 0, 1, 1], [], []>, transpose_lhs_hint = false} : vector<1024x128xf32>, vector<128x64xf32>, vector<1024x64xf32> -> vector<1024x64xf32>
    %get3A_28 = arith.constant 0 : index
    %get3A_29 = arith.constant 0 : index
    %get3A_30 = vector.load %arg5[%get3A_28, %get3A_29] : memref<1x64xf32, #tpu.memory_space<vmem>>, vector<1x64xf32>
    %add3A_31 = vector.broadcast %get3A_30 : vector<1x64xf32> to vector<1024x64xf32>
    %add3A_32 = arith.addf %dot_general3A_27, %add3A_31 : vector<1024x64xf32>
    %swap3A = arith.constant 0 : index
    %swap3A_33 = arith.constant 0 : index
    %swap3A_34 = vector.load %arg6[%swap3A, %swap3A_33] : memref<1024x64xf32, #tpu.memory_space<vmem>>, vector<1024x64xf32>
    tpu.vector_store %arg6[%swap3A, %swap3A_33], %add3A_32 {strides = array<i32>} : memref<1024x64xf32, #tpu.memory_space<vmem>>, vector<1024x64xf32>,
    return
  }
  func.func @transform_0(%arg0: i32) -> (i32, i32) {
    %c0_i32 = arith.constant 0 : i32
    %c0_i32_0 = arith.constant 0 : i32
    return %arg0, %c0_i32 : i32, i32
  }
  func.func @transform_1(%arg0: i32) -> (i32, i32, i32) {
    %c0_i32 = arith.constant 0 : i32
    %c0_i32_0 = arith.constant 0 : i32
    %c0_i32_1 = arith.constant 0 : i32
    return %c0_i32, %arg0, %c0_i32_0 : i32, i32, i32
  }
  func.func @transform_2(%arg0: i32) -> (i32, i32, i32) {
    %c0_i32 = arith.constant 0 : i32
    %c0_i32_0 = arith.constant 0 : i32
    %c0_i32_1 = arith.constant 0 : i32
    return %arg0, %c0_i32, %c0_i32_0 : i32, i32, i32
  }
  func.func @transform_3(%arg0: i32) -> (i32, i32) {
    %c0_i32 = arith.constant 0 : i32
    %c0_i32_0 = arith.constant 0 : i32
    %c0_i32_1 = arith.constant 0 : i32
    return %c0_i32, %c0_i32_0 : i32, i32
  }
  func.func @transform_4(%arg0: i32) -> (i32, i32) {
    %c0_i32 = arith.constant 0 : i32
    %c0_i32_0 = arith.constant 0 : i32
    %c0_i32_1 = arith.constant 0 : i32
    return %c0_i32, %c0_i32_0 : i32, i32
  }
  func.func @transform_5(%arg0: i32) -> (i32, i32) {
    %c0_i32 = arith.constant 0 : i32
    %c0_i32_0 = arith.constant 0 : i32
    return %arg0, %c0_i32 : i32, i32
  }
}

module attributes {stable_mosaic.version = 14 : i64} {
  func.func @_proj_kernel(%arg0: i32, %arg1: memref<1024x128xf32, #tpu.memory_space<vmem>>, %arg2: memref<128x128xf32, #tpu.memory_space<vmem>>, %arg3: memref<128x128xf32, #tpu.memory_space<vmem>>, %arg4: memref<1x128xf32, #tpu.memory_space<vmem>>, %arg5: memref<320000xi32, #tpu.memory_space<vmem>>, %arg6: memref<1024x128xf32, #tpu.memory_space<vmem>>, %arg7: memref<1024x128xf32, #tpu.memory_space<vmem>>, %arg8: memref<128x80xf32, #tpu.memory_space<vmem>>) attributes {dimension_semantics = [#tpu.dimension_semantics<arbitrary>], iteration_bounds = array<i64: 10>, scalar_prefetch = 0 : i64, scratch_operands = 0 : i64, tpu.core_type = #tpu.core_type<tc>, window_params = [{transform_indices = @transform_0, window_bounds = array<i64: 1024, 128>}, {pipeline_mode = #tpu.pipeline_mode<synchronous>, transform_indices = @transform_1, window_bounds = array<i64: 128, 128>}, {pipeline_mode = #tpu.pipeline_mode<synchronous>, transform_indices = @transform_2, window_bounds = array<i64: 128, 128>}, {pipeline_mode = #tpu.pipeline_mode<synchronous>, transform_indices = @transform_3, window_bounds = array<i64: 1, 128>}, {pipeline_mode = #tpu.pipeline_mode<synchronous>, transform_indices = @transform_4, window_bounds = array<i64: 320000>}, {transform_indices = @transform_5, window_bounds = array<i64: 1024, 128>}, {transform_indices = @transform_6, window_bounds = array<i64: 1024, 128>}, {pipeline_mode = #tpu.pipeline_mode<synchronous>, transform_indices = @transform_7, window_bounds = array<i64: 128, 80>}]} {
    %get3A = arith.constant 0 : index
    %get3A_0 = arith.constant 0 : index
    %get3A_1 = vector.load %arg1[%get3A, %get3A_0] : memref<1024x128xf32, #tpu.memory_space<vmem>>, vector<1024x128xf32>
    %get3A_2 = arith.constant 0 : index
    %get3A_3 = arith.constant 0 : index
    %get3A_4 = vector.load %arg2[%get3A_2, %get3A_3] : memref<128x128xf32, #tpu.memory_space<vmem>>, vector<128x128xf32>
    %dot_general3A = arith.constant dense<0.000000e+00> : vector<1024x128xf32>
    %dot_general3A_5 = tpu.matmul %get3A_1, %get3A_4, %dot_general3A {dimension_numbers = #tpu.dot_dimension_numbers<[1], [0], [0], [1], [0, 0, 1, 1], [], []>, transpose_lhs_hint = false} : vector<1024x128xf32>, vector<128x128xf32>, vector<1024x128xf32> -> vector<1024x128xf32>
    %swap3A = arith.constant 0 : index
    %swap3A_6 = arith.constant 0 : index
    %swap3A_7 = vector.load %arg6[%swap3A, %swap3A_6] : memref<1024x128xf32, #tpu.memory_space<vmem>>, vector<1024x128xf32>
    tpu.vector_store %arg6[%swap3A, %swap3A_6], %dot_general3A_5 {strides = array<i32>} : memref<1024x128xf32, #tpu.memory_space<vmem>>, vector<1024x128xf32>,
    %get3A_8 = arith.constant 0 : index
    %get3A_9 = arith.constant 0 : index
    %get3A_10 = vector.load %arg3[%get3A_8, %get3A_9] : memref<128x128xf32, #tpu.memory_space<vmem>>, vector<128x128xf32>
    %dot_general3A_11 = arith.constant dense<0.000000e+00> : vector<1024x128xf32>
    %dot_general3A_12 = tpu.matmul %get3A_1, %get3A_10, %dot_general3A_11 {dimension_numbers = #tpu.dot_dimension_numbers<[1], [0], [0], [1], [0, 0, 1, 1], [], []>, transpose_lhs_hint = false} : vector<1024x128xf32>, vector<128x128xf32>, vector<1024x128xf32> -> vector<1024x128xf32>
    %get3A_13 = arith.constant 0 : index
    %get3A_14 = arith.constant 0 : index
    %get3A_15 = vector.load %arg4[%get3A_13, %get3A_14] : memref<1x128xf32, #tpu.memory_space<vmem>>, vector<1x128xf32>
    %add3A = vector.broadcast %get3A_15 : vector<1x128xf32> to vector<1024x128xf32>
    %add3A_16 = arith.addf %dot_general3A_12, %add3A : vector<1024x128xf32>
    %swap3A_17 = arith.constant 0 : index
    %swap3A_18 = arith.constant 0 : index
    %swap3A_19 = vector.load %arg7[%swap3A_17, %swap3A_18] : memref<1024x128xf32, #tpu.memory_space<vmem>>, vector<1024x128xf32>
    tpu.vector_store %arg7[%swap3A_17, %swap3A_18], %add3A_16 {strides = array<i32>} : memref<1024x128xf32, #tpu.memory_space<vmem>>, vector<1024x128xf32>,
    %eq3A = arith.constant 0 : i32
    %eq3A_20 = arith.cmpi eq, %arg0, %eq3A : i32
    %convert_element_type3A = arith.extui %eq3A_20 : i1 to i32
    %cond3A = arith.constant 0 : i32
    %cond3A_21 = arith.cmpi ne, %convert_element_type3A, %cond3A : i32
    scf.if %cond3A_21 {
      %broadcast_in_dim3A = arith.constant 0.000000e+00 : f32
      %broadcast_in_dim3A_22 = vector.broadcast %broadcast_in_dim3A : f32 to vector<128x80xf32>
      %get3A_23 = arith.constant 0 : index
      %get3A_24 = vector.load %arg5[%get3A_23] : memref<320000xi32, #tpu.memory_space<vmem>>, vector<6400xi32>
      %shift_right_arithmetic3A = arith.constant 7 : i32
      %shift_right_arithmetic3A_25 = vector.broadcast %shift_right_arithmetic3A : i32 to vector<6400xi32>
      %shift_right_arithmetic3A_26 = arith.shrsi %get3A_24, %shift_right_arithmetic3A_25 : vector<6400xi32>
      %and3A = arith.constant 127 : i32
      %and3A_27 = vector.broadcast %and3A : i32 to vector<6400xi32>
      %and3A_28 = arith.andi %get3A_24, %and3A_27 : vector<6400xi32>
      %iota3A = tpu.iota {dimensions = array<i32: 0>} : vector<80x6400xi32>
      %broadcast_in_dim3A_29 = vector.shape_cast %shift_right_arithmetic3A_26 : vector<6400xi32> to vector<1x6400xi32>
      %eq3A_30 = vector.broadcast %broadcast_in_dim3A_29 : vector<1x6400xi32> to vector<80x6400xi32>
      %eq3A_31 = arith.cmpi eq, %iota3A, %eq3A_30 : vector<80x6400xi32>
      %convert_element_type3A_32 = arith.extui %eq3A_31 : vector<80x6400xi1> to vector<80x6400xi32>
      %convert_element_type3A_33 = arith.sitofp %convert_element_type3A_32 : vector<80x6400xi32> to vector<80x6400xf32>
      %convert_element_type3A_34 = arith.truncf %convert_element_type3A_33 : vector<80x6400xf32> to vector<80x6400xbf16>
      %iota3A_35 = tpu.iota {dimensions = array<i32: 0>} : vector<128x6400xi32>
      %broadcast_in_dim3A_36 = vector.shape_cast %and3A_28 : vector<6400xi32> to vector<1x6400xi32>
      %eq3A_37 = vector.broadcast %broadcast_in_dim3A_36 : vector<1x6400xi32> to vector<128x6400xi32>
      %eq3A_38 = arith.cmpi eq, %iota3A_35, %eq3A_37 : vector<128x6400xi32>
      %convert_element_type3A_39 = arith.extui %eq3A_38 : vector<128x6400xi1> to vector<128x6400xi32>
      %convert_element_type3A_40 = arith.sitofp %convert_element_type3A_39 : vector<128x6400xi32> to vector<128x6400xf32>
      %convert_element_type3A_41 = arith.truncf %convert_element_type3A_40 : vector<128x6400xf32> to vector<128x6400xbf16>
      %dot_general3A_42 = arith.constant dense<0.000000e+00> : vector<128x80xf32>
      %dot_general3A_43 = tpu.matmul %convert_element_type3A_41, %convert_element_type3A_34, %dot_general3A_42 {dimension_numbers = #tpu.dot_dimension_numbers<[1], [1], [0], [0], [0, 0, 1, 0], [], []>, transpose_lhs_hint = false} : vector<128x6400xbf16>, vector<80x6400xbf16>, vector<128x80xf32> -> vector<128x80xf32>
      %add3A_44 = arith.addf %broadcast_in_dim3A_22, %dot_general3A_43 : vector<128x80xf32>
      %get3A_45 = arith.constant 6400 : index
      %get3A_46 = vector.load %arg5[%get3A_45] : memref<320000xi32, #tpu.memory_space<vmem>>, vector<6400xi32>
      %shift_right_arithmetic3A_47 = arith.constant 7 : i32
      %shift_right_arithmetic3A_48 = vector.broadcast %shift_right_arithmetic3A_47 : i32 to vector<6400xi32>
      %shift_right_arithmetic3A_49 = arith.shrsi %get3A_46, %shift_right_arithmetic3A_48 : vector<6400xi32>
      %and3A_50 = arith.constant 127 : i32
      %and3A_51 = vector.broadcast %and3A_50 : i32 to vector<6400xi32>
      %and3A_52 = arith.andi %get3A_46, %and3A_51 : vector<6400xi32>
      %iota3A_53 = tpu.iota {dimensions = array<i32: 0>} : vector<80x6400xi32>
      %broadcast_in_dim3A_54 = vector.shape_cast %shift_right_arithmetic3A_49 : vector<6400xi32> to vector<1x6400xi32>
      %eq3A_55 = vector.broadcast %broadcast_in_dim3A_54 : vector<1x6400xi32> to vector<80x6400xi32>
      %eq3A_56 = arith.cmpi eq, %iota3A_53, %eq3A_55 : vector<80x6400xi32>
      %convert_element_type3A_57 = arith.extui %eq3A_56 : vector<80x6400xi1> to vector<80x6400xi32>
      %convert_element_type3A_58 = arith.sitofp %convert_element_type3A_57 : vector<80x6400xi32> to vector<80x6400xf32>
      %convert_element_type3A_59 = arith.truncf %convert_element_type3A_58 : vector<80x6400xf32> to vector<80x6400xbf16>
      %iota3A_60 = tpu.iota {dimensions = array<i32: 0>} : vector<128x6400xi32>
      %broadcast_in_dim3A_61 = vector.shape_cast %and3A_52 : vector<6400xi32> to vector<1x6400xi32>
      %eq3A_62 = vector.broadcast %broadcast_in_dim3A_61 : vector<1x6400xi32> to vector<128x6400xi32>
      %eq3A_63 = arith.cmpi eq, %iota3A_60, %eq3A_62 : vector<128x6400xi32>
      %convert_element_type3A_64 = arith.extui %eq3A_63 : vector<128x6400xi1> to vector<128x6400xi32>
      %convert_element_type3A_65 = arith.sitofp %convert_element_type3A_64 : vector<128x6400xi32> to vector<128x6400xf32>
      %convert_element_type3A_66 = arith.truncf %convert_element_type3A_65 : vector<128x6400xf32> to vector<128x6400xbf16>
      %dot_general3A_67 = arith.constant dense<0.000000e+00> : vector<128x80xf32>
      %dot_general3A_68 = tpu.matmul %convert_element_type3A_66, %convert_element_type3A_59, %dot_general3A_67 {dimension_numbers = #tpu.dot_dimension_numbers<[1], [1], [0], [0], [0, 0, 1, 0], [], []>, transpose_lhs_hint = false} : vector<128x6400xbf16>, vector<80x6400xbf16>, vector<128x80xf32> -> vector<128x80xf32>
      %add3A_69 = arith.addf %add3A_44, %dot_general3A_68 : vector<128x80xf32>
      %get3A_70 = arith.constant 12800 : index
      %get3A_71 = vector.load %arg5[%get3A_70] : memref<320000xi32, #tpu.memory_space<vmem>>, vector<6400xi32>
      %shift_right_arithmetic3A_72 = arith.constant 7 : i32
      %shift_right_arithmetic3A_73 = vector.broadcast %shift_right_arithmetic3A_72 : i32 to vector<6400xi32>
      %shift_right_arithmetic3A_74 = arith.shrsi %get3A_71, %shift_right_arithmetic3A_73 : vector<6400xi32>
      %and3A_75 = arith.constant 127 : i32
      %and3A_76 = vector.broadcast %and3A_75 : i32 to vector<6400xi32>
      %and3A_77 = arith.andi %get3A_71, %and3A_76 : vector<6400xi32>
      %iota3A_78 = tpu.iota {dimensions = array<i32: 0>} : vector<80x6400xi32>
      %broadcast_in_dim3A_79 = vector.shape_cast %shift_right_arithmetic3A_74 : vector<6400xi32> to vector<1x6400xi32>
      %eq3A_80 = vector.broadcast %broadcast_in_dim3A_79 : vector<1x6400xi32> to vector<80x6400xi32>
      %eq3A_81 = arith.cmpi eq, %iota3A_78, %eq3A_80 : vector<80x6400xi32>
      %convert_element_type3A_82 = arith.extui %eq3A_81 : vector<80x6400xi1> to vector<80x6400xi32>
      %convert_element_type3A_83 = arith.sitofp %convert_element_type3A_82 : vector<80x6400xi32> to vector<80x6400xf32>
      %convert_element_type3A_84 = arith.truncf %convert_element_type3A_83 : vector<80x6400xf32> to vector<80x6400xbf16>
      %iota3A_85 = tpu.iota {dimensions = array<i32: 0>} : vector<128x6400xi32>
      %broadcast_in_dim3A_86 = vector.shape_cast %and3A_77 : vector<6400xi32> to vector<1x6400xi32>
      %eq3A_87 = vector.broadcast %broadcast_in_dim3A_86 : vector<1x6400xi32> to vector<128x6400xi32>
      %eq3A_88 = arith.cmpi eq, %iota3A_85, %eq3A_87 : vector<128x6400xi32>
      %convert_element_type3A_89 = arith.extui %eq3A_88 : vector<128x6400xi1> to vector<128x6400xi32>
      %convert_element_type3A_90 = arith.sitofp %convert_element_type3A_89 : vector<128x6400xi32> to vector<128x6400xf32>
      %convert_element_type3A_91 = arith.truncf %convert_element_type3A_90 : vector<128x6400xf32> to vector<128x6400xbf16>
      %dot_general3A_92 = arith.constant dense<0.000000e+00> : vector<128x80xf32>
      %dot_general3A_93 = tpu.matmul %convert_element_type3A_91, %convert_element_type3A_84, %dot_general3A_92 {dimension_numbers = #tpu.dot_dimension_numbers<[1], [1], [0], [0], [0, 0, 1, 0], [], []>, transpose_lhs_hint = false} : vector<128x6400xbf16>, vector<80x6400xbf16>, vector<128x80xf32> -> vector<128x80xf32>
      %add3A_94 = arith.addf %add3A_69, %dot_general3A_93 : vector<128x80xf32>
      %get3A_95 = arith.constant 19200 : index
      %get3A_96 = vector.load %arg5[%get3A_95] : memref<320000xi32, #tpu.memory_space<vmem>>, vector<6400xi32>
      %shift_right_arithmetic3A_97 = arith.constant 7 : i32
      %shift_right_arithmetic3A_98 = vector.broadcast %shift_right_arithmetic3A_97 : i32 to vector<6400xi32>
      %shift_right_arithmetic3A_99 = arith.shrsi %get3A_96, %shift_right_arithmetic3A_98 : vector<6400xi32>
      %and3A_100 = arith.constant 127 : i32
      %and3A_101 = vector.broadcast %and3A_100 : i32 to vector<6400xi32>
      %and3A_102 = arith.andi %get3A_96, %and3A_101 : vector<6400xi32>
      %iota3A_103 = tpu.iota {dimensions = array<i32: 0>} : vector<80x6400xi32>
      %broadcast_in_dim3A_104 = vector.shape_cast %shift_right_arithmetic3A_99 : vector<6400xi32> to vector<1x6400xi32>
      %eq3A_105 = vector.broadcast %broadcast_in_dim3A_104 : vector<1x6400xi32> to vector<80x6400xi32>
      %eq3A_106 = arith.cmpi eq, %iota3A_103, %eq3A_105 : vector<80x6400xi32>
      %convert_element_type3A_107 = arith.extui %eq3A_106 : vector<80x6400xi1> to vector<80x6400xi32>
      %convert_element_type3A_108 = arith.sitofp %convert_element_type3A_107 : vector<80x6400xi32> to vector<80x6400xf32>
      %convert_element_type3A_109 = arith.truncf %convert_element_type3A_108 : vector<80x6400xf32> to vector<80x6400xbf16>
      %iota3A_110 = tpu.iota {dimensions = array<i32: 0>} : vector<128x6400xi32>
      %broadcast_in_dim3A_111 = vector.shape_cast %and3A_102 : vector<6400xi32> to vector<1x6400xi32>
      %eq3A_112 = vector.broadcast %broadcast_in_dim3A_111 : vector<1x6400xi32> to vector<128x6400xi32>
      %eq3A_113 = arith.cmpi eq, %iota3A_110, %eq3A_112 : vector<128x6400xi32>
      %convert_element_type3A_114 = arith.extui %eq3A_113 : vector<128x6400xi1> to vector<128x6400xi32>
      %convert_element_type3A_115 = arith.sitofp %convert_element_type3A_114 : vector<128x6400xi32> to vector<128x6400xf32>
      %convert_element_type3A_116 = arith.truncf %convert_element_type3A_115 : vector<128x6400xf32> to vector<128x6400xbf16>
      %dot_general3A_117 = arith.constant dense<0.000000e+00> : vector<128x80xf32>
      %dot_general3A_118 = tpu.matmul %convert_element_type3A_116, %convert_element_type3A_109, %dot_general3A_117 {dimension_numbers = #tpu.dot_dimension_numbers<[1], [1], [0], [0], [0, 0, 1, 0], [], []>, transpose_lhs_hint = false} : vector<128x6400xbf16>, vector<80x6400xbf16>, vector<128x80xf32> -> vector<128x80xf32>
      %add3A_119 = arith.addf %add3A_94, %dot_general3A_118 : vector<128x80xf32>
      %get3A_120 = arith.constant 25600 : index
      %get3A_121 = vector.load %arg5[%get3A_120] : memref<320000xi32, #tpu.memory_space<vmem>>, vector<6400xi32>
      %shift_right_arithmetic3A_122 = arith.constant 7 : i32
      %shift_right_arithmetic3A_123 = vector.broadcast %shift_right_arithmetic3A_122 : i32 to vector<6400xi32>
      %shift_right_arithmetic3A_124 = arith.shrsi %get3A_121, %shift_right_arithmetic3A_123 : vector<6400xi32>
      %and3A_125 = arith.constant 127 : i32
      %and3A_126 = vector.broadcast %and3A_125 : i32 to vector<6400xi32>
      %and3A_127 = arith.andi %get3A_121, %and3A_126 : vector<6400xi32>
      %iota3A_128 = tpu.iota {dimensions = array<i32: 0>} : vector<80x6400xi32>
      %broadcast_in_dim3A_129 = vector.shape_cast %shift_right_arithmetic3A_124 : vector<6400xi32> to vector<1x6400xi32>
      %eq3A_130 = vector.broadcast %broadcast_in_dim3A_129 : vector<1x6400xi32> to vector<80x6400xi32>
      %eq3A_131 = arith.cmpi eq, %iota3A_128, %eq3A_130 : vector<80x6400xi32>
      %convert_element_type3A_132 = arith.extui %eq3A_131 : vector<80x6400xi1> to vector<80x6400xi32>
      %convert_element_type3A_133 = arith.sitofp %convert_element_type3A_132 : vector<80x6400xi32> to vector<80x6400xf32>
      %convert_element_type3A_134 = arith.truncf %convert_element_type3A_133 : vector<80x6400xf32> to vector<80x6400xbf16>
      %iota3A_135 = tpu.iota {dimensions = array<i32: 0>} : vector<128x6400xi32>
      %broadcast_in_dim3A_136 = vector.shape_cast %and3A_127 : vector<6400xi32> to vector<1x6400xi32>
      %eq3A_137 = vector.broadcast %broadcast_in_dim3A_136 : vector<1x6400xi32> to vector<128x6400xi32>
      %eq3A_138 = arith.cmpi eq, %iota3A_135, %eq3A_137 : vector<128x6400xi32>
      %convert_element_type3A_139 = arith.extui %eq3A_138 : vector<128x6400xi1> to vector<128x6400xi32>
      %convert_element_type3A_140 = arith.sitofp %convert_element_type3A_139 : vector<128x6400xi32> to vector<128x6400xf32>
      %convert_element_type3A_141 = arith.truncf %convert_element_type3A_140 : vector<128x6400xf32> to vector<128x6400xbf16>
      %dot_general3A_142 = arith.constant dense<0.000000e+00> : vector<128x80xf32>
      %dot_general3A_143 = tpu.matmul %convert_element_type3A_141, %convert_element_type3A_134, %dot_general3A_142 {dimension_numbers = #tpu.dot_dimension_numbers<[1], [1], [0], [0], [0, 0, 1, 0], [], []>, transpose_lhs_hint = false} : vector<128x6400xbf16>, vector<80x6400xbf16>, vector<128x80xf32> -> vector<128x80xf32>
      %add3A_144 = arith.addf %add3A_119, %dot_general3A_143 : vector<128x80xf32>
      %get3A_145 = arith.constant 32000 : index
      %get3A_146 = vector.load %arg5[%get3A_145] : memref<320000xi32, #tpu.memory_space<vmem>>, vector<6400xi32>
      %shift_right_arithmetic3A_147 = arith.constant 7 : i32
      %shift_right_arithmetic3A_148 = vector.broadcast %shift_right_arithmetic3A_147 : i32 to vector<6400xi32>
      %shift_right_arithmetic3A_149 = arith.shrsi %get3A_146, %shift_right_arithmetic3A_148 : vector<6400xi32>
      %and3A_150 = arith.constant 127 : i32
      %and3A_151 = vector.broadcast %and3A_150 : i32 to vector<6400xi32>
      %and3A_152 = arith.andi %get3A_146, %and3A_151 : vector<6400xi32>
      %iota3A_153 = tpu.iota {dimensions = array<i32: 0>} : vector<80x6400xi32>
      %broadcast_in_dim3A_154 = vector.shape_cast %shift_right_arithmetic3A_149 : vector<6400xi32> to vector<1x6400xi32>
      %eq3A_155 = vector.broadcast %broadcast_in_dim3A_154 : vector<1x6400xi32> to vector<80x6400xi32>
      %eq3A_156 = arith.cmpi eq, %iota3A_153, %eq3A_155 : vector<80x6400xi32>
      %convert_element_type3A_157 = arith.extui %eq3A_156 : vector<80x6400xi1> to vector<80x6400xi32>
      %convert_element_type3A_158 = arith.sitofp %convert_element_type3A_157 : vector<80x6400xi32> to vector<80x6400xf32>
      %convert_element_type3A_159 = arith.truncf %convert_element_type3A_158 : vector<80x6400xf32> to vector<80x6400xbf16>
      %iota3A_160 = tpu.iota {dimensions = array<i32: 0>} : vector<128x6400xi32>
      %broadcast_in_dim3A_161 = vector.shape_cast %and3A_152 : vector<6400xi32> to vector<1x6400xi32>
      %eq3A_162 = vector.broadcast %broadcast_in_dim3A_161 : vector<1x6400xi32> to vector<128x6400xi32>
      %eq3A_163 = arith.cmpi eq, %iota3A_160, %eq3A_162 : vector<128x6400xi32>
      %convert_element_type3A_164 = arith.extui %eq3A_163 : vector<128x6400xi1> to vector<128x6400xi32>
      %convert_element_type3A_165 = arith.sitofp %convert_element_type3A_164 : vector<128x6400xi32> to vector<128x6400xf32>
      %convert_element_type3A_166 = arith.truncf %convert_element_type3A_165 : vector<128x6400xf32> to vector<128x6400xbf16>
      %dot_general3A_167 = arith.constant dense<0.000000e+00> : vector<128x80xf32>
      %dot_general3A_168 = tpu.matmul %convert_element_type3A_166, %convert_element_type3A_159, %dot_general3A_167 {dimension_numbers = #tpu.dot_dimension_numbers<[1], [1], [0], [0], [0, 0, 1, 0], [], []>, transpose_lhs_hint = false} : vector<128x6400xbf16>, vector<80x6400xbf16>, vector<128x80xf32> -> vector<128x80xf32>
      %add3A_169 = arith.addf %add3A_144, %dot_general3A_168 : vector<128x80xf32>
      %get3A_170 = arith.constant 38400 : index
      %get3A_171 = vector.load %arg5[%get3A_170] : memref<320000xi32, #tpu.memory_space<vmem>>, vector<6400xi32>
      %shift_right_arithmetic3A_172 = arith.constant 7 : i32
      %shift_right_arithmetic3A_173 = vector.broadcast %shift_right_arithmetic3A_172 : i32 to vector<6400xi32>
      %shift_right_arithmetic3A_174 = arith.shrsi %get3A_171, %shift_right_arithmetic3A_173 : vector<6400xi32>
      %and3A_175 = arith.constant 127 : i32
      %and3A_176 = vector.broadcast %and3A_175 : i32 to vector<6400xi32>
      %and3A_177 = arith.andi %get3A_171, %and3A_176 : vector<6400xi32>
      %iota3A_178 = tpu.iota {dimensions = array<i32: 0>} : vector<80x6400xi32>
      %broadcast_in_dim3A_179 = vector.shape_cast %shift_right_arithmetic3A_174 : vector<6400xi32> to vector<1x6400xi32>
      %eq3A_180 = vector.broadcast %broadcast_in_dim3A_179 : vector<1x6400xi32> to vector<80x6400xi32>
      %eq3A_181 = arith.cmpi eq, %iota3A_178, %eq3A_180 : vector<80x6400xi32>
      %convert_element_type3A_182 = arith.extui %eq3A_181 : vector<80x6400xi1> to vector<80x6400xi32>
      %convert_element_type3A_183 = arith.sitofp %convert_element_type3A_182 : vector<80x6400xi32> to vector<80x6400xf32>
      %convert_element_type3A_184 = arith.truncf %convert_element_type3A_183 : vector<80x6400xf32> to vector<80x6400xbf16>
      %iota3A_185 = tpu.iota {dimensions = array<i32: 0>} : vector<128x6400xi32>
      %broadcast_in_dim3A_186 = vector.shape_cast %and3A_177 : vector<6400xi32> to vector<1x6400xi32>
      %eq3A_187 = vector.broadcast %broadcast_in_dim3A_186 : vector<1x6400xi32> to vector<128x6400xi32>
      %eq3A_188 = arith.cmpi eq, %iota3A_185, %eq3A_187 : vector<128x6400xi32>
      %convert_element_type3A_189 = arith.extui %eq3A_188 : vector<128x6400xi1> to vector<128x6400xi32>
      %convert_element_type3A_190 = arith.sitofp %convert_element_type3A_189 : vector<128x6400xi32> to vector<128x6400xf32>
      %convert_element_type3A_191 = arith.truncf %convert_element_type3A_190 : vector<128x6400xf32> to vector<128x6400xbf16>
      %dot_general3A_192 = arith.constant dense<0.000000e+00> : vector<128x80xf32>
      %dot_general3A_193 = tpu.matmul %convert_element_type3A_191, %convert_element_type3A_184, %dot_general3A_192 {dimension_numbers = #tpu.dot_dimension_numbers<[1], [1], [0], [0], [0, 0, 1, 0], [], []>, transpose_lhs_hint = false} : vector<128x6400xbf16>, vector<80x6400xbf16>, vector<128x80xf32> -> vector<128x80xf32>
      %add3A_194 = arith.addf %add3A_169, %dot_general3A_193 : vector<128x80xf32>
      %get3A_195 = arith.constant 44800 : index
      %get3A_196 = vector.load %arg5[%get3A_195] : memref<320000xi32, #tpu.memory_space<vmem>>, vector<6400xi32>
      %shift_right_arithmetic3A_197 = arith.constant 7 : i32
      %shift_right_arithmetic3A_198 = vector.broadcast %shift_right_arithmetic3A_197 : i32 to vector<6400xi32>
      %shift_right_arithmetic3A_199 = arith.shrsi %get3A_196, %shift_right_arithmetic3A_198 : vector<6400xi32>
      %and3A_200 = arith.constant 127 : i32
      %and3A_201 = vector.broadcast %and3A_200 : i32 to vector<6400xi32>
      %and3A_202 = arith.andi %get3A_196, %and3A_201 : vector<6400xi32>
      %iota3A_203 = tpu.iota {dimensions = array<i32: 0>} : vector<80x6400xi32>
      %broadcast_in_dim3A_204 = vector.shape_cast %shift_right_arithmetic3A_199 : vector<6400xi32> to vector<1x6400xi32>
      %eq3A_205 = vector.broadcast %broadcast_in_dim3A_204 : vector<1x6400xi32> to vector<80x6400xi32>
      %eq3A_206 = arith.cmpi eq, %iota3A_203, %eq3A_205 : vector<80x6400xi32>
      %convert_element_type3A_207 = arith.extui %eq3A_206 : vector<80x6400xi1> to vector<80x6400xi32>
      %convert_element_type3A_208 = arith.sitofp %convert_element_type3A_207 : vector<80x6400xi32> to vector<80x6400xf32>
      %convert_element_type3A_209 = arith.truncf %convert_element_type3A_208 : vector<80x6400xf32> to vector<80x6400xbf16>
      %iota3A_210 = tpu.iota {dimensions = array<i32: 0>} : vector<128x6400xi32>
      %broadcast_in_dim3A_211 = vector.shape_cast %and3A_202 : vector<6400xi32> to vector<1x6400xi32>
      %eq3A_212 = vector.broadcast %broadcast_in_dim3A_211 : vector<1x6400xi32> to vector<128x6400xi32>
      %eq3A_213 = arith.cmpi eq, %iota3A_210, %eq3A_212 : vector<128x6400xi32>
      %convert_element_type3A_214 = arith.extui %eq3A_213 : vector<128x6400xi1> to vector<128x6400xi32>
      %convert_element_type3A_215 = arith.sitofp %convert_element_type3A_214 : vector<128x6400xi32> to vector<128x6400xf32>
      %convert_element_type3A_216 = arith.truncf %convert_element_type3A_215 : vector<128x6400xf32> to vector<128x6400xbf16>
      %dot_general3A_217 = arith.constant dense<0.000000e+00> : vector<128x80xf32>
      %dot_general3A_218 = tpu.matmul %convert_element_type3A_216, %convert_element_type3A_209, %dot_general3A_217 {dimension_numbers = #tpu.dot_dimension_numbers<[1], [1], [0], [0], [0, 0, 1, 0], [], []>, transpose_lhs_hint = false} : vector<128x6400xbf16>, vector<80x6400xbf16>, vector<128x80xf32> -> vector<128x80xf32>
      %add3A_219 = arith.addf %add3A_194, %dot_general3A_218 : vector<128x80xf32>
      %get3A_220 = arith.constant 51200 : index
      %get3A_221 = vector.load %arg5[%get3A_220] : memref<320000xi32, #tpu.memory_space<vmem>>, vector<6400xi32>
      %shift_right_arithmetic3A_222 = arith.constant 7 : i32
      %shift_right_arithmetic3A_223 = vector.broadcast %shift_right_arithmetic3A_222 : i32 to vector<6400xi32>
      %shift_right_arithmetic3A_224 = arith.shrsi %get3A_221, %shift_right_arithmetic3A_223 : vector<6400xi32>
      %and3A_225 = arith.constant 127 : i32
      %and3A_226 = vector.broadcast %and3A_225 : i32 to vector<6400xi32>
      %and3A_227 = arith.andi %get3A_221, %and3A_226 : vector<6400xi32>
      %iota3A_228 = tpu.iota {dimensions = array<i32: 0>} : vector<80x6400xi32>
      %broadcast_in_dim3A_229 = vector.shape_cast %shift_right_arithmetic3A_224 : vector<6400xi32> to vector<1x6400xi32>
      %eq3A_230 = vector.broadcast %broadcast_in_dim3A_229 : vector<1x6400xi32> to vector<80x6400xi32>
      %eq3A_231 = arith.cmpi eq, %iota3A_228, %eq3A_230 : vector<80x6400xi32>
      %convert_element_type3A_232 = arith.extui %eq3A_231 : vector<80x6400xi1> to vector<80x6400xi32>
      %convert_element_type3A_233 = arith.sitofp %convert_element_type3A_232 : vector<80x6400xi32> to vector<80x6400xf32>
      %convert_element_type3A_234 = arith.truncf %convert_element_type3A_233 : vector<80x6400xf32> to vector<80x6400xbf16>
      %iota3A_235 = tpu.iota {dimensions = array<i32: 0>} : vector<128x6400xi32>
      %broadcast_in_dim3A_236 = vector.shape_cast %and3A_227 : vector<6400xi32> to vector<1x6400xi32>
      %eq3A_237 = vector.broadcast %broadcast_in_dim3A_236 : vector<1x6400xi32> to vector<128x6400xi32>
      %eq3A_238 = arith.cmpi eq, %iota3A_235, %eq3A_237 : vector<128x6400xi32>
      %convert_element_type3A_239 = arith.extui %eq3A_238 : vector<128x6400xi1> to vector<128x6400xi32>
      %convert_element_type3A_240 = arith.sitofp %convert_element_type3A_239 : vector<128x6400xi32> to vector<128x6400xf32>
      %convert_element_type3A_241 = arith.truncf %convert_element_type3A_240 : vector<128x6400xf32> to vector<128x6400xbf16>
      %dot_general3A_242 = arith.constant dense<0.000000e+00> : vector<128x80xf32>
      %dot_general3A_243 = tpu.matmul %convert_element_type3A_241, %convert_element_type3A_234, %dot_general3A_242 {dimension_numbers = #tpu.dot_dimension_numbers<[1], [1], [0], [0], [0, 0, 1, 0], [], []>, transpose_lhs_hint = false} : vector<128x6400xbf16>, vector<80x6400xbf16>, vector<128x80xf32> -> vector<128x80xf32>
      %add3A_244 = arith.addf %add3A_219, %dot_general3A_243 : vector<128x80xf32>
      %get3A_245 = arith.constant 57600 : index
      %get3A_246 = vector.load %arg5[%get3A_245] : memref<320000xi32, #tpu.memory_space<vmem>>, vector<6400xi32>
      %shift_right_arithmetic3A_247 = arith.constant 7 : i32
      %shift_right_arithmetic3A_248 = vector.broadcast %shift_right_arithmetic3A_247 : i32 to vector<6400xi32>
      %shift_right_arithmetic3A_249 = arith.shrsi %get3A_246, %shift_right_arithmetic3A_248 : vector<6400xi32>
      %and3A_250 = arith.constant 127 : i32
      %and3A_251 = vector.broadcast %and3A_250 : i32 to vector<6400xi32>
      %and3A_252 = arith.andi %get3A_246, %and3A_251 : vector<6400xi32>
      %iota3A_253 = tpu.iota {dimensions = array<i32: 0>} : vector<80x6400xi32>
      %broadcast_in_dim3A_254 = vector.shape_cast %shift_right_arithmetic3A_249 : vector<6400xi32> to vector<1x6400xi32>
      %eq3A_255 = vector.broadcast %broadcast_in_dim3A_254 : vector<1x6400xi32> to vector<80x6400xi32>
      %eq3A_256 = arith.cmpi eq, %iota3A_253, %eq3A_255 : vector<80x6400xi32>
      %convert_element_type3A_257 = arith.extui %eq3A_256 : vector<80x6400xi1> to vector<80x6400xi32>
      %convert_element_type3A_258 = arith.sitofp %convert_element_type3A_257 : vector<80x6400xi32> to vector<80x6400xf32>
      %convert_element_type3A_259 = arith.truncf %convert_element_type3A_258 : vector<80x6400xf32> to vector<80x6400xbf16>
      %iota3A_260 = tpu.iota {dimensions = array<i32: 0>} : vector<128x6400xi32>
      %broadcast_in_dim3A_261 = vector.shape_cast %and3A_252 : vector<6400xi32> to vector<1x6400xi32>
      %eq3A_262 = vector.broadcast %broadcast_in_dim3A_261 : vector<1x6400xi32> to vector<128x6400xi32>
      %eq3A_263 = arith.cmpi eq, %iota3A_260, %eq3A_262 : vector<128x6400xi32>
      %convert_element_type3A_264 = arith.extui %eq3A_263 : vector<128x6400xi1> to vector<128x6400xi32>
      %convert_element_type3A_265 = arith.sitofp %convert_element_type3A_264 : vector<128x6400xi32> to vector<128x6400xf32>
      %convert_element_type3A_266 = arith.truncf %convert_element_type3A_265 : vector<128x6400xf32> to vector<128x6400xbf16>
      %dot_general3A_267 = arith.constant dense<0.000000e+00> : vector<128x80xf32>
      %dot_general3A_268 = tpu.matmul %convert_element_type3A_266, %convert_element_type3A_259, %dot_general3A_267 {dimension_numbers = #tpu.dot_dimension_numbers<[1], [1], [0], [0], [0, 0, 1, 0], [], []>, transpose_lhs_hint = false} : vector<128x6400xbf16>, vector<80x6400xbf16>, vector<128x80xf32> -> vector<128x80xf32>
      %add3A_269 = arith.addf %add3A_244, %dot_general3A_268 : vector<128x80xf32>
      %get3A_270 = arith.constant 64000 : index
      %get3A_271 = vector.load %arg5[%get3A_270] : memref<320000xi32, #tpu.memory_space<vmem>>, vector<6400xi32>
      %shift_right_arithmetic3A_272 = arith.constant 7 : i32
      %shift_right_arithmetic3A_273 = vector.broadcast %shift_right_arithmetic3A_272 : i32 to vector<6400xi32>
      %shift_right_arithmetic3A_274 = arith.shrsi %get3A_271, %shift_right_arithmetic3A_273 : vector<6400xi32>
      %and3A_275 = arith.constant 127 : i32
      %and3A_276 = vector.broadcast %and3A_275 : i32 to vector<6400xi32>
      %and3A_277 = arith.andi %get3A_271, %and3A_276 : vector<6400xi32>
      %iota3A_278 = tpu.iota {dimensions = array<i32: 0>} : vector<80x6400xi32>
      %broadcast_in_dim3A_279 = vector.shape_cast %shift_right_arithmetic3A_274 : vector<6400xi32> to vector<1x6400xi32>
      %eq3A_280 = vector.broadcast %broadcast_in_dim3A_279 : vector<1x6400xi32> to vector<80x6400xi32>
      %eq3A_281 = arith.cmpi eq, %iota3A_278, %eq3A_280 : vector<80x6400xi32>
      %convert_element_type3A_282 = arith.extui %eq3A_281 : vector<80x6400xi1> to vector<80x6400xi32>
      %convert_element_type3A_283 = arith.sitofp %convert_element_type3A_282 : vector<80x6400xi32> to vector<80x6400xf32>
      %convert_element_type3A_284 = arith.truncf %convert_element_type3A_283 : vector<80x6400xf32> to vector<80x6400xbf16>
      %iota3A_285 = tpu.iota {dimensions = array<i32: 0>} : vector<128x6400xi32>
      %broadcast_in_dim3A_286 = vector.shape_cast %and3A_277 : vector<6400xi32> to vector<1x6400xi32>
      %eq3A_287 = vector.broadcast %broadcast_in_dim3A_286 : vector<1x6400xi32> to vector<128x6400xi32>
      %eq3A_288 = arith.cmpi eq, %iota3A_285, %eq3A_287 : vector<128x6400xi32>
      %convert_element_type3A_289 = arith.extui %eq3A_288 : vector<128x6400xi1> to vector<128x6400xi32>
      %convert_element_type3A_290 = arith.sitofp %convert_element_type3A_289 : vector<128x6400xi32> to vector<128x6400xf32>
      %convert_element_type3A_291 = arith.truncf %convert_element_type3A_290 : vector<128x6400xf32> to vector<128x6400xbf16>
      %dot_general3A_292 = arith.constant dense<0.000000e+00> : vector<128x80xf32>
      %dot_general3A_293 = tpu.matmul %convert_element_type3A_291, %convert_element_type3A_284, %dot_general3A_292 {dimension_numbers = #tpu.dot_dimension_numbers<[1], [1], [0], [0], [0, 0, 1, 0], [], []>, transpose_lhs_hint = false} : vector<128x6400xbf16>, vector<80x6400xbf16>, vector<128x80xf32> -> vector<128x80xf32>
      %add3A_294 = arith.addf %add3A_269, %dot_general3A_293 : vector<128x80xf32>
      %get3A_295 = arith.constant 70400 : index
      %get3A_296 = vector.load %arg5[%get3A_295] : memref<320000xi32, #tpu.memory_space<vmem>>, vector<6400xi32>
      %shift_right_arithmetic3A_297 = arith.constant 7 : i32
      %shift_right_arithmetic3A_298 = vector.broadcast %shift_right_arithmetic3A_297 : i32 to vector<6400xi32>
      %shift_right_arithmetic3A_299 = arith.shrsi %get3A_296, %shift_right_arithmetic3A_298 : vector<6400xi32>
      %and3A_300 = arith.constant 127 : i32
      %and3A_301 = vector.broadcast %and3A_300 : i32 to vector<6400xi32>
      %and3A_302 = arith.andi %get3A_296, %and3A_301 : vector<6400xi32>
      %iota3A_303 = tpu.iota {dimensions = array<i32: 0>} : vector<80x6400xi32>
      %broadcast_in_dim3A_304 = vector.shape_cast %shift_right_arithmetic3A_299 : vector<6400xi32> to vector<1x6400xi32>
      %eq3A_305 = vector.broadcast %broadcast_in_dim3A_304 : vector<1x6400xi32> to vector<80x6400xi32>
      %eq3A_306 = arith.cmpi eq, %iota3A_303, %eq3A_305 : vector<80x6400xi32>
      %convert_element_type3A_307 = arith.extui %eq3A_306 : vector<80x6400xi1> to vector<80x6400xi32>
      %convert_element_type3A_308 = arith.sitofp %convert_element_type3A_307 : vector<80x6400xi32> to vector<80x6400xf32>
      %convert_element_type3A_309 = arith.truncf %convert_element_type3A_308 : vector<80x6400xf32> to vector<80x6400xbf16>
      %iota3A_310 = tpu.iota {dimensions = array<i32: 0>} : vector<128x6400xi32>
      %broadcast_in_dim3A_311 = vector.shape_cast %and3A_302 : vector<6400xi32> to vector<1x6400xi32>
      %eq3A_312 = vector.broadcast %broadcast_in_dim3A_311 : vector<1x6400xi32> to vector<128x6400xi32>
      %eq3A_313 = arith.cmpi eq, %iota3A_310, %eq3A_312 : vector<128x6400xi32>
      %convert_element_type3A_314 = arith.extui %eq3A_313 : vector<128x6400xi1> to vector<128x6400xi32>
      %convert_element_type3A_315 = arith.sitofp %convert_element_type3A_314 : vector<128x6400xi32> to vector<128x6400xf32>
      %convert_element_type3A_316 = arith.truncf %convert_element_type3A_315 : vector<128x6400xf32> to vector<128x6400xbf16>
      %dot_general3A_317 = arith.constant dense<0.000000e+00> : vector<128x80xf32>
      %dot_general3A_318 = tpu.matmul %convert_element_type3A_316, %convert_element_type3A_309, %dot_general3A_317 {dimension_numbers = #tpu.dot_dimension_numbers<[1], [1], [0], [0], [0, 0, 1, 0], [], []>, transpose_lhs_hint = false} : vector<128x6400xbf16>, vector<80x6400xbf16>, vector<128x80xf32> -> vector<128x80xf32>
      %add3A_319 = arith.addf %add3A_294, %dot_general3A_318 : vector<128x80xf32>
      %get3A_320 = arith.constant 76800 : index
      %get3A_321 = vector.load %arg5[%get3A_320] : memref<320000xi32, #tpu.memory_space<vmem>>, vector<6400xi32>
      %shift_right_arithmetic3A_322 = arith.constant 7 : i32
      %shift_right_arithmetic3A_323 = vector.broadcast %shift_right_arithmetic3A_322 : i32 to vector<6400xi32>
      %shift_right_arithmetic3A_324 = arith.shrsi %get3A_321, %shift_right_arithmetic3A_323 : vector<6400xi32>
      %and3A_325 = arith.constant 127 : i32
      %and3A_326 = vector.broadcast %and3A_325 : i32 to vector<6400xi32>
      %and3A_327 = arith.andi %get3A_321, %and3A_326 : vector<6400xi32>
      %iota3A_328 = tpu.iota {dimensions = array<i32: 0>} : vector<80x6400xi32>
      %broadcast_in_dim3A_329 = vector.shape_cast %shift_right_arithmetic3A_324 : vector<6400xi32> to vector<1x6400xi32>
      %eq3A_330 = vector.broadcast %broadcast_in_dim3A_329 : vector<1x6400xi32> to vector<80x6400xi32>
      %eq3A_331 = arith.cmpi eq, %iota3A_328, %eq3A_330 : vector<80x6400xi32>
      %convert_element_type3A_332 = arith.extui %eq3A_331 : vector<80x6400xi1> to vector<80x6400xi32>
      %convert_element_type3A_333 = arith.sitofp %convert_element_type3A_332 : vector<80x6400xi32> to vector<80x6400xf32>
      %convert_element_type3A_334 = arith.truncf %convert_element_type3A_333 : vector<80x6400xf32> to vector<80x6400xbf16>
      %iota3A_335 = tpu.iota {dimensions = array<i32: 0>} : vector<128x6400xi32>
      %broadcast_in_dim3A_336 = vector.shape_cast %and3A_327 : vector<6400xi32> to vector<1x6400xi32>
      %eq3A_337 = vector.broadcast %broadcast_in_dim3A_336 : vector<1x6400xi32> to vector<128x6400xi32>
      %eq3A_338 = arith.cmpi eq, %iota3A_335, %eq3A_337 : vector<128x6400xi32>
      %convert_element_type3A_339 = arith.extui %eq3A_338 : vector<128x6400xi1> to vector<128x6400xi32>
      %convert_element_type3A_340 = arith.sitofp %convert_element_type3A_339 : vector<128x6400xi32> to vector<128x6400xf32>
      %convert_element_type3A_341 = arith.truncf %convert_element_type3A_340 : vector<128x6400xf32> to vector<128x6400xbf16>
      %dot_general3A_342 = arith.constant dense<0.000000e+00> : vector<128x80xf32>
      %dot_general3A_343 = tpu.matmul %convert_element_type3A_341, %convert_element_type3A_334, %dot_general3A_342 {dimension_numbers = #tpu.dot_dimension_numbers<[1], [1], [0], [0], [0, 0, 1, 0], [], []>, transpose_lhs_hint = false} : vector<128x6400xbf16>, vector<80x6400xbf16>, vector<128x80xf32> -> vector<128x80xf32>
      %add3A_344 = arith.addf %add3A_319, %dot_general3A_343 : vector<128x80xf32>
      %get3A_345 = arith.constant 83200 : index
      %get3A_346 = vector.load %arg5[%get3A_345] : memref<320000xi32, #tpu.memory_space<vmem>>, vector<6400xi32>
      %shift_right_arithmetic3A_347 = arith.constant 7 : i32
      %shift_right_arithmetic3A_348 = vector.broadcast %shift_right_arithmetic3A_347 : i32 to vector<6400xi32>
      %shift_right_arithmetic3A_349 = arith.shrsi %get3A_346, %shift_right_arithmetic3A_348 : vector<6400xi32>
      %and3A_350 = arith.constant 127 : i32
      %and3A_351 = vector.broadcast %and3A_350 : i32 to vector<6400xi32>
      %and3A_352 = arith.andi %get3A_346, %and3A_351 : vector<6400xi32>
      %iota3A_353 = tpu.iota {dimensions = array<i32: 0>} : vector<80x6400xi32>
      %broadcast_in_dim3A_354 = vector.shape_cast %shift_right_arithmetic3A_349 : vector<6400xi32> to vector<1x6400xi32>
      %eq3A_355 = vector.broadcast %broadcast_in_dim3A_354 : vector<1x6400xi32> to vector<80x6400xi32>
      %eq3A_356 = arith.cmpi eq, %iota3A_353, %eq3A_355 : vector<80x6400xi32>
      %convert_element_type3A_357 = arith.extui %eq3A_356 : vector<80x6400xi1> to vector<80x6400xi32>
      %convert_element_type3A_358 = arith.sitofp %convert_element_type3A_357 : vector<80x6400xi32> to vector<80x6400xf32>
      %convert_element_type3A_359 = arith.truncf %convert_element_type3A_358 : vector<80x6400xf32> to vector<80x6400xbf16>
      %iota3A_360 = tpu.iota {dimensions = array<i32: 0>} : vector<128x6400xi32>
      %broadcast_in_dim3A_361 = vector.shape_cast %and3A_352 : vector<6400xi32> to vector<1x6400xi32>
      %eq3A_362 = vector.broadcast %broadcast_in_dim3A_361 : vector<1x6400xi32> to vector<128x6400xi32>
      %eq3A_363 = arith.cmpi eq, %iota3A_360, %eq3A_362 : vector<128x6400xi32>
      %convert_element_type3A_364 = arith.extui %eq3A_363 : vector<128x6400xi1> to vector<128x6400xi32>
      %convert_element_type3A_365 = arith.sitofp %convert_element_type3A_364 : vector<128x6400xi32> to vector<128x6400xf32>
      %convert_element_type3A_366 = arith.truncf %convert_element_type3A_365 : vector<128x6400xf32> to vector<128x6400xbf16>
      %dot_general3A_367 = arith.constant dense<0.000000e+00> : vector<128x80xf32>
      %dot_general3A_368 = tpu.matmul %convert_element_type3A_366, %convert_element_type3A_359, %dot_general3A_367 {dimension_numbers = #tpu.dot_dimension_numbers<[1], [1], [0], [0], [0, 0, 1, 0], [], []>, transpose_lhs_hint = false} : vector<128x6400xbf16>, vector<80x6400xbf16>, vector<128x80xf32> -> vector<128x80xf32>
      %add3A_369 = arith.addf %add3A_344, %dot_general3A_368 : vector<128x80xf32>
      %get3A_370 = arith.constant 89600 : index
      %get3A_371 = vector.load %arg5[%get3A_370] : memref<320000xi32, #tpu.memory_space<vmem>>, vector<6400xi32>
      %shift_right_arithmetic3A_372 = arith.constant 7 : i32
      %shift_right_arithmetic3A_373 = vector.broadcast %shift_right_arithmetic3A_372 : i32 to vector<6400xi32>
      %shift_right_arithmetic3A_374 = arith.shrsi %get3A_371, %shift_right_arithmetic3A_373 : vector<6400xi32>
      %and3A_375 = arith.constant 127 : i32
      %and3A_376 = vector.broadcast %and3A_375 : i32 to vector<6400xi32>
      %and3A_377 = arith.andi %get3A_371, %and3A_376 : vector<6400xi32>
      %iota3A_378 = tpu.iota {dimensions = array<i32: 0>} : vector<80x6400xi32>
      %broadcast_in_dim3A_379 = vector.shape_cast %shift_right_arithmetic3A_374 : vector<6400xi32> to vector<1x6400xi32>
      %eq3A_380 = vector.broadcast %broadcast_in_dim3A_379 : vector<1x6400xi32> to vector<80x6400xi32>
      %eq3A_381 = arith.cmpi eq, %iota3A_378, %eq3A_380 : vector<80x6400xi32>
      %convert_element_type3A_382 = arith.extui %eq3A_381 : vector<80x6400xi1> to vector<80x6400xi32>
      %convert_element_type3A_383 = arith.sitofp %convert_element_type3A_382 : vector<80x6400xi32> to vector<80x6400xf32>
      %convert_element_type3A_384 = arith.truncf %convert_element_type3A_383 : vector<80x6400xf32> to vector<80x6400xbf16>
      %iota3A_385 = tpu.iota {dimensions = array<i32: 0>} : vector<128x6400xi32>
      %broadcast_in_dim3A_386 = vector.shape_cast %and3A_377 : vector<6400xi32> to vector<1x6400xi32>
      %eq3A_387 = vector.broadcast %broadcast_in_dim3A_386 : vector<1x6400xi32> to vector<128x6400xi32>
      %eq3A_388 = arith.cmpi eq, %iota3A_385, %eq3A_387 : vector<128x6400xi32>
      %convert_element_type3A_389 = arith.extui %eq3A_388 : vector<128x6400xi1> to vector<128x6400xi32>
      %convert_element_type3A_390 = arith.sitofp %convert_element_type3A_389 : vector<128x6400xi32> to vector<128x6400xf32>
      %convert_element_type3A_391 = arith.truncf %convert_element_type3A_390 : vector<128x6400xf32> to vector<128x6400xbf16>
      %dot_general3A_392 = arith.constant dense<0.000000e+00> : vector<128x80xf32>
      %dot_general3A_393 = tpu.matmul %convert_element_type3A_391, %convert_element_type3A_384, %dot_general3A_392 {dimension_numbers = #tpu.dot_dimension_numbers<[1], [1], [0], [0], [0, 0, 1, 0], [], []>, transpose_lhs_hint = false} : vector<128x6400xbf16>, vector<80x6400xbf16>, vector<128x80xf32> -> vector<128x80xf32>
      %add3A_394 = arith.addf %add3A_369, %dot_general3A_393 : vector<128x80xf32>
      %get3A_395 = arith.constant 96000 : index
      %get3A_396 = vector.load %arg5[%get3A_395] : memref<320000xi32, #tpu.memory_space<vmem>>, vector<6400xi32>
      %shift_right_arithmetic3A_397 = arith.constant 7 : i32
      %shift_right_arithmetic3A_398 = vector.broadcast %shift_right_arithmetic3A_397 : i32 to vector<6400xi32>
      %shift_right_arithmetic3A_399 = arith.shrsi %get3A_396, %shift_right_arithmetic3A_398 : vector<6400xi32>
      %and3A_400 = arith.constant 127 : i32
      %and3A_401 = vector.broadcast %and3A_400 : i32 to vector<6400xi32>
      %and3A_402 = arith.andi %get3A_396, %and3A_401 : vector<6400xi32>
      %iota3A_403 = tpu.iota {dimensions = array<i32: 0>} : vector<80x6400xi32>
      %broadcast_in_dim3A_404 = vector.shape_cast %shift_right_arithmetic3A_399 : vector<6400xi32> to vector<1x6400xi32>
      %eq3A_405 = vector.broadcast %broadcast_in_dim3A_404 : vector<1x6400xi32> to vector<80x6400xi32>
      %eq3A_406 = arith.cmpi eq, %iota3A_403, %eq3A_405 : vector<80x6400xi32>
      %convert_element_type3A_407 = arith.extui %eq3A_406 : vector<80x6400xi1> to vector<80x6400xi32>
      %convert_element_type3A_408 = arith.sitofp %convert_element_type3A_407 : vector<80x6400xi32> to vector<80x6400xf32>
      %convert_element_type3A_409 = arith.truncf %convert_element_type3A_408 : vector<80x6400xf32> to vector<80x6400xbf16>
      %iota3A_410 = tpu.iota {dimensions = array<i32: 0>} : vector<128x6400xi32>
      %broadcast_in_dim3A_411 = vector.shape_cast %and3A_402 : vector<6400xi32> to vector<1x6400xi32>
      %eq3A_412 = vector.broadcast %broadcast_in_dim3A_411 : vector<1x6400xi32> to vector<128x6400xi32>
      %eq3A_413 = arith.cmpi eq, %iota3A_410, %eq3A_412 : vector<128x6400xi32>
      %convert_element_type3A_414 = arith.extui %eq3A_413 : vector<128x6400xi1> to vector<128x6400xi32>
      %convert_element_type3A_415 = arith.sitofp %convert_element_type3A_414 : vector<128x6400xi32> to vector<128x6400xf32>
      %convert_element_type3A_416 = arith.truncf %convert_element_type3A_415 : vector<128x6400xf32> to vector<128x6400xbf16>
      %dot_general3A_417 = arith.constant dense<0.000000e+00> : vector<128x80xf32>
      %dot_general3A_418 = tpu.matmul %convert_element_type3A_416, %convert_element_type3A_409, %dot_general3A_417 {dimension_numbers = #tpu.dot_dimension_numbers<[1], [1], [0], [0], [0, 0, 1, 0], [], []>, transpose_lhs_hint = false} : vector<128x6400xbf16>, vector<80x6400xbf16>, vector<128x80xf32> -> vector<128x80xf32>
      %add3A_419 = arith.addf %add3A_394, %dot_general3A_418 : vector<128x80xf32>
      %get3A_420 = arith.constant 102400 : index
      %get3A_421 = vector.load %arg5[%get3A_420] : memref<320000xi32, #tpu.memory_space<vmem>>, vector<6400xi32>
      %shift_right_arithmetic3A_422 = arith.constant 7 : i32
      %shift_right_arithmetic3A_423 = vector.broadcast %shift_right_arithmetic3A_422 : i32 to vector<6400xi32>
      %shift_right_arithmetic3A_424 = arith.shrsi %get3A_421, %shift_right_arithmetic3A_423 : vector<6400xi32>
      %and3A_425 = arith.constant 127 : i32
      %and3A_426 = vector.broadcast %and3A_425 : i32 to vector<6400xi32>
      %and3A_427 = arith.andi %get3A_421, %and3A_426 : vector<6400xi32>
      %iota3A_428 = tpu.iota {dimensions = array<i32: 0>} : vector<80x6400xi32>
      %broadcast_in_dim3A_429 = vector.shape_cast %shift_right_arithmetic3A_424 : vector<6400xi32> to vector<1x6400xi32>
      %eq3A_430 = vector.broadcast %broadcast_in_dim3A_429 : vector<1x6400xi32> to vector<80x6400xi32>
      %eq3A_431 = arith.cmpi eq, %iota3A_428, %eq3A_430 : vector<80x6400xi32>
      %convert_element_type3A_432 = arith.extui %eq3A_431 : vector<80x6400xi1> to vector<80x6400xi32>
      %convert_element_type3A_433 = arith.sitofp %convert_element_type3A_432 : vector<80x6400xi32> to vector<80x6400xf32>
      %convert_element_type3A_434 = arith.truncf %convert_element_type3A_433 : vector<80x6400xf32> to vector<80x6400xbf16>
      %iota3A_435 = tpu.iota {dimensions = array<i32: 0>} : vector<128x6400xi32>
      %broadcast_in_dim3A_436 = vector.shape_cast %and3A_427 : vector<6400xi32> to vector<1x6400xi32>
      %eq3A_437 = vector.broadcast %broadcast_in_dim3A_436 : vector<1x6400xi32> to vector<128x6400xi32>
      %eq3A_438 = arith.cmpi eq, %iota3A_435, %eq3A_437 : vector<128x6400xi32>
      %convert_element_type3A_439 = arith.extui %eq3A_438 : vector<128x6400xi1> to vector<128x6400xi32>
      %convert_element_type3A_440 = arith.sitofp %convert_element_type3A_439 : vector<128x6400xi32> to vector<128x6400xf32>
      %convert_element_type3A_441 = arith.truncf %convert_element_type3A_440 : vector<128x6400xf32> to vector<128x6400xbf16>
      %dot_general3A_442 = arith.constant dense<0.000000e+00> : vector<128x80xf32>
      %dot_general3A_443 = tpu.matmul %convert_element_type3A_441, %convert_element_type3A_434, %dot_general3A_442 {dimension_numbers = #tpu.dot_dimension_numbers<[1], [1], [0], [0], [0, 0, 1, 0], [], []>, transpose_lhs_hint = false} : vector<128x6400xbf16>, vector<80x6400xbf16>, vector<128x80xf32> -> vector<128x80xf32>
      %add3A_444 = arith.addf %add3A_419, %dot_general3A_443 : vector<128x80xf32>
      %get3A_445 = arith.constant 108800 : index
      %get3A_446 = vector.load %arg5[%get3A_445] : memref<320000xi32, #tpu.memory_space<vmem>>, vector<6400xi32>
      %shift_right_arithmetic3A_447 = arith.constant 7 : i32
      %shift_right_arithmetic3A_448 = vector.broadcast %shift_right_arithmetic3A_447 : i32 to vector<6400xi32>
      %shift_right_arithmetic3A_449 = arith.shrsi %get3A_446, %shift_right_arithmetic3A_448 : vector<6400xi32>
      %and3A_450 = arith.constant 127 : i32
      %and3A_451 = vector.broadcast %and3A_450 : i32 to vector<6400xi32>
      %and3A_452 = arith.andi %get3A_446, %and3A_451 : vector<6400xi32>
      %iota3A_453 = tpu.iota {dimensions = array<i32: 0>} : vector<80x6400xi32>
      %broadcast_in_dim3A_454 = vector.shape_cast %shift_right_arithmetic3A_449 : vector<6400xi32> to vector<1x6400xi32>
      %eq3A_455 = vector.broadcast %broadcast_in_dim3A_454 : vector<1x6400xi32> to vector<80x6400xi32>
      %eq3A_456 = arith.cmpi eq, %iota3A_453, %eq3A_455 : vector<80x6400xi32>
      %convert_element_type3A_457 = arith.extui %eq3A_456 : vector<80x6400xi1> to vector<80x6400xi32>
      %convert_element_type3A_458 = arith.sitofp %convert_element_type3A_457 : vector<80x6400xi32> to vector<80x6400xf32>
      %convert_element_type3A_459 = arith.truncf %convert_element_type3A_458 : vector<80x6400xf32> to vector<80x6400xbf16>
      %iota3A_460 = tpu.iota {dimensions = array<i32: 0>} : vector<128x6400xi32>
      %broadcast_in_dim3A_461 = vector.shape_cast %and3A_452 : vector<6400xi32> to vector<1x6400xi32>
      %eq3A_462 = vector.broadcast %broadcast_in_dim3A_461 : vector<1x6400xi32> to vector<128x6400xi32>
      %eq3A_463 = arith.cmpi eq, %iota3A_460, %eq3A_462 : vector<128x6400xi32>
      %convert_element_type3A_464 = arith.extui %eq3A_463 : vector<128x6400xi1> to vector<128x6400xi32>
      %convert_element_type3A_465 = arith.sitofp %convert_element_type3A_464 : vector<128x6400xi32> to vector<128x6400xf32>
      %convert_element_type3A_466 = arith.truncf %convert_element_type3A_465 : vector<128x6400xf32> to vector<128x6400xbf16>
      %dot_general3A_467 = arith.constant dense<0.000000e+00> : vector<128x80xf32>
      %dot_general3A_468 = tpu.matmul %convert_element_type3A_466, %convert_element_type3A_459, %dot_general3A_467 {dimension_numbers = #tpu.dot_dimension_numbers<[1], [1], [0], [0], [0, 0, 1, 0], [], []>, transpose_lhs_hint = false} : vector<128x6400xbf16>, vector<80x6400xbf16>, vector<128x80xf32> -> vector<128x80xf32>
      %add3A_469 = arith.addf %add3A_444, %dot_general3A_468 : vector<128x80xf32>
      %get3A_470 = arith.constant 115200 : index
      %get3A_471 = vector.load %arg5[%get3A_470] : memref<320000xi32, #tpu.memory_space<vmem>>, vector<6400xi32>
      %shift_right_arithmetic3A_472 = arith.constant 7 : i32
      %shift_right_arithmetic3A_473 = vector.broadcast %shift_right_arithmetic3A_472 : i32 to vector<6400xi32>
      %shift_right_arithmetic3A_474 = arith.shrsi %get3A_471, %shift_right_arithmetic3A_473 : vector<6400xi32>
      %and3A_475 = arith.constant 127 : i32
      %and3A_476 = vector.broadcast %and3A_475 : i32 to vector<6400xi32>
      %and3A_477 = arith.andi %get3A_471, %and3A_476 : vector<6400xi32>
      %iota3A_478 = tpu.iota {dimensions = array<i32: 0>} : vector<80x6400xi32>
      %broadcast_in_dim3A_479 = vector.shape_cast %shift_right_arithmetic3A_474 : vector<6400xi32> to vector<1x6400xi32>
      %eq3A_480 = vector.broadcast %broadcast_in_dim3A_479 : vector<1x6400xi32> to vector<80x6400xi32>
      %eq3A_481 = arith.cmpi eq, %iota3A_478, %eq3A_480 : vector<80x6400xi32>
      %convert_element_type3A_482 = arith.extui %eq3A_481 : vector<80x6400xi1> to vector<80x6400xi32>
      %convert_element_type3A_483 = arith.sitofp %convert_element_type3A_482 : vector<80x6400xi32> to vector<80x6400xf32>
      %convert_element_type3A_484 = arith.truncf %convert_element_type3A_483 : vector<80x6400xf32> to vector<80x6400xbf16>
      %iota3A_485 = tpu.iota {dimensions = array<i32: 0>} : vector<128x6400xi32>
      %broadcast_in_dim3A_486 = vector.shape_cast %and3A_477 : vector<6400xi32> to vector<1x6400xi32>
      %eq3A_487 = vector.broadcast %broadcast_in_dim3A_486 : vector<1x6400xi32> to vector<128x6400xi32>
      %eq3A_488 = arith.cmpi eq, %iota3A_485, %eq3A_487 : vector<128x6400xi32>
      %convert_element_type3A_489 = arith.extui %eq3A_488 : vector<128x6400xi1> to vector<128x6400xi32>
      %convert_element_type3A_490 = arith.sitofp %convert_element_type3A_489 : vector<128x6400xi32> to vector<128x6400xf32>
      %convert_element_type3A_491 = arith.truncf %convert_element_type3A_490 : vector<128x6400xf32> to vector<128x6400xbf16>
      %dot_general3A_492 = arith.constant dense<0.000000e+00> : vector<128x80xf32>
      %dot_general3A_493 = tpu.matmul %convert_element_type3A_491, %convert_element_type3A_484, %dot_general3A_492 {dimension_numbers = #tpu.dot_dimension_numbers<[1], [1], [0], [0], [0, 0, 1, 0], [], []>, transpose_lhs_hint = false} : vector<128x6400xbf16>, vector<80x6400xbf16>, vector<128x80xf32> -> vector<128x80xf32>
      %add3A_494 = arith.addf %add3A_469, %dot_general3A_493 : vector<128x80xf32>
      %get3A_495 = arith.constant 121600 : index
      %get3A_496 = vector.load %arg5[%get3A_495] : memref<320000xi32, #tpu.memory_space<vmem>>, vector<6400xi32>
      %shift_right_arithmetic3A_497 = arith.constant 7 : i32
      %shift_right_arithmetic3A_498 = vector.broadcast %shift_right_arithmetic3A_497 : i32 to vector<6400xi32>
      %shift_right_arithmetic3A_499 = arith.shrsi %get3A_496, %shift_right_arithmetic3A_498 : vector<6400xi32>
      %and3A_500 = arith.constant 127 : i32
      %and3A_501 = vector.broadcast %and3A_500 : i32 to vector<6400xi32>
      %and3A_502 = arith.andi %get3A_496, %and3A_501 : vector<6400xi32>
      %iota3A_503 = tpu.iota {dimensions = array<i32: 0>} : vector<80x6400xi32>
      %broadcast_in_dim3A_504 = vector.shape_cast %shift_right_arithmetic3A_499 : vector<6400xi32> to vector<1x6400xi32>
      %eq3A_505 = vector.broadcast %broadcast_in_dim3A_504 : vector<1x6400xi32> to vector<80x6400xi32>
      %eq3A_506 = arith.cmpi eq, %iota3A_503, %eq3A_505 : vector<80x6400xi32>
      %convert_element_type3A_507 = arith.extui %eq3A_506 : vector<80x6400xi1> to vector<80x6400xi32>
      %convert_element_type3A_508 = arith.sitofp %convert_element_type3A_507 : vector<80x6400xi32> to vector<80x6400xf32>
      %convert_element_type3A_509 = arith.truncf %convert_element_type3A_508 : vector<80x6400xf32> to vector<80x6400xbf16>
      %iota3A_510 = tpu.iota {dimensions = array<i32: 0>} : vector<128x6400xi32>
      %broadcast_in_dim3A_511 = vector.shape_cast %and3A_502 : vector<6400xi32> to vector<1x6400xi32>
      %eq3A_512 = vector.broadcast %broadcast_in_dim3A_511 : vector<1x6400xi32> to vector<128x6400xi32>
      %eq3A_513 = arith.cmpi eq, %iota3A_510, %eq3A_512 : vector<128x6400xi32>
      %convert_element_type3A_514 = arith.extui %eq3A_513 : vector<128x6400xi1> to vector<128x6400xi32>
      %convert_element_type3A_515 = arith.sitofp %convert_element_type3A_514 : vector<128x6400xi32> to vector<128x6400xf32>
      %convert_element_type3A_516 = arith.truncf %convert_element_type3A_515 : vector<128x6400xf32> to vector<128x6400xbf16>
      %dot_general3A_517 = arith.constant dense<0.000000e+00> : vector<128x80xf32>
      %dot_general3A_518 = tpu.matmul %convert_element_type3A_516, %convert_element_type3A_509, %dot_general3A_517 {dimension_numbers = #tpu.dot_dimension_numbers<[1], [1], [0], [0], [0, 0, 1, 0], [], []>, transpose_lhs_hint = false} : vector<128x6400xbf16>, vector<80x6400xbf16>, vector<128x80xf32> -> vector<128x80xf32>
      %add3A_519 = arith.addf %add3A_494, %dot_general3A_518 : vector<128x80xf32>
      %get3A_520 = arith.constant 128000 : index
      %get3A_521 = vector.load %arg5[%get3A_520] : memref<320000xi32, #tpu.memory_space<vmem>>, vector<6400xi32>
      %shift_right_arithmetic3A_522 = arith.constant 7 : i32
      %shift_right_arithmetic3A_523 = vector.broadcast %shift_right_arithmetic3A_522 : i32 to vector<6400xi32>
      %shift_right_arithmetic3A_524 = arith.shrsi %get3A_521, %shift_right_arithmetic3A_523 : vector<6400xi32>
      %and3A_525 = arith.constant 127 : i32
      %and3A_526 = vector.broadcast %and3A_525 : i32 to vector<6400xi32>
      %and3A_527 = arith.andi %get3A_521, %and3A_526 : vector<6400xi32>
      %iota3A_528 = tpu.iota {dimensions = array<i32: 0>} : vector<80x6400xi32>
      %broadcast_in_dim3A_529 = vector.shape_cast %shift_right_arithmetic3A_524 : vector<6400xi32> to vector<1x6400xi32>
      %eq3A_530 = vector.broadcast %broadcast_in_dim3A_529 : vector<1x6400xi32> to vector<80x6400xi32>
      %eq3A_531 = arith.cmpi eq, %iota3A_528, %eq3A_530 : vector<80x6400xi32>
      %convert_element_type3A_532 = arith.extui %eq3A_531 : vector<80x6400xi1> to vector<80x6400xi32>
      %convert_element_type3A_533 = arith.sitofp %convert_element_type3A_532 : vector<80x6400xi32> to vector<80x6400xf32>
      %convert_element_type3A_534 = arith.truncf %convert_element_type3A_533 : vector<80x6400xf32> to vector<80x6400xbf16>
      %iota3A_535 = tpu.iota {dimensions = array<i32: 0>} : vector<128x6400xi32>
      %broadcast_in_dim3A_536 = vector.shape_cast %and3A_527 : vector<6400xi32> to vector<1x6400xi32>
      %eq3A_537 = vector.broadcast %broadcast_in_dim3A_536 : vector<1x6400xi32> to vector<128x6400xi32>
      %eq3A_538 = arith.cmpi eq, %iota3A_535, %eq3A_537 : vector<128x6400xi32>
      %convert_element_type3A_539 = arith.extui %eq3A_538 : vector<128x6400xi1> to vector<128x6400xi32>
      %convert_element_type3A_540 = arith.sitofp %convert_element_type3A_539 : vector<128x6400xi32> to vector<128x6400xf32>
      %convert_element_type3A_541 = arith.truncf %convert_element_type3A_540 : vector<128x6400xf32> to vector<128x6400xbf16>
      %dot_general3A_542 = arith.constant dense<0.000000e+00> : vector<128x80xf32>
      %dot_general3A_543 = tpu.matmul %convert_element_type3A_541, %convert_element_type3A_534, %dot_general3A_542 {dimension_numbers = #tpu.dot_dimension_numbers<[1], [1], [0], [0], [0, 0, 1, 0], [], []>, transpose_lhs_hint = false} : vector<128x6400xbf16>, vector<80x6400xbf16>, vector<128x80xf32> -> vector<128x80xf32>
      %add3A_544 = arith.addf %add3A_519, %dot_general3A_543 : vector<128x80xf32>
      %get3A_545 = arith.constant 134400 : index
      %get3A_546 = vector.load %arg5[%get3A_545] : memref<320000xi32, #tpu.memory_space<vmem>>, vector<6400xi32>
      %shift_right_arithmetic3A_547 = arith.constant 7 : i32
      %shift_right_arithmetic3A_548 = vector.broadcast %shift_right_arithmetic3A_547 : i32 to vector<6400xi32>
      %shift_right_arithmetic3A_549 = arith.shrsi %get3A_546, %shift_right_arithmetic3A_548 : vector<6400xi32>
      %and3A_550 = arith.constant 127 : i32
      %and3A_551 = vector.broadcast %and3A_550 : i32 to vector<6400xi32>
      %and3A_552 = arith.andi %get3A_546, %and3A_551 : vector<6400xi32>
      %iota3A_553 = tpu.iota {dimensions = array<i32: 0>} : vector<80x6400xi32>
      %broadcast_in_dim3A_554 = vector.shape_cast %shift_right_arithmetic3A_549 : vector<6400xi32> to vector<1x6400xi32>
      %eq3A_555 = vector.broadcast %broadcast_in_dim3A_554 : vector<1x6400xi32> to vector<80x6400xi32>
      %eq3A_556 = arith.cmpi eq, %iota3A_553, %eq3A_555 : vector<80x6400xi32>
      %convert_element_type3A_557 = arith.extui %eq3A_556 : vector<80x6400xi1> to vector<80x6400xi32>
      %convert_element_type3A_558 = arith.sitofp %convert_element_type3A_557 : vector<80x6400xi32> to vector<80x6400xf32>
      %convert_element_type3A_559 = arith.truncf %convert_element_type3A_558 : vector<80x6400xf32> to vector<80x6400xbf16>
      %iota3A_560 = tpu.iota {dimensions = array<i32: 0>} : vector<128x6400xi32>
      %broadcast_in_dim3A_561 = vector.shape_cast %and3A_552 : vector<6400xi32> to vector<1x6400xi32>
      %eq3A_562 = vector.broadcast %broadcast_in_dim3A_561 : vector<1x6400xi32> to vector<128x6400xi32>
      %eq3A_563 = arith.cmpi eq, %iota3A_560, %eq3A_562 : vector<128x6400xi32>
      %convert_element_type3A_564 = arith.extui %eq3A_563 : vector<128x6400xi1> to vector<128x6400xi32>
      %convert_element_type3A_565 = arith.sitofp %convert_element_type3A_564 : vector<128x6400xi32> to vector<128x6400xf32>
      %convert_element_type3A_566 = arith.truncf %convert_element_type3A_565 : vector<128x6400xf32> to vector<128x6400xbf16>
      %dot_general3A_567 = arith.constant dense<0.000000e+00> : vector<128x80xf32>
      %dot_general3A_568 = tpu.matmul %convert_element_type3A_566, %convert_element_type3A_559, %dot_general3A_567 {dimension_numbers = #tpu.dot_dimension_numbers<[1], [1], [0], [0], [0, 0, 1, 0], [], []>, transpose_lhs_hint = false} : vector<128x6400xbf16>, vector<80x6400xbf16>, vector<128x80xf32> -> vector<128x80xf32>
      %add3A_569 = arith.addf %add3A_544, %dot_general3A_568 : vector<128x80xf32>
      %get3A_570 = arith.constant 140800 : index
      %get3A_571 = vector.load %arg5[%get3A_570] : memref<320000xi32, #tpu.memory_space<vmem>>, vector<6400xi32>
      %shift_right_arithmetic3A_572 = arith.constant 7 : i32
      %shift_right_arithmetic3A_573 = vector.broadcast %shift_right_arithmetic3A_572 : i32 to vector<6400xi32>
      %shift_right_arithmetic3A_574 = arith.shrsi %get3A_571, %shift_right_arithmetic3A_573 : vector<6400xi32>
      %and3A_575 = arith.constant 127 : i32
      %and3A_576 = vector.broadcast %and3A_575 : i32 to vector<6400xi32>
      %and3A_577 = arith.andi %get3A_571, %and3A_576 : vector<6400xi32>
      %iota3A_578 = tpu.iota {dimensions = array<i32: 0>} : vector<80x6400xi32>
      %broadcast_in_dim3A_579 = vector.shape_cast %shift_right_arithmetic3A_574 : vector<6400xi32> to vector<1x6400xi32>
      %eq3A_580 = vector.broadcast %broadcast_in_dim3A_579 : vector<1x6400xi32> to vector<80x6400xi32>
      %eq3A_581 = arith.cmpi eq, %iota3A_578, %eq3A_580 : vector<80x6400xi32>
      %convert_element_type3A_582 = arith.extui %eq3A_581 : vector<80x6400xi1> to vector<80x6400xi32>
      %convert_element_type3A_583 = arith.sitofp %convert_element_type3A_582 : vector<80x6400xi32> to vector<80x6400xf32>
      %convert_element_type3A_584 = arith.truncf %convert_element_type3A_583 : vector<80x6400xf32> to vector<80x6400xbf16>
      %iota3A_585 = tpu.iota {dimensions = array<i32: 0>} : vector<128x6400xi32>
      %broadcast_in_dim3A_586 = vector.shape_cast %and3A_577 : vector<6400xi32> to vector<1x6400xi32>
      %eq3A_587 = vector.broadcast %broadcast_in_dim3A_586 : vector<1x6400xi32> to vector<128x6400xi32>
      %eq3A_588 = arith.cmpi eq, %iota3A_585, %eq3A_587 : vector<128x6400xi32>
      %convert_element_type3A_589 = arith.extui %eq3A_588 : vector<128x6400xi1> to vector<128x6400xi32>
      %convert_element_type3A_590 = arith.sitofp %convert_element_type3A_589 : vector<128x6400xi32> to vector<128x6400xf32>
      %convert_element_type3A_591 = arith.truncf %convert_element_type3A_590 : vector<128x6400xf32> to vector<128x6400xbf16>
      %dot_general3A_592 = arith.constant dense<0.000000e+00> : vector<128x80xf32>
      %dot_general3A_593 = tpu.matmul %convert_element_type3A_591, %convert_element_type3A_584, %dot_general3A_592 {dimension_numbers = #tpu.dot_dimension_numbers<[1], [1], [0], [0], [0, 0, 1, 0], [], []>, transpose_lhs_hint = false} : vector<128x6400xbf16>, vector<80x6400xbf16>, vector<128x80xf32> -> vector<128x80xf32>
      %add3A_594 = arith.addf %add3A_569, %dot_general3A_593 : vector<128x80xf32>
      %get3A_595 = arith.constant 147200 : index
      %get3A_596 = vector.load %arg5[%get3A_595] : memref<320000xi32, #tpu.memory_space<vmem>>, vector<6400xi32>
      %shift_right_arithmetic3A_597 = arith.constant 7 : i32
      %shift_right_arithmetic3A_598 = vector.broadcast %shift_right_arithmetic3A_597 : i32 to vector<6400xi32>
      %shift_right_arithmetic3A_599 = arith.shrsi %get3A_596, %shift_right_arithmetic3A_598 : vector<6400xi32>
      %and3A_600 = arith.constant 127 : i32
      %and3A_601 = vector.broadcast %and3A_600 : i32 to vector<6400xi32>
      %and3A_602 = arith.andi %get3A_596, %and3A_601 : vector<6400xi32>
      %iota3A_603 = tpu.iota {dimensions = array<i32: 0>} : vector<80x6400xi32>
      %broadcast_in_dim3A_604 = vector.shape_cast %shift_right_arithmetic3A_599 : vector<6400xi32> to vector<1x6400xi32>
      %eq3A_605 = vector.broadcast %broadcast_in_dim3A_604 : vector<1x6400xi32> to vector<80x6400xi32>
      %eq3A_606 = arith.cmpi eq, %iota3A_603, %eq3A_605 : vector<80x6400xi32>
      %convert_element_type3A_607 = arith.extui %eq3A_606 : vector<80x6400xi1> to vector<80x6400xi32>
      %convert_element_type3A_608 = arith.sitofp %convert_element_type3A_607 : vector<80x6400xi32> to vector<80x6400xf32>
      %convert_element_type3A_609 = arith.truncf %convert_element_type3A_608 : vector<80x6400xf32> to vector<80x6400xbf16>
      %iota3A_610 = tpu.iota {dimensions = array<i32: 0>} : vector<128x6400xi32>
      %broadcast_in_dim3A_611 = vector.shape_cast %and3A_602 : vector<6400xi32> to vector<1x6400xi32>
      %eq3A_612 = vector.broadcast %broadcast_in_dim3A_611 : vector<1x6400xi32> to vector<128x6400xi32>
      %eq3A_613 = arith.cmpi eq, %iota3A_610, %eq3A_612 : vector<128x6400xi32>
      %convert_element_type3A_614 = arith.extui %eq3A_613 : vector<128x6400xi1> to vector<128x6400xi32>
      %convert_element_type3A_615 = arith.sitofp %convert_element_type3A_614 : vector<128x6400xi32> to vector<128x6400xf32>
      %convert_element_type3A_616 = arith.truncf %convert_element_type3A_615 : vector<128x6400xf32> to vector<128x6400xbf16>
      %dot_general3A_617 = arith.constant dense<0.000000e+00> : vector<128x80xf32>
      %dot_general3A_618 = tpu.matmul %convert_element_type3A_616, %convert_element_type3A_609, %dot_general3A_617 {dimension_numbers = #tpu.dot_dimension_numbers<[1], [1], [0], [0], [0, 0, 1, 0], [], []>, transpose_lhs_hint = false} : vector<128x6400xbf16>, vector<80x6400xbf16>, vector<128x80xf32> -> vector<128x80xf32>
      %add3A_619 = arith.addf %add3A_594, %dot_general3A_618 : vector<128x80xf32>
      %get3A_620 = arith.constant 153600 : index
      %get3A_621 = vector.load %arg5[%get3A_620] : memref<320000xi32, #tpu.memory_space<vmem>>, vector<6400xi32>
      %shift_right_arithmetic3A_622 = arith.constant 7 : i32
      %shift_right_arithmetic3A_623 = vector.broadcast %shift_right_arithmetic3A_622 : i32 to vector<6400xi32>
      %shift_right_arithmetic3A_624 = arith.shrsi %get3A_621, %shift_right_arithmetic3A_623 : vector<6400xi32>
      %and3A_625 = arith.constant 127 : i32
      %and3A_626 = vector.broadcast %and3A_625 : i32 to vector<6400xi32>
      %and3A_627 = arith.andi %get3A_621, %and3A_626 : vector<6400xi32>
      %iota3A_628 = tpu.iota {dimensions = array<i32: 0>} : vector<80x6400xi32>
      %broadcast_in_dim3A_629 = vector.shape_cast %shift_right_arithmetic3A_624 : vector<6400xi32> to vector<1x6400xi32>
      %eq3A_630 = vector.broadcast %broadcast_in_dim3A_629 : vector<1x6400xi32> to vector<80x6400xi32>
      %eq3A_631 = arith.cmpi eq, %iota3A_628, %eq3A_630 : vector<80x6400xi32>
      %convert_element_type3A_632 = arith.extui %eq3A_631 : vector<80x6400xi1> to vector<80x6400xi32>
      %convert_element_type3A_633 = arith.sitofp %convert_element_type3A_632 : vector<80x6400xi32> to vector<80x6400xf32>
      %convert_element_type3A_634 = arith.truncf %convert_element_type3A_633 : vector<80x6400xf32> to vector<80x6400xbf16>
      %iota3A_635 = tpu.iota {dimensions = array<i32: 0>} : vector<128x6400xi32>
      %broadcast_in_dim3A_636 = vector.shape_cast %and3A_627 : vector<6400xi32> to vector<1x6400xi32>
      %eq3A_637 = vector.broadcast %broadcast_in_dim3A_636 : vector<1x6400xi32> to vector<128x6400xi32>
      %eq3A_638 = arith.cmpi eq, %iota3A_635, %eq3A_637 : vector<128x6400xi32>
      %convert_element_type3A_639 = arith.extui %eq3A_638 : vector<128x6400xi1> to vector<128x6400xi32>
      %convert_element_type3A_640 = arith.sitofp %convert_element_type3A_639 : vector<128x6400xi32> to vector<128x6400xf32>
      %convert_element_type3A_641 = arith.truncf %convert_element_type3A_640 : vector<128x6400xf32> to vector<128x6400xbf16>
      %dot_general3A_642 = arith.constant dense<0.000000e+00> : vector<128x80xf32>
      %dot_general3A_643 = tpu.matmul %convert_element_type3A_641, %convert_element_type3A_634, %dot_general3A_642 {dimension_numbers = #tpu.dot_dimension_numbers<[1], [1], [0], [0], [0, 0, 1, 0], [], []>, transpose_lhs_hint = false} : vector<128x6400xbf16>, vector<80x6400xbf16>, vector<128x80xf32> -> vector<128x80xf32>
      %add3A_644 = arith.addf %add3A_619, %dot_general3A_643 : vector<128x80xf32>
      %get3A_645 = arith.constant 160000 : index
      %get3A_646 = vector.load %arg5[%get3A_645] : memref<320000xi32, #tpu.memory_space<vmem>>, vector<6400xi32>
      %shift_right_arithmetic3A_647 = arith.constant 7 : i32
      %shift_right_arithmetic3A_648 = vector.broadcast %shift_right_arithmetic3A_647 : i32 to vector<6400xi32>
      %shift_right_arithmetic3A_649 = arith.shrsi %get3A_646, %shift_right_arithmetic3A_648 : vector<6400xi32>
      %and3A_650 = arith.constant 127 : i32
      %and3A_651 = vector.broadcast %and3A_650 : i32 to vector<6400xi32>
      %and3A_652 = arith.andi %get3A_646, %and3A_651 : vector<6400xi32>
      %iota3A_653 = tpu.iota {dimensions = array<i32: 0>} : vector<80x6400xi32>
      %broadcast_in_dim3A_654 = vector.shape_cast %shift_right_arithmetic3A_649 : vector<6400xi32> to vector<1x6400xi32>
      %eq3A_655 = vector.broadcast %broadcast_in_dim3A_654 : vector<1x6400xi32> to vector<80x6400xi32>
      %eq3A_656 = arith.cmpi eq, %iota3A_653, %eq3A_655 : vector<80x6400xi32>
      %convert_element_type3A_657 = arith.extui %eq3A_656 : vector<80x6400xi1> to vector<80x6400xi32>
      %convert_element_type3A_658 = arith.sitofp %convert_element_type3A_657 : vector<80x6400xi32> to vector<80x6400xf32>
      %convert_element_type3A_659 = arith.truncf %convert_element_type3A_658 : vector<80x6400xf32> to vector<80x6400xbf16>
      %iota3A_660 = tpu.iota {dimensions = array<i32: 0>} : vector<128x6400xi32>
      %broadcast_in_dim3A_661 = vector.shape_cast %and3A_652 : vector<6400xi32> to vector<1x6400xi32>
      %eq3A_662 = vector.broadcast %broadcast_in_dim3A_661 : vector<1x6400xi32> to vector<128x6400xi32>
      %eq3A_663 = arith.cmpi eq, %iota3A_660, %eq3A_662 : vector<128x6400xi32>
      %convert_element_type3A_664 = arith.extui %eq3A_663 : vector<128x6400xi1> to vector<128x6400xi32>
      %convert_element_type3A_665 = arith.sitofp %convert_element_type3A_664 : vector<128x6400xi32> to vector<128x6400xf32>
      %convert_element_type3A_666 = arith.truncf %convert_element_type3A_665 : vector<128x6400xf32> to vector<128x6400xbf16>
      %dot_general3A_667 = arith.constant dense<0.000000e+00> : vector<128x80xf32>
      %dot_general3A_668 = tpu.matmul %convert_element_type3A_666, %convert_element_type3A_659, %dot_general3A_667 {dimension_numbers = #tpu.dot_dimension_numbers<[1], [1], [0], [0], [0, 0, 1, 0], [], []>, transpose_lhs_hint = false} : vector<128x6400xbf16>, vector<80x6400xbf16>, vector<128x80xf32> -> vector<128x80xf32>
      %add3A_669 = arith.addf %add3A_644, %dot_general3A_668 : vector<128x80xf32>
      %get3A_670 = arith.constant 166400 : index
      %get3A_671 = vector.load %arg5[%get3A_670] : memref<320000xi32, #tpu.memory_space<vmem>>, vector<6400xi32>
      %shift_right_arithmetic3A_672 = arith.constant 7 : i32
      %shift_right_arithmetic3A_673 = vector.broadcast %shift_right_arithmetic3A_672 : i32 to vector<6400xi32>
      %shift_right_arithmetic3A_674 = arith.shrsi %get3A_671, %shift_right_arithmetic3A_673 : vector<6400xi32>
      %and3A_675 = arith.constant 127 : i32
      %and3A_676 = vector.broadcast %and3A_675 : i32 to vector<6400xi32>
      %and3A_677 = arith.andi %get3A_671, %and3A_676 : vector<6400xi32>
      %iota3A_678 = tpu.iota {dimensions = array<i32: 0>} : vector<80x6400xi32>
      %broadcast_in_dim3A_679 = vector.shape_cast %shift_right_arithmetic3A_674 : vector<6400xi32> to vector<1x6400xi32>
      %eq3A_680 = vector.broadcast %broadcast_in_dim3A_679 : vector<1x6400xi32> to vector<80x6400xi32>
      %eq3A_681 = arith.cmpi eq, %iota3A_678, %eq3A_680 : vector<80x6400xi32>
      %convert_element_type3A_682 = arith.extui %eq3A_681 : vector<80x6400xi1> to vector<80x6400xi32>
      %convert_element_type3A_683 = arith.sitofp %convert_element_type3A_682 : vector<80x6400xi32> to vector<80x6400xf32>
      %convert_element_type3A_684 = arith.truncf %convert_element_type3A_683 : vector<80x6400xf32> to vector<80x6400xbf16>
      %iota3A_685 = tpu.iota {dimensions = array<i32: 0>} : vector<128x6400xi32>
      %broadcast_in_dim3A_686 = vector.shape_cast %and3A_677 : vector<6400xi32> to vector<1x6400xi32>
      %eq3A_687 = vector.broadcast %broadcast_in_dim3A_686 : vector<1x6400xi32> to vector<128x6400xi32>
      %eq3A_688 = arith.cmpi eq, %iota3A_685, %eq3A_687 : vector<128x6400xi32>
      %convert_element_type3A_689 = arith.extui %eq3A_688 : vector<128x6400xi1> to vector<128x6400xi32>
      %convert_element_type3A_690 = arith.sitofp %convert_element_type3A_689 : vector<128x6400xi32> to vector<128x6400xf32>
      %convert_element_type3A_691 = arith.truncf %convert_element_type3A_690 : vector<128x6400xf32> to vector<128x6400xbf16>
      %dot_general3A_692 = arith.constant dense<0.000000e+00> : vector<128x80xf32>
      %dot_general3A_693 = tpu.matmul %convert_element_type3A_691, %convert_element_type3A_684, %dot_general3A_692 {dimension_numbers = #tpu.dot_dimension_numbers<[1], [1], [0], [0], [0, 0, 1, 0], [], []>, transpose_lhs_hint = false} : vector<128x6400xbf16>, vector<80x6400xbf16>, vector<128x80xf32> -> vector<128x80xf32>
      %add3A_694 = arith.addf %add3A_669, %dot_general3A_693 : vector<128x80xf32>
      %get3A_695 = arith.constant 172800 : index
      %get3A_696 = vector.load %arg5[%get3A_695] : memref<320000xi32, #tpu.memory_space<vmem>>, vector<6400xi32>
      %shift_right_arithmetic3A_697 = arith.constant 7 : i32
      %shift_right_arithmetic3A_698 = vector.broadcast %shift_right_arithmetic3A_697 : i32 to vector<6400xi32>
      %shift_right_arithmetic3A_699 = arith.shrsi %get3A_696, %shift_right_arithmetic3A_698 : vector<6400xi32>
      %and3A_700 = arith.constant 127 : i32
      %and3A_701 = vector.broadcast %and3A_700 : i32 to vector<6400xi32>
      %and3A_702 = arith.andi %get3A_696, %and3A_701 : vector<6400xi32>
      %iota3A_703 = tpu.iota {dimensions = array<i32: 0>} : vector<80x6400xi32>
      %broadcast_in_dim3A_704 = vector.shape_cast %shift_right_arithmetic3A_699 : vector<6400xi32> to vector<1x6400xi32>
      %eq3A_705 = vector.broadcast %broadcast_in_dim3A_704 : vector<1x6400xi32> to vector<80x6400xi32>
      %eq3A_706 = arith.cmpi eq, %iota3A_703, %eq3A_705 : vector<80x6400xi32>
      %convert_element_type3A_707 = arith.extui %eq3A_706 : vector<80x6400xi1> to vector<80x6400xi32>
      %convert_element_type3A_708 = arith.sitofp %convert_element_type3A_707 : vector<80x6400xi32> to vector<80x6400xf32>
      %convert_element_type3A_709 = arith.truncf %convert_element_type3A_708 : vector<80x6400xf32> to vector<80x6400xbf16>
      %iota3A_710 = tpu.iota {dimensions = array<i32: 0>} : vector<128x6400xi32>
      %broadcast_in_dim3A_711 = vector.shape_cast %and3A_702 : vector<6400xi32> to vector<1x6400xi32>
      %eq3A_712 = vector.broadcast %broadcast_in_dim3A_711 : vector<1x6400xi32> to vector<128x6400xi32>
      %eq3A_713 = arith.cmpi eq, %iota3A_710, %eq3A_712 : vector<128x6400xi32>
      %convert_element_type3A_714 = arith.extui %eq3A_713 : vector<128x6400xi1> to vector<128x6400xi32>
      %convert_element_type3A_715 = arith.sitofp %convert_element_type3A_714 : vector<128x6400xi32> to vector<128x6400xf32>
      %convert_element_type3A_716 = arith.truncf %convert_element_type3A_715 : vector<128x6400xf32> to vector<128x6400xbf16>
      %dot_general3A_717 = arith.constant dense<0.000000e+00> : vector<128x80xf32>
      %dot_general3A_718 = tpu.matmul %convert_element_type3A_716, %convert_element_type3A_709, %dot_general3A_717 {dimension_numbers = #tpu.dot_dimension_numbers<[1], [1], [0], [0], [0, 0, 1, 0], [], []>, transpose_lhs_hint = false} : vector<128x6400xbf16>, vector<80x6400xbf16>, vector<128x80xf32> -> vector<128x80xf32>
      %add3A_719 = arith.addf %add3A_694, %dot_general3A_718 : vector<128x80xf32>
      %get3A_720 = arith.constant 179200 : index
      %get3A_721 = vector.load %arg5[%get3A_720] : memref<320000xi32, #tpu.memory_space<vmem>>, vector<6400xi32>
      %shift_right_arithmetic3A_722 = arith.constant 7 : i32
      %shift_right_arithmetic3A_723 = vector.broadcast %shift_right_arithmetic3A_722 : i32 to vector<6400xi32>
      %shift_right_arithmetic3A_724 = arith.shrsi %get3A_721, %shift_right_arithmetic3A_723 : vector<6400xi32>
      %and3A_725 = arith.constant 127 : i32
      %and3A_726 = vector.broadcast %and3A_725 : i32 to vector<6400xi32>
      %and3A_727 = arith.andi %get3A_721, %and3A_726 : vector<6400xi32>
      %iota3A_728 = tpu.iota {dimensions = array<i32: 0>} : vector<80x6400xi32>
      %broadcast_in_dim3A_729 = vector.shape_cast %shift_right_arithmetic3A_724 : vector<6400xi32> to vector<1x6400xi32>
      %eq3A_730 = vector.broadcast %broadcast_in_dim3A_729 : vector<1x6400xi32> to vector<80x6400xi32>
      %eq3A_731 = arith.cmpi eq, %iota3A_728, %eq3A_730 : vector<80x6400xi32>
      %convert_element_type3A_732 = arith.extui %eq3A_731 : vector<80x6400xi1> to vector<80x6400xi32>
      %convert_element_type3A_733 = arith.sitofp %convert_element_type3A_732 : vector<80x6400xi32> to vector<80x6400xf32>
      %convert_element_type3A_734 = arith.truncf %convert_element_type3A_733 : vector<80x6400xf32> to vector<80x6400xbf16>
      %iota3A_735 = tpu.iota {dimensions = array<i32: 0>} : vector<128x6400xi32>
      %broadcast_in_dim3A_736 = vector.shape_cast %and3A_727 : vector<6400xi32> to vector<1x6400xi32>
      %eq3A_737 = vector.broadcast %broadcast_in_dim3A_736 : vector<1x6400xi32> to vector<128x6400xi32>
      %eq3A_738 = arith.cmpi eq, %iota3A_735, %eq3A_737 : vector<128x6400xi32>
      %convert_element_type3A_739 = arith.extui %eq3A_738 : vector<128x6400xi1> to vector<128x6400xi32>
      %convert_element_type3A_740 = arith.sitofp %convert_element_type3A_739 : vector<128x6400xi32> to vector<128x6400xf32>
      %convert_element_type3A_741 = arith.truncf %convert_element_type3A_740 : vector<128x6400xf32> to vector<128x6400xbf16>
      %dot_general3A_742 = arith.constant dense<0.000000e+00> : vector<128x80xf32>
      %dot_general3A_743 = tpu.matmul %convert_element_type3A_741, %convert_element_type3A_734, %dot_general3A_742 {dimension_numbers = #tpu.dot_dimension_numbers<[1], [1], [0], [0], [0, 0, 1, 0], [], []>, transpose_lhs_hint = false} : vector<128x6400xbf16>, vector<80x6400xbf16>, vector<128x80xf32> -> vector<128x80xf32>
      %add3A_744 = arith.addf %add3A_719, %dot_general3A_743 : vector<128x80xf32>
      %get3A_745 = arith.constant 185600 : index
      %get3A_746 = vector.load %arg5[%get3A_745] : memref<320000xi32, #tpu.memory_space<vmem>>, vector<6400xi32>
      %shift_right_arithmetic3A_747 = arith.constant 7 : i32
      %shift_right_arithmetic3A_748 = vector.broadcast %shift_right_arithmetic3A_747 : i32 to vector<6400xi32>
      %shift_right_arithmetic3A_749 = arith.shrsi %get3A_746, %shift_right_arithmetic3A_748 : vector<6400xi32>
      %and3A_750 = arith.constant 127 : i32
      %and3A_751 = vector.broadcast %and3A_750 : i32 to vector<6400xi32>
      %and3A_752 = arith.andi %get3A_746, %and3A_751 : vector<6400xi32>
      %iota3A_753 = tpu.iota {dimensions = array<i32: 0>} : vector<80x6400xi32>
      %broadcast_in_dim3A_754 = vector.shape_cast %shift_right_arithmetic3A_749 : vector<6400xi32> to vector<1x6400xi32>
      %eq3A_755 = vector.broadcast %broadcast_in_dim3A_754 : vector<1x6400xi32> to vector<80x6400xi32>
      %eq3A_756 = arith.cmpi eq, %iota3A_753, %eq3A_755 : vector<80x6400xi32>
      %convert_element_type3A_757 = arith.extui %eq3A_756 : vector<80x6400xi1> to vector<80x6400xi32>
      %convert_element_type3A_758 = arith.sitofp %convert_element_type3A_757 : vector<80x6400xi32> to vector<80x6400xf32>
      %convert_element_type3A_759 = arith.truncf %convert_element_type3A_758 : vector<80x6400xf32> to vector<80x6400xbf16>
      %iota3A_760 = tpu.iota {dimensions = array<i32: 0>} : vector<128x6400xi32>
      %broadcast_in_dim3A_761 = vector.shape_cast %and3A_752 : vector<6400xi32> to vector<1x6400xi32>
      %eq3A_762 = vector.broadcast %broadcast_in_dim3A_761 : vector<1x6400xi32> to vector<128x6400xi32>
      %eq3A_763 = arith.cmpi eq, %iota3A_760, %eq3A_762 : vector<128x6400xi32>
      %convert_element_type3A_764 = arith.extui %eq3A_763 : vector<128x6400xi1> to vector<128x6400xi32>
      %convert_element_type3A_765 = arith.sitofp %convert_element_type3A_764 : vector<128x6400xi32> to vector<128x6400xf32>
      %convert_element_type3A_766 = arith.truncf %convert_element_type3A_765 : vector<128x6400xf32> to vector<128x6400xbf16>
      %dot_general3A_767 = arith.constant dense<0.000000e+00> : vector<128x80xf32>
      %dot_general3A_768 = tpu.matmul %convert_element_type3A_766, %convert_element_type3A_759, %dot_general3A_767 {dimension_numbers = #tpu.dot_dimension_numbers<[1], [1], [0], [0], [0, 0, 1, 0], [], []>, transpose_lhs_hint = false} : vector<128x6400xbf16>, vector<80x6400xbf16>, vector<128x80xf32> -> vector<128x80xf32>
      %add3A_769 = arith.addf %add3A_744, %dot_general3A_768 : vector<128x80xf32>
      %get3A_770 = arith.constant 192000 : index
      %get3A_771 = vector.load %arg5[%get3A_770] : memref<320000xi32, #tpu.memory_space<vmem>>, vector<6400xi32>
      %shift_right_arithmetic3A_772 = arith.constant 7 : i32
      %shift_right_arithmetic3A_773 = vector.broadcast %shift_right_arithmetic3A_772 : i32 to vector<6400xi32>
      %shift_right_arithmetic3A_774 = arith.shrsi %get3A_771, %shift_right_arithmetic3A_773 : vector<6400xi32>
      %and3A_775 = arith.constant 127 : i32
      %and3A_776 = vector.broadcast %and3A_775 : i32 to vector<6400xi32>
      %and3A_777 = arith.andi %get3A_771, %and3A_776 : vector<6400xi32>
      %iota3A_778 = tpu.iota {dimensions = array<i32: 0>} : vector<80x6400xi32>
      %broadcast_in_dim3A_779 = vector.shape_cast %shift_right_arithmetic3A_774 : vector<6400xi32> to vector<1x6400xi32>
      %eq3A_780 = vector.broadcast %broadcast_in_dim3A_779 : vector<1x6400xi32> to vector<80x6400xi32>
      %eq3A_781 = arith.cmpi eq, %iota3A_778, %eq3A_780 : vector<80x6400xi32>
      %convert_element_type3A_782 = arith.extui %eq3A_781 : vector<80x6400xi1> to vector<80x6400xi32>
      %convert_element_type3A_783 = arith.sitofp %convert_element_type3A_782 : vector<80x6400xi32> to vector<80x6400xf32>
      %convert_element_type3A_784 = arith.truncf %convert_element_type3A_783 : vector<80x6400xf32> to vector<80x6400xbf16>
      %iota3A_785 = tpu.iota {dimensions = array<i32: 0>} : vector<128x6400xi32>
      %broadcast_in_dim3A_786 = vector.shape_cast %and3A_777 : vector<6400xi32> to vector<1x6400xi32>
      %eq3A_787 = vector.broadcast %broadcast_in_dim3A_786 : vector<1x6400xi32> to vector<128x6400xi32>
      %eq3A_788 = arith.cmpi eq, %iota3A_785, %eq3A_787 : vector<128x6400xi32>
      %convert_element_type3A_789 = arith.extui %eq3A_788 : vector<128x6400xi1> to vector<128x6400xi32>
      %convert_element_type3A_790 = arith.sitofp %convert_element_type3A_789 : vector<128x6400xi32> to vector<128x6400xf32>
      %convert_element_type3A_791 = arith.truncf %convert_element_type3A_790 : vector<128x6400xf32> to vector<128x6400xbf16>
      %dot_general3A_792 = arith.constant dense<0.000000e+00> : vector<128x80xf32>
      %dot_general3A_793 = tpu.matmul %convert_element_type3A_791, %convert_element_type3A_784, %dot_general3A_792 {dimension_numbers = #tpu.dot_dimension_numbers<[1], [1], [0], [0], [0, 0, 1, 0], [], []>, transpose_lhs_hint = false} : vector<128x6400xbf16>, vector<80x6400xbf16>, vector<128x80xf32> -> vector<128x80xf32>
      %add3A_794 = arith.addf %add3A_769, %dot_general3A_793 : vector<128x80xf32>
      %get3A_795 = arith.constant 198400 : index
      %get3A_796 = vector.load %arg5[%get3A_795] : memref<320000xi32, #tpu.memory_space<vmem>>, vector<6400xi32>
      %shift_right_arithmetic3A_797 = arith.constant 7 : i32
      %shift_right_arithmetic3A_798 = vector.broadcast %shift_right_arithmetic3A_797 : i32 to vector<6400xi32>
      %shift_right_arithmetic3A_799 = arith.shrsi %get3A_796, %shift_right_arithmetic3A_798 : vector<6400xi32>
      %and3A_800 = arith.constant 127 : i32
      %and3A_801 = vector.broadcast %and3A_800 : i32 to vector<6400xi32>
      %and3A_802 = arith.andi %get3A_796, %and3A_801 : vector<6400xi32>
      %iota3A_803 = tpu.iota {dimensions = array<i32: 0>} : vector<80x6400xi32>
      %broadcast_in_dim3A_804 = vector.shape_cast %shift_right_arithmetic3A_799 : vector<6400xi32> to vector<1x6400xi32>
      %eq3A_805 = vector.broadcast %broadcast_in_dim3A_804 : vector<1x6400xi32> to vector<80x6400xi32>
      %eq3A_806 = arith.cmpi eq, %iota3A_803, %eq3A_805 : vector<80x6400xi32>
      %convert_element_type3A_807 = arith.extui %eq3A_806 : vector<80x6400xi1> to vector<80x6400xi32>
      %convert_element_type3A_808 = arith.sitofp %convert_element_type3A_807 : vector<80x6400xi32> to vector<80x6400xf32>
      %convert_element_type3A_809 = arith.truncf %convert_element_type3A_808 : vector<80x6400xf32> to vector<80x6400xbf16>
      %iota3A_810 = tpu.iota {dimensions = array<i32: 0>} : vector<128x6400xi32>
      %broadcast_in_dim3A_811 = vector.shape_cast %and3A_802 : vector<6400xi32> to vector<1x6400xi32>
      %eq3A_812 = vector.broadcast %broadcast_in_dim3A_811 : vector<1x6400xi32> to vector<128x6400xi32>
      %eq3A_813 = arith.cmpi eq, %iota3A_810, %eq3A_812 : vector<128x6400xi32>
      %convert_element_type3A_814 = arith.extui %eq3A_813 : vector<128x6400xi1> to vector<128x6400xi32>
      %convert_element_type3A_815 = arith.sitofp %convert_element_type3A_814 : vector<128x6400xi32> to vector<128x6400xf32>
      %convert_element_type3A_816 = arith.truncf %convert_element_type3A_815 : vector<128x6400xf32> to vector<128x6400xbf16>
      %dot_general3A_817 = arith.constant dense<0.000000e+00> : vector<128x80xf32>
      %dot_general3A_818 = tpu.matmul %convert_element_type3A_816, %convert_element_type3A_809, %dot_general3A_817 {dimension_numbers = #tpu.dot_dimension_numbers<[1], [1], [0], [0], [0, 0, 1, 0], [], []>, transpose_lhs_hint = false} : vector<128x6400xbf16>, vector<80x6400xbf16>, vector<128x80xf32> -> vector<128x80xf32>
      %add3A_819 = arith.addf %add3A_794, %dot_general3A_818 : vector<128x80xf32>
      %get3A_820 = arith.constant 204800 : index
      %get3A_821 = vector.load %arg5[%get3A_820] : memref<320000xi32, #tpu.memory_space<vmem>>, vector<6400xi32>
      %shift_right_arithmetic3A_822 = arith.constant 7 : i32
      %shift_right_arithmetic3A_823 = vector.broadcast %shift_right_arithmetic3A_822 : i32 to vector<6400xi32>
      %shift_right_arithmetic3A_824 = arith.shrsi %get3A_821, %shift_right_arithmetic3A_823 : vector<6400xi32>
      %and3A_825 = arith.constant 127 : i32
      %and3A_826 = vector.broadcast %and3A_825 : i32 to vector<6400xi32>
      %and3A_827 = arith.andi %get3A_821, %and3A_826 : vector<6400xi32>
      %iota3A_828 = tpu.iota {dimensions = array<i32: 0>} : vector<80x6400xi32>
      %broadcast_in_dim3A_829 = vector.shape_cast %shift_right_arithmetic3A_824 : vector<6400xi32> to vector<1x6400xi32>
      %eq3A_830 = vector.broadcast %broadcast_in_dim3A_829 : vector<1x6400xi32> to vector<80x6400xi32>
      %eq3A_831 = arith.cmpi eq, %iota3A_828, %eq3A_830 : vector<80x6400xi32>
      %convert_element_type3A_832 = arith.extui %eq3A_831 : vector<80x6400xi1> to vector<80x6400xi32>
      %convert_element_type3A_833 = arith.sitofp %convert_element_type3A_832 : vector<80x6400xi32> to vector<80x6400xf32>
      %convert_element_type3A_834 = arith.truncf %convert_element_type3A_833 : vector<80x6400xf32> to vector<80x6400xbf16>
      %iota3A_835 = tpu.iota {dimensions = array<i32: 0>} : vector<128x6400xi32>
      %broadcast_in_dim3A_836 = vector.shape_cast %and3A_827 : vector<6400xi32> to vector<1x6400xi32>
      %eq3A_837 = vector.broadcast %broadcast_in_dim3A_836 : vector<1x6400xi32> to vector<128x6400xi32>
      %eq3A_838 = arith.cmpi eq, %iota3A_835, %eq3A_837 : vector<128x6400xi32>
      %convert_element_type3A_839 = arith.extui %eq3A_838 : vector<128x6400xi1> to vector<128x6400xi32>
      %convert_element_type3A_840 = arith.sitofp %convert_element_type3A_839 : vector<128x6400xi32> to vector<128x6400xf32>
      %convert_element_type3A_841 = arith.truncf %convert_element_type3A_840 : vector<128x6400xf32> to vector<128x6400xbf16>
      %dot_general3A_842 = arith.constant dense<0.000000e+00> : vector<128x80xf32>
      %dot_general3A_843 = tpu.matmul %convert_element_type3A_841, %convert_element_type3A_834, %dot_general3A_842 {dimension_numbers = #tpu.dot_dimension_numbers<[1], [1], [0], [0], [0, 0, 1, 0], [], []>, transpose_lhs_hint = false} : vector<128x6400xbf16>, vector<80x6400xbf16>, vector<128x80xf32> -> vector<128x80xf32>
      %add3A_844 = arith.addf %add3A_819, %dot_general3A_843 : vector<128x80xf32>
      %get3A_845 = arith.constant 211200 : index
      %get3A_846 = vector.load %arg5[%get3A_845] : memref<320000xi32, #tpu.memory_space<vmem>>, vector<6400xi32>
      %shift_right_arithmetic3A_847 = arith.constant 7 : i32
      %shift_right_arithmetic3A_848 = vector.broadcast %shift_right_arithmetic3A_847 : i32 to vector<6400xi32>
      %shift_right_arithmetic3A_849 = arith.shrsi %get3A_846, %shift_right_arithmetic3A_848 : vector<6400xi32>
      %and3A_850 = arith.constant 127 : i32
      %and3A_851 = vector.broadcast %and3A_850 : i32 to vector<6400xi32>
      %and3A_852 = arith.andi %get3A_846, %and3A_851 : vector<6400xi32>
      %iota3A_853 = tpu.iota {dimensions = array<i32: 0>} : vector<80x6400xi32>
      %broadcast_in_dim3A_854 = vector.shape_cast %shift_right_arithmetic3A_849 : vector<6400xi32> to vector<1x6400xi32>
      %eq3A_855 = vector.broadcast %broadcast_in_dim3A_854 : vector<1x6400xi32> to vector<80x6400xi32>
      %eq3A_856 = arith.cmpi eq, %iota3A_853, %eq3A_855 : vector<80x6400xi32>
      %convert_element_type3A_857 = arith.extui %eq3A_856 : vector<80x6400xi1> to vector<80x6400xi32>
      %convert_element_type3A_858 = arith.sitofp %convert_element_type3A_857 : vector<80x6400xi32> to vector<80x6400xf32>
      %convert_element_type3A_859 = arith.truncf %convert_element_type3A_858 : vector<80x6400xf32> to vector<80x6400xbf16>
      %iota3A_860 = tpu.iota {dimensions = array<i32: 0>} : vector<128x6400xi32>
      %broadcast_in_dim3A_861 = vector.shape_cast %and3A_852 : vector<6400xi32> to vector<1x6400xi32>
      %eq3A_862 = vector.broadcast %broadcast_in_dim3A_861 : vector<1x6400xi32> to vector<128x6400xi32>
      %eq3A_863 = arith.cmpi eq, %iota3A_860, %eq3A_862 : vector<128x6400xi32>
      %convert_element_type3A_864 = arith.extui %eq3A_863 : vector<128x6400xi1> to vector<128x6400xi32>
      %convert_element_type3A_865 = arith.sitofp %convert_element_type3A_864 : vector<128x6400xi32> to vector<128x6400xf32>
      %convert_element_type3A_866 = arith.truncf %convert_element_type3A_865 : vector<128x6400xf32> to vector<128x6400xbf16>
      %dot_general3A_867 = arith.constant dense<0.000000e+00> : vector<128x80xf32>
      %dot_general3A_868 = tpu.matmul %convert_element_type3A_866, %convert_element_type3A_859, %dot_general3A_867 {dimension_numbers = #tpu.dot_dimension_numbers<[1], [1], [0], [0], [0, 0, 1, 0], [], []>, transpose_lhs_hint = false} : vector<128x6400xbf16>, vector<80x6400xbf16>, vector<128x80xf32> -> vector<128x80xf32>
      %add3A_869 = arith.addf %add3A_844, %dot_general3A_868 : vector<128x80xf32>
      %get3A_870 = arith.constant 217600 : index
      %get3A_871 = vector.load %arg5[%get3A_870] : memref<320000xi32, #tpu.memory_space<vmem>>, vector<6400xi32>
      %shift_right_arithmetic3A_872 = arith.constant 7 : i32
      %shift_right_arithmetic3A_873 = vector.broadcast %shift_right_arithmetic3A_872 : i32 to vector<6400xi32>
      %shift_right_arithmetic3A_874 = arith.shrsi %get3A_871, %shift_right_arithmetic3A_873 : vector<6400xi32>
      %and3A_875 = arith.constant 127 : i32
      %and3A_876 = vector.broadcast %and3A_875 : i32 to vector<6400xi32>
      %and3A_877 = arith.andi %get3A_871, %and3A_876 : vector<6400xi32>
      %iota3A_878 = tpu.iota {dimensions = array<i32: 0>} : vector<80x6400xi32>
      %broadcast_in_dim3A_879 = vector.shape_cast %shift_right_arithmetic3A_874 : vector<6400xi32> to vector<1x6400xi32>
      %eq3A_880 = vector.broadcast %broadcast_in_dim3A_879 : vector<1x6400xi32> to vector<80x6400xi32>
      %eq3A_881 = arith.cmpi eq, %iota3A_878, %eq3A_880 : vector<80x6400xi32>
      %convert_element_type3A_882 = arith.extui %eq3A_881 : vector<80x6400xi1> to vector<80x6400xi32>
      %convert_element_type3A_883 = arith.sitofp %convert_element_type3A_882 : vector<80x6400xi32> to vector<80x6400xf32>
      %convert_element_type3A_884 = arith.truncf %convert_element_type3A_883 : vector<80x6400xf32> to vector<80x6400xbf16>
      %iota3A_885 = tpu.iota {dimensions = array<i32: 0>} : vector<128x6400xi32>
      %broadcast_in_dim3A_886 = vector.shape_cast %and3A_877 : vector<6400xi32> to vector<1x6400xi32>
      %eq3A_887 = vector.broadcast %broadcast_in_dim3A_886 : vector<1x6400xi32> to vector<128x6400xi32>
      %eq3A_888 = arith.cmpi eq, %iota3A_885, %eq3A_887 : vector<128x6400xi32>
      %convert_element_type3A_889 = arith.extui %eq3A_888 : vector<128x6400xi1> to vector<128x6400xi32>
      %convert_element_type3A_890 = arith.sitofp %convert_element_type3A_889 : vector<128x6400xi32> to vector<128x6400xf32>
      %convert_element_type3A_891 = arith.truncf %convert_element_type3A_890 : vector<128x6400xf32> to vector<128x6400xbf16>
      %dot_general3A_892 = arith.constant dense<0.000000e+00> : vector<128x80xf32>
      %dot_general3A_893 = tpu.matmul %convert_element_type3A_891, %convert_element_type3A_884, %dot_general3A_892 {dimension_numbers = #tpu.dot_dimension_numbers<[1], [1], [0], [0], [0, 0, 1, 0], [], []>, transpose_lhs_hint = false} : vector<128x6400xbf16>, vector<80x6400xbf16>, vector<128x80xf32> -> vector<128x80xf32>
      %add3A_894 = arith.addf %add3A_869, %dot_general3A_893 : vector<128x80xf32>
      %get3A_895 = arith.constant 224000 : index
      %get3A_896 = vector.load %arg5[%get3A_895] : memref<320000xi32, #tpu.memory_space<vmem>>, vector<6400xi32>
      %shift_right_arithmetic3A_897 = arith.constant 7 : i32
      %shift_right_arithmetic3A_898 = vector.broadcast %shift_right_arithmetic3A_897 : i32 to vector<6400xi32>
      %shift_right_arithmetic3A_899 = arith.shrsi %get3A_896, %shift_right_arithmetic3A_898 : vector<6400xi32>
      %and3A_900 = arith.constant 127 : i32
      %and3A_901 = vector.broadcast %and3A_900 : i32 to vector<6400xi32>
      %and3A_902 = arith.andi %get3A_896, %and3A_901 : vector<6400xi32>
      %iota3A_903 = tpu.iota {dimensions = array<i32: 0>} : vector<80x6400xi32>
      %broadcast_in_dim3A_904 = vector.shape_cast %shift_right_arithmetic3A_899 : vector<6400xi32> to vector<1x6400xi32>
      %eq3A_905 = vector.broadcast %broadcast_in_dim3A_904 : vector<1x6400xi32> to vector<80x6400xi32>
      %eq3A_906 = arith.cmpi eq, %iota3A_903, %eq3A_905 : vector<80x6400xi32>
      %convert_element_type3A_907 = arith.extui %eq3A_906 : vector<80x6400xi1> to vector<80x6400xi32>
      %convert_element_type3A_908 = arith.sitofp %convert_element_type3A_907 : vector<80x6400xi32> to vector<80x6400xf32>
      %convert_element_type3A_909 = arith.truncf %convert_element_type3A_908 : vector<80x6400xf32> to vector<80x6400xbf16>
      %iota3A_910 = tpu.iota {dimensions = array<i32: 0>} : vector<128x6400xi32>
      %broadcast_in_dim3A_911 = vector.shape_cast %and3A_902 : vector<6400xi32> to vector<1x6400xi32>
      %eq3A_912 = vector.broadcast %broadcast_in_dim3A_911 : vector<1x6400xi32> to vector<128x6400xi32>
      %eq3A_913 = arith.cmpi eq, %iota3A_910, %eq3A_912 : vector<128x6400xi32>
      %convert_element_type3A_914 = arith.extui %eq3A_913 : vector<128x6400xi1> to vector<128x6400xi32>
      %convert_element_type3A_915 = arith.sitofp %convert_element_type3A_914 : vector<128x6400xi32> to vector<128x6400xf32>
      %convert_element_type3A_916 = arith.truncf %convert_element_type3A_915 : vector<128x6400xf32> to vector<128x6400xbf16>
      %dot_general3A_917 = arith.constant dense<0.000000e+00> : vector<128x80xf32>
      %dot_general3A_918 = tpu.matmul %convert_element_type3A_916, %convert_element_type3A_909, %dot_general3A_917 {dimension_numbers = #tpu.dot_dimension_numbers<[1], [1], [0], [0], [0, 0, 1, 0], [], []>, transpose_lhs_hint = false} : vector<128x6400xbf16>, vector<80x6400xbf16>, vector<128x80xf32> -> vector<128x80xf32>
      %add3A_919 = arith.addf %add3A_894, %dot_general3A_918 : vector<128x80xf32>
      %get3A_920 = arith.constant 230400 : index
      %get3A_921 = vector.load %arg5[%get3A_920] : memref<320000xi32, #tpu.memory_space<vmem>>, vector<6400xi32>
      %shift_right_arithmetic3A_922 = arith.constant 7 : i32
      %shift_right_arithmetic3A_923 = vector.broadcast %shift_right_arithmetic3A_922 : i32 to vector<6400xi32>
      %shift_right_arithmetic3A_924 = arith.shrsi %get3A_921, %shift_right_arithmetic3A_923 : vector<6400xi32>
      %and3A_925 = arith.constant 127 : i32
      %and3A_926 = vector.broadcast %and3A_925 : i32 to vector<6400xi32>
      %and3A_927 = arith.andi %get3A_921, %and3A_926 : vector<6400xi32>
      %iota3A_928 = tpu.iota {dimensions = array<i32: 0>} : vector<80x6400xi32>
      %broadcast_in_dim3A_929 = vector.shape_cast %shift_right_arithmetic3A_924 : vector<6400xi32> to vector<1x6400xi32>
      %eq3A_930 = vector.broadcast %broadcast_in_dim3A_929 : vector<1x6400xi32> to vector<80x6400xi32>
      %eq3A_931 = arith.cmpi eq, %iota3A_928, %eq3A_930 : vector<80x6400xi32>
      %convert_element_type3A_932 = arith.extui %eq3A_931 : vector<80x6400xi1> to vector<80x6400xi32>
      %convert_element_type3A_933 = arith.sitofp %convert_element_type3A_932 : vector<80x6400xi32> to vector<80x6400xf32>
      %convert_element_type3A_934 = arith.truncf %convert_element_type3A_933 : vector<80x6400xf32> to vector<80x6400xbf16>
      %iota3A_935 = tpu.iota {dimensions = array<i32: 0>} : vector<128x6400xi32>
      %broadcast_in_dim3A_936 = vector.shape_cast %and3A_927 : vector<6400xi32> to vector<1x6400xi32>
      %eq3A_937 = vector.broadcast %broadcast_in_dim3A_936 : vector<1x6400xi32> to vector<128x6400xi32>
      %eq3A_938 = arith.cmpi eq, %iota3A_935, %eq3A_937 : vector<128x6400xi32>
      %convert_element_type3A_939 = arith.extui %eq3A_938 : vector<128x6400xi1> to vector<128x6400xi32>
      %convert_element_type3A_940 = arith.sitofp %convert_element_type3A_939 : vector<128x6400xi32> to vector<128x6400xf32>
      %convert_element_type3A_941 = arith.truncf %convert_element_type3A_940 : vector<128x6400xf32> to vector<128x6400xbf16>
      %dot_general3A_942 = arith.constant dense<0.000000e+00> : vector<128x80xf32>
      %dot_general3A_943 = tpu.matmul %convert_element_type3A_941, %convert_element_type3A_934, %dot_general3A_942 {dimension_numbers = #tpu.dot_dimension_numbers<[1], [1], [0], [0], [0, 0, 1, 0], [], []>, transpose_lhs_hint = false} : vector<128x6400xbf16>, vector<80x6400xbf16>, vector<128x80xf32> -> vector<128x80xf32>
      %add3A_944 = arith.addf %add3A_919, %dot_general3A_943 : vector<128x80xf32>
      %get3A_945 = arith.constant 236800 : index
      %get3A_946 = vector.load %arg5[%get3A_945] : memref<320000xi32, #tpu.memory_space<vmem>>, vector<6400xi32>
      %shift_right_arithmetic3A_947 = arith.constant 7 : i32
      %shift_right_arithmetic3A_948 = vector.broadcast %shift_right_arithmetic3A_947 : i32 to vector<6400xi32>
      %shift_right_arithmetic3A_949 = arith.shrsi %get3A_946, %shift_right_arithmetic3A_948 : vector<6400xi32>
      %and3A_950 = arith.constant 127 : i32
      %and3A_951 = vector.broadcast %and3A_950 : i32 to vector<6400xi32>
      %and3A_952 = arith.andi %get3A_946, %and3A_951 : vector<6400xi32>
      %iota3A_953 = tpu.iota {dimensions = array<i32: 0>} : vector<80x6400xi32>
      %broadcast_in_dim3A_954 = vector.shape_cast %shift_right_arithmetic3A_949 : vector<6400xi32> to vector<1x6400xi32>
      %eq3A_955 = vector.broadcast %broadcast_in_dim3A_954 : vector<1x6400xi32> to vector<80x6400xi32>
      %eq3A_956 = arith.cmpi eq, %iota3A_953, %eq3A_955 : vector<80x6400xi32>
      %convert_element_type3A_957 = arith.extui %eq3A_956 : vector<80x6400xi1> to vector<80x6400xi32>
      %convert_element_type3A_958 = arith.sitofp %convert_element_type3A_957 : vector<80x6400xi32> to vector<80x6400xf32>
      %convert_element_type3A_959 = arith.truncf %convert_element_type3A_958 : vector<80x6400xf32> to vector<80x6400xbf16>
      %iota3A_960 = tpu.iota {dimensions = array<i32: 0>} : vector<128x6400xi32>
      %broadcast_in_dim3A_961 = vector.shape_cast %and3A_952 : vector<6400xi32> to vector<1x6400xi32>
      %eq3A_962 = vector.broadcast %broadcast_in_dim3A_961 : vector<1x6400xi32> to vector<128x6400xi32>
      %eq3A_963 = arith.cmpi eq, %iota3A_960, %eq3A_962 : vector<128x6400xi32>
      %convert_element_type3A_964 = arith.extui %eq3A_963 : vector<128x6400xi1> to vector<128x6400xi32>
      %convert_element_type3A_965 = arith.sitofp %convert_element_type3A_964 : vector<128x6400xi32> to vector<128x6400xf32>
      %convert_element_type3A_966 = arith.truncf %convert_element_type3A_965 : vector<128x6400xf32> to vector<128x6400xbf16>
      %dot_general3A_967 = arith.constant dense<0.000000e+00> : vector<128x80xf32>
      %dot_general3A_968 = tpu.matmul %convert_element_type3A_966, %convert_element_type3A_959, %dot_general3A_967 {dimension_numbers = #tpu.dot_dimension_numbers<[1], [1], [0], [0], [0, 0, 1, 0], [], []>, transpose_lhs_hint = false} : vector<128x6400xbf16>, vector<80x6400xbf16>, vector<128x80xf32> -> vector<128x80xf32>
      %add3A_969 = arith.addf %add3A_944, %dot_general3A_968 : vector<128x80xf32>
      %get3A_970 = arith.constant 243200 : index
      %get3A_971 = vector.load %arg5[%get3A_970] : memref<320000xi32, #tpu.memory_space<vmem>>, vector<6400xi32>
      %shift_right_arithmetic3A_972 = arith.constant 7 : i32
      %shift_right_arithmetic3A_973 = vector.broadcast %shift_right_arithmetic3A_972 : i32 to vector<6400xi32>
      %shift_right_arithmetic3A_974 = arith.shrsi %get3A_971, %shift_right_arithmetic3A_973 : vector<6400xi32>
      %and3A_975 = arith.constant 127 : i32
      %and3A_976 = vector.broadcast %and3A_975 : i32 to vector<6400xi32>
      %and3A_977 = arith.andi %get3A_971, %and3A_976 : vector<6400xi32>
      %iota3A_978 = tpu.iota {dimensions = array<i32: 0>} : vector<80x6400xi32>
      %broadcast_in_dim3A_979 = vector.shape_cast %shift_right_arithmetic3A_974 : vector<6400xi32> to vector<1x6400xi32>
      %eq3A_980 = vector.broadcast %broadcast_in_dim3A_979 : vector<1x6400xi32> to vector<80x6400xi32>
      %eq3A_981 = arith.cmpi eq, %iota3A_978, %eq3A_980 : vector<80x6400xi32>
      %convert_element_type3A_982 = arith.extui %eq3A_981 : vector<80x6400xi1> to vector<80x6400xi32>
      %convert_element_type3A_983 = arith.sitofp %convert_element_type3A_982 : vector<80x6400xi32> to vector<80x6400xf32>
      %convert_element_type3A_984 = arith.truncf %convert_element_type3A_983 : vector<80x6400xf32> to vector<80x6400xbf16>
      %iota3A_985 = tpu.iota {dimensions = array<i32: 0>} : vector<128x6400xi32>
      %broadcast_in_dim3A_986 = vector.shape_cast %and3A_977 : vector<6400xi32> to vector<1x6400xi32>
      %eq3A_987 = vector.broadcast %broadcast_in_dim3A_986 : vector<1x6400xi32> to vector<128x6400xi32>
      %eq3A_988 = arith.cmpi eq, %iota3A_985, %eq3A_987 : vector<128x6400xi32>
      %convert_element_type3A_989 = arith.extui %eq3A_988 : vector<128x6400xi1> to vector<128x6400xi32>
      %convert_element_type3A_990 = arith.sitofp %convert_element_type3A_989 : vector<128x6400xi32> to vector<128x6400xf32>
      %convert_element_type3A_991 = arith.truncf %convert_element_type3A_990 : vector<128x6400xf32> to vector<128x6400xbf16>
      %dot_general3A_992 = arith.constant dense<0.000000e+00> : vector<128x80xf32>
      %dot_general3A_993 = tpu.matmul %convert_element_type3A_991, %convert_element_type3A_984, %dot_general3A_992 {dimension_numbers = #tpu.dot_dimension_numbers<[1], [1], [0], [0], [0, 0, 1, 0], [], []>, transpose_lhs_hint = false} : vector<128x6400xbf16>, vector<80x6400xbf16>, vector<128x80xf32> -> vector<128x80xf32>
      %add3A_994 = arith.addf %add3A_969, %dot_general3A_993 : vector<128x80xf32>
      %get3A_995 = arith.constant 249600 : index
      %get3A_996 = vector.load %arg5[%get3A_995] : memref<320000xi32, #tpu.memory_space<vmem>>, vector<6400xi32>
      %shift_right_arithmetic3A_997 = arith.constant 7 : i32
      %shift_right_arithmetic3A_998 = vector.broadcast %shift_right_arithmetic3A_997 : i32 to vector<6400xi32>
      %shift_right_arithmetic3A_999 = arith.shrsi %get3A_996, %shift_right_arithmetic3A_998 : vector<6400xi32>
      %and3A_1000 = arith.constant 127 : i32
      %and3A_1001 = vector.broadcast %and3A_1000 : i32 to vector<6400xi32>
      %and3A_1002 = arith.andi %get3A_996, %and3A_1001 : vector<6400xi32>
      %iota3A_1003 = tpu.iota {dimensions = array<i32: 0>} : vector<80x6400xi32>
      %broadcast_in_dim3A_1004 = vector.shape_cast %shift_right_arithmetic3A_999 : vector<6400xi32> to vector<1x6400xi32>
      %eq3A_1005 = vector.broadcast %broadcast_in_dim3A_1004 : vector<1x6400xi32> to vector<80x6400xi32>
      %eq3A_1006 = arith.cmpi eq, %iota3A_1003, %eq3A_1005 : vector<80x6400xi32>
      %convert_element_type3A_1007 = arith.extui %eq3A_1006 : vector<80x6400xi1> to vector<80x6400xi32>
      %convert_element_type3A_1008 = arith.sitofp %convert_element_type3A_1007 : vector<80x6400xi32> to vector<80x6400xf32>
      %convert_element_type3A_1009 = arith.truncf %convert_element_type3A_1008 : vector<80x6400xf32> to vector<80x6400xbf16>
      %iota3A_1010 = tpu.iota {dimensions = array<i32: 0>} : vector<128x6400xi32>
      %broadcast_in_dim3A_1011 = vector.shape_cast %and3A_1002 : vector<6400xi32> to vector<1x6400xi32>
      %eq3A_1012 = vector.broadcast %broadcast_in_dim3A_1011 : vector<1x6400xi32> to vector<128x6400xi32>
      %eq3A_1013 = arith.cmpi eq, %iota3A_1010, %eq3A_1012 : vector<128x6400xi32>
      %convert_element_type3A_1014 = arith.extui %eq3A_1013 : vector<128x6400xi1> to vector<128x6400xi32>
      %convert_element_type3A_1015 = arith.sitofp %convert_element_type3A_1014 : vector<128x6400xi32> to vector<128x6400xf32>
      %convert_element_type3A_1016 = arith.truncf %convert_element_type3A_1015 : vector<128x6400xf32> to vector<128x6400xbf16>
      %dot_general3A_1017 = arith.constant dense<0.000000e+00> : vector<128x80xf32>
      %dot_general3A_1018 = tpu.matmul %convert_element_type3A_1016, %convert_element_type3A_1009, %dot_general3A_1017 {dimension_numbers = #tpu.dot_dimension_numbers<[1], [1], [0], [0], [0, 0, 1, 0], [], []>, transpose_lhs_hint = false} : vector<128x6400xbf16>, vector<80x6400xbf16>, vector<128x80xf32> -> vector<128x80xf32>
      %add3A_1019 = arith.addf %add3A_994, %dot_general3A_1018 : vector<128x80xf32>
      %get3A_1020 = arith.constant 256000 : index
      %get3A_1021 = vector.load %arg5[%get3A_1020] : memref<320000xi32, #tpu.memory_space<vmem>>, vector<6400xi32>
      %shift_right_arithmetic3A_1022 = arith.constant 7 : i32
      %shift_right_arithmetic3A_1023 = vector.broadcast %shift_right_arithmetic3A_1022 : i32 to vector<6400xi32>
      %shift_right_arithmetic3A_1024 = arith.shrsi %get3A_1021, %shift_right_arithmetic3A_1023 : vector<6400xi32>
      %and3A_1025 = arith.constant 127 : i32
      %and3A_1026 = vector.broadcast %and3A_1025 : i32 to vector<6400xi32>
      %and3A_1027 = arith.andi %get3A_1021, %and3A_1026 : vector<6400xi32>
      %iota3A_1028 = tpu.iota {dimensions = array<i32: 0>} : vector<80x6400xi32>
      %broadcast_in_dim3A_1029 = vector.shape_cast %shift_right_arithmetic3A_1024 : vector<6400xi32> to vector<1x6400xi32>
      %eq3A_1030 = vector.broadcast %broadcast_in_dim3A_1029 : vector<1x6400xi32> to vector<80x6400xi32>
      %eq3A_1031 = arith.cmpi eq, %iota3A_1028, %eq3A_1030 : vector<80x6400xi32>
      %convert_element_type3A_1032 = arith.extui %eq3A_1031 : vector<80x6400xi1> to vector<80x6400xi32>
      %convert_element_type3A_1033 = arith.sitofp %convert_element_type3A_1032 : vector<80x6400xi32> to vector<80x6400xf32>
      %convert_element_type3A_1034 = arith.truncf %convert_element_type3A_1033 : vector<80x6400xf32> to vector<80x6400xbf16>
      %iota3A_1035 = tpu.iota {dimensions = array<i32: 0>} : vector<128x6400xi32>
      %broadcast_in_dim3A_1036 = vector.shape_cast %and3A_1027 : vector<6400xi32> to vector<1x6400xi32>
      %eq3A_1037 = vector.broadcast %broadcast_in_dim3A_1036 : vector<1x6400xi32> to vector<128x6400xi32>
      %eq3A_1038 = arith.cmpi eq, %iota3A_1035, %eq3A_1037 : vector<128x6400xi32>
      %convert_element_type3A_1039 = arith.extui %eq3A_1038 : vector<128x6400xi1> to vector<128x6400xi32>
      %convert_element_type3A_1040 = arith.sitofp %convert_element_type3A_1039 : vector<128x6400xi32> to vector<128x6400xf32>
      %convert_element_type3A_1041 = arith.truncf %convert_element_type3A_1040 : vector<128x6400xf32> to vector<128x6400xbf16>
      %dot_general3A_1042 = arith.constant dense<0.000000e+00> : vector<128x80xf32>
      %dot_general3A_1043 = tpu.matmul %convert_element_type3A_1041, %convert_element_type3A_1034, %dot_general3A_1042 {dimension_numbers = #tpu.dot_dimension_numbers<[1], [1], [0], [0], [0, 0, 1, 0], [], []>, transpose_lhs_hint = false} : vector<128x6400xbf16>, vector<80x6400xbf16>, vector<128x80xf32> -> vector<128x80xf32>
      %add3A_1044 = arith.addf %add3A_1019, %dot_general3A_1043 : vector<128x80xf32>
      %get3A_1045 = arith.constant 262400 : index
      %get3A_1046 = vector.load %arg5[%get3A_1045] : memref<320000xi32, #tpu.memory_space<vmem>>, vector<6400xi32>
      %shift_right_arithmetic3A_1047 = arith.constant 7 : i32
      %shift_right_arithmetic3A_1048 = vector.broadcast %shift_right_arithmetic3A_1047 : i32 to vector<6400xi32>
      %shift_right_arithmetic3A_1049 = arith.shrsi %get3A_1046, %shift_right_arithmetic3A_1048 : vector<6400xi32>
      %and3A_1050 = arith.constant 127 : i32
      %and3A_1051 = vector.broadcast %and3A_1050 : i32 to vector<6400xi32>
      %and3A_1052 = arith.andi %get3A_1046, %and3A_1051 : vector<6400xi32>
      %iota3A_1053 = tpu.iota {dimensions = array<i32: 0>} : vector<80x6400xi32>
      %broadcast_in_dim3A_1054 = vector.shape_cast %shift_right_arithmetic3A_1049 : vector<6400xi32> to vector<1x6400xi32>
      %eq3A_1055 = vector.broadcast %broadcast_in_dim3A_1054 : vector<1x6400xi32> to vector<80x6400xi32>
      %eq3A_1056 = arith.cmpi eq, %iota3A_1053, %eq3A_1055 : vector<80x6400xi32>
      %convert_element_type3A_1057 = arith.extui %eq3A_1056 : vector<80x6400xi1> to vector<80x6400xi32>
      %convert_element_type3A_1058 = arith.sitofp %convert_element_type3A_1057 : vector<80x6400xi32> to vector<80x6400xf32>
      %convert_element_type3A_1059 = arith.truncf %convert_element_type3A_1058 : vector<80x6400xf32> to vector<80x6400xbf16>
      %iota3A_1060 = tpu.iota {dimensions = array<i32: 0>} : vector<128x6400xi32>
      %broadcast_in_dim3A_1061 = vector.shape_cast %and3A_1052 : vector<6400xi32> to vector<1x6400xi32>
      %eq3A_1062 = vector.broadcast %broadcast_in_dim3A_1061 : vector<1x6400xi32> to vector<128x6400xi32>
      %eq3A_1063 = arith.cmpi eq, %iota3A_1060, %eq3A_1062 : vector<128x6400xi32>
      %convert_element_type3A_1064 = arith.extui %eq3A_1063 : vector<128x6400xi1> to vector<128x6400xi32>
      %convert_element_type3A_1065 = arith.sitofp %convert_element_type3A_1064 : vector<128x6400xi32> to vector<128x6400xf32>
      %convert_element_type3A_1066 = arith.truncf %convert_element_type3A_1065 : vector<128x6400xf32> to vector<128x6400xbf16>
      %dot_general3A_1067 = arith.constant dense<0.000000e+00> : vector<128x80xf32>
      %dot_general3A_1068 = tpu.matmul %convert_element_type3A_1066, %convert_element_type3A_1059, %dot_general3A_1067 {dimension_numbers = #tpu.dot_dimension_numbers<[1], [1], [0], [0], [0, 0, 1, 0], [], []>, transpose_lhs_hint = false} : vector<128x6400xbf16>, vector<80x6400xbf16>, vector<128x80xf32> -> vector<128x80xf32>
      %add3A_1069 = arith.addf %add3A_1044, %dot_general3A_1068 : vector<128x80xf32>
      %get3A_1070 = arith.constant 268800 : index
      %get3A_1071 = vector.load %arg5[%get3A_1070] : memref<320000xi32, #tpu.memory_space<vmem>>, vector<6400xi32>
      %shift_right_arithmetic3A_1072 = arith.constant 7 : i32
      %shift_right_arithmetic3A_1073 = vector.broadcast %shift_right_arithmetic3A_1072 : i32 to vector<6400xi32>
      %shift_right_arithmetic3A_1074 = arith.shrsi %get3A_1071, %shift_right_arithmetic3A_1073 : vector<6400xi32>
      %and3A_1075 = arith.constant 127 : i32
      %and3A_1076 = vector.broadcast %and3A_1075 : i32 to vector<6400xi32>
      %and3A_1077 = arith.andi %get3A_1071, %and3A_1076 : vector<6400xi32>
      %iota3A_1078 = tpu.iota {dimensions = array<i32: 0>} : vector<80x6400xi32>
      %broadcast_in_dim3A_1079 = vector.shape_cast %shift_right_arithmetic3A_1074 : vector<6400xi32> to vector<1x6400xi32>
      %eq3A_1080 = vector.broadcast %broadcast_in_dim3A_1079 : vector<1x6400xi32> to vector<80x6400xi32>
      %eq3A_1081 = arith.cmpi eq, %iota3A_1078, %eq3A_1080 : vector<80x6400xi32>
      %convert_element_type3A_1082 = arith.extui %eq3A_1081 : vector<80x6400xi1> to vector<80x6400xi32>
      %convert_element_type3A_1083 = arith.sitofp %convert_element_type3A_1082 : vector<80x6400xi32> to vector<80x6400xf32>
      %convert_element_type3A_1084 = arith.truncf %convert_element_type3A_1083 : vector<80x6400xf32> to vector<80x6400xbf16>
      %iota3A_1085 = tpu.iota {dimensions = array<i32: 0>} : vector<128x6400xi32>
      %broadcast_in_dim3A_1086 = vector.shape_cast %and3A_1077 : vector<6400xi32> to vector<1x6400xi32>
      %eq3A_1087 = vector.broadcast %broadcast_in_dim3A_1086 : vector<1x6400xi32> to vector<128x6400xi32>
      %eq3A_1088 = arith.cmpi eq, %iota3A_1085, %eq3A_1087 : vector<128x6400xi32>
      %convert_element_type3A_1089 = arith.extui %eq3A_1088 : vector<128x6400xi1> to vector<128x6400xi32>
      %convert_element_type3A_1090 = arith.sitofp %convert_element_type3A_1089 : vector<128x6400xi32> to vector<128x6400xf32>
      %convert_element_type3A_1091 = arith.truncf %convert_element_type3A_1090 : vector<128x6400xf32> to vector<128x6400xbf16>
      %dot_general3A_1092 = arith.constant dense<0.000000e+00> : vector<128x80xf32>
      %dot_general3A_1093 = tpu.matmul %convert_element_type3A_1091, %convert_element_type3A_1084, %dot_general3A_1092 {dimension_numbers = #tpu.dot_dimension_numbers<[1], [1], [0], [0], [0, 0, 1, 0], [], []>, transpose_lhs_hint = false} : vector<128x6400xbf16>, vector<80x6400xbf16>, vector<128x80xf32> -> vector<128x80xf32>
      %add3A_1094 = arith.addf %add3A_1069, %dot_general3A_1093 : vector<128x80xf32>
      %get3A_1095 = arith.constant 275200 : index
      %get3A_1096 = vector.load %arg5[%get3A_1095] : memref<320000xi32, #tpu.memory_space<vmem>>, vector<6400xi32>
      %shift_right_arithmetic3A_1097 = arith.constant 7 : i32
      %shift_right_arithmetic3A_1098 = vector.broadcast %shift_right_arithmetic3A_1097 : i32 to vector<6400xi32>
      %shift_right_arithmetic3A_1099 = arith.shrsi %get3A_1096, %shift_right_arithmetic3A_1098 : vector<6400xi32>
      %and3A_1100 = arith.constant 127 : i32
      %and3A_1101 = vector.broadcast %and3A_1100 : i32 to vector<6400xi32>
      %and3A_1102 = arith.andi %get3A_1096, %and3A_1101 : vector<6400xi32>
      %iota3A_1103 = tpu.iota {dimensions = array<i32: 0>} : vector<80x6400xi32>
      %broadcast_in_dim3A_1104 = vector.shape_cast %shift_right_arithmetic3A_1099 : vector<6400xi32> to vector<1x6400xi32>
      %eq3A_1105 = vector.broadcast %broadcast_in_dim3A_1104 : vector<1x6400xi32> to vector<80x6400xi32>
      %eq3A_1106 = arith.cmpi eq, %iota3A_1103, %eq3A_1105 : vector<80x6400xi32>
      %convert_element_type3A_1107 = arith.extui %eq3A_1106 : vector<80x6400xi1> to vector<80x6400xi32>
      %convert_element_type3A_1108 = arith.sitofp %convert_element_type3A_1107 : vector<80x6400xi32> to vector<80x6400xf32>
      %convert_element_type3A_1109 = arith.truncf %convert_element_type3A_1108 : vector<80x6400xf32> to vector<80x6400xbf16>
      %iota3A_1110 = tpu.iota {dimensions = array<i32: 0>} : vector<128x6400xi32>
      %broadcast_in_dim3A_1111 = vector.shape_cast %and3A_1102 : vector<6400xi32> to vector<1x6400xi32>
      %eq3A_1112 = vector.broadcast %broadcast_in_dim3A_1111 : vector<1x6400xi32> to vector<128x6400xi32>
      %eq3A_1113 = arith.cmpi eq, %iota3A_1110, %eq3A_1112 : vector<128x6400xi32>
      %convert_element_type3A_1114 = arith.extui %eq3A_1113 : vector<128x6400xi1> to vector<128x6400xi32>
      %convert_element_type3A_1115 = arith.sitofp %convert_element_type3A_1114 : vector<128x6400xi32> to vector<128x6400xf32>
      %convert_element_type3A_1116 = arith.truncf %convert_element_type3A_1115 : vector<128x6400xf32> to vector<128x6400xbf16>
      %dot_general3A_1117 = arith.constant dense<0.000000e+00> : vector<128x80xf32>
      %dot_general3A_1118 = tpu.matmul %convert_element_type3A_1116, %convert_element_type3A_1109, %dot_general3A_1117 {dimension_numbers = #tpu.dot_dimension_numbers<[1], [1], [0], [0], [0, 0, 1, 0], [], []>, transpose_lhs_hint = false} : vector<128x6400xbf16>, vector<80x6400xbf16>, vector<128x80xf32> -> vector<128x80xf32>
      %add3A_1119 = arith.addf %add3A_1094, %dot_general3A_1118 : vector<128x80xf32>
      %get3A_1120 = arith.constant 281600 : index
      %get3A_1121 = vector.load %arg5[%get3A_1120] : memref<320000xi32, #tpu.memory_space<vmem>>, vector<6400xi32>
      %shift_right_arithmetic3A_1122 = arith.constant 7 : i32
      %shift_right_arithmetic3A_1123 = vector.broadcast %shift_right_arithmetic3A_1122 : i32 to vector<6400xi32>
      %shift_right_arithmetic3A_1124 = arith.shrsi %get3A_1121, %shift_right_arithmetic3A_1123 : vector<6400xi32>
      %and3A_1125 = arith.constant 127 : i32
      %and3A_1126 = vector.broadcast %and3A_1125 : i32 to vector<6400xi32>
      %and3A_1127 = arith.andi %get3A_1121, %and3A_1126 : vector<6400xi32>
      %iota3A_1128 = tpu.iota {dimensions = array<i32: 0>} : vector<80x6400xi32>
      %broadcast_in_dim3A_1129 = vector.shape_cast %shift_right_arithmetic3A_1124 : vector<6400xi32> to vector<1x6400xi32>
      %eq3A_1130 = vector.broadcast %broadcast_in_dim3A_1129 : vector<1x6400xi32> to vector<80x6400xi32>
      %eq3A_1131 = arith.cmpi eq, %iota3A_1128, %eq3A_1130 : vector<80x6400xi32>
      %convert_element_type3A_1132 = arith.extui %eq3A_1131 : vector<80x6400xi1> to vector<80x6400xi32>
      %convert_element_type3A_1133 = arith.sitofp %convert_element_type3A_1132 : vector<80x6400xi32> to vector<80x6400xf32>
      %convert_element_type3A_1134 = arith.truncf %convert_element_type3A_1133 : vector<80x6400xf32> to vector<80x6400xbf16>
      %iota3A_1135 = tpu.iota {dimensions = array<i32: 0>} : vector<128x6400xi32>
      %broadcast_in_dim3A_1136 = vector.shape_cast %and3A_1127 : vector<6400xi32> to vector<1x6400xi32>
      %eq3A_1137 = vector.broadcast %broadcast_in_dim3A_1136 : vector<1x6400xi32> to vector<128x6400xi32>
      %eq3A_1138 = arith.cmpi eq, %iota3A_1135, %eq3A_1137 : vector<128x6400xi32>
      %convert_element_type3A_1139 = arith.extui %eq3A_1138 : vector<128x6400xi1> to vector<128x6400xi32>
      %convert_element_type3A_1140 = arith.sitofp %convert_element_type3A_1139 : vector<128x6400xi32> to vector<128x6400xf32>
      %convert_element_type3A_1141 = arith.truncf %convert_element_type3A_1140 : vector<128x6400xf32> to vector<128x6400xbf16>
      %dot_general3A_1142 = arith.constant dense<0.000000e+00> : vector<128x80xf32>
      %dot_general3A_1143 = tpu.matmul %convert_element_type3A_1141, %convert_element_type3A_1134, %dot_general3A_1142 {dimension_numbers = #tpu.dot_dimension_numbers<[1], [1], [0], [0], [0, 0, 1, 0], [], []>, transpose_lhs_hint = false} : vector<128x6400xbf16>, vector<80x6400xbf16>, vector<128x80xf32> -> vector<128x80xf32>
      %add3A_1144 = arith.addf %add3A_1119, %dot_general3A_1143 : vector<128x80xf32>
      %get3A_1145 = arith.constant 288000 : index
      %get3A_1146 = vector.load %arg5[%get3A_1145] : memref<320000xi32, #tpu.memory_space<vmem>>, vector<6400xi32>
      %shift_right_arithmetic3A_1147 = arith.constant 7 : i32
      %shift_right_arithmetic3A_1148 = vector.broadcast %shift_right_arithmetic3A_1147 : i32 to vector<6400xi32>
      %shift_right_arithmetic3A_1149 = arith.shrsi %get3A_1146, %shift_right_arithmetic3A_1148 : vector<6400xi32>
      %and3A_1150 = arith.constant 127 : i32
      %and3A_1151 = vector.broadcast %and3A_1150 : i32 to vector<6400xi32>
      %and3A_1152 = arith.andi %get3A_1146, %and3A_1151 : vector<6400xi32>
      %iota3A_1153 = tpu.iota {dimensions = array<i32: 0>} : vector<80x6400xi32>
      %broadcast_in_dim3A_1154 = vector.shape_cast %shift_right_arithmetic3A_1149 : vector<6400xi32> to vector<1x6400xi32>
      %eq3A_1155 = vector.broadcast %broadcast_in_dim3A_1154 : vector<1x6400xi32> to vector<80x6400xi32>
      %eq3A_1156 = arith.cmpi eq, %iota3A_1153, %eq3A_1155 : vector<80x6400xi32>
      %convert_element_type3A_1157 = arith.extui %eq3A_1156 : vector<80x6400xi1> to vector<80x6400xi32>
      %convert_element_type3A_1158 = arith.sitofp %convert_element_type3A_1157 : vector<80x6400xi32> to vector<80x6400xf32>
      %convert_element_type3A_1159 = arith.truncf %convert_element_type3A_1158 : vector<80x6400xf32> to vector<80x6400xbf16>
      %iota3A_1160 = tpu.iota {dimensions = array<i32: 0>} : vector<128x6400xi32>
      %broadcast_in_dim3A_1161 = vector.shape_cast %and3A_1152 : vector<6400xi32> to vector<1x6400xi32>
      %eq3A_1162 = vector.broadcast %broadcast_in_dim3A_1161 : vector<1x6400xi32> to vector<128x6400xi32>
      %eq3A_1163 = arith.cmpi eq, %iota3A_1160, %eq3A_1162 : vector<128x6400xi32>
      %convert_element_type3A_1164 = arith.extui %eq3A_1163 : vector<128x6400xi1> to vector<128x6400xi32>
      %convert_element_type3A_1165 = arith.sitofp %convert_element_type3A_1164 : vector<128x6400xi32> to vector<128x6400xf32>
      %convert_element_type3A_1166 = arith.truncf %convert_element_type3A_1165 : vector<128x6400xf32> to vector<128x6400xbf16>
      %dot_general3A_1167 = arith.constant dense<0.000000e+00> : vector<128x80xf32>
      %dot_general3A_1168 = tpu.matmul %convert_element_type3A_1166, %convert_element_type3A_1159, %dot_general3A_1167 {dimension_numbers = #tpu.dot_dimension_numbers<[1], [1], [0], [0], [0, 0, 1, 0], [], []>, transpose_lhs_hint = false} : vector<128x6400xbf16>, vector<80x6400xbf16>, vector<128x80xf32> -> vector<128x80xf32>
      %add3A_1169 = arith.addf %add3A_1144, %dot_general3A_1168 : vector<128x80xf32>
      %get3A_1170 = arith.constant 294400 : index
      %get3A_1171 = vector.load %arg5[%get3A_1170] : memref<320000xi32, #tpu.memory_space<vmem>>, vector<6400xi32>
      %shift_right_arithmetic3A_1172 = arith.constant 7 : i32
      %shift_right_arithmetic3A_1173 = vector.broadcast %shift_right_arithmetic3A_1172 : i32 to vector<6400xi32>
      %shift_right_arithmetic3A_1174 = arith.shrsi %get3A_1171, %shift_right_arithmetic3A_1173 : vector<6400xi32>
      %and3A_1175 = arith.constant 127 : i32
      %and3A_1176 = vector.broadcast %and3A_1175 : i32 to vector<6400xi32>
      %and3A_1177 = arith.andi %get3A_1171, %and3A_1176 : vector<6400xi32>
      %iota3A_1178 = tpu.iota {dimensions = array<i32: 0>} : vector<80x6400xi32>
      %broadcast_in_dim3A_1179 = vector.shape_cast %shift_right_arithmetic3A_1174 : vector<6400xi32> to vector<1x6400xi32>
      %eq3A_1180 = vector.broadcast %broadcast_in_dim3A_1179 : vector<1x6400xi32> to vector<80x6400xi32>
      %eq3A_1181 = arith.cmpi eq, %iota3A_1178, %eq3A_1180 : vector<80x6400xi32>
      %convert_element_type3A_1182 = arith.extui %eq3A_1181 : vector<80x6400xi1> to vector<80x6400xi32>
      %convert_element_type3A_1183 = arith.sitofp %convert_element_type3A_1182 : vector<80x6400xi32> to vector<80x6400xf32>
      %convert_element_type3A_1184 = arith.truncf %convert_element_type3A_1183 : vector<80x6400xf32> to vector<80x6400xbf16>
      %iota3A_1185 = tpu.iota {dimensions = array<i32: 0>} : vector<128x6400xi32>
      %broadcast_in_dim3A_1186 = vector.shape_cast %and3A_1177 : vector<6400xi32> to vector<1x6400xi32>
      %eq3A_1187 = vector.broadcast %broadcast_in_dim3A_1186 : vector<1x6400xi32> to vector<128x6400xi32>
      %eq3A_1188 = arith.cmpi eq, %iota3A_1185, %eq3A_1187 : vector<128x6400xi32>
      %convert_element_type3A_1189 = arith.extui %eq3A_1188 : vector<128x6400xi1> to vector<128x6400xi32>
      %convert_element_type3A_1190 = arith.sitofp %convert_element_type3A_1189 : vector<128x6400xi32> to vector<128x6400xf32>
      %convert_element_type3A_1191 = arith.truncf %convert_element_type3A_1190 : vector<128x6400xf32> to vector<128x6400xbf16>
      %dot_general3A_1192 = arith.constant dense<0.000000e+00> : vector<128x80xf32>
      %dot_general3A_1193 = tpu.matmul %convert_element_type3A_1191, %convert_element_type3A_1184, %dot_general3A_1192 {dimension_numbers = #tpu.dot_dimension_numbers<[1], [1], [0], [0], [0, 0, 1, 0], [], []>, transpose_lhs_hint = false} : vector<128x6400xbf16>, vector<80x6400xbf16>, vector<128x80xf32> -> vector<128x80xf32>
      %add3A_1194 = arith.addf %add3A_1169, %dot_general3A_1193 : vector<128x80xf32>
      %get3A_1195 = arith.constant 300800 : index
      %get3A_1196 = vector.load %arg5[%get3A_1195] : memref<320000xi32, #tpu.memory_space<vmem>>, vector<6400xi32>
      %shift_right_arithmetic3A_1197 = arith.constant 7 : i32
      %shift_right_arithmetic3A_1198 = vector.broadcast %shift_right_arithmetic3A_1197 : i32 to vector<6400xi32>
      %shift_right_arithmetic3A_1199 = arith.shrsi %get3A_1196, %shift_right_arithmetic3A_1198 : vector<6400xi32>
      %and3A_1200 = arith.constant 127 : i32
      %and3A_1201 = vector.broadcast %and3A_1200 : i32 to vector<6400xi32>
      %and3A_1202 = arith.andi %get3A_1196, %and3A_1201 : vector<6400xi32>
      %iota3A_1203 = tpu.iota {dimensions = array<i32: 0>} : vector<80x6400xi32>
      %broadcast_in_dim3A_1204 = vector.shape_cast %shift_right_arithmetic3A_1199 : vector<6400xi32> to vector<1x6400xi32>
      %eq3A_1205 = vector.broadcast %broadcast_in_dim3A_1204 : vector<1x6400xi32> to vector<80x6400xi32>
      %eq3A_1206 = arith.cmpi eq, %iota3A_1203, %eq3A_1205 : vector<80x6400xi32>
      %convert_element_type3A_1207 = arith.extui %eq3A_1206 : vector<80x6400xi1> to vector<80x6400xi32>
      %convert_element_type3A_1208 = arith.sitofp %convert_element_type3A_1207 : vector<80x6400xi32> to vector<80x6400xf32>
      %convert_element_type3A_1209 = arith.truncf %convert_element_type3A_1208 : vector<80x6400xf32> to vector<80x6400xbf16>
      %iota3A_1210 = tpu.iota {dimensions = array<i32: 0>} : vector<128x6400xi32>
      %broadcast_in_dim3A_1211 = vector.shape_cast %and3A_1202 : vector<6400xi32> to vector<1x6400xi32>
      %eq3A_1212 = vector.broadcast %broadcast_in_dim3A_1211 : vector<1x6400xi32> to vector<128x6400xi32>
      %eq3A_1213 = arith.cmpi eq, %iota3A_1210, %eq3A_1212 : vector<128x6400xi32>
      %convert_element_type3A_1214 = arith.extui %eq3A_1213 : vector<128x6400xi1> to vector<128x6400xi32>
      %convert_element_type3A_1215 = arith.sitofp %convert_element_type3A_1214 : vector<128x6400xi32> to vector<128x6400xf32>
      %convert_element_type3A_1216 = arith.truncf %convert_element_type3A_1215 : vector<128x6400xf32> to vector<128x6400xbf16>
      %dot_general3A_1217 = arith.constant dense<0.000000e+00> : vector<128x80xf32>
      %dot_general3A_1218 = tpu.matmul %convert_element_type3A_1216, %convert_element_type3A_1209, %dot_general3A_1217 {dimension_numbers = #tpu.dot_dimension_numbers<[1], [1], [0], [0], [0, 0, 1, 0], [], []>, transpose_lhs_hint = false} : vector<128x6400xbf16>, vector<80x6400xbf16>, vector<128x80xf32> -> vector<128x80xf32>
      %add3A_1219 = arith.addf %add3A_1194, %dot_general3A_1218 : vector<128x80xf32>
      %get3A_1220 = arith.constant 307200 : index
      %get3A_1221 = vector.load %arg5[%get3A_1220] : memref<320000xi32, #tpu.memory_space<vmem>>, vector<6400xi32>
      %shift_right_arithmetic3A_1222 = arith.constant 7 : i32
      %shift_right_arithmetic3A_1223 = vector.broadcast %shift_right_arithmetic3A_1222 : i32 to vector<6400xi32>
      %shift_right_arithmetic3A_1224 = arith.shrsi %get3A_1221, %shift_right_arithmetic3A_1223 : vector<6400xi32>
      %and3A_1225 = arith.constant 127 : i32
      %and3A_1226 = vector.broadcast %and3A_1225 : i32 to vector<6400xi32>
      %and3A_1227 = arith.andi %get3A_1221, %and3A_1226 : vector<6400xi32>
      %iota3A_1228 = tpu.iota {dimensions = array<i32: 0>} : vector<80x6400xi32>
      %broadcast_in_dim3A_1229 = vector.shape_cast %shift_right_arithmetic3A_1224 : vector<6400xi32> to vector<1x6400xi32>
      %eq3A_1230 = vector.broadcast %broadcast_in_dim3A_1229 : vector<1x6400xi32> to vector<80x6400xi32>
      %eq3A_1231 = arith.cmpi eq, %iota3A_1228, %eq3A_1230 : vector<80x6400xi32>
      %convert_element_type3A_1232 = arith.extui %eq3A_1231 : vector<80x6400xi1> to vector<80x6400xi32>
      %convert_element_type3A_1233 = arith.sitofp %convert_element_type3A_1232 : vector<80x6400xi32> to vector<80x6400xf32>
      %convert_element_type3A_1234 = arith.truncf %convert_element_type3A_1233 : vector<80x6400xf32> to vector<80x6400xbf16>
      %iota3A_1235 = tpu.iota {dimensions = array<i32: 0>} : vector<128x6400xi32>
      %broadcast_in_dim3A_1236 = vector.shape_cast %and3A_1227 : vector<6400xi32> to vector<1x6400xi32>
      %eq3A_1237 = vector.broadcast %broadcast_in_dim3A_1236 : vector<1x6400xi32> to vector<128x6400xi32>
      %eq3A_1238 = arith.cmpi eq, %iota3A_1235, %eq3A_1237 : vector<128x6400xi32>
      %convert_element_type3A_1239 = arith.extui %eq3A_1238 : vector<128x6400xi1> to vector<128x6400xi32>
      %convert_element_type3A_1240 = arith.sitofp %convert_element_type3A_1239 : vector<128x6400xi32> to vector<128x6400xf32>
      %convert_element_type3A_1241 = arith.truncf %convert_element_type3A_1240 : vector<128x6400xf32> to vector<128x6400xbf16>
      %dot_general3A_1242 = arith.constant dense<0.000000e+00> : vector<128x80xf32>
      %dot_general3A_1243 = tpu.matmul %convert_element_type3A_1241, %convert_element_type3A_1234, %dot_general3A_1242 {dimension_numbers = #tpu.dot_dimension_numbers<[1], [1], [0], [0], [0, 0, 1, 0], [], []>, transpose_lhs_hint = false} : vector<128x6400xbf16>, vector<80x6400xbf16>, vector<128x80xf32> -> vector<128x80xf32>
      %add3A_1244 = arith.addf %add3A_1219, %dot_general3A_1243 : vector<128x80xf32>
      %get3A_1245 = arith.constant 313600 : index
      %get3A_1246 = vector.load %arg5[%get3A_1245] : memref<320000xi32, #tpu.memory_space<vmem>>, vector<6400xi32>
      %shift_right_arithmetic3A_1247 = arith.constant 7 : i32
      %shift_right_arithmetic3A_1248 = vector.broadcast %shift_right_arithmetic3A_1247 : i32 to vector<6400xi32>
      %shift_right_arithmetic3A_1249 = arith.shrsi %get3A_1246, %shift_right_arithmetic3A_1248 : vector<6400xi32>
      %and3A_1250 = arith.constant 127 : i32
      %and3A_1251 = vector.broadcast %and3A_1250 : i32 to vector<6400xi32>
      %and3A_1252 = arith.andi %get3A_1246, %and3A_1251 : vector<6400xi32>
      %iota3A_1253 = tpu.iota {dimensions = array<i32: 0>} : vector<80x6400xi32>
      %broadcast_in_dim3A_1254 = vector.shape_cast %shift_right_arithmetic3A_1249 : vector<6400xi32> to vector<1x6400xi32>
      %eq3A_1255 = vector.broadcast %broadcast_in_dim3A_1254 : vector<1x6400xi32> to vector<80x6400xi32>
      %eq3A_1256 = arith.cmpi eq, %iota3A_1253, %eq3A_1255 : vector<80x6400xi32>
      %convert_element_type3A_1257 = arith.extui %eq3A_1256 : vector<80x6400xi1> to vector<80x6400xi32>
      %convert_element_type3A_1258 = arith.sitofp %convert_element_type3A_1257 : vector<80x6400xi32> to vector<80x6400xf32>
      %convert_element_type3A_1259 = arith.truncf %convert_element_type3A_1258 : vector<80x6400xf32> to vector<80x6400xbf16>
      %iota3A_1260 = tpu.iota {dimensions = array<i32: 0>} : vector<128x6400xi32>
      %broadcast_in_dim3A_1261 = vector.shape_cast %and3A_1252 : vector<6400xi32> to vector<1x6400xi32>
      %eq3A_1262 = vector.broadcast %broadcast_in_dim3A_1261 : vector<1x6400xi32> to vector<128x6400xi32>
      %eq3A_1263 = arith.cmpi eq, %iota3A_1260, %eq3A_1262 : vector<128x6400xi32>
      %convert_element_type3A_1264 = arith.extui %eq3A_1263 : vector<128x6400xi1> to vector<128x6400xi32>
      %convert_element_type3A_1265 = arith.sitofp %convert_element_type3A_1264 : vector<128x6400xi32> to vector<128x6400xf32>
      %convert_element_type3A_1266 = arith.truncf %convert_element_type3A_1265 : vector<128x6400xf32> to vector<128x6400xbf16>
      %dot_general3A_1267 = arith.constant dense<0.000000e+00> : vector<128x80xf32>
      %dot_general3A_1268 = tpu.matmul %convert_element_type3A_1266, %convert_element_type3A_1259, %dot_general3A_1267 {dimension_numbers = #tpu.dot_dimension_numbers<[1], [1], [0], [0], [0, 0, 1, 0], [], []>, transpose_lhs_hint = false} : vector<128x6400xbf16>, vector<80x6400xbf16>, vector<128x80xf32> -> vector<128x80xf32>
      %add3A_1269 = arith.addf %add3A_1244, %dot_general3A_1268 : vector<128x80xf32>
      %swap3A_1270 = arith.constant 0 : index
      %swap3A_1271 = arith.constant 0 : index
      %swap3A_1272 = vector.load %arg8[%swap3A_1270, %swap3A_1271] : memref<128x80xf32, #tpu.memory_space<vmem>>, vector<128x80xf32>
      tpu.vector_store %arg8[%swap3A_1270, %swap3A_1271], %add3A_1269 {strides = array<i32>} : memref<128x80xf32, #tpu.memory_space<vmem>>, vector<128x80xf32>,
    } else {
    }
    return
  }
  func.func @transform_0(%arg0: i32) -> (i32, i32) {
    %c0_i32 = arith.constant 0 : i32
    %c0_i32_0 = arith.constant 0 : i32
    return %arg0, %c0_i32 : i32, i32
  }
  func.func @transform_1(%arg0: i32) -> (i32, i32) {
    %c0_i32 = arith.constant 0 : i32
    %c0_i32_0 = arith.constant 0 : i32
    %c0_i32_1 = arith.constant 0 : i32
    return %c0_i32, %c0_i32_0 : i32, i32
  }
  func.func @transform_2(%arg0: i32) -> (i32, i32) {
    %c0_i32 = arith.constant 0 : i32
    %c0_i32_0 = arith.constant 0 : i32
    %c0_i32_1 = arith.constant 0 : i32
    return %c0_i32, %c0_i32_0 : i32, i32
  }
  func.func @transform_3(%arg0: i32) -> (i32, i32) {
    %c0_i32 = arith.constant 0 : i32
    %c0_i32_0 = arith.constant 0 : i32
    %c0_i32_1 = arith.constant 0 : i32
    return %c0_i32, %c0_i32_0 : i32, i32
  }
  func.func @transform_4(%arg0: i32) -> i32 {
    %c0_i32 = arith.constant 0 : i32
    %c0_i32_0 = arith.constant 0 : i32
    return %c0_i32 : i32
  }
  func.func @transform_5(%arg0: i32) -> (i32, i32) {
    %c0_i32 = arith.constant 0 : i32
    %c0_i32_0 = arith.constant 0 : i32
    return %arg0, %c0_i32 : i32, i32
  }
  func.func @transform_6(%arg0: i32) -> (i32, i32) {
    %c0_i32 = arith.constant 0 : i32
    %c0_i32_0 = arith.constant 0 : i32
    return %arg0, %c0_i32 : i32, i32
  }
  func.func @transform_7(%arg0: i32) -> (i32, i32) {
    %c0_i32 = arith.constant 0 : i32
    %c0_i32_0 = arith.constant 0 : i32
    %c0_i32_1 = arith.constant 0 : i32
    return %c0_i32, %c0_i32_0 : i32, i32
  }
}

</mosaic_0001>

<sc_bundles>
// kernel: kernel.10.cloned.1.call-start
scs
__scs_entry_jumppad:
0x0: {  	(pc) =	sbr.rel $0x88, $3  }
0x1: {  	(tag) =	ssettag $0x0;
	lr =	simm.s32 $0x1  }
0x2: {  	[smem:$0x3F97] =	sst lr;
	_ =	strace $0xD0000000  }
0x3: {  	_ = 	snop  }
0x4: {  	_ = 	snop  }
0x5: {  	_ = 	snop  }
0x6: {  	_ = 	snop  }
0x7: {  	_ = 	snop  }
__scs_overlays_trampoline_lowered:
0x8: {  	[smem:$0x3FA6] =	sst s0  }
0x9: {  	[smem:$0x3FA7] =	sst s1  }
0xa: {  	[smem:$0x3FA8] =	sst s2  }
0xb: {  	[smem:$0x3FA9] =	sst s3  }
0xc: {  	[smem:$0x3FAA] =	sst s4  }
0xd: {  	[smem:$0x3FAB] =	sst s5  }
0xe: {  	[smem:$0x3FAC] =	sst s6  }
0xf: {  	[smem:$0x3FAD] =	sst s7  }
0x10: {  	[smem:$0x3FAE] =	sst s8  }
0x11: {  	[smem:$0x3FAF] =	sst s9;
	s0 =	simm.s32 @!p0 $0x0  }
0x12: {  	s1 =	sld [smem:$0x3F95];
	s0 =	simm.s32 @p0 $0x1  }
0x13: {  	[smem:$0x3FB0] =	sst s0;
	s0 =	simm.s32 @!p1 $0x0  }
0x14: {  	s2 =	sld [smem:$0x3F94];
	s0 =	simm.s32 @p1 $0x1  }
0x15: {  	[smem:$0x3FB1] =	sst s0;
	s0 =	simm.s32 @!p2 $0x0  }
0x16: {  	s3 =	sld [smem:$0x3FDB];
	s0 =	simm.s32 @p2 $0x1  }
0x17: {  	s4 =	simm.s32 $0x1BF5;
	[smem:$0x3FB3] =	sst s0  }
0x18: {  	s0 =	sld [smem:$0x3F96];
	_ =	swait.ge [sflag:s4], $0x0  }
0x19: {  	s7 =	sld [smem:$0x3F97]  }
0x1a: {  	s8 =	sadd.s32 $0xFFFFE003, lr  }
0x1b: {  	s9 =	sadd.s32 $0xFFFFFEF7, lr;
	s5 =	simm.s32 $0xFFFFFFFF;
	p2 =	slt.u32 s8, $0xFFFFF086  }
0x1c: {  	p1 =	slt.u32 s9, $0xF7A;
	s5 =	simm.s32 @!p2 $0x0  }
0x1d: {  	s5 =	simm.s32 @p1 $0x1;
	p0 =	seq.s32 s7, s2  }
0x1e: {  	s7 =	smul.u32 @!p0 $0xF7A, s2;
	p2 =	seq.s32 @!p0 s5, $0x0  }
0x1f: {  	s9 =	smul.u32 $0xF7A, s1;
	s8 =	simm.s32 @!p0 $0x1BF5;
	p2 =	por !p2, p0  }
0x20: {  	[sflag:s8] =	ssyncset.s32 @!p0 $0xFFFFF086;
	s6 =	sadd.s32 @!p0 s3, s7;
	s7 =	simm.s32 @!p0 $0x108  }
0x21: {  	s3 =	sadd.s32 s3, s9;
	s6 =	sadd.s32 @!p0 $0x88, s6;
	s7 =	simm.s32 @p2 $0x1082  }
0x22: {  	[simem:s7], [sflag:s8] =	dma.local @!p0 [hbm:s6], $0xF7A  }
0x23: {  	s9 =	sor.u32 $0xD0000000, s2;
	s6 =	simm.s32 $0x108;
	_ =	swait.ge @!p0 [sflag:s8], $0x0  }
0x24: {  	s3 =	sadd.s32 $0x88, s3;
	s6 =	simm.s32 @!p1 $0x1082;
	[sflag:s4] =	ssyncset.s32 $0xFFFFF086  }
0x25: {  	[simem:s6], [sflag:s4] =	dma.local [hbm:s3], $0xF7A  }
0x26: {  	[smem:$0x3F97] =	sst s1;
	(tag) =	ssettag s2;
	_ =	strace s9  }
0x27: {  	s1 =	sld [smem:$0x3FA7]  }
0x28: {  	s2 =	sld [smem:$0x3FA8]  }
0x29: {  	s4 =	sld [smem:$0x3FAA]  }
0x2a: {  	p0 =	seq.s32 s5, $0x0;
	s5 =	sld [smem:$0x3FAB]  }
0x2b: {  	s6 =	sld [smem:$0x3FAC]  }
0x2c: {  	s7 =	sld [smem:$0x3FAD]  }
0x2d: {  	s3 =	simm.s32 $0x108;
	s8 =	sld [smem:$0x3FAE]  }
0x2e: {  	s3 =	simm.s32 @!p0 $0x1082;
	s9 =	sld [smem:$0x3FAF]  }
0x2f: {  	lr =	sadd.s32 s0, s3;
	s0 =	sld [smem:$0x3FA6]  }
0x30: {  	s3 =	sld [smem:$0x3FA9]  }
0x31: {  	[smem:$0x3FB2] =	sst s10  }
0x32: {  	s10 =	sld [smem:$0x3FB0];
	_ =	sdelay $0x3  }
0x33: {  	p0 =	seq.s32 s10, $0x1;
	s10 =	sld [smem:$0x3FB2];
	_ =	sdelay $0x3  }
0x34: {  	[smem:$0x3FB2] =	sst s10  }
0x35: {  	s10 =	sld [smem:$0x3FB1];
	_ =	sdelay $0x3  }
0x36: {  	p1 =	seq.s32 s10, $0x1;
	s10 =	sld [smem:$0x3FB2];
	_ =	sdelay $0x3  }
0x37: {  	[smem:$0x3FB2] =	sst s10  }
0x38: {  	s10 =	sld [smem:$0x3FB3]  }
0x39: {  	_ = 	snop;
	(pc) =	sbr.ind lr, $3  }
0x3a: {  	_ = 	snop  }
0x3b: {  	_ = 	snop  }
0x3c: {  	p2 =	seq.s32 s10, $0x1;
	s10 =	sld [smem:$0x3FB2]  }
0x3d: {  	_ =	shalt  }
0x3e: {  	_ =	shalt  }
0x3f: {  	_ =	shalt  }
0x40: {  	_ =	shalt  }
0x41: {  	_ =	shalt  }
0x42: {  	_ =	shalt  }
0x43: {  	_ =	shalt  }
0x44: {  	_ =	shalt  }
0x45: {  	_ =	shalt  }
0x46: {  	_ =	shalt  }
0x47: {  	_ =	shalt  }
0x48: {  	_ =	shalt  }
0x49: {  	_ =	shalt  }
0x4a: {  	_ =	shalt  }
0x4b: {  	_ =	shalt  }
0x4c: {  	_ =	shalt  }
0x4d: {  	_ =	shalt  }
0x4e: {  	_ =	shalt  }
0x4f: {  	_ =	shalt  }
0x50: {  	_ =	shalt  }
0x51: {  	_ =	shalt  }
0x52: {  	_ =	shalt  }
0x53: {  	_ =	shalt  }
0x54: {  	_ =	shalt  }
0x55: {  	_ =	shalt  }
0x56: {  	_ =	shalt  }
0x57: {  	_ =	shalt  }
0x58: {  	_ =	shalt  }
0x59: {  	_ =	shalt  }
0x5a: {  	_ =	shalt  }
0x5b: {  	_ =	shalt  }
0x5c: {  	_ =	shalt  }
0x5d: {  	_ =	shalt  }
0x5e: {  	_ =	shalt  }
0x5f: {  	_ =	shalt  }
0x60: {  	_ =	shalt  }
0x61: {  	_ =	shalt  }
0x62: {  	_ =	shalt  }
0x63: {  	_ =	shalt  }
0x64: {  	_ =	shalt  }
0x65: {  	_ =	shalt  }
0x66: {  	_ =	shalt  }
0x67: {  	_ =	shalt  }
0x68: {  	_ =	shalt  }
0x69: {  	_ =	shalt  }
0x6a: {  	_ =	shalt  }
0x6b: {  	_ =	shalt  }
0x6c: {  	_ =	shalt  }
0x6d: {  	_ =	shalt  }
0x6e: {  	_ =	shalt  }
0x6f: {  	_ =	shalt  }
0x70: {  	_ =	shalt  }
0x71: {  	_ =	shalt  }
0x72: {  	_ =	shalt  }
0x73: {  	_ =	shalt  }
0x74: {  	_ =	shalt  }
0x75: {  	_ =	shalt  }
0x76: {  	_ =	shalt  }
0x77: {  	_ =	shalt  }
0x78: {  	_ =	shalt  }
0x79: {  	_ =	shalt  }
0x7a: {  	_ =	shalt  }
0x7b: {  	_ =	shalt  }
0x7c: {  	_ =	shalt  }
0x7d: {  	_ =	shalt  }
0x7e: {  	_ =	shalt  }
0x7f: {  	_ =	shalt  }
0x80: {  	_ =	shalt  }
0x81: {  	_ =	shalt  }
0x82: {  	_ =	shalt  }
0x83: {  	_ =	shalt  }
0x84: {  	_ =	shalt  }
0x85: {  	_ =	shalt  }
0x86: {  	_ =	shalt  }
0x87: {  	_ =	shalt  }
.Lfunc_end0:
.L_simem_size_0:
called_computation.1_lowered:
.L_overlay_start_0:
0x88: {  	s2 =	sld [smem:$0x3FD9]  }
0x89: {  	s3 =	sld [smem:$0x3FFE];
	_ =	sdelay $0x1  }
0x8a: {  	s1 =	srdreg.scid  }
0x8b: {  	s0 =	sand.u32 $0x1, s1  }
0x8c: {  	s17 =	sshll.u32 s0, $0xA;
	s2 =	sadd.s32 s3, s2  }
0x8d: {  	s2 =	sadd.s32 s2, s17  }
0x8e: {  	[smem:$0x3FBE] =	sst s2  }
0x8f: {  	_ = 	snop  }
0x90: {  	s2 =	sld [smem:$0x3FD0];
	(tm) =	ssettm $0x1  }
0x91: {  	s18 =	sld [smem:$0x3FFB];
	_ =	sdelay $0x3  }
0x92: {  	_ =	strace s18  }
0x93: {  	s3 =	sld [smem:$0x3FFC];
	_ =	sdelay $0x3  }
0x94: {  	_ =	strace s3  }
0x95: {  	s3 =	sld [smem:$0x3FFD];
	_ =	sdelay $0x3  }
0x96: {  	_ =	strace s3  }
0x97: {  	_ =	strace $0x8FFFFFFF  }
0x98: {  	s19 =	sld [smem:$0x3FDB];
	_ =	sdelay $0x1  }
0x99: {  	s4 =	simm.s32 $_scs_section_size  }
0x9a: {  	s5 =	simm.s32 $_size__tile_overlayer_lowered;
	s6 =	simm.s32 $_tile_overlayer_lowered  }
0x9b: {  	s22 =	simm.s32 $0x1BFF;
	s21 =	sshll.u32 s6, $0x1;
	s3 =	sadd.s32 s4, s19  }
0x9c: {  	s7 =	simm.s32 $0x0;
	s20 =	sshll.u32 s5, $0x1;
	s5 =	sadd.s32 s21, s3  }
0x9d: {  	[timem:s7], [sflag:s22] =	dma.local [hbm:s5], s20  }
0x9e: {  	_ =	swait.ge [sflag:s22], s20  }
0x9f: {  	s4 =	ssub.s32 $0x0, s20;
	[sflag:s22] =	ssyncset.done $0x0  }
0xa0: {  	[sflag:s22] =	ssyncadd.s32 s4;
	_ =	sdelay $0x1  }
0xa1: {  	s23 =	simm.s32 $0x1B8B  }
0xa2: {  	_ =	swait.ge [sflag:s23], $0x1  }
0xa3: {  	[sflag:s23] =	ssyncset.done $0x0  }
0xa4: {  	s25 =	simm.s32 $0x1B8E;
	s24 =	sld [smem:$0x3FFE];
	[sflag:s23] =	ssyncadd.s32 $0xFFFFFFFF  }
0xa5: {  	s26 =	simm.s32 $execute0_lowered;
	[smem:$0x3FD2] =	sst s25  }
0xa6: {  	s5 =	sshll.u32 s26, $0x1;
	_ =	strace $0x80000049;
	[dreg:$0x1] =	wrdreg $0xFFFFFFFF  }
0xa7: {  	s28 =	simm.s32 $_size_execute0_lowered;
	s3 =	sadd.s32 s3, s5;
	[dreg:$0x0] =	wrdreg $0x0  }
0xa8: {  	s5 =	sshll.u32 s28, $0x1;
	[dreg:$0x2] =	wrdreg s3  }
0xa9: {  	[dreg:$0x3] =	wrdreg s5  }
0xaa: {  	[dreg:$0x4] =	wrdreg $0xC0  }
0xab: {  	_ =	task [dreg:s7], $0x5FFFF  }
0xac: {  	[dreg:$0x1] =	wrdreg $0xFFFFFFFF  }
0xad: {  	[dreg:$0x0] =	wrdreg $0x60  }
0xae: {  	[dreg:$0x2] =	wrdreg s24  }
0xaf: {  	[dreg:$0x3] =	wrdreg s2  }
0xb0: {  	[dreg:$0x4] =	wrdreg $0x8B000  }
0xb1: {  	[dreg:$0x5] =	wrdreg $0x9  }
0xb2: {  	_ =	task.clear_ibuf [dreg:s7], $0x6FFFF;
	_ =	strace $0x90000049  }
0xb3: {  	s29 =	simm.s32 $0x9;
	_ =	strace $0x8000004B  }
0xb4: {  	_ =	swait.ge [sflag:s29], $0x1  }
0xb5: {  	[sflag:s29] =	ssyncadd.s32 $0xFFFFFFFF  }
0xb6: {  	_ =	strace $0x9000004B  }
0xb7: {  	_ =	sfence  }
0xb8: {  	s30 =	sld [smem:$0x0];
	_ =	sdelay $0x2  }
0xb9: {  	s31 =	sshll.u32 s1, $0xD;
	s1 =	sshrl.u32 s1, $0x2  }
0xba: {  	s3 =	sand.u32 $0x4000, s31;
	s1 =	sadd.s32 s1, s30  }
0xbb: {  	s0 =	sor.u32 s3, s0;
	s1 =	sshll.u32 s1, $0x11  }
0xbc: {  	s0 =	sor.u32 s1, s0  }
0xbd: {  	s0 =	sadd.s32 $0x8F2B, s0  }
0xbe: {  	[sflag:s0] =	ssyncadd.remote.s32 $0x1  }
0xbf: {  	_ =	sfence.sel $0xFFFF  }
0xc0: {  	[dreg:$0x0] =	wrdreg $0xFFFFFFFF;
	(pc) =	sbr.abs _section_cstart, $3  }
0xc1: {  	[dreg:$0x1] =	wrdreg $0xFFFFFFFF  }
0xc2: {  	_ =	task.clear_ibuf [dreg:s7], $0x2FFFF;
	_ =	strace $0x9FFFFFFF  }
0xc3: {  	(tm) =	ssettm $0x7FFFFFFF  }
tec
execute0_lowered:
.L_overlay_start_1:
0x0: {  	(tag) =	ssettag $0x1  }
0x1: {  	s0 =	rddreg [dreg:$0x0]  }
0x2: {  	s2 =	rddreg [dreg:$0x1]  }
0x3: {  	s3 =	rddreg [dreg:$0x2]  }
0x4: {  	s1 =	srdreg.scid;
	s14 =	stileid.u32  }
0x5: {  	s4 =	simm.s32 $0x0;
	s28 =	simm.s32 $0x200;
	s29 =	simm.s32 $0x6  }
0x6: {  	s30 =	simm.s32 $0x100;
	s31 =	simm.s32 $0x1;
	s6 =	smul.u32 $0x280, s14  }
0x7: {  	s1 =	sand.u32 $0x1, s1;
	[smem:$0x7FF] =	sst s4;
	s9 =	smul.u32 $0x50000, s14  }
0x8: {  	s5 =	sadd.s32 $0xBC00, s0;
	s7 =	smul.u32 $0x2800, s1;
	_ =	strace $0x8000004A  }
0x9: {  	s8 =	sshll.u32 s1, $0x4;
	s10 =	ssub.s32 $0x2, s1;
	s1 =	smul.u32 $0x27100, s1  }
0xa: {  	s8 =	sor.u32 s14, s8;
	s9 =	sshrl.u32 s9, $0x2;
	s16 =	sshrl.u32 s10, $0x1  }
0xb: {  	s14 =	smul.u32 $0x2710, s14;
	s7 =	sadd.s32 s6, s7;
	s6 =	sadd.s32 $0x1E00, s0  }
0xc: {  	s11 =	smul.u32 $0x2710, s8;
	s12 =	ssub.s32 s10, s16;
	s16 =	simm.s32 $0x4  }
0xd: {  	s7 =	sshll.u32 s7, $0x4;
	s1 =	sadd.s32 s14, s1;
	s25 =	smax.u32 s12, $0x1  }
0xe: {  	s12 =	simm.s32 $0x4200;
	s14 =	simm.s32 $0x3;
	s0 =	sadd.s32 s7, s0  }
0xf: {  	s7 =	sadd.s32 s9, s3;
	s11 =	sshrl.u32 s11, $0x3;
	s24 =	sadd.s32 $0x180, s1  }
0x10: {  	[dreg:$0xf] =	wrdreg s25;
	s25 =	sadd.s32 $0x100, s1;
	s13 =	sadd.s32 s2, s11  }
0x11: {  	s1 =	simm.s32 $0x180;
	s17 =	sadd.s32 s6, s11;
	[dreg:$0x4] =	wrdreg s13  }
0x12: {  	s8 =	sadd.s32 $0x4000, s7;
	s20 =	sadd.s32 $0x32E00, s0;
	[dreg:$0x5] =	wrdreg s17  }
0x13: {  	s9 =	sadd.s32 $0x8000, s7;
	s21 =	sadd.s32 $0x33600, s0;
	[dreg:$0xa] =	wrdreg s20  }
0x14: {  	s10 =	sadd.s32 $0xC000, s7;
	s22 =	sadd.s32 $0x33E00, s0;
	[dreg:$0xb] =	wrdreg s21  }
0x15: {  	s18 =	sadd.s32 $0x10, s11;
	s23 =	sadd.s32 $0x34600, s0;
	[dreg:$0xc] =	wrdreg s22  }
0x16: {  	s11 =	sadd.s32 $0x4E0, s11;
	s0 =	sadd.s32 $0x34E00, s0;
	[dreg:$0xd] =	wrdreg s23  }
0x17: {  	s26 =	sshrl.u32 s24, $0x3;
	s15 =	sadd.s32 s2, s18;
	[dreg:$0xe] =	wrdreg s0  }
0x18: {  	s13 =	sadd.s32 s6, s18;
	s19 =	sadd.s32 s2, s11;
	[dreg:$0x6] =	wrdreg s15  }
0x19: {  	s11 =	sadd.s32 s6, s11;
	s23 =	sadd.s32 s26, s6;
	[dreg:$0x7] =	wrdreg s13  }
0x1a: {  	s24 =	sadd.s32 s26, s2;
	s26 =	sadd.s32 $0x10000, s7;
	[dreg:$0x8] =	wrdreg s19  }
0x1b: {  	s0 =	simm.s32 $0x80;
	s21 =	simm.s32 $0x0;
	[dreg:$0x9] =	wrdreg s11  }
0x1c: {  	v0 =	vimm.f32 $0.0e+00;
	s11 =	simm.s32 $0x2;
	s13 =	simm.s32 $0x5;
	s15 =	simm.s32 $0x7  }
.LBB2_1:
0x1d: {  	s17 =	simm.s32 $0x0;
	s18 =	simm.s32 $0x200  }
.LBB2_2:
0x1e: {  	p0 =	sne.s32 s18, $0xFE00;
	[tilespmem:s17+$0x270] =	vst v0  }
0x1f: {  	[tilespmem:s17+$0x200] =	vst v0  }
0x20: {  	[tilespmem:s17+$0x210] =	vst v0  }
.Ltmp0:
0x21: {  	[tilespmem:s17+$0x220] =	vst v0;
	(pc) =	sbr.rel @p0 .LBB2_2-.Ltmp0, $4  }
0x22: {  	[tilespmem:s17+$0x230] =	vst v0  }
0x23: {  	[tilespmem:s17+$0x240] =	vst v0  }
0x24: {  	[tilespmem:s17+$0x250] =	vst v0  }
0x25: {  	[tilespmem:s17+$0x260] =	vst v0;
	s17 =	sshra.s32 s18, $0x2;
	s18 =	sadd.s32 $0x200, s18  }
0x26: {  	[tilespmem:s17+$0x270] =	vst v0  }
0x27: {  	[tilespmem:s17+$0x200] =	vst v0  }
0x28: {  	[tilespmem:s17+$0x210] =	vst v0  }
0x29: {  	[tilespmem:s17+$0x220] =	vst v0  }
0x2a: {  	[tilespmem:s17+$0x230] =	vst v0  }
0x2b: {  	[tilespmem:s17+$0x240] =	vst v0  }
0x2c: {  	[tilespmem:s17+$0x250] =	vst v0  }
0x2d: {  	[tilespmem:s17+$0x260] =	vst v0  }
0x2e: {  	[spmem:s7] =	stream.linear.scatter [tilespmem:s28], [sflag:$0x6], $0x4000, $0x38;
	[tilespmem:$0x1CB00] =	vst v63  }
0x2f: {  	_ = 	snop  }
0x30: {  	[spmem:s8] =	stream.linear.scatter [tilespmem:s28], [sflag:$0x6], $0x4000, $0x38;
	[tilespmem:$0x1CB00] =	vst v63  }
0x31: {  	_ = 	snop  }
0x32: {  	[spmem:s9] =	stream.linear.scatter [tilespmem:s28], [sflag:$0x6], $0x4000, $0x38;
	[tilespmem:$0x1CB00] =	vst v63  }
0x33: {  	_ = 	snop  }
0x34: {  	[spmem:s10] =	stream.linear.scatter [tilespmem:s28], [sflag:$0x6], $0x4000, $0x38;
	[tilespmem:$0x1CB00] =	vst v63  }
0x35: {  	_ = 	snop  }
0x36: {  	[spmem:s26] =	stream.linear.scatter [tilespmem:s28], [sflag:$0x6], $0x4000, $0x38;
	[tilespmem:$0x1CB00] =	vst v63  }
0x37: {  	_ =	swait.ge [sflag:s29], $0x4000  }
0x38: {  	[sflag:s29] =	ssyncset.done $0x0  }
0x39: {  	[sflag:s29] =	ssyncadd.s32 $0xFFFFC000  }
0x3a: {  	_ =	swait.ge [sflag:s29], $0x4000  }
0x3b: {  	[sflag:s29] =	ssyncset.done $0x0  }
0x3c: {  	[sflag:s29] =	ssyncadd.s32 $0xFFFFC000  }
0x3d: {  	_ =	swait.ge [sflag:s29], $0x4000  }
0x3e: {  	[sflag:s29] =	ssyncset.done $0x0  }
0x3f: {  	[sflag:s29] =	ssyncadd.s32 $0xFFFFC000  }
0x40: {  	_ =	swait.ge [sflag:s29], $0x4000  }
0x41: {  	[sflag:s29] =	ssyncset.done $0x0  }
0x42: {  	[sflag:s29] =	ssyncadd.s32 $0xFFFFC000  }
0x43: {  	_ =	swait.ge [sflag:s29], $0x4000  }
0x44: {  	[sflag:s29] =	ssyncset.done $0x0  }
0x45: {  	[sflag:s29] =	ssyncadd.s32 $0xFFFFC000  }
0x46: {  	[bflag:$0x0] =	sbarrier.arrive $0xFFFF  }
0x47: {  	s17 =	simm.s32 $0x0;
	s18 =	rddreg [dreg:$0x4]  }
0x48: {  	[tilespmem:s17], [sflag:$0x1] =	stream.linear.gather [hbm4b:s18+s17], $0x80, $0x38;
	[tilespmem:$0x1CB00] =	vst v63  }
0x49: {  	s19 =	rddreg [dreg:$0x5]  }
0x4a: {  	[tilespmem:s30], [sflag:$0x3] =	stream.linear.gather [hbm4b:s19+s17], $0x80, $0x38;
	[tilespmem:$0x1CB00] =	vst v63  }
0x4b: {  	_ =	swait.ge [sflag:s31], $0x80  }
0x4c: {  	[sflag:s31] =	ssyncset.done $0x0  }
0x4d: {  	[sflag:s31] =	ssyncadd.s32 $0xFFFFFF80  }
0x4e: {  	[tilespmem:s28], [sflag:$0x5] =	stream.indirect.gather [hbm4b:s5+s0], $0x80, s17, s0, $0xb8;
	[tilespmem:$0x1CB00] =	vst v63  }
0x4f: {  	s20 =	rddreg [dreg:$0x6]  }
0x50: {  	[tilespmem:s0], [sflag:$0x2] =	stream.linear.gather [hbm4b:s20+s17], $0x80, $0x38;
	[tilespmem:$0x1CB00] =	vst v63  }
0x51: {  	s22 =	rddreg [dreg:$0x7]  }
0x52: {  	[tilespmem:s1], [sflag:$0x4] =	stream.linear.gather [hbm4b:s22+s17], $0x80, $0x38;
	[tilespmem:$0x1CB00] =	vst v63  }
0x53: {  	_ =	swait.ge [sflag:s11], $0x80  }
0x54: {  	[sflag:s11] =	ssyncset.done $0x0  }
0x55: {  	[sflag:s11] =	ssyncadd.s32 $0xFFFFFF80  }
0x56: {  	[tilespmem:s12], [sflag:$0x6] =	stream.indirect.gather [hbm4b:s5+s0], $0x80, s0, s0, $0xb8;
	[tilespmem:$0x1CB00] =	vst v63  }
0x57: {  	_ =	swait.ge [sflag:s13], $0x4000  }
0x58: {  	[sflag:s13] =	ssyncset.done $0x0  }
0x59: {  	[sflag:s13] =	ssyncadd.s32 $0xFFFFC000  }
0x5a: {  	_ =	swait.ge [sflag:s14], $0x80  }
0x5b: {  	[sflag:s14] =	ssyncset.done $0x0  }
0x5c: {  	[sflag:s14] =	ssyncadd.s32 $0xFFFFFF80  }
0x5d: {  	[spmem:s3] =	stream.indirect.scatter.add.f32 [tilespmem:s28], [sflag:$0x7], $0x80, s30, s0, $0xb8;
	[tilespmem:$0x1CB00] =	vst v63  }
0x5e: {  	_ =	swait.ge [sflag:s15], $0x4000  }
0x5f: {  	s19 =	sshrl.u32 s25, $0x3;
	[sflag:s15] =	ssyncset.done $0x0  }
0x60: {  	s20 =	sadd.s32 s2, s19;
	[sflag:s15] =	ssyncadd.s32 $0xFFFFC000  }
0x61: {  	[tilespmem:s4], [sflag:$0x1] =	stream.linear.gather [hbm4b:s20+s4], $0x80, $0x38;
	[tilespmem:$0x1CB00] =	vst v63  }
0x62: {  	s17 =	sadd.s32 s6, s19  }
0x63: {  	[tilespmem:s30], [sflag:$0x3] =	stream.linear.gather [hbm4b:s17+s4], $0x80, $0x38;
	[tilespmem:$0x1CB00] =	vst v63  }
0x64: {  	_ =	swait.ge [sflag:s31], $0x80  }
0x65: {  	[sflag:s31] =	ssyncset.done $0x0  }
0x66: {  	[sflag:s31] =	ssyncadd.s32 $0xFFFFFF80  }
0x67: {  	[tilespmem:s28], [sflag:$0x5] =	stream.indirect.gather [hbm4b:s5+s0], $0x80, s4, s0, $0xb8;
	[tilespmem:$0x1CB00] =	vst v63  }
0x68: {  	_ =	swait.ge [sflag:s29], $0x4000  }
0x69: {  	[sflag:s29] =	ssyncset.done $0x0  }
0x6a: {  	[sflag:s29] =	ssyncadd.s32 $0xFFFFC000  }
0x6b: {  	_ =	swait.ge [sflag:s16], $0x80  }
0x6c: {  	[sflag:s16] =	ssyncset.done $0x0  }
0x6d: {  	[sflag:s16] =	ssyncadd.s32 $0xFFFFFF80  }
0x6e: {  	[spmem:s3] =	stream.indirect.scatter.add.f32 [tilespmem:s12], [sflag:$0x7], $0x80, s1, s0, $0xb8;
	[tilespmem:$0x1CB00] =	vst v63  }
0x6f: {  	_ =	swait.ge [sflag:s15], $0x4000  }
0x70: {  	[sflag:s15] =	ssyncset.done $0x0  }
0x71: {  	s22 =	sadd.s32 $0x0, s24;
	[sflag:s15] =	ssyncadd.s32 $0xFFFFC000  }
0x72: {  	[tilespmem:s0], [sflag:$0x2] =	stream.linear.gather [hbm4b:s22+s4], $0x80, $0x38;
	[tilespmem:$0x1CB00] =	vst v63  }
0x73: {  	s18 =	sadd.s32 $0x0, s23;
	s17 =	sadd.s32 $0x100, s25;
	s22 =	simm.s32 $0x20  }
.LBB2_4:
0x74: {  	[tilespmem:s1], [sflag:$0x4] =	stream.linear.gather [hbm4b:s18+s4], $0x80, $0x38;
	[tilespmem:$0x1CB00] =	vst v63  }
0x75: {  	s18 =	smov.u32 s22  }
0x76: {  	p0 =	sne.s32 s22, $0x4A0;
	s22 =	sadd.s32 $0x20, s22;
	_ =	swait.ge [sflag:s11], $0x80  }
0x77: {  	[sflag:s11] =	ssyncset.done $0x0  }
0x78: {  	[sflag:s11] =	ssyncadd.s32 $0xFFFFFF80  }
0x79: {  	[tilespmem:s12], [sflag:$0x6] =	stream.indirect.gather [hbm4b:s5+s0], $0x80, s0, s0, $0xb8;
	[tilespmem:$0x1CB00] =	vst v63  }
0x7a: {  	_ =	swait.ge [sflag:s13], $0x4000  }
0x7b: {  	[sflag:s13] =	ssyncset.done $0x0  }
0x7c: {  	[sflag:s13] =	ssyncadd.s32 $0xFFFFC000  }
0x7d: {  	_ =	swait.ge [sflag:s14], $0x80  }
0x7e: {  	[sflag:s14] =	ssyncset.done $0x0  }
0x7f: {  	[sflag:s14] =	ssyncadd.s32 $0xFFFFFF80  }
0x80: {  	[spmem:s3] =	stream.indirect.scatter.add.f32 [tilespmem:s28], [sflag:$0x7], $0x80, s30, s0, $0xb8;
	[tilespmem:$0x1CB00] =	vst v63  }
0x81: {  	_ =	swait.ge [sflag:s15], $0x4000  }
0x82: {  	s19 =	sshrl.u32 s17, $0x3;
	[sflag:s15] =	ssyncset.done $0x0  }
0x83: {  	s20 =	sadd.s32 s2, s19;
	[sflag:s15] =	ssyncadd.s32 $0xFFFFC000  }
0x84: {  	[tilespmem:s4], [sflag:$0x1] =	stream.linear.gather [hbm4b:s20+s4], $0x80, $0x38;
	[tilespmem:$0x1CB00] =	vst v63  }
0x85: {  	s19 =	sadd.s32 s6, s19  }
0x86: {  	[tilespmem:s30], [sflag:$0x3] =	stream.linear.gather [hbm4b:s19+s4], $0x80, $0x38;
	[tilespmem:$0x1CB00] =	vst v63  }
0x87: {  	_ =	swait.ge [sflag:s31], $0x80  }
0x88: {  	[sflag:s31] =	ssyncset.done $0x0  }
0x89: {  	[sflag:s31] =	ssyncadd.s32 $0xFFFFFF80  }
0x8a: {  	[tilespmem:s28], [sflag:$0x5] =	stream.indirect.gather [hbm4b:s5+s0], $0x80, s4, s0, $0xb8;
	[tilespmem:$0x1CB00] =	vst v63  }
0x8b: {  	_ =	swait.ge [sflag:s29], $0x4000  }
0x8c: {  	[sflag:s29] =	ssyncset.done $0x0  }
0x8d: {  	[sflag:s29] =	ssyncadd.s32 $0xFFFFC000  }
0x8e: {  	_ =	swait.ge [sflag:s16], $0x80  }
0x8f: {  	[sflag:s16] =	ssyncset.done $0x0  }
0x90: {  	[sflag:s16] =	ssyncadd.s32 $0xFFFFFF80  }
0x91: {  	[spmem:s3] =	stream.indirect.scatter.add.f32 [tilespmem:s12], [sflag:$0x7], $0x80, s1, s0, $0xb8;
	[tilespmem:$0x1CB00] =	vst v63  }
.Ltmp1:
0x92: {  	_ =	swait.ge [sflag:s15], $0x4000;
	(pc) =	sbr.rel @p0 .LBB2_4-.Ltmp1, $4  }
0x93: {  	[sflag:s15] =	ssyncset.done $0x0  }
0x94: {  	s19 =	sadd.s32 s18, s24;
	[sflag:s15] =	ssyncadd.s32 $0xFFFFC000  }
0x95: {  	[tilespmem:s0], [sflag:$0x2] =	stream.linear.gather [hbm4b:s19+s4], $0x80, $0x38;
	[tilespmem:$0x1CB00] =	vst v63  }
0x96: {  	s17 =	sadd.s32 $0x100, s17;
	s18 =	sadd.s32 s18, s23  }
0x97: {  	[tilespmem:s1], [sflag:$0x4] =	stream.linear.gather [hbm4b:s18+s4], $0x80, $0x38;
	[tilespmem:$0x1CB00] =	vst v63  }
0x98: {  	_ =	swait.ge [sflag:s11], $0x80  }
0x99: {  	[sflag:s11] =	ssyncset.done $0x0  }
0x9a: {  	[sflag:s11] =	ssyncadd.s32 $0xFFFFFF80  }
0x9b: {  	[tilespmem:s12], [sflag:$0x6] =	stream.indirect.gather [hbm4b:s5+s0], $0x80, s0, s0, $0xb8;
	[tilespmem:$0x1CB00] =	vst v63  }
0x9c: {  	_ =	swait.ge [sflag:s13], $0x4000  }
0x9d: {  	[sflag:s13] =	ssyncset.done $0x0  }
0x9e: {  	[sflag:s13] =	ssyncadd.s32 $0xFFFFC000  }
0x9f: {  	_ =	swait.ge [sflag:s14], $0x80  }
0xa0: {  	[sflag:s14] =	ssyncset.done $0x0  }
0xa1: {  	[sflag:s14] =	ssyncadd.s32 $0xFFFFFF80  }
0xa2: {  	[spmem:s3] =	stream.indirect.scatter.add.f32 [tilespmem:s28], [sflag:$0x7], $0x80, s30, s0, $0xb8;
	[tilespmem:$0x1CB00] =	vst v63  }
0xa3: {  	_ =	swait.ge [sflag:s15], $0x4000  }
0xa4: {  	[sflag:s15] =	ssyncset.done $0x0  }
0xa5: {  	[sflag:s15] =	ssyncadd.s32 $0xFFFFC000  }
0xa6: {  	_ =	swait.ge [sflag:s29], $0x4000  }
0xa7: {  	[sflag:s29] =	ssyncset.done $0x0  }
0xa8: {  	[sflag:s29] =	ssyncadd.s32 $0xFFFFC000  }
0xa9: {  	_ =	swait.ge [sflag:s16], $0x80  }
0xaa: {  	[sflag:s16] =	ssyncset.done $0x0  }
0xab: {  	[sflag:s16] =	ssyncadd.s32 $0xFFFFFF80  }
0xac: {  	[spmem:s3] =	stream.indirect.scatter.add.f32 [tilespmem:s12], [sflag:$0x7], $0x80, s1, s0, $0xb8;
	[tilespmem:$0x1CB00] =	vst v63  }
0xad: {  	_ =	swait.ge [sflag:s15], $0x4000  }
0xae: {  	[sflag:s15] =	ssyncset.done $0x0  }
0xaf: {  	s18 =	simm.s32 $0x8200;
	s17 =	rddreg [dreg:$0x8];
	[sflag:s15] =	ssyncadd.s32 $0xFFFFC000  }
0xb0: {  	[tilespmem:s18], [sflag:$0x7] =	stream.linear.gather [hbm4b:s17+s4], $0x10, $0x38;
	[tilespmem:$0x1CB00] =	vst v63  }
0xb1: {  	_ =	swait.ge [sflag:s15], $0x10  }
0xb2: {  	[sflag:s15] =	ssyncset.done $0x0  }
0xb3: {  	s19 =	simm.s32 $0x8280;
	s20 =	rddreg [dreg:$0x9];
	[sflag:s15] =	ssyncadd.s32 $0xFFFFFFF0  }
0xb4: {  	[tilespmem:s19], [sflag:$0x7] =	stream.linear.gather [hbm4b:s20+s4], $0x10, $0x38;
	[tilespmem:$0x1CB00] =	vst v63  }
0xb5: {  	_ =	swait.ge [sflag:s15], $0x10  }
0xb6: {  	[sflag:s15] =	ssyncset.done $0x0  }
0xb7: {  	s22 =	simm.s32 $0x10;
	s20 =	simm.s32 $0x8300;
	[sflag:s15] =	ssyncadd.s32 $0xFFFFFFF0  }
0xb8: {  	[tilespmem:s20], [sflag:$0x7] =	stream.indirect.gather [hbm4b:s5+s22], $0x80, s18, s22, $0xb8;
	[tilespmem:$0x1CB00] =	vst v63  }
0xb9: {  	_ =	swait.ge [sflag:s15], $0x800  }
0xba: {  	[sflag:s15] =	ssyncset.done $0x0  }
0xbb: {  	[sflag:s15] =	ssyncadd.s32 $0xFFFFF800  }
0xbc: {  	[spmem:s3] =	stream.indirect.scatter.add.f32 [tilespmem:s20], [sflag:$0x7], $0x80, s19, s22, $0xb8;
	[tilespmem:$0x1CB00] =	vst v63  }
0xbd: {  	_ =	swait.ge [sflag:s15], $0x800  }
0xbe: {  	[sflag:s15] =	ssyncset.done $0x0  }
0xbf: {  	[sflag:s15] =	ssyncadd.s32 $0xFFFFF800  }
0xc0: {  	[bflag:$0x0] =	sbarrier.arrive $0xFFFF  }
0xc1: {  	[tilespmem:s28], [sflag:$0x5] =	stream.linear.gather [spmem:s7], $0x4000, $0x38;
	[tilespmem:$0x1CB00] =	vst v63  }
0xc2: {  	_ = 	snop  }
0xc3: {  	[tilespmem:s12], [sflag:$0x6] =	stream.linear.gather [spmem:s8], $0x4000, $0x38;
	[tilespmem:$0x1CB00] =	vst v63  }
0xc4: {  	_ =	swait.ge [sflag:s13], $0x4000  }
0xc5: {  	[sflag:s13] =	ssyncset.done $0x0  }
0xc6: {  	s20 =	rddreg [dreg:$0xa];
	[sflag:s13] =	ssyncadd.s32 $0xFFFFC000  }
0xc7: {  	[hbm4b:s20+s4] =	stream.linear.scatter [tilespmem:s28], [sflag:$0x7], $0x4000, $0x38;
	[tilespmem:$0x1CB00] =	vst v63  }
0xc8: {  	_ =	swait.ge [sflag:s15], $0x4000  }
0xc9: {  	[sflag:s15] =	ssyncset.done $0x0  }
0xca: {  	[sflag:s15] =	ssyncadd.s32 $0xFFFFC000  }
0xcb: {  	[tilespmem:s28], [sflag:$0x5] =	stream.linear.gather [spmem:s9], $0x4000, $0x38;
	[tilespmem:$0x1CB00] =	vst v63  }
0xcc: {  	_ =	swait.ge [sflag:s29], $0x4000  }
0xcd: {  	[sflag:s29] =	ssyncset.done $0x0  }
0xce: {  	s22 =	rddreg [dreg:$0xb];
	[sflag:s29] =	ssyncadd.s32 $0xFFFFC000  }
0xcf: {  	[hbm4b:s22+s4] =	stream.linear.scatter [tilespmem:s12], [sflag:$0x7], $0x4000, $0x38;
	[tilespmem:$0x1CB00] =	vst v63  }
0xd0: {  	_ =	swait.ge [sflag:s15], $0x4000  }
0xd1: {  	[sflag:s15] =	ssyncset.done $0x0  }
0xd2: {  	[sflag:s15] =	ssyncadd.s32 $0xFFFFC000  }
0xd3: {  	[tilespmem:s12], [sflag:$0x6] =	stream.linear.gather [spmem:s10], $0x4000, $0x38;
	[tilespmem:$0x1CB00] =	vst v63  }
0xd4: {  	_ =	swait.ge [sflag:s13], $0x4000  }
0xd5: {  	[sflag:s13] =	ssyncset.done $0x0  }
0xd6: {  	s18 =	rddreg [dreg:$0xc];
	[sflag:s13] =	ssyncadd.s32 $0xFFFFC000  }
0xd7: {  	[hbm4b:s18+s4] =	stream.linear.scatter [tilespmem:s28], [sflag:$0x7], $0x4000, $0x38;
	[tilespmem:$0x1CB00] =	vst v63  }
0xd8: {  	_ =	swait.ge [sflag:s15], $0x4000  }
0xd9: {  	[sflag:s15] =	ssyncset.done $0x0  }
0xda: {  	[sflag:s15] =	ssyncadd.s32 $0xFFFFC000  }
0xdb: {  	[tilespmem:s28], [sflag:$0x5] =	stream.linear.gather [spmem:s26], $0x4000, $0x38;
	[tilespmem:$0x1CB00] =	vst v63  }
0xdc: {  	_ =	swait.ge [sflag:s29], $0x4000  }
0xdd: {  	[sflag:s29] =	ssyncset.done $0x0  }
0xde: {  	s19 =	rddreg [dreg:$0xd];
	[sflag:s29] =	ssyncadd.s32 $0xFFFFC000  }
0xdf: {  	[hbm4b:s19+s4] =	stream.linear.scatter [tilespmem:s12], [sflag:$0x7], $0x4000, $0x38;
	[tilespmem:$0x1CB00] =	vst v63  }
0xe0: {  	_ =	swait.ge [sflag:s15], $0x4000  }
0xe1: {  	[sflag:s15] =	ssyncset.done $0x0  }
0xe2: {  	[sflag:s15] =	ssyncadd.s32 $0xFFFFC000  }
0xe3: {  	_ =	swait.ge [sflag:s13], $0x4000  }
0xe4: {  	[sflag:s13] =	ssyncset.done $0x0  }
0xe5: {  	s20 =	rddreg [dreg:$0xe];
	[sflag:s13] =	ssyncadd.s32 $0xFFFFC000  }
0xe6: {  	[hbm4b:s20+s4] =	stream.linear.scatter [tilespmem:s28], [sflag:$0x7], $0x4000, $0x38;
	[tilespmem:$0x1CB00] =	vst v63  }
0xe7: {  	_ =	swait.ge [sflag:s15], $0x4000  }
0xe8: {  	s21 =	sadd.s32 $0x1, s21;
	s22 =	rddreg [dreg:$0xf]  }
0xe9: {  	p0 =	sne.s32 s21, s22  }
.Ltmp2:
0xea: {  	_ = 	snop;
	(pc) =	sbr.rel @p0 .LBB2_1-.Ltmp2, $3  }
0xeb: {  	_ =	sdelay $0x1  }
0xec: {  	[sflag:s15] =	ssyncset.done $0x0  }
0xed: {  	[sflag:s15] =	ssyncadd.s32 $0xFFFFC000  }
0xee: {  	_ =	sfence.sel $0x180000  }
0xef: {  	[bflag:$0x0] =	sbarrier.arrive $0xFFFF  }
0xf0: {  	_ =	strace $0x9000004A  }
0xf1: {  	s0 =	stileid.u32;
	[bflag:$0x2] =	sbarrier.arrive $0xFFFF  }
0xf2: {  	p0 =	sne.s32 s0, $0x0;
	s0 =	rddreg [dreg:$0x3]  }
0xf3: {  	s0 =	sadd.s32 @!p0 $0x100000, s0  }
0xf4: {  	[sflag:s0] =	ssyncadd.tile.s32 @!p0 $0x1;
	_ =	shalt  }
.Lfunc_end2:
_tile_overlayer_lowered:
.L_overlay_start_2:
0xf5: {  	(tag) =	ssettag $0x2  }
0xf6: {  	s0 =	rddreg [dreg:$0x0];
	s2 =	stileid.u32  }
0xf7: {  	s1 =	rddreg [dreg:$0x1];
	p0 =	sne.s32 s2, $0x0  }
0xf8: {  	s3 =	rddreg [dreg:$0x2];
	[bflag:$0x3] =	sbarrier.arrive $0xFFFF;
	s2 =	simm.s32 @!p0 $0x1C07  }
0xf9: {  	[timem:s3], [sflag:s2] =	dma.local @!p0 [hbm:s0], s1  }
0xfa: {  	s0 =	simm.s32 @!p0 $0x7  }
0xfb: {  	_ =	swait.ge @!p0 [sflag:s0], s1  }
0xfc: {  	s1 =	ssub.s32 @!p0 $0x0, s1;
	[sflag:s0] =	ssyncset.done @!p0 $0x0  }
0xfd: {  	[sflag:s0] =	ssyncadd.s32 @!p0 s1  }
0xfe: {  	[bflag:$0x3] =	sbarrier.arrive $0xFFFF  }
0xff: {  	_ =	shalt  }

// kernel: kernel.7.cloned.1.call-start
scs
__scs_entry_jumppad:
0x0: {  	(pc) =	sbr.rel $0x88, $3  }
0x1: {  	(tag) =	ssettag $0x0;
	lr =	simm.s32 $0x1  }
0x2: {  	[smem:$0x3F97] =	sst lr;
	_ =	strace $0xD0000000  }
0x3: {  	_ = 	snop  }
0x4: {  	_ = 	snop  }
0x5: {  	_ = 	snop  }
0x6: {  	_ = 	snop  }
0x7: {  	_ = 	snop  }
__scs_overlays_trampoline_lowered:
0x8: {  	[smem:$0x3FA6] =	sst s0  }
0x9: {  	[smem:$0x3FA7] =	sst s1  }
0xa: {  	[smem:$0x3FA8] =	sst s2  }
0xb: {  	[smem:$0x3FA9] =	sst s3  }
0xc: {  	[smem:$0x3FAA] =	sst s4  }
0xd: {  	[smem:$0x3FAB] =	sst s5  }
0xe: {  	[smem:$0x3FAC] =	sst s6  }
0xf: {  	[smem:$0x3FAD] =	sst s7  }
0x10: {  	[smem:$0x3FAE] =	sst s8  }
0x11: {  	[smem:$0x3FAF] =	sst s9;
	s0 =	simm.s32 @!p0 $0x0  }
0x12: {  	s1 =	sld [smem:$0x3F95];
	s0 =	simm.s32 @p0 $0x1  }
0x13: {  	[smem:$0x3FB0] =	sst s0;
	s0 =	simm.s32 @!p1 $0x0  }
0x14: {  	s2 =	sld [smem:$0x3F94];
	s0 =	simm.s32 @p1 $0x1  }
0x15: {  	[smem:$0x3FB1] =	sst s0;
	s0 =	simm.s32 @!p2 $0x0  }
0x16: {  	s3 =	sld [smem:$0x3FDB];
	s0 =	simm.s32 @p2 $0x1  }
0x17: {  	s4 =	simm.s32 $0x1BF5;
	[smem:$0x3FB3] =	sst s0  }
0x18: {  	s0 =	sld [smem:$0x3F96];
	_ =	swait.ge [sflag:s4], $0x0  }
0x19: {  	s7 =	sld [smem:$0x3F97]  }
0x1a: {  	s8 =	sadd.s32 $0xFFFFE003, lr  }
0x1b: {  	s9 =	sadd.s32 $0xFFFFFEF7, lr;
	s5 =	simm.s32 $0xFFFFFFFF;
	p2 =	slt.u32 s8, $0xFFFFF086  }
0x1c: {  	p1 =	slt.u32 s9, $0xF7A;
	s5 =	simm.s32 @!p2 $0x0  }
0x1d: {  	s5 =	simm.s32 @p1 $0x1;
	p0 =	seq.s32 s7, s2  }
0x1e: {  	s7 =	smul.u32 @!p0 $0xF7A, s2;
	p2 =	seq.s32 @!p0 s5, $0x0  }
0x1f: {  	s9 =	smul.u32 $0xF7A, s1;
	s8 =	simm.s32 @!p0 $0x1BF5;
	p2 =	por !p2, p0  }
0x20: {  	[sflag:s8] =	ssyncset.s32 @!p0 $0xFFFFF086;
	s6 =	sadd.s32 @!p0 s3, s7;
	s7 =	simm.s32 @!p0 $0x108  }
0x21: {  	s3 =	sadd.s32 s3, s9;
	s6 =	sadd.s32 @!p0 $0x88, s6;
	s7 =	simm.s32 @p2 $0x1082  }
0x22: {  	[simem:s7], [sflag:s8] =	dma.local @!p0 [hbm:s6], $0xF7A  }
0x23: {  	s9 =	sor.u32 $0xD0000000, s2;
	s6 =	simm.s32 $0x108;
	_ =	swait.ge @!p0 [sflag:s8], $0x0  }
0x24: {  	s3 =	sadd.s32 $0x88, s3;
	s6 =	simm.s32 @!p1 $0x1082;
	[sflag:s4] =	ssyncset.s32 $0xFFFFF086  }
0x25: {  	[simem:s6], [sflag:s4] =	dma.local [hbm:s3], $0xF7A  }
0x26: {  	[smem:$0x3F97] =	sst s1;
	(tag) =	ssettag s2;
	_ =	strace s9  }
0x27: {  	s1 =	sld [smem:$0x3FA7]  }
0x28: {  	s2 =	sld [smem:$0x3FA8]  }
0x29: {  	s4 =	sld [smem:$0x3FAA]  }
0x2a: {  	p0 =	seq.s32 s5, $0x0;
	s5 =	sld [smem:$0x3FAB]  }
0x2b: {  	s6 =	sld [smem:$0x3FAC]  }
0x2c: {  	s7 =	sld [smem:$0x3FAD]  }
0x2d: {  	s3 =	simm.s32 $0x108;
	s8 =	sld [smem:$0x3FAE]  }
0x2e: {  	s3 =	simm.s32 @!p0 $0x1082;
	s9 =	sld [smem:$0x3FAF]  }
0x2f: {  	lr =	sadd.s32 s0, s3;
	s0 =	sld [smem:$0x3FA6]  }
0x30: {  	s3 =	sld [smem:$0x3FA9]  }
0x31: {  	[smem:$0x3FB2] =	sst s10  }
0x32: {  	s10 =	sld [smem:$0x3FB0];
	_ =	sdelay $0x3  }
0x33: {  	p0 =	seq.s32 s10, $0x1;
	s10 =	sld [smem:$0x3FB2];
	_ =	sdelay $0x3  }
0x34: {  	[smem:$0x3FB2] =	sst s10  }
0x35: {  	s10 =	sld [smem:$0x3FB1];
	_ =	sdelay $0x3  }
0x36: {  	p1 =	seq.s32 s10, $0x1;
	s10 =	sld [smem:$0x3FB2];
	_ =	sdelay $0x3  }
0x37: {  	[smem:$0x3FB2] =	sst s10  }
0x38: {  	s10 =	sld [smem:$0x3FB3]  }
0x39: {  	_ = 	snop;
	(pc) =	sbr.ind lr, $3  }
0x3a: {  	_ = 	snop  }
0x3b: {  	_ = 	snop  }
0x3c: {  	p2 =	seq.s32 s10, $0x1;
	s10 =	sld [smem:$0x3FB2]  }
0x3d: {  	_ =	shalt  }
0x3e: {  	_ =	shalt  }
0x3f: {  	_ =	shalt  }
0x40: {  	_ =	shalt  }
0x41: {  	_ =	shalt  }
0x42: {  	_ =	shalt  }
0x43: {  	_ =	shalt  }
0x44: {  	_ =	shalt  }
0x45: {  	_ =	shalt  }
0x46: {  	_ =	shalt  }
0x47: {  	_ =	shalt  }
0x48: {  	_ =	shalt  }
0x49: {  	_ =	shalt  }
0x4a: {  	_ =	shalt  }
0x4b: {  	_ =	shalt  }
0x4c: {  	_ =	shalt  }
0x4d: {  	_ =	shalt  }
0x4e: {  	_ =	shalt  }
0x4f: {  	_ =	shalt  }
0x50: {  	_ =	shalt  }
0x51: {  	_ =	shalt  }
0x52: {  	_ =	shalt  }
0x53: {  	_ =	shalt  }
0x54: {  	_ =	shalt  }
0x55: {  	_ =	shalt  }
0x56: {  	_ =	shalt  }
0x57: {  	_ =	shalt  }
0x58: {  	_ =	shalt  }
0x59: {  	_ =	shalt  }
0x5a: {  	_ =	shalt  }
0x5b: {  	_ =	shalt  }
0x5c: {  	_ =	shalt  }
0x5d: {  	_ =	shalt  }
0x5e: {  	_ =	shalt  }
0x5f: {  	_ =	shalt  }
0x60: {  	_ =	shalt  }
0x61: {  	_ =	shalt  }
0x62: {  	_ =	shalt  }
0x63: {  	_ =	shalt  }
0x64: {  	_ =	shalt  }
0x65: {  	_ =	shalt  }
0x66: {  	_ =	shalt  }
0x67: {  	_ =	shalt  }
0x68: {  	_ =	shalt  }
0x69: {  	_ =	shalt  }
0x6a: {  	_ =	shalt  }
0x6b: {  	_ =	shalt  }
0x6c: {  	_ =	shalt  }
0x6d: {  	_ =	shalt  }
0x6e: {  	_ =	shalt  }
0x6f: {  	_ =	shalt  }
0x70: {  	_ =	shalt  }
0x71: {  	_ =	shalt  }
0x72: {  	_ =	shalt  }
0x73: {  	_ =	shalt  }
0x74: {  	_ =	shalt  }
0x75: {  	_ =	shalt  }
0x76: {  	_ =	shalt  }
0x77: {  	_ =	shalt  }
0x78: {  	_ =	shalt  }
0x79: {  	_ =	shalt  }
0x7a: {  	_ =	shalt  }
0x7b: {  	_ =	shalt  }
0x7c: {  	_ =	shalt  }
0x7d: {  	_ =	shalt  }
0x7e: {  	_ =	shalt  }
0x7f: {  	_ =	shalt  }
0x80: {  	_ =	shalt  }
0x81: {  	_ =	shalt  }
0x82: {  	_ =	shalt  }
0x83: {  	_ =	shalt  }
0x84: {  	_ =	shalt  }
0x85: {  	_ =	shalt  }
0x86: {  	_ =	shalt  }
0x87: {  	_ =	shalt  }
.Lfunc_end0:
.L_simem_size_0:
called_computation_lowered:
.L_overlay_start_0:
0x88: {  	s2 =	sld [smem:$0x3FD9]  }
0x89: {  	s3 =	sld [smem:$0x3FFE];
	_ =	sdelay $0x1  }
0x8a: {  	s1 =	srdreg.scid  }
0x8b: {  	s0 =	sand.u32 $0x1, s1  }
0x8c: {  	s17 =	sshll.u32 s0, $0xA;
	s2 =	sadd.s32 s3, s2  }
0x8d: {  	s2 =	sadd.s32 s2, s17  }
0x8e: {  	[smem:$0x3FBE] =	sst s2  }
0x8f: {  	_ = 	snop  }
0x90: {  	s2 =	sld [smem:$0x3FD0];
	(tm) =	ssettm $0x1  }
0x91: {  	s18 =	sld [smem:$0x3FFB];
	_ =	sdelay $0x3  }
0x92: {  	_ =	strace s18  }
0x93: {  	s3 =	sld [smem:$0x3FFC];
	_ =	sdelay $0x3  }
0x94: {  	_ =	strace s3  }
0x95: {  	s3 =	sld [smem:$0x3FFD];
	_ =	sdelay $0x3  }
0x96: {  	_ =	strace s3  }
0x97: {  	_ =	strace $0x8FFFFFFF  }
0x98: {  	s19 =	sld [smem:$0x3FDB];
	_ =	sdelay $0x1  }
0x99: {  	s4 =	simm.s32 $_scs_section_size  }
0x9a: {  	s5 =	simm.s32 $_size__tile_overlayer_lowered;
	s6 =	simm.s32 $_tile_overlayer_lowered  }
0x9b: {  	s22 =	simm.s32 $0x1BFF;
	s21 =	sshll.u32 s6, $0x1;
	s3 =	sadd.s32 s4, s19  }
0x9c: {  	s7 =	simm.s32 $0x0;
	s20 =	sshll.u32 s5, $0x1;
	s5 =	sadd.s32 s21, s3  }
0x9d: {  	[timem:s7], [sflag:s22] =	dma.local [hbm:s5], s20  }
0x9e: {  	_ =	swait.ge [sflag:s22], s20  }
0x9f: {  	s4 =	ssub.s32 $0x0, s20;
	[sflag:s22] =	ssyncset.done $0x0  }
0xa0: {  	[sflag:s22] =	ssyncadd.s32 s4;
	_ =	sdelay $0x1  }
0xa1: {  	s23 =	simm.s32 $0x1B8B  }
0xa2: {  	_ =	swait.ge [sflag:s23], $0x1  }
0xa3: {  	[sflag:s23] =	ssyncset.done $0x0  }
0xa4: {  	s25 =	simm.s32 $0x1B8E;
	s24 =	sld [smem:$0x3FFE];
	[sflag:s23] =	ssyncadd.s32 $0xFFFFFFFF  }
0xa5: {  	s26 =	simm.s32 $execute0_lowered;
	[smem:$0x3FD2] =	sst s25  }
0xa6: {  	s5 =	sshll.u32 s26, $0x1;
	_ =	strace $0x80000046;
	[dreg:$0x1] =	wrdreg $0xFFFFFFFF  }
0xa7: {  	s28 =	simm.s32 $_size_execute0_lowered;
	s3 =	sadd.s32 s3, s5;
	[dreg:$0x0] =	wrdreg $0x0  }
0xa8: {  	s5 =	sshll.u32 s28, $0x1;
	[dreg:$0x2] =	wrdreg s3  }
0xa9: {  	[dreg:$0x3] =	wrdreg s5  }
0xaa: {  	[dreg:$0x4] =	wrdreg $0xC0  }
0xab: {  	_ =	task [dreg:s7], $0x5FFFF  }
0xac: {  	[dreg:$0x1] =	wrdreg $0xFFFFFFFF  }
0xad: {  	[dreg:$0x0] =	wrdreg $0x60  }
0xae: {  	[dreg:$0x2] =	wrdreg s24  }
0xaf: {  	[dreg:$0x3] =	wrdreg s2  }
0xb0: {  	[dreg:$0x4] =	wrdreg $0x8B000  }
0xb1: {  	[dreg:$0x5] =	wrdreg $0x9  }
0xb2: {  	_ =	task.clear_ibuf [dreg:s7], $0x6FFFF;
	_ =	strace $0x90000046  }
0xb3: {  	s29 =	simm.s32 $0x9;
	_ =	strace $0x80000048  }
0xb4: {  	_ =	swait.ge [sflag:s29], $0x1  }
0xb5: {  	[sflag:s29] =	ssyncadd.s32 $0xFFFFFFFF  }
0xb6: {  	_ =	strace $0x90000048  }
0xb7: {  	_ =	sfence  }
0xb8: {  	s30 =	sld [smem:$0x0];
	_ =	sdelay $0x2  }
0xb9: {  	s31 =	sshll.u32 s1, $0xD;
	s1 =	sshrl.u32 s1, $0x2  }
0xba: {  	s3 =	sand.u32 $0x4000, s31;
	s1 =	sadd.s32 s1, s30  }
0xbb: {  	s0 =	sor.u32 s3, s0;
	s1 =	sshll.u32 s1, $0x11  }
0xbc: {  	s0 =	sor.u32 s1, s0  }
0xbd: {  	s0 =	sadd.s32 $0x8F2B, s0  }
0xbe: {  	[sflag:s0] =	ssyncadd.remote.s32 $0x1  }
0xbf: {  	_ =	sfence.sel $0xFFFF  }
0xc0: {  	[dreg:$0x0] =	wrdreg $0xFFFFFFFF;
	(pc) =	sbr.abs _section_cstart, $3  }
0xc1: {  	[dreg:$0x1] =	wrdreg $0xFFFFFFFF  }
0xc2: {  	_ =	task.clear_ibuf [dreg:s7], $0x2FFFF;
	_ =	strace $0x9FFFFFFF  }
0xc3: {  	(tm) =	ssettm $0x7FFFFFFF  }
tec
execute0_lowered:
.L_overlay_start_1:
0x0: {  	(tag) =	ssettag $0x1  }
0x1: {  	s0 =	rddreg [dreg:$0x0]  }
0x2: {  	s2 =	rddreg [dreg:$0x1]  }
0x3: {  	s3 =	rddreg [dreg:$0x2]  }
0x4: {  	s1 =	srdreg.scid;
	s14 =	stileid.u32  }
0x5: {  	s4 =	simm.s32 $0x0;
	s28 =	simm.s32 $0x200;
	s29 =	simm.s32 $0x6  }
0x6: {  	s30 =	simm.s32 $0x100;
	s31 =	simm.s32 $0x1;
	s6 =	smul.u32 $0x280, s14  }
0x7: {  	s1 =	sand.u32 $0x1, s1;
	[smem:$0x7FF] =	sst s4;
	s9 =	smul.u32 $0x50000, s14  }
0x8: {  	s5 =	sadd.s32 $0xBC00, s0;
	s7 =	smul.u32 $0x2800, s1;
	_ =	strace $0x80000047  }
0x9: {  	s8 =	sshll.u32 s1, $0x4;
	s10 =	ssub.s32 $0x2, s1;
	s1 =	smul.u32 $0x27100, s1  }
0xa: {  	s8 =	sor.u32 s14, s8;
	s9 =	sshrl.u32 s9, $0x2;
	s16 =	sshrl.u32 s10, $0x1  }
0xb: {  	s14 =	smul.u32 $0x2710, s14;
	s7 =	sadd.s32 s6, s7;
	s6 =	sadd.s32 $0x1E00, s0  }
0xc: {  	s11 =	smul.u32 $0x2710, s8;
	s12 =	ssub.s32 s10, s16;
	s16 =	simm.s32 $0x4  }
0xd: {  	s7 =	sshll.u32 s7, $0x4;
	s1 =	sadd.s32 s14, s1;
	s25 =	smax.u32 s12, $0x1  }
0xe: {  	s12 =	simm.s32 $0x4200;
	s14 =	simm.s32 $0x3;
	s0 =	sadd.s32 s7, s0  }
0xf: {  	s7 =	sadd.s32 s9, s3;
	s11 =	sshrl.u32 s11, $0x3;
	s24 =	sadd.s32 $0x180, s1  }
0x10: {  	[dreg:$0xf] =	wrdreg s25;
	s25 =	sadd.s32 $0x100, s1;
	s13 =	sadd.s32 s2, s11  }
0x11: {  	s1 =	simm.s32 $0x180;
	s17 =	sadd.s32 s6, s11;
	[dreg:$0x4] =	wrdreg s13  }
0x12: {  	s8 =	sadd.s32 $0x4000, s7;
	s20 =	sadd.s32 $0x32E00, s0;
	[dreg:$0x5] =	wrdreg s17  }
0x13: {  	s9 =	sadd.s32 $0x8000, s7;
	s21 =	sadd.s32 $0x33600, s0;
	[dreg:$0xa] =	wrdreg s20  }
0x14: {  	s10 =	sadd.s32 $0xC000, s7;
	s22 =	sadd.s32 $0x33E00, s0;
	[dreg:$0xb] =	wrdreg s21  }
0x15: {  	s18 =	sadd.s32 $0x10, s11;
	s23 =	sadd.s32 $0x34600, s0;
	[dreg:$0xc] =	wrdreg s22  }
0x16: {  	s11 =	sadd.s32 $0x4E0, s11;
	s0 =	sadd.s32 $0x34E00, s0;
	[dreg:$0xd] =	wrdreg s23  }
0x17: {  	s26 =	sshrl.u32 s24, $0x3;
	s15 =	sadd.s32 s2, s18;
	[dreg:$0xe] =	wrdreg s0  }
0x18: {  	s13 =	sadd.s32 s6, s18;
	s19 =	sadd.s32 s2, s11;
	[dreg:$0x6] =	wrdreg s15  }
0x19: {  	s11 =	sadd.s32 s6, s11;
	s23 =	sadd.s32 s26, s6;
	[dreg:$0x7] =	wrdreg s13  }
0x1a: {  	s24 =	sadd.s32 s26, s2;
	s26 =	sadd.s32 $0x10000, s7;
	[dreg:$0x8] =	wrdreg s19  }
0x1b: {  	s0 =	simm.s32 $0x80;
	s21 =	simm.s32 $0x0;
	[dreg:$0x9] =	wrdreg s11  }
0x1c: {  	v0 =	vimm.f32 $0.0e+00;
	s11 =	simm.s32 $0x2;
	s13 =	simm.s32 $0x5;
	s15 =	simm.s32 $0x7  }
.LBB2_1:
0x1d: {  	s17 =	simm.s32 $0x0;
	s18 =	simm.s32 $0x200  }
.LBB2_2:
0x1e: {  	p0 =	sne.s32 s18, $0xFE00;
	[tilespmem:s17+$0x270] =	vst v0  }
0x1f: {  	[tilespmem:s17+$0x200] =	vst v0  }
0x20: {  	[tilespmem:s17+$0x210] =	vst v0  }
.Ltmp0:
0x21: {  	[tilespmem:s17+$0x220] =	vst v0;
	(pc) =	sbr.rel @p0 .LBB2_2-.Ltmp0, $4  }
0x22: {  	[tilespmem:s17+$0x230] =	vst v0  }
0x23: {  	[tilespmem:s17+$0x240] =	vst v0  }
0x24: {  	[tilespmem:s17+$0x250] =	vst v0  }
0x25: {  	[tilespmem:s17+$0x260] =	vst v0;
	s17 =	sshra.s32 s18, $0x2;
	s18 =	sadd.s32 $0x200, s18  }
0x26: {  	[tilespmem:s17+$0x270] =	vst v0  }
0x27: {  	[tilespmem:s17+$0x200] =	vst v0  }
0x28: {  	[tilespmem:s17+$0x210] =	vst v0  }
0x29: {  	[tilespmem:s17+$0x220] =	vst v0  }
0x2a: {  	[tilespmem:s17+$0x230] =	vst v0  }
0x2b: {  	[tilespmem:s17+$0x240] =	vst v0  }
0x2c: {  	[tilespmem:s17+$0x250] =	vst v0  }
0x2d: {  	[tilespmem:s17+$0x260] =	vst v0  }
0x2e: {  	[spmem:s7] =	stream.linear.scatter [tilespmem:s28], [sflag:$0x6], $0x4000, $0x38;
	[tilespmem:$0x1CB00] =	vst v63  }
0x2f: {  	_ = 	snop  }
0x30: {  	[spmem:s8] =	stream.linear.scatter [tilespmem:s28], [sflag:$0x6], $0x4000, $0x38;
	[tilespmem:$0x1CB00] =	vst v63  }
0x31: {  	_ = 	snop  }
0x32: {  	[spmem:s9] =	stream.linear.scatter [tilespmem:s28], [sflag:$0x6], $0x4000, $0x38;
	[tilespmem:$0x1CB00] =	vst v63  }
0x33: {  	_ = 	snop  }
0x34: {  	[spmem:s10] =	stream.linear.scatter [tilespmem:s28], [sflag:$0x6], $0x4000, $0x38;
	[tilespmem:$0x1CB00] =	vst v63  }
0x35: {  	_ = 	snop  }
0x36: {  	[spmem:s26] =	stream.linear.scatter [tilespmem:s28], [sflag:$0x6], $0x4000, $0x38;
	[tilespmem:$0x1CB00] =	vst v63  }
0x37: {  	_ =	swait.ge [sflag:s29], $0x4000  }
0x38: {  	[sflag:s29] =	ssyncset.done $0x0  }
0x39: {  	[sflag:s29] =	ssyncadd.s32 $0xFFFFC000  }
0x3a: {  	_ =	swait.ge [sflag:s29], $0x4000  }
0x3b: {  	[sflag:s29] =	ssyncset.done $0x0  }
0x3c: {  	[sflag:s29] =	ssyncadd.s32 $0xFFFFC000  }
0x3d: {  	_ =	swait.ge [sflag:s29], $0x4000  }
0x3e: {  	[sflag:s29] =	ssyncset.done $0x0  }
0x3f: {  	[sflag:s29] =	ssyncadd.s32 $0xFFFFC000  }
0x40: {  	_ =	swait.ge [sflag:s29], $0x4000  }
0x41: {  	[sflag:s29] =	ssyncset.done $0x0  }
0x42: {  	[sflag:s29] =	ssyncadd.s32 $0xFFFFC000  }
0x43: {  	_ =	swait.ge [sflag:s29], $0x4000  }
0x44: {  	[sflag:s29] =	ssyncset.done $0x0  }
0x45: {  	[sflag:s29] =	ssyncadd.s32 $0xFFFFC000  }
0x46: {  	[bflag:$0x0] =	sbarrier.arrive $0xFFFF  }
0x47: {  	s17 =	simm.s32 $0x0;
	s18 =	rddreg [dreg:$0x4]  }
0x48: {  	[tilespmem:s17], [sflag:$0x1] =	stream.linear.gather [hbm4b:s18+s17], $0x80, $0x38;
	[tilespmem:$0x1CB00] =	vst v63  }
0x49: {  	s19 =	rddreg [dreg:$0x5]  }
0x4a: {  	[tilespmem:s30], [sflag:$0x3] =	stream.linear.gather [hbm4b:s19+s17], $0x80, $0x38;
	[tilespmem:$0x1CB00] =	vst v63  }
0x4b: {  	_ =	swait.ge [sflag:s31], $0x80  }
0x4c: {  	[sflag:s31] =	ssyncset.done $0x0  }
0x4d: {  	[sflag:s31] =	ssyncadd.s32 $0xFFFFFF80  }
0x4e: {  	[tilespmem:s28], [sflag:$0x5] =	stream.indirect.gather [hbm4b:s5+s0], $0x80, s17, s0, $0xb8;
	[tilespmem:$0x1CB00] =	vst v63  }
0x4f: {  	s20 =	rddreg [dreg:$0x6]  }
0x50: {  	[tilespmem:s0], [sflag:$0x2] =	stream.linear.gather [hbm4b:s20+s17], $0x80, $0x38;
	[tilespmem:$0x1CB00] =	vst v63  }
0x51: {  	s22 =	rddreg [dreg:$0x7]  }
0x52: {  	[tilespmem:s1], [sflag:$0x4] =	stream.linear.gather [hbm4b:s22+s17], $0x80, $0x38;
	[tilespmem:$0x1CB00] =	vst v63  }
0x53: {  	_ =	swait.ge [sflag:s11], $0x80  }
0x54: {  	[sflag:s11] =	ssyncset.done $0x0  }
0x55: {  	[sflag:s11] =	ssyncadd.s32 $0xFFFFFF80  }
0x56: {  	[tilespmem:s12], [sflag:$0x6] =	stream.indirect.gather [hbm4b:s5+s0], $0x80, s0, s0, $0xb8;
	[tilespmem:$0x1CB00] =	vst v63  }
0x57: {  	_ =	swait.ge [sflag:s13], $0x4000  }
0x58: {  	[sflag:s13] =	ssyncset.done $0x0  }
0x59: {  	[sflag:s13] =	ssyncadd.s32 $0xFFFFC000  }
0x5a: {  	_ =	swait.ge [sflag:s14], $0x80  }
0x5b: {  	[sflag:s14] =	ssyncset.done $0x0  }
0x5c: {  	[sflag:s14] =	ssyncadd.s32 $0xFFFFFF80  }
0x5d: {  	[spmem:s3] =	stream.indirect.scatter.add.f32 [tilespmem:s28], [sflag:$0x7], $0x80, s30, s0, $0xb8;
	[tilespmem:$0x1CB00] =	vst v63  }
0x5e: {  	_ =	swait.ge [sflag:s15], $0x4000  }
0x5f: {  	s19 =	sshrl.u32 s25, $0x3;
	[sflag:s15] =	ssyncset.done $0x0  }
0x60: {  	s20 =	sadd.s32 s2, s19;
	[sflag:s15] =	ssyncadd.s32 $0xFFFFC000  }
0x61: {  	[tilespmem:s4], [sflag:$0x1] =	stream.linear.gather [hbm4b:s20+s4], $0x80, $0x38;
	[tilespmem:$0x1CB00] =	vst v63  }
0x62: {  	s17 =	sadd.s32 s6, s19  }
0x63: {  	[tilespmem:s30], [sflag:$0x3] =	stream.linear.gather [hbm4b:s17+s4], $0x80, $0x38;
	[tilespmem:$0x1CB00] =	vst v63  }
0x64: {  	_ =	swait.ge [sflag:s31], $0x80  }
0x65: {  	[sflag:s31] =	ssyncset.done $0x0  }
0x66: {  	[sflag:s31] =	ssyncadd.s32 $0xFFFFFF80  }
0x67: {  	[tilespmem:s28], [sflag:$0x5] =	stream.indirect.gather [hbm4b:s5+s0], $0x80, s4, s0, $0xb8;
	[tilespmem:$0x1CB00] =	vst v63  }
0x68: {  	_ =	swait.ge [sflag:s29], $0x4000  }
0x69: {  	[sflag:s29] =	ssyncset.done $0x0  }
0x6a: {  	[sflag:s29] =	ssyncadd.s32 $0xFFFFC000  }
0x6b: {  	_ =	swait.ge [sflag:s16], $0x80  }
0x6c: {  	[sflag:s16] =	ssyncset.done $0x0  }
0x6d: {  	[sflag:s16] =	ssyncadd.s32 $0xFFFFFF80  }
0x6e: {  	[spmem:s3] =	stream.indirect.scatter.add.f32 [tilespmem:s12], [sflag:$0x7], $0x80, s1, s0, $0xb8;
	[tilespmem:$0x1CB00] =	vst v63  }
0x6f: {  	_ =	swait.ge [sflag:s15], $0x4000  }
0x70: {  	[sflag:s15] =	ssyncset.done $0x0  }
0x71: {  	s22 =	sadd.s32 $0x0, s24;
	[sflag:s15] =	ssyncadd.s32 $0xFFFFC000  }
0x72: {  	[tilespmem:s0], [sflag:$0x2] =	stream.linear.gather [hbm4b:s22+s4], $0x80, $0x38;
	[tilespmem:$0x1CB00] =	vst v63  }
0x73: {  	s18 =	sadd.s32 $0x0, s23;
	s17 =	sadd.s32 $0x100, s25;
	s22 =	simm.s32 $0x20  }
.LBB2_4:
0x74: {  	[tilespmem:s1], [sflag:$0x4] =	stream.linear.gather [hbm4b:s18+s4], $0x80, $0x38;
	[tilespmem:$0x1CB00] =	vst v63  }
0x75: {  	s18 =	smov.u32 s22  }
0x76: {  	p0 =	sne.s32 s22, $0x4A0;
	s22 =	sadd.s32 $0x20, s22;
	_ =	swait.ge [sflag:s11], $0x80  }
0x77: {  	[sflag:s11] =	ssyncset.done $0x0  }
0x78: {  	[sflag:s11] =	ssyncadd.s32 $0xFFFFFF80  }
0x79: {  	[tilespmem:s12], [sflag:$0x6] =	stream.indirect.gather [hbm4b:s5+s0], $0x80, s0, s0, $0xb8;
	[tilespmem:$0x1CB00] =	vst v63  }
0x7a: {  	_ =	swait.ge [sflag:s13], $0x4000  }
0x7b: {  	[sflag:s13] =	ssyncset.done $0x0  }
0x7c: {  	[sflag:s13] =	ssyncadd.s32 $0xFFFFC000  }
0x7d: {  	_ =	swait.ge [sflag:s14], $0x80  }
0x7e: {  	[sflag:s14] =	ssyncset.done $0x0  }
0x7f: {  	[sflag:s14] =	ssyncadd.s32 $0xFFFFFF80  }
0x80: {  	[spmem:s3] =	stream.indirect.scatter.add.f32 [tilespmem:s28], [sflag:$0x7], $0x80, s30, s0, $0xb8;
	[tilespmem:$0x1CB00] =	vst v63  }
0x81: {  	_ =	swait.ge [sflag:s15], $0x4000  }
0x82: {  	s19 =	sshrl.u32 s17, $0x3;
	[sflag:s15] =	ssyncset.done $0x0  }
0x83: {  	s20 =	sadd.s32 s2, s19;
	[sflag:s15] =	ssyncadd.s32 $0xFFFFC000  }
0x84: {  	[tilespmem:s4], [sflag:$0x1] =	stream.linear.gather [hbm4b:s20+s4], $0x80, $0x38;
	[tilespmem:$0x1CB00] =	vst v63  }
0x85: {  	s19 =	sadd.s32 s6, s19  }
0x86: {  	[tilespmem:s30], [sflag:$0x3] =	stream.linear.gather [hbm4b:s19+s4], $0x80, $0x38;
	[tilespmem:$0x1CB00] =	vst v63  }
0x87: {  	_ =	swait.ge [sflag:s31], $0x80  }
0x88: {  	[sflag:s31] =	ssyncset.done $0x0  }
0x89: {  	[sflag:s31] =	ssyncadd.s32 $0xFFFFFF80  }
0x8a: {  	[tilespmem:s28], [sflag:$0x5] =	stream.indirect.gather [hbm4b:s5+s0], $0x80, s4, s0, $0xb8;
	[tilespmem:$0x1CB00] =	vst v63  }
0x8b: {  	_ =	swait.ge [sflag:s29], $0x4000  }
0x8c: {  	[sflag:s29] =	ssyncset.done $0x0  }
0x8d: {  	[sflag:s29] =	ssyncadd.s32 $0xFFFFC000  }
0x8e: {  	_ =	swait.ge [sflag:s16], $0x80  }
0x8f: {  	[sflag:s16] =	ssyncset.done $0x0  }
0x90: {  	[sflag:s16] =	ssyncadd.s32 $0xFFFFFF80  }
0x91: {  	[spmem:s3] =	stream.indirect.scatter.add.f32 [tilespmem:s12], [sflag:$0x7], $0x80, s1, s0, $0xb8;
	[tilespmem:$0x1CB00] =	vst v63  }
.Ltmp1:
0x92: {  	_ =	swait.ge [sflag:s15], $0x4000;
	(pc) =	sbr.rel @p0 .LBB2_4-.Ltmp1, $4  }
0x93: {  	[sflag:s15] =	ssyncset.done $0x0  }
0x94: {  	s19 =	sadd.s32 s18, s24;
	[sflag:s15] =	ssyncadd.s32 $0xFFFFC000  }
0x95: {  	[tilespmem:s0], [sflag:$0x2] =	stream.linear.gather [hbm4b:s19+s4], $0x80, $0x38;
	[tilespmem:$0x1CB00] =	vst v63  }
0x96: {  	s17 =	sadd.s32 $0x100, s17;
	s18 =	sadd.s32 s18, s23  }
0x97: {  	[tilespmem:s1], [sflag:$0x4] =	stream.linear.gather [hbm4b:s18+s4], $0x80, $0x38;
	[tilespmem:$0x1CB00] =	vst v63  }
0x98: {  	_ =	swait.ge [sflag:s11], $0x80  }
0x99: {  	[sflag:s11] =	ssyncset.done $0x0  }
0x9a: {  	[sflag:s11] =	ssyncadd.s32 $0xFFFFFF80  }
0x9b: {  	[tilespmem:s12], [sflag:$0x6] =	stream.indirect.gather [hbm4b:s5+s0], $0x80, s0, s0, $0xb8;
	[tilespmem:$0x1CB00] =	vst v63  }
0x9c: {  	_ =	swait.ge [sflag:s13], $0x4000  }
0x9d: {  	[sflag:s13] =	ssyncset.done $0x0  }
0x9e: {  	[sflag:s13] =	ssyncadd.s32 $0xFFFFC000  }
0x9f: {  	_ =	swait.ge [sflag:s14], $0x80  }
0xa0: {  	[sflag:s14] =	ssyncset.done $0x0  }
0xa1: {  	[sflag:s14] =	ssyncadd.s32 $0xFFFFFF80  }
0xa2: {  	[spmem:s3] =	stream.indirect.scatter.add.f32 [tilespmem:s28], [sflag:$0x7], $0x80, s30, s0, $0xb8;
	[tilespmem:$0x1CB00] =	vst v63  }
0xa3: {  	_ =	swait.ge [sflag:s15], $0x4000  }
0xa4: {  	[sflag:s15] =	ssyncset.done $0x0  }
0xa5: {  	[sflag:s15] =	ssyncadd.s32 $0xFFFFC000  }
0xa6: {  	_ =	swait.ge [sflag:s29], $0x4000  }
0xa7: {  	[sflag:s29] =	ssyncset.done $0x0  }
0xa8: {  	[sflag:s29] =	ssyncadd.s32 $0xFFFFC000  }
0xa9: {  	_ =	swait.ge [sflag:s16], $0x80  }
0xaa: {  	[sflag:s16] =	ssyncset.done $0x0  }
0xab: {  	[sflag:s16] =	ssyncadd.s32 $0xFFFFFF80  }
0xac: {  	[spmem:s3] =	stream.indirect.scatter.add.f32 [tilespmem:s12], [sflag:$0x7], $0x80, s1, s0, $0xb8;
	[tilespmem:$0x1CB00] =	vst v63  }
0xad: {  	_ =	swait.ge [sflag:s15], $0x4000  }
0xae: {  	[sflag:s15] =	ssyncset.done $0x0  }
0xaf: {  	s18 =	simm.s32 $0x8200;
	s17 =	rddreg [dreg:$0x8];
	[sflag:s15] =	ssyncadd.s32 $0xFFFFC000  }
0xb0: {  	[tilespmem:s18], [sflag:$0x7] =	stream.linear.gather [hbm4b:s17+s4], $0x10, $0x38;
	[tilespmem:$0x1CB00] =	vst v63  }
0xb1: {  	_ =	swait.ge [sflag:s15], $0x10  }
0xb2: {  	[sflag:s15] =	ssyncset.done $0x0  }
0xb3: {  	s19 =	simm.s32 $0x8280;
	s20 =	rddreg [dreg:$0x9];
	[sflag:s15] =	ssyncadd.s32 $0xFFFFFFF0  }
0xb4: {  	[tilespmem:s19], [sflag:$0x7] =	stream.linear.gather [hbm4b:s20+s4], $0x10, $0x38;
	[tilespmem:$0x1CB00] =	vst v63  }
0xb5: {  	_ =	swait.ge [sflag:s15], $0x10  }
0xb6: {  	[sflag:s15] =	ssyncset.done $0x0  }
0xb7: {  	s22 =	simm.s32 $0x10;
	s20 =	simm.s32 $0x8300;
	[sflag:s15] =	ssyncadd.s32 $0xFFFFFFF0  }
0xb8: {  	[tilespmem:s20], [sflag:$0x7] =	stream.indirect.gather [hbm4b:s5+s22], $0x80, s18, s22, $0xb8;
	[tilespmem:$0x1CB00] =	vst v63  }
0xb9: {  	_ =	swait.ge [sflag:s15], $0x800  }
0xba: {  	[sflag:s15] =	ssyncset.done $0x0  }
0xbb: {  	[sflag:s15] =	ssyncadd.s32 $0xFFFFF800  }
0xbc: {  	[spmem:s3] =	stream.indirect.scatter.add.f32 [tilespmem:s20], [sflag:$0x7], $0x80, s19, s22, $0xb8;
	[tilespmem:$0x1CB00] =	vst v63  }
0xbd: {  	_ =	swait.ge [sflag:s15], $0x800  }
0xbe: {  	[sflag:s15] =	ssyncset.done $0x0  }
0xbf: {  	[sflag:s15] =	ssyncadd.s32 $0xFFFFF800  }
0xc0: {  	[bflag:$0x0] =	sbarrier.arrive $0xFFFF  }
0xc1: {  	[tilespmem:s28], [sflag:$0x5] =	stream.linear.gather [spmem:s7], $0x4000, $0x38;
	[tilespmem:$0x1CB00] =	vst v63  }
0xc2: {  	_ = 	snop  }
0xc3: {  	[tilespmem:s12], [sflag:$0x6] =	stream.linear.gather [spmem:s8], $0x4000, $0x38;
	[tilespmem:$0x1CB00] =	vst v63  }
0xc4: {  	_ =	swait.ge [sflag:s13], $0x4000  }
0xc5: {  	[sflag:s13] =	ssyncset.done $0x0  }
0xc6: {  	s20 =	rddreg [dreg:$0xa];
	[sflag:s13] =	ssyncadd.s32 $0xFFFFC000  }
0xc7: {  	[hbm4b:s20+s4] =	stream.linear.scatter [tilespmem:s28], [sflag:$0x7], $0x4000, $0x38;
	[tilespmem:$0x1CB00] =	vst v63  }
0xc8: {  	_ =	swait.ge [sflag:s15], $0x4000  }
0xc9: {  	[sflag:s15] =	ssyncset.done $0x0  }
0xca: {  	[sflag:s15] =	ssyncadd.s32 $0xFFFFC000  }
0xcb: {  	[tilespmem:s28], [sflag:$0x5] =	stream.linear.gather [spmem:s9], $0x4000, $0x38;
	[tilespmem:$0x1CB00] =	vst v63  }
0xcc: {  	_ =	swait.ge [sflag:s29], $0x4000  }
0xcd: {  	[sflag:s29] =	ssyncset.done $0x0  }
0xce: {  	s22 =	rddreg [dreg:$0xb];
	[sflag:s29] =	ssyncadd.s32 $0xFFFFC000  }
0xcf: {  	[hbm4b:s22+s4] =	stream.linear.scatter [tilespmem:s12], [sflag:$0x7], $0x4000, $0x38;
	[tilespmem:$0x1CB00] =	vst v63  }
0xd0: {  	_ =	swait.ge [sflag:s15], $0x4000  }
0xd1: {  	[sflag:s15] =	ssyncset.done $0x0  }
0xd2: {  	[sflag:s15] =	ssyncadd.s32 $0xFFFFC000  }
0xd3: {  	[tilespmem:s12], [sflag:$0x6] =	stream.linear.gather [spmem:s10], $0x4000, $0x38;
	[tilespmem:$0x1CB00] =	vst v63  }
0xd4: {  	_ =	swait.ge [sflag:s13], $0x4000  }
0xd5: {  	[sflag:s13] =	ssyncset.done $0x0  }
0xd6: {  	s18 =	rddreg [dreg:$0xc];
	[sflag:s13] =	ssyncadd.s32 $0xFFFFC000  }
0xd7: {  	[hbm4b:s18+s4] =	stream.linear.scatter [tilespmem:s28], [sflag:$0x7], $0x4000, $0x38;
	[tilespmem:$0x1CB00] =	vst v63  }
0xd8: {  	_ =	swait.ge [sflag:s15], $0x4000  }
0xd9: {  	[sflag:s15] =	ssyncset.done $0x0  }
0xda: {  	[sflag:s15] =	ssyncadd.s32 $0xFFFFC000  }
0xdb: {  	[tilespmem:s28], [sflag:$0x5] =	stream.linear.gather [spmem:s26], $0x4000, $0x38;
	[tilespmem:$0x1CB00] =	vst v63  }
0xdc: {  	_ =	swait.ge [sflag:s29], $0x4000  }
0xdd: {  	[sflag:s29] =	ssyncset.done $0x0  }
0xde: {  	s19 =	rddreg [dreg:$0xd];
	[sflag:s29] =	ssyncadd.s32 $0xFFFFC000  }
0xdf: {  	[hbm4b:s19+s4] =	stream.linear.scatter [tilespmem:s12], [sflag:$0x7], $0x4000, $0x38;
	[tilespmem:$0x1CB00] =	vst v63  }
0xe0: {  	_ =	swait.ge [sflag:s15], $0x4000  }
0xe1: {  	[sflag:s15] =	ssyncset.done $0x0  }
0xe2: {  	[sflag:s15] =	ssyncadd.s32 $0xFFFFC000  }
0xe3: {  	_ =	swait.ge [sflag:s13], $0x4000  }
0xe4: {  	[sflag:s13] =	ssyncset.done $0x0  }
0xe5: {  	s20 =	rddreg [dreg:$0xe];
	[sflag:s13] =	ssyncadd.s32 $0xFFFFC000  }
0xe6: {  	[hbm4b:s20+s4] =	stream.linear.scatter [tilespmem:s28], [sflag:$0x7], $0x4000, $0x38;
	[tilespmem:$0x1CB00] =	vst v63  }
0xe7: {  	_ =	swait.ge [sflag:s15], $0x4000  }
0xe8: {  	s21 =	sadd.s32 $0x1, s21;
	s22 =	rddreg [dreg:$0xf]  }
0xe9: {  	p0 =	sne.s32 s21, s22  }
.Ltmp2:
0xea: {  	_ = 	snop;
	(pc) =	sbr.rel @p0 .LBB2_1-.Ltmp2, $3  }
0xeb: {  	_ =	sdelay $0x1  }
0xec: {  	[sflag:s15] =	ssyncset.done $0x0  }
0xed: {  	[sflag:s15] =	ssyncadd.s32 $0xFFFFC000  }
0xee: {  	_ =	sfence.sel $0x180000  }
0xef: {  	[bflag:$0x0] =	sbarrier.arrive $0xFFFF  }
0xf0: {  	_ =	strace $0x90000047  }
0xf1: {  	s0 =	stileid.u32;
	[bflag:$0x2] =	sbarrier.arrive $0xFFFF  }
0xf2: {  	p0 =	sne.s32 s0, $0x0;
	s0 =	rddreg [dreg:$0x3]  }
0xf3: {  	s0 =	sadd.s32 @!p0 $0x100000, s0  }
0xf4: {  	[sflag:s0] =	ssyncadd.tile.s32 @!p0 $0x1;
	_ =	shalt  }
.Lfunc_end2:
_tile_overlayer_lowered:
.L_overlay_start_2:
0xf5: {  	(tag) =	ssettag $0x2  }
0xf6: {  	s0 =	rddreg [dreg:$0x0];
	s2 =	stileid.u32  }
0xf7: {  	s1 =	rddreg [dreg:$0x1];
	p0 =	sne.s32 s2, $0x0  }
0xf8: {  	s3 =	rddreg [dreg:$0x2];
	[bflag:$0x3] =	sbarrier.arrive $0xFFFF;
	s2 =	simm.s32 @!p0 $0x1C07  }
0xf9: {  	[timem:s3], [sflag:s2] =	dma.local @!p0 [hbm:s0], s1  }
0xfa: {  	s0 =	simm.s32 @!p0 $0x7  }
0xfb: {  	_ =	swait.ge @!p0 [sflag:s0], s1  }
0xfc: {  	s1 =	ssub.s32 @!p0 $0x0, s1;
	[sflag:s0] =	ssyncset.done @!p0 $0x0  }
0xfd: {  	[sflag:s0] =	ssyncadd.s32 @!p0 s1  }
0xfe: {  	[bflag:$0x3] =	sbarrier.arrive $0xFFFF  }
0xff: {  	_ =	shalt  }

</sc_bundles>
